<compile_context>
chip_gen: v7x
topology: tpu7x:2x2x1
jax: 0.10.2.dev20260603
libtpu: 0.0.44.dev20260713+nightly
codegen_flags: <defaults>
</compile_context>

<pallas_src>
import functools

import jax
import jax.numpy as jnp
from jax import lax
from jax.experimental import pallas as pl
from jax.experimental.pallas import tpu as pltpu
from jax.experimental.pallas import tpu_sc as plsc

N = 10000
E = 160000
D = 256
_RB = 2000

_NC, _NS = 2, 16
_NW = _NC * _NS
_RW = 320
_NPAD = _NW * _RW
_DP = D // 2
_CE = 6400
_NCHUNK = E // _CE
_UNR = 4
_VPC = _CE // (16 * _UNR)
_PK = 512

_HC = 128
_NT = _NPAD // _HC
_SCAP = 160
_HW = _HC * _DP
_BUFW = 2 * _HW
_OML = 4 * _CE
_SLTR = _NT * _SCAP


def _pool_body(x_ref, w_ref, b_ref, o_ref):
    acc = jax.lax.dot_general(
        x_ref[...], w_ref[...], (((1,), (1,)), ((), ())),
        preferred_element_type=jnp.float32)
    o_ref[...] = jnp.maximum(acc + b_ref[...], 0.0).astype(jnp.bfloat16)


def _pool_matmul(x, W, b):
    return pl.pallas_call(
        _pool_body,
        grid=(N // _RB,),
        in_specs=[
            pl.BlockSpec((_RB, D), lambda i: (i, 0)),
            pl.BlockSpec((D, D), lambda i: (0, 0)),
            pl.BlockSpec((1, D), lambda i: (0, 0)),
        ],
        out_specs=pl.BlockSpec((_RB, D), lambda i: (i, 0)),
        out_shape=jax.ShapeDtypeStruct((N, D), jnp.bfloat16),
    )(x, W, b.reshape(1, D))


def _out_body(x_ref, ws_ref, mx_ref, mn_ref, we_ref, b_ref, dw_ref, o_ref,
              *, relu):
    acc = jax.lax.dot_general(
        x_ref[...], ws_ref[...], (((1,), (1,)), ((), ())),
        preferred_element_type=jnp.float32)
    mx = mx_ref[...].astype(jnp.float32)
    mn = mn_ref[...].astype(jnp.float32)
    ne = mx < 0.0
    mx = jnp.where(ne, 0.0, mx)
    mn = jnp.where(ne, 0.0, mn)
    eve = jnp.maximum(dw_ref[0, 0] * mx + dw_ref[0, 1] * mn + dw_ref[0, 2],
                      0.0).astype(jnp.bfloat16)
    acc = acc + jax.lax.dot_general(
        eve, we_ref[...], (((1,), (1,)), ((), ())),
        preferred_element_type=jnp.float32)
    acc = acc + b_ref[...]
    if relu:
        acc = jnp.maximum(acc, 0.0)
    o_ref[...] = acc


def _out_matmul(x, Wself, xmax, xmin, Weve, b, dww, dwb, relu):
    dw = jnp.concatenate([dww, dwb]).reshape(1, 3)
    return pl.pallas_call(
        functools.partial(_out_body, relu=relu),
        grid=(N // _RB,),
        in_specs=[
            pl.BlockSpec((_RB, D), lambda i: (i, 0)),
            pl.BlockSpec((D, D), lambda i: (0, 0)),
            pl.BlockSpec((_RB, D), lambda i: (i, 0)),
            pl.BlockSpec((_RB, D), lambda i: (i, 0)),
            pl.BlockSpec((D, D), lambda i: (0, 0)),
            pl.BlockSpec((1, D), lambda i: (0, 0)),
            pl.BlockSpec((1, 3), lambda i: (0, 0), memory_space=pltpu.SMEM),
        ],
        out_specs=pl.BlockSpec((_RB, D), lambda i: (i, 0)),
        out_shape=jax.ShapeDtypeStruct((N, D), jnp.float32),
    )(x, Wself, xmax, xmin, Weve.astype(jnp.bfloat16), b.reshape(1, D), dw)


_INIT_MAX = -1082081408
_INIT_MIN = 2138603384


def _bits(x):
    return plsc.bitcast(x, jnp.bfloat16)


def _sc_minmax_body(h_hbm, src_hbm, dst_hbm, mx_hbm, mn_hbm,
                    amax, amin, buf, subl, slowrow, counts, sem):
    wid = lax.axis_index("s") * _NC + lax.axis_index("c")
    lo = wid * _RW

    cmax = jnp.full((16,), _INIT_MAX, jnp.int32)
    cmin = jnp.full((16,), _INIT_MIN, jnp.int32)

    def _inita(i, _):
        for k in range(_DP // 16):
            amax[i, pl.ds(k * 16, 16)] = cmax
            amin[i, pl.ds(k * 16, 16)] = cmin
        return 0
    lax.fori_loop(0, _RW + 1, _inita, 0)

    def _initc(t, _):
        counts[t] = 0
        return 0
    lax.fori_loop(0, _NT, _initc, 0)

    lane = jax.lax.iota(jnp.int32, 16)
    trash = lane + (_OML + _CE)
    sltrash = lane + _SLTR
    lov = jnp.broadcast_to(lo, (16,)).astype(jnp.int32)
    hiv = lov + _RW

    def _acc_row(dl, load_row):
        for k in range(_DP // 16):
            rv = _bits(load_row(k))
            amax[dl, pl.ds(k * 16, 16)] = plsc.bitcast(
                jnp.maximum(_bits(amax[dl, pl.ds(k * 16, 16)]), rv),
                jnp.int32)
            amin[dl, pl.ds(k * 16, 16)] = plsc.bitcast(
                jnp.minimum(_bits(amin[dl, pl.ds(k * 16, 16)]), rv),
                jnp.int32)

    def _fetch_chunk(c):
        s = (c % 2) * 2 * _CE
        pltpu.async_copy(dst_hbm.at[pl.ds(c * _CE, _CE)],
                         buf.at[pl.ds(s, _CE)], sem)
        pltpu.async_copy(src_hbm.at[pl.ds(c * _CE, _CE)],
                         buf.at[pl.ds(s + _CE, _CE)], sem)

    _fetch_chunk(0)

    def _chunk(c, _):
        pltpu.make_async_copy(dst_hbm.at[pl.ds(0, 2 * _CE)],
                              buf.at[pl.ds(0, 2 * _CE)], sem).wait()

        @pl.when(c + 1 < _NCHUNK)
        def _():
            _fetch_chunk(c + 1)

        base = (c % 2) * 2 * _CE

        def _scan(v, cnt):
            parts = []
            for u in range(_UNR):
                o = v * 16 * _UNR + u * 16
                dvec = buf[pl.ds(base + o, 16)]
                svec = buf[pl.ds(base + _CE + o, 16)]
                m = (dvec >= lov) & (dvec < hiv)
                mi = m.astype(jnp.int32)
                cs = plsc.cumsum(mi)
                parts.append((m, mi, cs, svec * _PK + (dvec - lov)))
            for m, mi, cs, val in parts:
                cntv = jnp.broadcast_to(cnt, (16,)).astype(jnp.int32)
                pos = jnp.where(m, cntv + (_OML + cs - mi), trash)
                plsc.store_scatter(buf, [pos], val)
                cnt = cnt + cs[15]
            return cnt

        cnt = lax.fori_loop(0, _VPC, _scan, jnp.int32(0))

        def _distrib(j, _):
            pk = buf[pl.ds(_OML + j, 16)][0]
            t = pk // (_PK * _HC)
            p = counts[t]
            counts[t] = p + 1
            slot = jnp.where(p < _SCAP, t * _SCAP + p, _SLTR)
            posv = jnp.where(lane < 1, jnp.broadcast_to(slot, (16,)),
                             sltrash)
            plsc.store_scatter(subl, [posv], jnp.broadcast_to(pk, (16,)))

            @pl.when(p >= _SCAP)
            def _slow():
                pltpu.async_copy(
                    h_hbm.at[pl.ds((pk // _PK) * _DP, _DP)], slowrow,
                    sem).wait()
                _acc_row(pk % _PK, lambda k: slowrow[pl.ds(k * 16, 16)])
            return 0

        lax.fori_loop(0, cnt, _distrib, 0)
        return 0

    lax.fori_loop(0, _NCHUNK, _chunk, 0)

    pltpu.async_copy(h_hbm.at[pl.ds(0, _HW)], buf.at[pl.ds(0, _HW)], sem)

    def _tile(t, _):
        half = (t % 2) * _HW
        pltpu.make_async_copy(h_hbm.at[pl.ds(0, _HW)],
                              buf.at[pl.ds(0, _HW)], sem).wait()

        @pl.when(t + 1 < _NT)
        def _():
            nhalf = ((t + 1) % 2) * _HW
            pltpu.async_copy(h_hbm.at[pl.ds((t + 1) * _HW, _HW)],
                             buf.at[pl.ds(nhalf, _HW)], sem)

        nj = jnp.minimum(counts[t], _SCAP)

        def _edge(j, _):
            pk = subl[pl.ds(t * _SCAP + j, 16)][0]
            roff = (pk // _PK - t * _HC) * _DP + half
            _acc_row(pk % _PK, lambda k: buf[pl.ds(roff + k * 16, 16)])
            return 0
        lax.fori_loop(0, nj, _edge, 0)
        return 0

    lax.fori_loop(0, _NT, _tile, 0)

    pltpu.sync_copy(amax.at[pl.ds(0, _RW)], mx_hbm.at[pl.ds(lo, _RW)])
    pltpu.sync_copy(amin.at[pl.ds(0, _RW)], mn_hbm.at[pl.ds(lo, _RW)])


def _sc_minmax(hp, src, dst):
    mesh = plsc.VectorSubcoreMesh(core_axis_name="c", subcore_axis_name="s",
                                  num_cores=_NC, num_subcores=_NS)
    run = pl.kernel(
        _sc_minmax_body,
        out_type=(jax.ShapeDtypeStruct((_NPAD, _DP), jnp.int32),
                  jax.ShapeDtypeStruct((_NPAD, _DP), jnp.int32)),
        mesh=mesh,
        scratch_types=[
            pltpu.VMEM((_RW + 1, _DP), jnp.int32),
            pltpu.VMEM((_RW + 1, _DP), jnp.int32),
            pltpu.VMEM((_BUFW,), jnp.int32),
            pltpu.VMEM((_SLTR + 16,), jnp.int32),
            pltpu.VMEM((_DP,), jnp.int32),
            pltpu.SMEM((_NT,), jnp.int32),
            pltpu.SemaphoreType.DMA,
        ],
        compiler_params=pltpu.CompilerParams(needs_layout_passes=False),
    )
    return run(hp, src, dst)


def _unpack(a):
    return jax.lax.bitcast_convert_type(
        a, jnp.bfloat16).reshape(_NPAD, D)[:N]


def _layer(x, src, dst, Wpool, bpool, dww, dwb, Weve, Wself, bias, relu):
    h = _pool_matmul(x, Wpool, bpool)
    hp = jax.lax.bitcast_convert_type(h.reshape(N, _DP, 2),
                                      jnp.int32).reshape(N * _DP)
    hp = jnp.pad(hp, (0, (_NPAD - N) * _DP))
    mxp, mnp = _sc_minmax(hp, src, dst)
    return _out_matmul(x, Wself, _unpack(mxp), _unpack(mnp), Weve, bias,
                       dww, dwb, relu)


def kernel(x, edge_index, c1_Wpool, c1_bpool, c1_dww, c1_dwb, c1_Weve, c1_Wself, c1_bias, c2_Wpool, c2_bpool, c2_dww, c2_dwb, c2_Weve, c2_Wself, c2_bias):
    src = edge_index[0]
    dst = edge_index[1]
    h = _layer(x, src, dst, c1_Wpool, c1_bpool, c1_dww, c1_dwb, c1_Weve,
               c1_Wself, c1_bias, relu=True)
    return _layer(h, src, dst, c2_Wpool, c2_bpool, c2_dww, c2_dwb, c2_Weve,
                  c2_Wself, c2_bias, relu=False)

# --- scband reference (transcript-rebuilt; emitter-appended) ---
"""Pipeline reference for scband-graph-eve-59854664237966 (READ-ONLY COPY).

The authoritative reference and input builder live on the scoring server;
editing this copy changes nothing except your own understanding.
"""

import jax, jax.numpy as jnp
import numpy as np

N_NODES = 10000
N_EDGES = 160000
D = 256


def setup_inputs(seed: int = 0) -> dict:
    key = jax.random.key(seed)
    ks = jax.random.split(key, 4)
    s = 1.0 / np.sqrt(D)
    inp = {}
    inp["x"] = jax.random.normal(ks[0], (N_NODES, D), dtype=jnp.float32)
    inp["edge_index"] = jax.random.randint(ks[1], (2, N_EDGES), 0, N_NODES)
    for i, pre in enumerate(["c1_", "c2_"]):
        k = jax.random.split(ks[2 + i], 4)
        inp[pre + "Wpool"] = jax.random.normal(k[0], (D, D), dtype=jnp.float32) * s
        inp[pre + "bpool"] = jnp.zeros((D,), dtype=jnp.float32)
        inp[pre + "dww"] = jax.random.normal(k[1], (2,), dtype=jnp.float32) * 0.5
        inp[pre + "dwb"] = jnp.zeros((1,), dtype=jnp.float32)
        inp[pre + "Weve"] = jax.random.normal(k[2], (D, D), dtype=jnp.float32) * s
        inp[pre + "Wself"] = jax.random.normal(k[3], (D, D), dtype=jnp.float32) * s
        inp[pre + "bias"] = jnp.zeros((D,), dtype=jnp.float32)
    return inp


def _eve_conv(x, src, dst, Wpool, bpool, dww, dwb, Weve, Wself, bias):
    n = x.shape[0]
    # fc_pool + relu on source features
    h = jax.nn.relu(x @ Wpool.T + bpool)
    # copy_u message, max/min reduce at destination
    m = jnp.take(h, src, axis=0)
    xmax = jax.ops.segment_max(m, dst, num_segments=n)
    xmin = jax.ops.segment_min(m, dst, num_segments=n)
    # DGL fills nodes with no in-edges with 0
    xmax = jnp.where(jnp.isfinite(xmax), xmax, 0.0)
    xmin = jnp.where(jnp.isfinite(xmin), xmin, 0.0)
    # dw_conv: Conv2d(2,1,kernel=1) over channel dim {max,min} == scalar mix
    eve = jax.nn.relu(dww[0] * xmax + dww[1] * xmin + dwb[0])
    # rst = fc_self(h_self) + fc_eve(eve) + bias
    return x @ Wself.T + eve @ Weve.T + bias


def reference(x, edge_index, c1_Wpool, c1_bpool, c1_dww, c1_dwb, c1_Weve, c1_Wself, c1_bias, c2_Wpool, c2_bpool, c2_dww, c2_dwb, c2_Weve, c2_Wself, c2_bias):
    src = edge_index[0]
    dst = edge_index[1]
    h = _eve_conv(x, src, dst, c1_Wpool, c1_bpool, c1_dww, c1_dwb, c1_Weve, c1_Wself, c1_bias)
    h = jax.nn.relu(h)
    h = _eve_conv(h, src, dst, c2_Wpool, c2_bpool, c2_dww, c2_dwb, c2_Weve, c2_Wself, c2_bias)
    return h

if __name__ == "__main__":
    import jax
    _d = setup_inputs()
    print(jax.jit(kernel)(*tuple(_d.values())))

</pallas_src>

<mosaic_0001>
#map = affine_map<(d0, d1) -> (0)>
#map1 = affine_map<(d0, d1) -> (0, 0)>
module attributes {stable_mosaic.version = 14 : i64} {
  func.func @_sc_minmax_body(%arg0: i32, %arg1: i32, %arg2: memref<1310720xi32, #tpu.memory_space<hbm>>, %arg3: memref<160000xi32, #tpu.memory_space<hbm>>, %arg4: memref<160000xi32, #tpu.memory_space<hbm>>, %arg5: memref<10240x128xi32, #tpu.memory_space<hbm>>, %arg6: memref<10240x128xi32, #tpu.memory_space<hbm>>, %arg7: memref<321x128xi32, #tpu.memory_space<vmem>>, %arg8: memref<321x128xi32, #tpu.memory_space<vmem>>, %arg9: memref<32768xi32, #tpu.memory_space<vmem>>, %arg10: memref<12816xi32, #tpu.memory_space<vmem>>, %arg11: memref<128xi32, #tpu.memory_space<vmem>>, %arg12: memref<80xi32, #tpu.memory_space<smem>>, %arg13: memref<!tpu.dma_semaphore, #tpu.memory_space<semaphore_mem>>) attributes {dimension_semantics = [#tpu.dimension_semantics<core_parallel>, #tpu.dimension_semantics<subcore_parallel>], iteration_bounds = array<i64: 2, 16>, scalar_prefetch = 0 : i64, scratch_operands = 7 : i64, tpu.core_type = #tpu.core_type<sc_vector_subcore>, window_params = [{transform_indices = #map}, {transform_indices = #map}, {transform_indices = #map}, {transform_indices = #map1}, {transform_indices = #map1}]} {
    %mul3A = arith.constant 2 : i32
    %mul3A_0 = arith.muli %arg1, %mul3A : i32
    %add3A = arith.addi %mul3A_0, %arg0 : i32
    %mul3A_1 = arith.constant 320 : i32
    %mul3A_2 = arith.muli %add3A, %mul3A_1 : i32
    %broadcast_in_dim3A = arith.constant -1082081408 : i32
    %broadcast_in_dim3A_3 = vector.broadcast %broadcast_in_dim3A : i32 to vector<16xi32>
    %broadcast_in_dim3A_4 = arith.constant 2138603384 : i32
    %broadcast_in_dim3A_5 = vector.broadcast %broadcast_in_dim3A_4 : i32 to vector<16xi32>
    %scan3A = arith.constant 0 : i32
    %scan3A_6 = arith.constant 0 : i32
    %scan3A_7 = arith.constant 321 : i32
    %scan3A_8 = arith.addi %scan3A_6, %scan3A_7 : i32
    %scan3A_9 = arith.constant 1 : i32
    %scan3A_10 = scf.for %scan3A_66 = %scan3A_6 to %scan3A_8 step %scan3A_9 iter_args(%scan3A_67 = %scan3A) -> (i32)  : i32 {
      %swap3A = arith.index_cast %scan3A_66 : i32 to index
      %swap3A_68 = arith.constant 0 : index
      %swap3A_69 = tpu.vector_load %arg7[%swap3A, %swap3A_68] {strides = array<i32>} : memref<321x128xi32, #tpu.memory_space<vmem>>, vector<16xi32>,
      tpu.vector_store %arg7[%swap3A, %swap3A_68], %broadcast_in_dim3A_3 {strides = array<i32>} : memref<321x128xi32, #tpu.memory_space<vmem>>, vector<16xi32>,
      %swap3A_70 = arith.index_cast %scan3A_66 : i32 to index
      %swap3A_71 = arith.constant 0 : index
      %swap3A_72 = tpu.vector_load %arg8[%swap3A_70, %swap3A_71] {strides = array<i32>} : memref<321x128xi32, #tpu.memory_space<vmem>>, vector<16xi32>,
      tpu.vector_store %arg8[%swap3A_70, %swap3A_71], %broadcast_in_dim3A_5 {strides = array<i32>} : memref<321x128xi32, #tpu.memory_space<vmem>>, vector<16xi32>,
      %swap3A_73 = arith.index_cast %scan3A_66 : i32 to index
      %swap3A_74 = arith.constant 16 : index
      %swap3A_75 = tpu.vector_load %arg7[%swap3A_73, %swap3A_74] {strides = array<i32>} : memref<321x128xi32, #tpu.memory_space<vmem>>, vector<16xi32>,
      tpu.vector_store %arg7[%swap3A_73, %swap3A_74], %broadcast_in_dim3A_3 {strides = array<i32>} : memref<321x128xi32, #tpu.memory_space<vmem>>, vector<16xi32>,
      %swap3A_76 = arith.index_cast %scan3A_66 : i32 to index
      %swap3A_77 = arith.constant 16 : index
      %swap3A_78 = tpu.vector_load %arg8[%swap3A_76, %swap3A_77] {strides = array<i32>} : memref<321x128xi32, #tpu.memory_space<vmem>>, vector<16xi32>,
      tpu.vector_store %arg8[%swap3A_76, %swap3A_77], %broadcast_in_dim3A_5 {strides = array<i32>} : memref<321x128xi32, #tpu.memory_space<vmem>>, vector<16xi32>,
      %swap3A_79 = arith.index_cast %scan3A_66 : i32 to index
      %swap3A_80 = arith.constant 32 : index
      %swap3A_81 = tpu.vector_load %arg7[%swap3A_79, %swap3A_80] {strides = array<i32>} : memref<321x128xi32, #tpu.memory_space<vmem>>, vector<16xi32>,
      tpu.vector_store %arg7[%swap3A_79, %swap3A_80], %broadcast_in_dim3A_3 {strides = array<i32>} : memref<321x128xi32, #tpu.memory_space<vmem>>, vector<16xi32>,
      %swap3A_82 = arith.index_cast %scan3A_66 : i32 to index
      %swap3A_83 = arith.constant 32 : index
      %swap3A_84 = tpu.vector_load %arg8[%swap3A_82, %swap3A_83] {strides = array<i32>} : memref<321x128xi32, #tpu.memory_space<vmem>>, vector<16xi32>,
      tpu.vector_store %arg8[%swap3A_82, %swap3A_83], %broadcast_in_dim3A_5 {strides = array<i32>} : memref<321x128xi32, #tpu.memory_space<vmem>>, vector<16xi32>,
      %swap3A_85 = arith.index_cast %scan3A_66 : i32 to index
      %swap3A_86 = arith.constant 48 : index
      %swap3A_87 = tpu.vector_load %arg7[%swap3A_85, %swap3A_86] {strides = array<i32>} : memref<321x128xi32, #tpu.memory_space<vmem>>, vector<16xi32>,
      tpu.vector_store %arg7[%swap3A_85, %swap3A_86], %broadcast_in_dim3A_3 {strides = array<i32>} : memref<321x128xi32, #tpu.memory_space<vmem>>, vector<16xi32>,
      %swap3A_88 = arith.index_cast %scan3A_66 : i32 to index
      %swap3A_89 = arith.constant 48 : index
      %swap3A_90 = tpu.vector_load %arg8[%swap3A_88, %swap3A_89] {strides = array<i32>} : memref<321x128xi32, #tpu.memory_space<vmem>>, vector<16xi32>,
      tpu.vector_store %arg8[%swap3A_88, %swap3A_89], %broadcast_in_dim3A_5 {strides = array<i32>} : memref<321x128xi32, #tpu.memory_space<vmem>>, vector<16xi32>,
      %swap3A_91 = arith.index_cast %scan3A_66 : i32 to index
      %swap3A_92 = arith.constant 64 : index
      %swap3A_93 = tpu.vector_load %arg7[%swap3A_91, %swap3A_92] {strides = array<i32>} : memref<321x128xi32, #tpu.memory_space<vmem>>, vector<16xi32>,
      tpu.vector_store %arg7[%swap3A_91, %swap3A_92], %broadcast_in_dim3A_3 {strides = array<i32>} : memref<321x128xi32, #tpu.memory_space<vmem>>, vector<16xi32>,
      %swap3A_94 = arith.index_cast %scan3A_66 : i32 to index
      %swap3A_95 = arith.constant 64 : index
      %swap3A_96 = tpu.vector_load %arg8[%swap3A_94, %swap3A_95] {strides = array<i32>} : memref<321x128xi32, #tpu.memory_space<vmem>>, vector<16xi32>,
      tpu.vector_store %arg8[%swap3A_94, %swap3A_95], %broadcast_in_dim3A_5 {strides = array<i32>} : memref<321x128xi32, #tpu.memory_space<vmem>>, vector<16xi32>,
      %swap3A_97 = arith.index_cast %scan3A_66 : i32 to index
      %swap3A_98 = arith.constant 80 : index
      %swap3A_99 = tpu.vector_load %arg7[%swap3A_97, %swap3A_98] {strides = array<i32>} : memref<321x128xi32, #tpu.memory_space<vmem>>, vector<16xi32>,
      tpu.vector_store %arg7[%swap3A_97, %swap3A_98], %broadcast_in_dim3A_3 {strides = array<i32>} : memref<321x128xi32, #tpu.memory_space<vmem>>, vector<16xi32>,
      %swap3A_100 = arith.index_cast %scan3A_66 : i32 to index
      %swap3A_101 = arith.constant 80 : index
      %swap3A_102 = tpu.vector_load %arg8[%swap3A_100, %swap3A_101] {strides = array<i32>} : memref<321x128xi32, #tpu.memory_space<vmem>>, vector<16xi32>,
      tpu.vector_store %arg8[%swap3A_100, %swap3A_101], %broadcast_in_dim3A_5 {strides = array<i32>} : memref<321x128xi32, #tpu.memory_space<vmem>>, vector<16xi32>,
      %swap3A_103 = arith.index_cast %scan3A_66 : i32 to index
      %swap3A_104 = arith.constant 96 : index
      %swap3A_105 = tpu.vector_load %arg7[%swap3A_103, %swap3A_104] {strides = array<i32>} : memref<321x128xi32, #tpu.memory_space<vmem>>, vector<16xi32>,
      tpu.vector_store %arg7[%swap3A_103, %swap3A_104], %broadcast_in_dim3A_3 {strides = array<i32>} : memref<321x128xi32, #tpu.memory_space<vmem>>, vector<16xi32>,
      %swap3A_106 = arith.index_cast %scan3A_66 : i32 to index
      %swap3A_107 = arith.constant 96 : index
      %swap3A_108 = tpu.vector_load %arg8[%swap3A_106, %swap3A_107] {strides = array<i32>} : memref<321x128xi32, #tpu.memory_space<vmem>>, vector<16xi32>,
      tpu.vector_store %arg8[%swap3A_106, %swap3A_107], %broadcast_in_dim3A_5 {strides = array<i32>} : memref<321x128xi32, #tpu.memory_space<vmem>>, vector<16xi32>,
      %swap3A_109 = arith.index_cast %scan3A_66 : i32 to index
      %swap3A_110 = arith.constant 112 : index
      %swap3A_111 = tpu.vector_load %arg7[%swap3A_109, %swap3A_110] {strides = array<i32>} : memref<321x128xi32, #tpu.memory_space<vmem>>, vector<16xi32>,
      tpu.vector_store %arg7[%swap3A_109, %swap3A_110], %broadcast_in_dim3A_3 {strides = array<i32>} : memref<321x128xi32, #tpu.memory_space<vmem>>, vector<16xi32>,
      %swap3A_112 = arith.index_cast %scan3A_66 : i32 to index
      %swap3A_113 = arith.constant 112 : index
      %swap3A_114 = tpu.vector_load %arg8[%swap3A_112, %swap3A_113] {strides = array<i32>} : memref<321x128xi32, #tpu.memory_space<vmem>>, vector<16xi32>,
      tpu.vector_store %arg8[%swap3A_112, %swap3A_113], %broadcast_in_dim3A_5 {strides = array<i32>} : memref<321x128xi32, #tpu.memory_space<vmem>>, vector<16xi32>,
      %scan3A_115 = arith.constant 0 : i32
      scf.yield %scan3A_115 : i32
    }
    %scan3A_11 = arith.constant 321 : i32
    %scan3A_12 = arith.constant 0 : i32
    %scan3A_13 = arith.constant 0 : i32
    %scan3A_14 = arith.constant 80 : i32
    %scan3A_15 = arith.addi %scan3A_13, %scan3A_14 : i32
    %scan3A_16 = arith.constant 1 : i32
    %scan3A_17 = scf.for %scan3A_66 = %scan3A_13 to %scan3A_15 step %scan3A_16 iter_args(%scan3A_67 = %scan3A_12) -> (i32)  : i32 {
      %swap3A = arith.constant 0 : i32
      %swap3A_68 = arith.index_cast %scan3A_66 : i32 to index
      %swap3A_69 = memref.load %arg12[%swap3A_68] : memref<80xi32, #tpu.memory_space<smem>>
      memref.store %swap3A, %arg12[%swap3A_68] : memref<80xi32, #tpu.memory_space<smem>>
      %scan3A_70 = arith.constant 0 : i32
      scf.yield %scan3A_70 : i32
    }
    %scan3A_18 = arith.constant 80 : i32
    %iota3A = tpu.iota {dimensions = array<i32: 0>} : vector<16xi32>
    %add3A_19 = arith.constant 32000 : i32
    %add3A_20 = vector.broadcast %add3A_19 : i32 to vector<16xi32>
    %add3A_21 = arith.addi %iota3A, %add3A_20 : vector<16xi32>
    %add3A_22 = arith.constant 12800 : i32
    %add3A_23 = vector.broadcast %add3A_22 : i32 to vector<16xi32>
    %add3A_24 = arith.addi %iota3A, %add3A_23 : vector<16xi32>
    %broadcast_in_dim3A_25 = vector.broadcast %mul3A_2 : i32 to vector<16xi32>
    %add3A_26 = arith.constant 320 : i32
    %add3A_27 = vector.broadcast %add3A_26 : i32 to vector<16xi32>
    %add3A_28 = arith.addi %broadcast_in_dim3A_25, %add3A_27 : vector<16xi32>
    %dma_start3A = arith.constant 0 : i32
    %dma_start3A_29 = tpu.memref_slice %arg9[%dma_start3A] : memref<32768xi32, #tpu.memory_space<vmem>> -> memref<6400xi32, #tpu.memory_space<vmem>>
    %dma_start3A_30 = arith.constant 0 : i32
    %dma_start3A_31 = tpu.memref_slice %arg4[%dma_start3A_30] : memref<160000xi32, #tpu.memory_space<hbm>> -> memref<6400xi32, #tpu.memory_space<hbm>>
    %dma_start3A_32 = arith.constant 0 : i32
    %dma_start3A_33 = tpu.memref_slice %arg9[%dma_start3A_32] : memref<32768xi32, #tpu.memory_space<vmem>> -> memref<6400xi32, #tpu.memory_space<vmem>>
    %dma_start3A_34 = arith.constant 0 : i32
    %dma_start3A_35 = tpu.memref_slice %arg4[%dma_start3A_34] : memref<160000xi32, #tpu.memory_space<hbm>> -> memref<6400xi32, #tpu.memory_space<hbm>>
    tpu.enqueue_dma source(%dma_start3A_35 : memref<6400xi32, #tpu.memory_space<hbm>>) target(%dma_start3A_33 : memref<6400xi32, #tpu.memory_space<vmem>>) target_semaphore(%arg13 : memref<!tpu.dma_semaphore, #tpu.memory_space<semaphore_mem>>)
    %dma_start3A_36 = arith.constant 6400 : i32
    %dma_start3A_37 = tpu.memref_slice %arg9[%dma_start3A_36] : memref<32768xi32, #tpu.memory_space<vmem>> -> memref<6400xi32, #tpu.memory_space<vmem>>
    %dma_start3A_38 = arith.constant 0 : i32
    %dma_start3A_39 = tpu.memref_slice %arg3[%dma_start3A_38] : memref<160000xi32, #tpu.memory_space<hbm>> -> memref<6400xi32, #tpu.memory_space<hbm>>
    %dma_start3A_40 = arith.constant 6400 : i32
    %dma_start3A_41 = tpu.memref_slice %arg9[%dma_start3A_40] : memref<32768xi32, #tpu.memory_space<vmem>> -> memref<6400xi32, #tpu.memory_space<vmem>>
    %dma_start3A_42 = arith.constant 0 : i32
    %dma_start3A_43 = tpu.memref_slice %arg3[%dma_start3A_42] : memref<160000xi32, #tpu.memory_space<hbm>> -> memref<6400xi32, #tpu.memory_space<hbm>>
    tpu.enqueue_dma source(%dma_start3A_43 : memref<6400xi32, #tpu.memory_space<hbm>>) target(%dma_start3A_41 : memref<6400xi32, #tpu.memory_space<vmem>>) target_semaphore(%arg13 : memref<!tpu.dma_semaphore, #tpu.memory_space<semaphore_mem>>)
    %scan3A_44 = arith.constant 0 : i32
    %scan3A_45 = arith.constant 0 : i32
    %scan3A_46 = arith.constant 25 : i32
    %scan3A_47 = arith.addi %scan3A_45, %scan3A_46 : i32
    %scan3A_48 = arith.constant 1 : i32
    %scan3A_49 = scf.for %scan3A_66 = %scan3A_45 to %scan3A_47 step %scan3A_48 iter_args(%scan3A_67 = %scan3A_44) -> (i32)  : i32 {
      %dma_wait3A = arith.constant 0 : i32
      %dma_wait3A_68 = tpu.memref_slice %arg9[%dma_wait3A] : memref<32768xi32, #tpu.memory_space<vmem>> -> memref<12800xi32, #tpu.memory_space<vmem>>
      %dma_wait3A_69 = arith.constant 0 : i32
      %dma_wait3A_70 = tpu.memref_slice %arg4[%dma_wait3A_69] : memref<160000xi32, #tpu.memory_space<hbm>> -> memref<12800xi32, #tpu.memory_space<hbm>>
      %dma_wait3A_71 = arith.constant 0 : i32
      %dma_wait3A_72 = tpu.memref_slice %arg9[%dma_wait3A_71] : memref<32768xi32, #tpu.memory_space<vmem>> -> memref<12800xi32, #tpu.memory_space<vmem>>
      %dma_wait3A_73 = arith.constant 0 : i32
      %dma_wait3A_74 = tpu.memref_slice %arg4[%dma_wait3A_73] : memref<160000xi32, #tpu.memory_space<hbm>> -> memref<12800xi32, #tpu.memory_space<hbm>>
      tpu.wait_dma2 semaphore(%arg13 : memref<!tpu.dma_semaphore, #tpu.memory_space<semaphore_mem>>) src(%dma_wait3A_74 : memref<12800xi32, #tpu.memory_space<hbm>>) dst(%dma_wait3A_72 : memref<12800xi32, #tpu.memory_space<vmem>>)
      %add3A_75 = arith.constant 1 : i32
      %add3A_76 = arith.addi %scan3A_66, %add3A_75 : i32
      %lt3A = arith.constant 25 : i32
      %lt3A_77 = arith.cmpi slt, %add3A_76, %lt3A : i32
      %convert_element_type3A = arith.extui %lt3A_77 : i1 to i32
      %cond3A = arith.constant 0 : i32
      %cond3A_78 = arith.cmpi ne, %convert_element_type3A, %cond3A : i32
      scf.if %cond3A_78 {
        %add3A_112 = arith.constant 1 : i32
        %add3A_113 = arith.addi %scan3A_66, %add3A_112 : i32
        %jit3A_114 = arith.constant 2 : i32
        %eq3A_115 = arith.constant 0 : i32
        %eq3A_116 = arith.cmpi eq, %jit3A_114, %eq3A_115 : i32
        %jit3A_117 = arith.constant 1 : i32
        %select_n3A_118 = arith.select %eq3A_116, %jit3A_117, %jit3A_114 : i32
        %rem3A_119 = arith.remsi %add3A_113, %select_n3A_118 : i32
        %ne3A_120 = arith.constant 0 : i32
        %ne3A_121 = arith.cmpi ne, %rem3A_119, %ne3A_120 : i32
        %lt3A_122 = arith.constant 0 : i32
        %lt3A_123 = arith.cmpi slt, %rem3A_119, %lt3A_122 : i32
        %lt3A_124 = arith.constant 0 : i32
        %lt3A_125 = arith.cmpi slt, %select_n3A_118, %lt3A_124 : i32
        %ne3A_126 = arith.xori %lt3A_123, %lt3A_125 : i1
        %and3A_127 = arith.andi %ne3A_126, %ne3A_121 : i1
        %add3A_128 = arith.addi %rem3A_119, %select_n3A_118 : i32
        %select_n3A_129 = arith.select %and3A_127, %add3A_128, %rem3A_119 : i32
        %mul3A_130 = arith.constant 2 : i32
        %mul3A_131 = arith.muli %select_n3A_129, %mul3A_130 : i32
        %mul3A_132 = arith.constant 6400 : i32
        %mul3A_133 = arith.muli %mul3A_131, %mul3A_132 : i32
        %mul3A_134 = arith.constant 6400 : i32
        %mul3A_135 = arith.muli %add3A_113, %mul3A_134 : i32
        %dma_start3A_136 = tpu.memref_slice %arg9[%mul3A_133] : memref<32768xi32, #tpu.memory_space<vmem>> -> memref<6400xi32, #tpu.memory_space<vmem>>
        %dma_start3A_137 = tpu.memref_slice %arg4[%mul3A_135] : memref<160000xi32, #tpu.memory_space<hbm>> -> memref<6400xi32, #tpu.memory_space<hbm>>
        %dma_start3A_138 = tpu.memref_slice %arg9[%mul3A_133] : memref<32768xi32, #tpu.memory_space<vmem>> -> memref<6400xi32, #tpu.memory_space<vmem>>
        %dma_start3A_139 = tpu.memref_slice %arg4[%mul3A_135] : memref<160000xi32, #tpu.memory_space<hbm>> -> memref<6400xi32, #tpu.memory_space<hbm>>
        tpu.enqueue_dma source(%dma_start3A_139 : memref<6400xi32, #tpu.memory_space<hbm>>) target(%dma_start3A_138 : memref<6400xi32, #tpu.memory_space<vmem>>) target_semaphore(%arg13 : memref<!tpu.dma_semaphore, #tpu.memory_space<semaphore_mem>>)
        %mul3A_140 = arith.constant 6400 : i32
        %mul3A_141 = arith.muli %add3A_113, %mul3A_140 : i32
        %add3A_142 = arith.constant 6400 : i32
        %add3A_143 = arith.addi %mul3A_133, %add3A_142 : i32
        %dma_start3A_144 = tpu.memref_slice %arg9[%add3A_143] : memref<32768xi32, #tpu.memory_space<vmem>> -> memref<6400xi32, #tpu.memory_space<vmem>>
        %dma_start3A_145 = tpu.memref_slice %arg3[%mul3A_141] : memref<160000xi32, #tpu.memory_space<hbm>> -> memref<6400xi32, #tpu.memory_space<hbm>>
        %dma_start3A_146 = tpu.memref_slice %arg9[%add3A_143] : memref<32768xi32, #tpu.memory_space<vmem>> -> memref<6400xi32, #tpu.memory_space<vmem>>
        %dma_start3A_147 = tpu.memref_slice %arg3[%mul3A_141] : memref<160000xi32, #tpu.memory_space<hbm>> -> memref<6400xi32, #tpu.memory_space<hbm>>
        tpu.enqueue_dma source(%dma_start3A_147 : memref<6400xi32, #tpu.memory_space<hbm>>) target(%dma_start3A_146 : memref<6400xi32, #tpu.memory_space<vmem>>) target_semaphore(%arg13 : memref<!tpu.dma_semaphore, #tpu.memory_space<semaphore_mem>>)
      } else {
      }
      %jit3A = arith.constant 2 : i32
      %eq3A = arith.constant 0 : i32
      %eq3A_79 = arith.cmpi eq, %jit3A, %eq3A : i32
      %jit3A_80 = arith.constant 1 : i32
      %select_n3A = arith.select %eq3A_79, %jit3A_80, %jit3A : i32
      %rem3A = arith.remsi %scan3A_66, %select_n3A : i32
      %ne3A = arith.constant 0 : i32
      %ne3A_81 = arith.cmpi ne, %rem3A, %ne3A : i32
      %lt3A_82 = arith.constant 0 : i32
      %lt3A_83 = arith.cmpi slt, %rem3A, %lt3A_82 : i32
      %lt3A_84 = arith.constant 0 : i32
      %lt3A_85 = arith.cmpi slt, %select_n3A, %lt3A_84 : i32
      %ne3A_86 = arith.xori %lt3A_83, %lt3A_85 : i1
      %and3A = arith.andi %ne3A_86, %ne3A_81 : i1
      %add3A_87 = arith.addi %rem3A, %select_n3A : i32
      %select_n3A_88 = arith.select %and3A, %add3A_87, %rem3A : i32
      %mul3A_89 = arith.constant 2 : i32
      %mul3A_90 = arith.muli %select_n3A_88, %mul3A_89 : i32
      %mul3A_91 = arith.constant 6400 : i32
      %mul3A_92 = arith.muli %mul3A_90, %mul3A_91 : i32
      %scan3A_93 = arith.constant 0 : i32
      %scan3A_94 = arith.constant 0 : i32
      %scan3A_95 = arith.constant 100 : i32
      %scan3A_96 = arith.addi %scan3A_94, %scan3A_95 : i32
      %scan3A_97 = arith.constant 1 : i32
      %scan3A_98 = scf.for %scan3A_112 = %scan3A_94 to %scan3A_96 step %scan3A_97 iter_args(%scan3A_113 = %scan3A_93) -> (i32)  : i32 {
        %mul3A_114 = arith.constant 16 : i32
        %mul3A_115 = arith.muli %scan3A_112, %mul3A_114 : i32
        %mul3A_116 = arith.constant 4 : i32
        %mul3A_117 = arith.muli %mul3A_115, %mul3A_116 : i32
        %add3A_118 = arith.constant 0 : i32
        %add3A_119 = arith.addi %mul3A_117, %add3A_118 : i32
        %add3A_120 = arith.addi %mul3A_92, %add3A_119 : i32
        %get3A = arith.index_cast %add3A_120 : i32 to index
        %get3A_121 = tpu.vector_load %arg9[%get3A] {strides = array<i32>} : memref<32768xi32, #tpu.memory_space<vmem>>, vector<16xi32>,
        %add3A_122 = arith.constant 6400 : i32
        %add3A_123 = arith.addi %mul3A_92, %add3A_122 : i32
        %add3A_124 = arith.addi %add3A_123, %add3A_119 : i32
        %get3A_125 = arith.index_cast %add3A_124 : i32 to index
        %get3A_126 = tpu.vector_load %arg9[%get3A_125] {strides = array<i32>} : memref<32768xi32, #tpu.memory_space<vmem>>, vector<16xi32>,
        %ge3A = arith.cmpi sge, %get3A_121, %broadcast_in_dim3A_25 : vector<16xi32>
        %lt3A_127 = arith.cmpi slt, %get3A_121, %add3A_28 : vector<16xi32>
        %and3A_128 = arith.andi %ge3A, %lt3A_127 : vector<16xi1>
        %convert_element_type3A_129 = arith.extui %and3A_128 : vector<16xi1> to vector<16xi32>
        %broadcast_in_dim3A_130 = arith.constant true
        %broadcast_in_dim3A_131 = vector.broadcast %broadcast_in_dim3A_130 : i1 to vector<16xi1>
        %masked_cumsum3A = tpu.scan <sum>, %convert_element_type3A_129 masked %broadcast_in_dim3A_131 : vector<16xi32>, vector<16xi1> -> vector<16xi32>
        %mul3A_132 = arith.constant 512 : i32
        %mul3A_133 = vector.broadcast %mul3A_132 : i32 to vector<16xi32>
        %mul3A_134 = arith.muli %get3A_126, %mul3A_133 : vector<16xi32>
        %sub3A = arith.subi %get3A_121, %broadcast_in_dim3A_25 : vector<16xi32>
        %add3A_135 = arith.addi %mul3A_134, %sub3A : vector<16xi32>
        %mul3A_136 = arith.constant 16 : i32
        %mul3A_137 = arith.muli %scan3A_112, %mul3A_136 : i32
        %mul3A_138 = arith.constant 4 : i32
        %mul3A_139 = arith.muli %mul3A_137, %mul3A_138 : i32
        %add3A_140 = arith.constant 16 : i32
        %add3A_141 = arith.addi %mul3A_139, %add3A_140 : i32
        %add3A_142 = arith.addi %mul3A_92, %add3A_141 : i32
        %get3A_143 = arith.index_cast %add3A_142 : i32 to index
        %get3A_144 = tpu.vector_load %arg9[%get3A_143] {strides = array<i32>} : memref<32768xi32, #tpu.memory_space<vmem>>, vector<16xi32>,
        %add3A_145 = arith.constant 6400 : i32
        %add3A_146 = arith.addi %mul3A_92, %add3A_145 : i32
        %add3A_147 = arith.addi %add3A_146, %add3A_141 : i32
        %get3A_148 = arith.index_cast %add3A_147 : i32 to index
        %get3A_149 = tpu.vector_load %arg9[%get3A_148] {strides = array<i32>} : memref<32768xi32, #tpu.memory_space<vmem>>, vector<16xi32>,
        %ge3A_150 = arith.cmpi sge, %get3A_144, %broadcast_in_dim3A_25 : vector<16xi32>
        %lt3A_151 = arith.cmpi slt, %get3A_144, %add3A_28 : vector<16xi32>
        %and3A_152 = arith.andi %ge3A_150, %lt3A_151 : vector<16xi1>
        %convert_element_type3A_153 = arith.extui %and3A_152 : vector<16xi1> to vector<16xi32>
        %broadcast_in_dim3A_154 = arith.constant true
        %broadcast_in_dim3A_155 = vector.broadcast %broadcast_in_dim3A_154 : i1 to vector<16xi1>
        %masked_cumsum3A_156 = tpu.scan <sum>, %convert_element_type3A_153 masked %broadcast_in_dim3A_155 : vector<16xi32>, vector<16xi1> -> vector<16xi32>
        %mul3A_157 = arith.constant 512 : i32
        %mul3A_158 = vector.broadcast %mul3A_157 : i32 to vector<16xi32>
        %mul3A_159 = arith.muli %get3A_149, %mul3A_158 : vector<16xi32>
        %sub3A_160 = arith.subi %get3A_144, %broadcast_in_dim3A_25 : vector<16xi32>
        %add3A_161 = arith.addi %mul3A_159, %sub3A_160 : vector<16xi32>
        %mul3A_162 = arith.constant 16 : i32
        %mul3A_163 = arith.muli %scan3A_112, %mul3A_162 : i32
        %mul3A_164 = arith.constant 4 : i32
        %mul3A_165 = arith.muli %mul3A_163, %mul3A_164 : i32
        %add3A_166 = arith.constant 32 : i32
        %add3A_167 = arith.addi %mul3A_165, %add3A_166 : i32
        %add3A_168 = arith.addi %mul3A_92, %add3A_167 : i32
        %get3A_169 = arith.index_cast %add3A_168 : i32 to index
        %get3A_170 = tpu.vector_load %arg9[%get3A_169] {strides = array<i32>} : memref<32768xi32, #tpu.memory_space<vmem>>, vector<16xi32>,
        %add3A_171 = arith.constant 6400 : i32
        %add3A_172 = arith.addi %mul3A_92, %add3A_171 : i32
        %add3A_173 = arith.addi %add3A_172, %add3A_167 : i32
        %get3A_174 = arith.index_cast %add3A_173 : i32 to index
        %get3A_175 = tpu.vector_load %arg9[%get3A_174] {strides = array<i32>} : memref<32768xi32, #tpu.memory_space<vmem>>, vector<16xi32>,
        %ge3A_176 = arith.cmpi sge, %get3A_170, %broadcast_in_dim3A_25 : vector<16xi32>
        %lt3A_177 = arith.cmpi slt, %get3A_170, %add3A_28 : vector<16xi32>
        %and3A_178 = arith.andi %ge3A_176, %lt3A_177 : vector<16xi1>
        %convert_element_type3A_179 = arith.extui %and3A_178 : vector<16xi1> to vector<16xi32>
        %broadcast_in_dim3A_180 = arith.constant true
        %broadcast_in_dim3A_181 = vector.broadcast %broadcast_in_dim3A_180 : i1 to vector<16xi1>
        %masked_cumsum3A_182 = tpu.scan <sum>, %convert_element_type3A_179 masked %broadcast_in_dim3A_181 : vector<16xi32>, vector<16xi1> -> vector<16xi32>
        %mul3A_183 = arith.constant 512 : i32
        %mul3A_184 = vector.broadcast %mul3A_183 : i32 to vector<16xi32>
        %mul3A_185 = arith.muli %get3A_175, %mul3A_184 : vector<16xi32>
        %sub3A_186 = arith.subi %get3A_170, %broadcast_in_dim3A_25 : vector<16xi32>
        %add3A_187 = arith.addi %mul3A_185, %sub3A_186 : vector<16xi32>
        %mul3A_188 = arith.constant 16 : i32
        %mul3A_189 = arith.muli %scan3A_112, %mul3A_188 : i32
        %mul3A_190 = arith.constant 4 : i32
        %mul3A_191 = arith.muli %mul3A_189, %mul3A_190 : i32
        %add3A_192 = arith.constant 48 : i32
        %add3A_193 = arith.addi %mul3A_191, %add3A_192 : i32
        %add3A_194 = arith.addi %mul3A_92, %add3A_193 : i32
        %get3A_195 = arith.index_cast %add3A_194 : i32 to index
        %get3A_196 = tpu.vector_load %arg9[%get3A_195] {strides = array<i32>} : memref<32768xi32, #tpu.memory_space<vmem>>, vector<16xi32>,
        %add3A_197 = arith.constant 6400 : i32
        %add3A_198 = arith.addi %mul3A_92, %add3A_197 : i32
        %add3A_199 = arith.addi %add3A_198, %add3A_193 : i32
        %get3A_200 = arith.index_cast %add3A_199 : i32 to index
        %get3A_201 = tpu.vector_load %arg9[%get3A_200] {strides = array<i32>} : memref<32768xi32, #tpu.memory_space<vmem>>, vector<16xi32>,
        %ge3A_202 = arith.cmpi sge, %get3A_196, %broadcast_in_dim3A_25 : vector<16xi32>
        %lt3A_203 = arith.cmpi slt, %get3A_196, %add3A_28 : vector<16xi32>
        %and3A_204 = arith.andi %ge3A_202, %lt3A_203 : vector<16xi1>
        %convert_element_type3A_205 = arith.extui %and3A_204 : vector<16xi1> to vector<16xi32>
        %broadcast_in_dim3A_206 = arith.constant true
        %broadcast_in_dim3A_207 = vector.broadcast %broadcast_in_dim3A_206 : i1 to vector<16xi1>
        %masked_cumsum3A_208 = tpu.scan <sum>, %convert_element_type3A_205 masked %broadcast_in_dim3A_207 : vector<16xi32>, vector<16xi1> -> vector<16xi32>
        %mul3A_209 = arith.constant 512 : i32
        %mul3A_210 = vector.broadcast %mul3A_209 : i32 to vector<16xi32>
        %mul3A_211 = arith.muli %get3A_201, %mul3A_210 : vector<16xi32>
        %sub3A_212 = arith.subi %get3A_196, %broadcast_in_dim3A_25 : vector<16xi32>
        %add3A_213 = arith.addi %mul3A_211, %sub3A_212 : vector<16xi32>
        %broadcast_in_dim3A_214 = vector.broadcast %scan3A_113 : i32 to vector<16xi32>
        %add3A_215 = arith.constant 25600 : i32
        %add3A_216 = vector.broadcast %add3A_215 : i32 to vector<16xi32>
        %add3A_217 = arith.addi %add3A_216, %masked_cumsum3A : vector<16xi32>
        %sub3A_218 = arith.subi %add3A_217, %convert_element_type3A_129 : vector<16xi32>
        %add3A_219 = arith.addi %broadcast_in_dim3A_214, %sub3A_218 : vector<16xi32>
        %select_n3A_220 = arith.select %and3A_128, %add3A_219, %add3A_21 : vector<16xi1>, vector<16xi32>
        tpu.vector_store_idx %arg9[%select_n3A_220], %add3A_135 : memref<32768xi32, #tpu.memory_space<vmem>>[vector<16xi32>], vector<16xi32>,
        %slice3A = vector.extract_strided_slice %masked_cumsum3A {offsets = [15], sizes = [1], strides = [1]} : vector<16xi32> to vector<1xi32>
        %squeeze3A = vector.extract %slice3A[0] : i32 from vector<1xi32>
        %add3A_221 = arith.addi %scan3A_113, %squeeze3A : i32
        %broadcast_in_dim3A_222 = vector.broadcast %add3A_221 : i32 to vector<16xi32>
        %add3A_223 = arith.constant 25600 : i32
        %add3A_224 = vector.broadcast %add3A_223 : i32 to vector<16xi32>
        %add3A_225 = arith.addi %add3A_224, %masked_cumsum3A_156 : vector<16xi32>
        %sub3A_226 = arith.subi %add3A_225, %convert_element_type3A_153 : vector<16xi32>
        %add3A_227 = arith.addi %broadcast_in_dim3A_222, %sub3A_226 : vector<16xi32>
        %select_n3A_228 = arith.select %and3A_152, %add3A_227, %add3A_21 : vector<16xi1>, vector<16xi32>
        tpu.vector_store_idx %arg9[%select_n3A_228], %add3A_161 : memref<32768xi32, #tpu.memory_space<vmem>>[vector<16xi32>], vector<16xi32>,
        %slice3A_229 = vector.extract_strided_slice %masked_cumsum3A_156 {offsets = [15], sizes = [1], strides = [1]} : vector<16xi32> to vector<1xi32>
        %squeeze3A_230 = vector.extract %slice3A_229[0] : i32 from vector<1xi32>
        %add3A_231 = arith.addi %add3A_221, %squeeze3A_230 : i32
        %broadcast_in_dim3A_232 = vector.broadcast %add3A_231 : i32 to vector<16xi32>
        %add3A_233 = arith.constant 25600 : i32
        %add3A_234 = vector.broadcast %add3A_233 : i32 to vector<16xi32>
        %add3A_235 = arith.addi %add3A_234, %masked_cumsum3A_182 : vector<16xi32>
        %sub3A_236 = arith.subi %add3A_235, %convert_element_type3A_179 : vector<16xi32>
        %add3A_237 = arith.addi %broadcast_in_dim3A_232, %sub3A_236 : vector<16xi32>
        %select_n3A_238 = arith.select %and3A_178, %add3A_237, %add3A_21 : vector<16xi1>, vector<16xi32>
        tpu.vector_store_idx %arg9[%select_n3A_238], %add3A_187 : memref<32768xi32, #tpu.memory_space<vmem>>[vector<16xi32>], vector<16xi32>,
        %slice3A_239 = vector.extract_strided_slice %masked_cumsum3A_182 {offsets = [15], sizes = [1], strides = [1]} : vector<16xi32> to vector<1xi32>
        %squeeze3A_240 = vector.extract %slice3A_239[0] : i32 from vector<1xi32>
        %add3A_241 = arith.addi %add3A_231, %squeeze3A_240 : i32
        %broadcast_in_dim3A_242 = vector.broadcast %add3A_241 : i32 to vector<16xi32>
        %add3A_243 = arith.constant 25600 : i32
        %add3A_244 = vector.broadcast %add3A_243 : i32 to vector<16xi32>
        %add3A_245 = arith.addi %add3A_244, %masked_cumsum3A_208 : vector<16xi32>
        %sub3A_246 = arith.subi %add3A_245, %convert_element_type3A_205 : vector<16xi32>
        %add3A_247 = arith.addi %broadcast_in_dim3A_242, %sub3A_246 : vector<16xi32>
        %select_n3A_248 = arith.select %and3A_204, %add3A_247, %add3A_21 : vector<16xi1>, vector<16xi32>
        tpu.vector_store_idx %arg9[%select_n3A_248], %add3A_213 : memref<32768xi32, #tpu.memory_space<vmem>>[vector<16xi32>], vector<16xi32>,
        %slice3A_249 = vector.extract_strided_slice %masked_cumsum3A_208 {offsets = [15], sizes = [1], strides = [1]} : vector<16xi32> to vector<1xi32>
        %squeeze3A_250 = vector.extract %slice3A_249[0] : i32 from vector<1xi32>
        %add3A_251 = arith.addi %add3A_241, %squeeze3A_250 : i32
        scf.yield %add3A_251 : i32
      }
      %scan3A_99 = arith.constant 100 : i32
      %while3A = arith.constant 0 : i32
      %while3A_100 = arith.constant 0 : i32
      %while3A_101 = arith.subi %scan3A_98, %while3A : i32
      %while3A_102 = arith.addi %while3A, %while3A_101 : i32
      %while3A_103 = arith.constant 1 : i32
      %while3A_104 = arith.divsi %while3A_101, %while3A_103 : i32
      %while3A_105 = arith.muli %while3A_104, %while3A_103 : i32
      %while3A_106 = arith.addi %while3A, %while3A_105 : i32
      %while3A_107 = arith.constant 1 : i32
      %while3A_108 = scf.for %while3A_112 = %while3A to %while3A_106 step %while3A_107 iter_args(%while3A_113 = %while3A_100) -> (i32)  : i32 {
        %add3A_114 = arith.constant 25600 : i32
        %add3A_115 = arith.addi %add3A_114, %while3A_112 : i32
        %get3A = arith.index_cast %add3A_115 : i32 to index
        %get3A_116 = tpu.vector_load %arg9[%get3A] {strides = array<i32>} : memref<32768xi32, #tpu.memory_space<vmem>>, vector<16xi32>,
        %slice3A = vector.extract_strided_slice %get3A_116 {offsets = [0], sizes = [1], strides = [1]} : vector<16xi32> to vector<1xi32>
        %squeeze3A = vector.extract %slice3A[0] : i32 from vector<1xi32>
        %jit3A_117 = arith.constant 65536 : i32
        %div3A = arith.divsi %squeeze3A, %jit3A_117 : i32
        %sign3A = arith.constant 0 : i32
        %sign3A_118 = arith.cmpi sgt, %squeeze3A, %sign3A : i32
        %sign3A_119 = arith.extui %sign3A_118 : i1 to i32
        %sign3A_120 = arith.constant 0 : i32
        %sign3A_121 = arith.cmpi slt, %squeeze3A, %sign3A_120 : i32
        %sign3A_122 = arith.extui %sign3A_121 : i1 to i32
        %sign3A_123 = arith.subi %sign3A_119, %sign3A_122 : i32
        %sign3A_124 = arith.constant 0 : i32
        %sign3A_125 = arith.cmpi sgt, %jit3A_117, %sign3A_124 : i32
        %sign3A_126 = arith.extui %sign3A_125 : i1 to i32
        %sign3A_127 = arith.constant 0 : i32
        %sign3A_128 = arith.cmpi slt, %jit3A_117, %sign3A_127 : i32
        %sign3A_129 = arith.extui %sign3A_128 : i1 to i32
        %sign3A_130 = arith.subi %sign3A_126, %sign3A_129 : i32
        %ne3A_131 = arith.cmpi ne, %sign3A_123, %sign3A_130 : i32
        %rem3A_132 = arith.remsi %squeeze3A, %jit3A_117 : i32
        %ne3A_133 = arith.constant 0 : i32
        %ne3A_134 = arith.cmpi ne, %rem3A_132, %ne3A_133 : i32
        %and3A_135 = arith.andi %ne3A_131, %ne3A_134 : i1
        %sub3A = arith.constant 1 : i32
        %sub3A_136 = arith.subi %div3A, %sub3A : i32
        %select_n3A_137 = arith.select %and3A_135, %sub3A_136, %div3A : i32
        %get3A_138 = arith.index_cast %select_n3A_137 : i32 to index
        %get3A_139 = memref.load %arg12[%get3A_138] : memref<80xi32, #tpu.memory_space<smem>>
        %add3A_140 = arith.constant 1 : i32
        %add3A_141 = arith.addi %get3A_139, %add3A_140 : i32
        %swap3A = arith.index_cast %select_n3A_137 : i32 to index
        %swap3A_142 = memref.load %arg12[%swap3A] : memref<80xi32, #tpu.memory_space<smem>>
        memref.store %add3A_141, %arg12[%swap3A] : memref<80xi32, #tpu.memory_space<smem>>
        %lt3A_143 = arith.constant 160 : i32
        %lt3A_144 = arith.cmpi slt, %get3A_139, %lt3A_143 : i32
        %mul3A_145 = arith.constant 160 : i32
        %mul3A_146 = arith.muli %select_n3A_137, %mul3A_145 : i32
        %add3A_147 = arith.addi %mul3A_146, %get3A_139 : i32
        %jit3A_148 = arith.constant 12800 : i32
        %select_n3A_149 = arith.select %lt3A_144, %add3A_147, %jit3A_148 : i32
        %lt3A_150 = arith.constant 1 : i32
        %lt3A_151 = vector.broadcast %lt3A_150 : i32 to vector<16xi32>
        %lt3A_152 = arith.cmpi slt, %iota3A, %lt3A_151 : vector<16xi32>
        %broadcast_in_dim3A_153 = vector.broadcast %select_n3A_149 : i32 to vector<16xi32>
        %select_n3A_154 = arith.select %lt3A_152, %broadcast_in_dim3A_153, %add3A_24 : vector<16xi1>, vector<16xi32>
        %broadcast_in_dim3A_155 = vector.broadcast %squeeze3A : i32 to vector<16xi32>
        tpu.vector_store_idx %arg10[%select_n3A_154], %broadcast_in_dim3A_155 : memref<12816xi32, #tpu.memory_space<vmem>>[vector<16xi32>], vector<16xi32>,
        %ge3A = arith.constant 160 : i32
        %ge3A_156 = arith.cmpi sge, %get3A_139, %ge3A : i32
        %convert_element_type3A_157 = arith.extui %ge3A_156 : i1 to i32
        %cond3A_158 = arith.constant 0 : i32
        %cond3A_159 = arith.cmpi ne, %convert_element_type3A_157, %cond3A_158 : i32
        scf.if %cond3A_159 {
          %jit3A_161 = arith.constant 512 : i32
          %div3A_162 = arith.divsi %squeeze3A, %jit3A_161 : i32
          %sign3A_163 = arith.constant 0 : i32
          %sign3A_164 = arith.cmpi sgt, %squeeze3A, %sign3A_163 : i32
          %sign3A_165 = arith.extui %sign3A_164 : i1 to i32
          %sign3A_166 = arith.constant 0 : i32
          %sign3A_167 = arith.cmpi slt, %squeeze3A, %sign3A_166 : i32
          %sign3A_168 = arith.extui %sign3A_167 : i1 to i32
          %sign3A_169 = arith.subi %sign3A_165, %sign3A_168 : i32
          %sign3A_170 = arith.constant 0 : i32
          %sign3A_171 = arith.cmpi sgt, %jit3A_161, %sign3A_170 : i32
          %sign3A_172 = arith.extui %sign3A_171 : i1 to i32
          %sign3A_173 = arith.constant 0 : i32
          %sign3A_174 = arith.cmpi slt, %jit3A_161, %sign3A_173 : i32
          %sign3A_175 = arith.extui %sign3A_174 : i1 to i32
          %sign3A_176 = arith.subi %sign3A_172, %sign3A_175 : i32
          %ne3A_177 = arith.cmpi ne, %sign3A_169, %sign3A_176 : i32
          %rem3A_178 = arith.remsi %squeeze3A, %jit3A_161 : i32
          %ne3A_179 = arith.constant 0 : i32
          %ne3A_180 = arith.cmpi ne, %rem3A_178, %ne3A_179 : i32
          %and3A_181 = arith.andi %ne3A_177, %ne3A_180 : i1
          %sub3A_182 = arith.constant 1 : i32
          %sub3A_183 = arith.subi %div3A_162, %sub3A_182 : i32
          %select_n3A_184 = arith.select %and3A_181, %sub3A_183, %div3A_162 : i32
          %mul3A_185 = arith.constant 128 : i32
          %mul3A_186 = arith.muli %select_n3A_184, %mul3A_185 : i32
          %dma_start3A_187 = tpu.memref_slice %arg2[%mul3A_186] : memref<1310720xi32, #tpu.memory_space<hbm>> -> memref<128xi32, #tpu.memory_space<hbm>>
          %dma_start3A_188 = tpu.memref_slice %arg2[%mul3A_186] : memref<1310720xi32, #tpu.memory_space<hbm>> -> memref<128xi32, #tpu.memory_space<hbm>>
          tpu.enqueue_dma source(%dma_start3A_188 : memref<128xi32, #tpu.memory_space<hbm>>) target(%arg11 : memref<128xi32, #tpu.memory_space<vmem>>) target_semaphore(%arg13 : memref<!tpu.dma_semaphore, #tpu.memory_space<semaphore_mem>>)
          %dma_wait3A_189 = tpu.memref_slice %arg2[%mul3A_186] : memref<1310720xi32, #tpu.memory_space<hbm>> -> memref<128xi32, #tpu.memory_space<hbm>>
          %dma_wait3A_190 = tpu.memref_slice %arg2[%mul3A_186] : memref<1310720xi32, #tpu.memory_space<hbm>> -> memref<128xi32, #tpu.memory_space<hbm>>
          tpu.wait_dma2 semaphore(%arg13 : memref<!tpu.dma_semaphore, #tpu.memory_space<semaphore_mem>>) src(%dma_wait3A_190 : memref<128xi32, #tpu.memory_space<hbm>>) dst(%arg11 : memref<128xi32, #tpu.memory_space<vmem>>)
          %jit3A_191 = arith.constant 512 : i32
          %eq3A_192 = arith.constant 0 : i32
          %eq3A_193 = arith.cmpi eq, %jit3A_191, %eq3A_192 : i32
          %jit3A_194 = arith.constant 1 : i32
          %select_n3A_195 = arith.select %eq3A_193, %jit3A_194, %jit3A_191 : i32
          %rem3A_196 = arith.remsi %squeeze3A, %select_n3A_195 : i32
          %ne3A_197 = arith.constant 0 : i32
          %ne3A_198 = arith.cmpi ne, %rem3A_196, %ne3A_197 : i32
          %lt3A_199 = arith.constant 0 : i32
          %lt3A_200 = arith.cmpi slt, %rem3A_196, %lt3A_199 : i32
          %lt3A_201 = arith.constant 0 : i32
          %lt3A_202 = arith.cmpi slt, %select_n3A_195, %lt3A_201 : i32
          %ne3A_203 = arith.xori %lt3A_200, %lt3A_202 : i1
          %and3A_204 = arith.andi %ne3A_203, %ne3A_198 : i1
          %add3A_205 = arith.addi %rem3A_196, %select_n3A_195 : i32
          %select_n3A_206 = arith.select %and3A_204, %add3A_205, %rem3A_196 : i32
          %get3A_207 = arith.constant 0 : index
          %get3A_208 = tpu.vector_load %arg11[%get3A_207] {strides = array<i32>} : memref<128xi32, #tpu.memory_space<vmem>>, vector<16xi32>,
          %bitcast3A = vector.bitcast %get3A_208 : vector<16xi32> to vector<32xbf16>
          %get3A_209 = arith.index_cast %select_n3A_206 : i32 to index
          %get3A_210 = arith.constant 0 : index
          %get3A_211 = tpu.vector_load %arg7[%get3A_209, %get3A_210] {strides = array<i32>} : memref<321x128xi32, #tpu.memory_space<vmem>>, vector<16xi32>,
          %bitcast3A_212 = vector.bitcast %get3A_211 : vector<16xi32> to vector<32xbf16>
          %max3A = arith.maximumf %bitcast3A_212, %bitcast3A : vector<32xbf16>
          %bitcast3A_213 = vector.bitcast %max3A : vector<32xbf16> to vector<16xi32>
          %swap3A_214 = arith.index_cast %select_n3A_206 : i32 to index
          %swap3A_215 = arith.constant 0 : index
          %swap3A_216 = tpu.vector_load %arg7[%swap3A_214, %swap3A_215] {strides = array<i32>} : memref<321x128xi32, #tpu.memory_space<vmem>>, vector<16xi32>,
          tpu.vector_store %arg7[%swap3A_214, %swap3A_215], %bitcast3A_213 {strides = array<i32>} : memref<321x128xi32, #tpu.memory_space<vmem>>, vector<16xi32>,
          %get3A_217 = arith.index_cast %select_n3A_206 : i32 to index
          %get3A_218 = arith.constant 0 : index
          %get3A_219 = tpu.vector_load %arg8[%get3A_217, %get3A_218] {strides = array<i32>} : memref<321x128xi32, #tpu.memory_space<vmem>>, vector<16xi32>,
          %bitcast3A_220 = vector.bitcast %get3A_219 : vector<16xi32> to vector<32xbf16>
          %min3A = arith.minimumf %bitcast3A_220, %bitcast3A : vector<32xbf16>
          %bitcast3A_221 = vector.bitcast %min3A : vector<32xbf16> to vector<16xi32>
          %swap3A_222 = arith.index_cast %select_n3A_206 : i32 to index
          %swap3A_223 = arith.constant 0 : index
          %swap3A_224 = tpu.vector_load %arg8[%swap3A_222, %swap3A_223] {strides = array<i32>} : memref<321x128xi32, #tpu.memory_space<vmem>>, vector<16xi32>,
          tpu.vector_store %arg8[%swap3A_222, %swap3A_223], %bitcast3A_221 {strides = array<i32>} : memref<321x128xi32, #tpu.memory_space<vmem>>, vector<16xi32>,
          %get3A_225 = arith.constant 16 : index
          %get3A_226 = tpu.vector_load %arg11[%get3A_225] {strides = array<i32>} : memref<128xi32, #tpu.memory_space<vmem>>, vector<16xi32>,
          %bitcast3A_227 = vector.bitcast %get3A_226 : vector<16xi32> to vector<32xbf16>
          %get3A_228 = arith.index_cast %select_n3A_206 : i32 to index
          %get3A_229 = arith.constant 16 : index
          %get3A_230 = tpu.vector_load %arg7[%get3A_228, %get3A_229] {strides = array<i32>} : memref<321x128xi32, #tpu.memory_space<vmem>>, vector<16xi32>,
          %bitcast3A_231 = vector.bitcast %get3A_230 : vector<16xi32> to vector<32xbf16>
          %max3A_232 = arith.maximumf %bitcast3A_231, %bitcast3A_227 : vector<32xbf16>
          %bitcast3A_233 = vector.bitcast %max3A_232 : vector<32xbf16> to vector<16xi32>
          %swap3A_234 = arith.index_cast %select_n3A_206 : i32 to index
          %swap3A_235 = arith.constant 16 : index
          %swap3A_236 = tpu.vector_load %arg7[%swap3A_234, %swap3A_235] {strides = array<i32>} : memref<321x128xi32, #tpu.memory_space<vmem>>, vector<16xi32>,
          tpu.vector_store %arg7[%swap3A_234, %swap3A_235], %bitcast3A_233 {strides = array<i32>} : memref<321x128xi32, #tpu.memory_space<vmem>>, vector<16xi32>,
          %get3A_237 = arith.index_cast %select_n3A_206 : i32 to index
          %get3A_238 = arith.constant 16 : index
          %get3A_239 = tpu.vector_load %arg8[%get3A_237, %get3A_238] {strides = array<i32>} : memref<321x128xi32, #tpu.memory_space<vmem>>, vector<16xi32>,
          %bitcast3A_240 = vector.bitcast %get3A_239 : vector<16xi32> to vector<32xbf16>
          %min3A_241 = arith.minimumf %bitcast3A_240, %bitcast3A_227 : vector<32xbf16>
          %bitcast3A_242 = vector.bitcast %min3A_241 : vector<32xbf16> to vector<16xi32>
          %swap3A_243 = arith.index_cast %select_n3A_206 : i32 to index
          %swap3A_244 = arith.constant 16 : index
          %swap3A_245 = tpu.vector_load %arg8[%swap3A_243, %swap3A_244] {strides = array<i32>} : memref<321x128xi32, #tpu.memory_space<vmem>>, vector<16xi32>,
          tpu.vector_store %arg8[%swap3A_243, %swap3A_244], %bitcast3A_242 {strides = array<i32>} : memref<321x128xi32, #tpu.memory_space<vmem>>, vector<16xi32>,
          %get3A_246 = arith.constant 32 : index
          %get3A_247 = tpu.vector_load %arg11[%get3A_246] {strides = array<i32>} : memref<128xi32, #tpu.memory_space<vmem>>, vector<16xi32>,
          %bitcast3A_248 = vector.bitcast %get3A_247 : vector<16xi32> to vector<32xbf16>
          %get3A_249 = arith.index_cast %select_n3A_206 : i32 to index
          %get3A_250 = arith.constant 32 : index
          %get3A_251 = tpu.vector_load %arg7[%get3A_249, %get3A_250] {strides = array<i32>} : memref<321x128xi32, #tpu.memory_space<vmem>>, vector<16xi32>,
          %bitcast3A_252 = vector.bitcast %get3A_251 : vector<16xi32> to vector<32xbf16>
          %max3A_253 = arith.maximumf %bitcast3A_252, %bitcast3A_248 : vector<32xbf16>
          %bitcast3A_254 = vector.bitcast %max3A_253 : vector<32xbf16> to vector<16xi32>
          %swap3A_255 = arith.index_cast %select_n3A_206 : i32 to index
          %swap3A_256 = arith.constant 32 : index
          %swap3A_257 = tpu.vector_load %arg7[%swap3A_255, %swap3A_256] {strides = array<i32>} : memref<321x128xi32, #tpu.memory_space<vmem>>, vector<16xi32>,
          tpu.vector_store %arg7[%swap3A_255, %swap3A_256], %bitcast3A_254 {strides = array<i32>} : memref<321x128xi32, #tpu.memory_space<vmem>>, vector<16xi32>,
          %get3A_258 = arith.index_cast %select_n3A_206 : i32 to index
          %get3A_259 = arith.constant 32 : index
          %get3A_260 = tpu.vector_load %arg8[%get3A_258, %get3A_259] {strides = array<i32>} : memref<321x128xi32, #tpu.memory_space<vmem>>, vector<16xi32>,
          %bitcast3A_261 = vector.bitcast %get3A_260 : vector<16xi32> to vector<32xbf16>
          %min3A_262 = arith.minimumf %bitcast3A_261, %bitcast3A_248 : vector<32xbf16>
          %bitcast3A_263 = vector.bitcast %min3A_262 : vector<32xbf16> to vector<16xi32>
          %swap3A_264 = arith.index_cast %select_n3A_206 : i32 to index
          %swap3A_265 = arith.constant 32 : index
          %swap3A_266 = tpu.vector_load %arg8[%swap3A_264, %swap3A_265] {strides = array<i32>} : memref<321x128xi32, #tpu.memory_space<vmem>>, vector<16xi32>,
          tpu.vector_store %arg8[%swap3A_264, %swap3A_265], %bitcast3A_263 {strides = array<i32>} : memref<321x128xi32, #tpu.memory_space<vmem>>, vector<16xi32>,
          %get3A_267 = arith.constant 48 : index
          %get3A_268 = tpu.vector_load %arg11[%get3A_267] {strides = array<i32>} : memref<128xi32, #tpu.memory_space<vmem>>, vector<16xi32>,
          %bitcast3A_269 = vector.bitcast %get3A_268 : vector<16xi32> to vector<32xbf16>
          %get3A_270 = arith.index_cast %select_n3A_206 : i32 to index
          %get3A_271 = arith.constant 48 : index
          %get3A_272 = tpu.vector_load %arg7[%get3A_270, %get3A_271] {strides = array<i32>} : memref<321x128xi32, #tpu.memory_space<vmem>>, vector<16xi32>,
          %bitcast3A_273 = vector.bitcast %get3A_272 : vector<16xi32> to vector<32xbf16>
          %max3A_274 = arith.maximumf %bitcast3A_273, %bitcast3A_269 : vector<32xbf16>
          %bitcast3A_275 = vector.bitcast %max3A_274 : vector<32xbf16> to vector<16xi32>
          %swap3A_276 = arith.index_cast %select_n3A_206 : i32 to index
          %swap3A_277 = arith.constant 48 : index
          %swap3A_278 = tpu.vector_load %arg7[%swap3A_276, %swap3A_277] {strides = array<i32>} : memref<321x128xi32, #tpu.memory_space<vmem>>, vector<16xi32>,
          tpu.vector_store %arg7[%swap3A_276, %swap3A_277], %bitcast3A_275 {strides = array<i32>} : memref<321x128xi32, #tpu.memory_space<vmem>>, vector<16xi32>,
          %get3A_279 = arith.index_cast %select_n3A_206 : i32 to index
          %get3A_280 = arith.constant 48 : index
          %get3A_281 = tpu.vector_load %arg8[%get3A_279, %get3A_280] {strides = array<i32>} : memref<321x128xi32, #tpu.memory_space<vmem>>, vector<16xi32>,
          %bitcast3A_282 = vector.bitcast %get3A_281 : vector<16xi32> to vector<32xbf16>
          %min3A_283 = arith.minimumf %bitcast3A_282, %bitcast3A_269 : vector<32xbf16>
          %bitcast3A_284 = vector.bitcast %min3A_283 : vector<32xbf16> to vector<16xi32>
          %swap3A_285 = arith.index_cast %select_n3A_206 : i32 to index
          %swap3A_286 = arith.constant 48 : index
          %swap3A_287 = tpu.vector_load %arg8[%swap3A_285, %swap3A_286] {strides = array<i32>} : memref<321x128xi32, #tpu.memory_space<vmem>>, vector<16xi32>,
          tpu.vector_store %arg8[%swap3A_285, %swap3A_286], %bitcast3A_284 {strides = array<i32>} : memref<321x128xi32, #tpu.memory_space<vmem>>, vector<16xi32>,
          %get3A_288 = arith.constant 64 : index
          %get3A_289 = tpu.vector_load %arg11[%get3A_288] {strides = array<i32>} : memref<128xi32, #tpu.memory_space<vmem>>, vector<16xi32>,
          %bitcast3A_290 = vector.bitcast %get3A_289 : vector<16xi32> to vector<32xbf16>
          %get3A_291 = arith.index_cast %select_n3A_206 : i32 to index
          %get3A_292 = arith.constant 64 : index
          %get3A_293 = tpu.vector_load %arg7[%get3A_291, %get3A_292] {strides = array<i32>} : memref<321x128xi32, #tpu.memory_space<vmem>>, vector<16xi32>,
          %bitcast3A_294 = vector.bitcast %get3A_293 : vector<16xi32> to vector<32xbf16>
          %max3A_295 = arith.maximumf %bitcast3A_294, %bitcast3A_290 : vector<32xbf16>
          %bitcast3A_296 = vector.bitcast %max3A_295 : vector<32xbf16> to vector<16xi32>
          %swap3A_297 = arith.index_cast %select_n3A_206 : i32 to index
          %swap3A_298 = arith.constant 64 : index
          %swap3A_299 = tpu.vector_load %arg7[%swap3A_297, %swap3A_298] {strides = array<i32>} : memref<321x128xi32, #tpu.memory_space<vmem>>, vector<16xi32>,
          tpu.vector_store %arg7[%swap3A_297, %swap3A_298], %bitcast3A_296 {strides = array<i32>} : memref<321x128xi32, #tpu.memory_space<vmem>>, vector<16xi32>,
          %get3A_300 = arith.index_cast %select_n3A_206 : i32 to index
          %get3A_301 = arith.constant 64 : index
          %get3A_302 = tpu.vector_load %arg8[%get3A_300, %get3A_301] {strides = array<i32>} : memref<321x128xi32, #tpu.memory_space<vmem>>, vector<16xi32>,
          %bitcast3A_303 = vector.bitcast %get3A_302 : vector<16xi32> to vector<32xbf16>
          %min3A_304 = arith.minimumf %bitcast3A_303, %bitcast3A_290 : vector<32xbf16>
          %bitcast3A_305 = vector.bitcast %min3A_304 : vector<32xbf16> to vector<16xi32>
          %swap3A_306 = arith.index_cast %select_n3A_206 : i32 to index
          %swap3A_307 = arith.constant 64 : index
          %swap3A_308 = tpu.vector_load %arg8[%swap3A_306, %swap3A_307] {strides = array<i32>} : memref<321x128xi32, #tpu.memory_space<vmem>>, vector<16xi32>,
          tpu.vector_store %arg8[%swap3A_306, %swap3A_307], %bitcast3A_305 {strides = array<i32>} : memref<321x128xi32, #tpu.memory_space<vmem>>, vector<16xi32>,
          %get3A_309 = arith.constant 80 : index
          %get3A_310 = tpu.vector_load %arg11[%get3A_309] {strides = array<i32>} : memref<128xi32, #tpu.memory_space<vmem>>, vector<16xi32>,
          %bitcast3A_311 = vector.bitcast %get3A_310 : vector<16xi32> to vector<32xbf16>
          %get3A_312 = arith.index_cast %select_n3A_206 : i32 to index
          %get3A_313 = arith.constant 80 : index
          %get3A_314 = tpu.vector_load %arg7[%get3A_312, %get3A_313] {strides = array<i32>} : memref<321x128xi32, #tpu.memory_space<vmem>>, vector<16xi32>,
          %bitcast3A_315 = vector.bitcast %get3A_314 : vector<16xi32> to vector<32xbf16>
          %max3A_316 = arith.maximumf %bitcast3A_315, %bitcast3A_311 : vector<32xbf16>
          %bitcast3A_317 = vector.bitcast %max3A_316 : vector<32xbf16> to vector<16xi32>
          %swap3A_318 = arith.index_cast %select_n3A_206 : i32 to index
          %swap3A_319 = arith.constant 80 : index
          %swap3A_320 = tpu.vector_load %arg7[%swap3A_318, %swap3A_319] {strides = array<i32>} : memref<321x128xi32, #tpu.memory_space<vmem>>, vector<16xi32>,
          tpu.vector_store %arg7[%swap3A_318, %swap3A_319], %bitcast3A_317 {strides = array<i32>} : memref<321x128xi32, #tpu.memory_space<vmem>>, vector<16xi32>,
          %get3A_321 = arith.index_cast %select_n3A_206 : i32 to index
          %get3A_322 = arith.constant 80 : index
          %get3A_323 = tpu.vector_load %arg8[%get3A_321, %get3A_322] {strides = array<i32>} : memref<321x128xi32, #tpu.memory_space<vmem>>, vector<16xi32>,
          %bitcast3A_324 = vector.bitcast %get3A_323 : vector<16xi32> to vector<32xbf16>
          %min3A_325 = arith.minimumf %bitcast3A_324, %bitcast3A_311 : vector<32xbf16>
          %bitcast3A_326 = vector.bitcast %min3A_325 : vector<32xbf16> to vector<16xi32>
          %swap3A_327 = arith.index_cast %select_n3A_206 : i32 to index
          %swap3A_328 = arith.constant 80 : index
          %swap3A_329 = tpu.vector_load %arg8[%swap3A_327, %swap3A_328] {strides = array<i32>} : memref<321x128xi32, #tpu.memory_space<vmem>>, vector<16xi32>,
          tpu.vector_store %arg8[%swap3A_327, %swap3A_328], %bitcast3A_326 {strides = array<i32>} : memref<321x128xi32, #tpu.memory_space<vmem>>, vector<16xi32>,
          %get3A_330 = arith.constant 96 : index
          %get3A_331 = tpu.vector_load %arg11[%get3A_330] {strides = array<i32>} : memref<128xi32, #tpu.memory_space<vmem>>, vector<16xi32>,
          %bitcast3A_332 = vector.bitcast %get3A_331 : vector<16xi32> to vector<32xbf16>
          %get3A_333 = arith.index_cast %select_n3A_206 : i32 to index
          %get3A_334 = arith.constant 96 : index
          %get3A_335 = tpu.vector_load %arg7[%get3A_333, %get3A_334] {strides = array<i32>} : memref<321x128xi32, #tpu.memory_space<vmem>>, vector<16xi32>,
          %bitcast3A_336 = vector.bitcast %get3A_335 : vector<16xi32> to vector<32xbf16>
          %max3A_337 = arith.maximumf %bitcast3A_336, %bitcast3A_332 : vector<32xbf16>
          %bitcast3A_338 = vector.bitcast %max3A_337 : vector<32xbf16> to vector<16xi32>
          %swap3A_339 = arith.index_cast %select_n3A_206 : i32 to index
          %swap3A_340 = arith.constant 96 : index
          %swap3A_341 = tpu.vector_load %arg7[%swap3A_339, %swap3A_340] {strides = array<i32>} : memref<321x128xi32, #tpu.memory_space<vmem>>, vector<16xi32>,
          tpu.vector_store %arg7[%swap3A_339, %swap3A_340], %bitcast3A_338 {strides = array<i32>} : memref<321x128xi32, #tpu.memory_space<vmem>>, vector<16xi32>,
          %get3A_342 = arith.index_cast %select_n3A_206 : i32 to index
          %get3A_343 = arith.constant 96 : index
          %get3A_344 = tpu.vector_load %arg8[%get3A_342, %get3A_343] {strides = array<i32>} : memref<321x128xi32, #tpu.memory_space<vmem>>, vector<16xi32>,
          %bitcast3A_345 = vector.bitcast %get3A_344 : vector<16xi32> to vector<32xbf16>
          %min3A_346 = arith.minimumf %bitcast3A_345, %bitcast3A_332 : vector<32xbf16>
          %bitcast3A_347 = vector.bitcast %min3A_346 : vector<32xbf16> to vector<16xi32>
          %swap3A_348 = arith.index_cast %select_n3A_206 : i32 to index
          %swap3A_349 = arith.constant 96 : index
          %swap3A_350 = tpu.vector_load %arg8[%swap3A_348, %swap3A_349] {strides = array<i32>} : memref<321x128xi32, #tpu.memory_space<vmem>>, vector<16xi32>,
          tpu.vector_store %arg8[%swap3A_348, %swap3A_349], %bitcast3A_347 {strides = array<i32>} : memref<321x128xi32, #tpu.memory_space<vmem>>, vector<16xi32>,
          %get3A_351 = arith.constant 112 : index
          %get3A_352 = tpu.vector_load %arg11[%get3A_351] {strides = array<i32>} : memref<128xi32, #tpu.memory_space<vmem>>, vector<16xi32>,
          %bitcast3A_353 = vector.bitcast %get3A_352 : vector<16xi32> to vector<32xbf16>
          %get3A_354 = arith.index_cast %select_n3A_206 : i32 to index
          %get3A_355 = arith.constant 112 : index
          %get3A_356 = tpu.vector_load %arg7[%get3A_354, %get3A_355] {strides = array<i32>} : memref<321x128xi32, #tpu.memory_space<vmem>>, vector<16xi32>,
          %bitcast3A_357 = vector.bitcast %get3A_356 : vector<16xi32> to vector<32xbf16>
          %max3A_358 = arith.maximumf %bitcast3A_357, %bitcast3A_353 : vector<32xbf16>
          %bitcast3A_359 = vector.bitcast %max3A_358 : vector<32xbf16> to vector<16xi32>
          %swap3A_360 = arith.index_cast %select_n3A_206 : i32 to index
          %swap3A_361 = arith.constant 112 : index
          %swap3A_362 = tpu.vector_load %arg7[%swap3A_360, %swap3A_361] {strides = array<i32>} : memref<321x128xi32, #tpu.memory_space<vmem>>, vector<16xi32>,
          tpu.vector_store %arg7[%swap3A_360, %swap3A_361], %bitcast3A_359 {strides = array<i32>} : memref<321x128xi32, #tpu.memory_space<vmem>>, vector<16xi32>,
          %get3A_363 = arith.index_cast %select_n3A_206 : i32 to index
          %get3A_364 = arith.constant 112 : index
          %get3A_365 = tpu.vector_load %arg8[%get3A_363, %get3A_364] {strides = array<i32>} : memref<321x128xi32, #tpu.memory_space<vmem>>, vector<16xi32>,
          %bitcast3A_366 = vector.bitcast %get3A_365 : vector<16xi32> to vector<32xbf16>
          %min3A_367 = arith.minimumf %bitcast3A_366, %bitcast3A_353 : vector<32xbf16>
          %bitcast3A_368 = vector.bitcast %min3A_367 : vector<32xbf16> to vector<16xi32>
          %swap3A_369 = arith.index_cast %select_n3A_206 : i32 to index
          %swap3A_370 = arith.constant 112 : index
          %swap3A_371 = tpu.vector_load %arg8[%swap3A_369, %swap3A_370] {strides = array<i32>} : memref<321x128xi32, #tpu.memory_space<vmem>>, vector<16xi32>,
          tpu.vector_store %arg8[%swap3A_369, %swap3A_370], %bitcast3A_368 {strides = array<i32>} : memref<321x128xi32, #tpu.memory_space<vmem>>, vector<16xi32>,
        } else {
        }
        %while3A_160 = arith.constant 0 : i32
        scf.yield %while3A_160 : i32
      }
      %while3A_109 = arith.constant 1 : i32
      %while3A_110 = scf.for %while3A_112 = %while3A_106 to %while3A_102 step %while3A_109 iter_args(%while3A_113 = %while3A_108) -> (i32)  : i32 {
        %add3A_114 = arith.constant 25600 : i32
        %add3A_115 = arith.addi %add3A_114, %while3A_112 : i32
        %get3A = arith.index_cast %add3A_115 : i32 to index
        %get3A_116 = tpu.vector_load %arg9[%get3A] {strides = array<i32>} : memref<32768xi32, #tpu.memory_space<vmem>>, vector<16xi32>,
        %slice3A = vector.extract_strided_slice %get3A_116 {offsets = [0], sizes = [1], strides = [1]} : vector<16xi32> to vector<1xi32>
        %squeeze3A = vector.extract %slice3A[0] : i32 from vector<1xi32>
        %jit3A_117 = arith.constant 65536 : i32
        %div3A = arith.divsi %squeeze3A, %jit3A_117 : i32
        %sign3A = arith.constant 0 : i32
        %sign3A_118 = arith.cmpi sgt, %squeeze3A, %sign3A : i32
        %sign3A_119 = arith.extui %sign3A_118 : i1 to i32
        %sign3A_120 = arith.constant 0 : i32
        %sign3A_121 = arith.cmpi slt, %squeeze3A, %sign3A_120 : i32
        %sign3A_122 = arith.extui %sign3A_121 : i1 to i32
        %sign3A_123 = arith.subi %sign3A_119, %sign3A_122 : i32
        %sign3A_124 = arith.constant 0 : i32
        %sign3A_125 = arith.cmpi sgt, %jit3A_117, %sign3A_124 : i32
        %sign3A_126 = arith.extui %sign3A_125 : i1 to i32
        %sign3A_127 = arith.constant 0 : i32
        %sign3A_128 = arith.cmpi slt, %jit3A_117, %sign3A_127 : i32
        %sign3A_129 = arith.extui %sign3A_128 : i1 to i32
        %sign3A_130 = arith.subi %sign3A_126, %sign3A_129 : i32
        %ne3A_131 = arith.cmpi ne, %sign3A_123, %sign3A_130 : i32
        %rem3A_132 = arith.remsi %squeeze3A, %jit3A_117 : i32
        %ne3A_133 = arith.constant 0 : i32
        %ne3A_134 = arith.cmpi ne, %rem3A_132, %ne3A_133 : i32
        %and3A_135 = arith.andi %ne3A_131, %ne3A_134 : i1
        %sub3A = arith.constant 1 : i32
        %sub3A_136 = arith.subi %div3A, %sub3A : i32
        %select_n3A_137 = arith.select %and3A_135, %sub3A_136, %div3A : i32
        %get3A_138 = arith.index_cast %select_n3A_137 : i32 to index
        %get3A_139 = memref.load %arg12[%get3A_138] : memref<80xi32, #tpu.memory_space<smem>>
        %add3A_140 = arith.constant 1 : i32
        %add3A_141 = arith.addi %get3A_139, %add3A_140 : i32
        %swap3A = arith.index_cast %select_n3A_137 : i32 to index
        %swap3A_142 = memref.load %arg12[%swap3A] : memref<80xi32, #tpu.memory_space<smem>>
        memref.store %add3A_141, %arg12[%swap3A] : memref<80xi32, #tpu.memory_space<smem>>
        %lt3A_143 = arith.constant 160 : i32
        %lt3A_144 = arith.cmpi slt, %get3A_139, %lt3A_143 : i32
        %mul3A_145 = arith.constant 160 : i32
        %mul3A_146 = arith.muli %select_n3A_137, %mul3A_145 : i32
        %add3A_147 = arith.addi %mul3A_146, %get3A_139 : i32
        %jit3A_148 = arith.constant 12800 : i32
        %select_n3A_149 = arith.select %lt3A_144, %add3A_147, %jit3A_148 : i32
        %lt3A_150 = arith.constant 1 : i32
        %lt3A_151 = vector.broadcast %lt3A_150 : i32 to vector<16xi32>
        %lt3A_152 = arith.cmpi slt, %iota3A, %lt3A_151 : vector<16xi32>
        %broadcast_in_dim3A_153 = vector.broadcast %select_n3A_149 : i32 to vector<16xi32>
        %select_n3A_154 = arith.select %lt3A_152, %broadcast_in_dim3A_153, %add3A_24 : vector<16xi1>, vector<16xi32>
        %broadcast_in_dim3A_155 = vector.broadcast %squeeze3A : i32 to vector<16xi32>
        tpu.vector_store_idx %arg10[%select_n3A_154], %broadcast_in_dim3A_155 : memref<12816xi32, #tpu.memory_space<vmem>>[vector<16xi32>], vector<16xi32>,
        %ge3A = arith.constant 160 : i32
        %ge3A_156 = arith.cmpi sge, %get3A_139, %ge3A : i32
        %convert_element_type3A_157 = arith.extui %ge3A_156 : i1 to i32
        %cond3A_158 = arith.constant 0 : i32
        %cond3A_159 = arith.cmpi ne, %convert_element_type3A_157, %cond3A_158 : i32
        scf.if %cond3A_159 {
          %jit3A_161 = arith.constant 512 : i32
          %div3A_162 = arith.divsi %squeeze3A, %jit3A_161 : i32
          %sign3A_163 = arith.constant 0 : i32
          %sign3A_164 = arith.cmpi sgt, %squeeze3A, %sign3A_163 : i32
          %sign3A_165 = arith.extui %sign3A_164 : i1 to i32
          %sign3A_166 = arith.constant 0 : i32
          %sign3A_167 = arith.cmpi slt, %squeeze3A, %sign3A_166 : i32
          %sign3A_168 = arith.extui %sign3A_167 : i1 to i32
          %sign3A_169 = arith.subi %sign3A_165, %sign3A_168 : i32
          %sign3A_170 = arith.constant 0 : i32
          %sign3A_171 = arith.cmpi sgt, %jit3A_161, %sign3A_170 : i32
          %sign3A_172 = arith.extui %sign3A_171 : i1 to i32
          %sign3A_173 = arith.constant 0 : i32
          %sign3A_174 = arith.cmpi slt, %jit3A_161, %sign3A_173 : i32
          %sign3A_175 = arith.extui %sign3A_174 : i1 to i32
          %sign3A_176 = arith.subi %sign3A_172, %sign3A_175 : i32
          %ne3A_177 = arith.cmpi ne, %sign3A_169, %sign3A_176 : i32
          %rem3A_178 = arith.remsi %squeeze3A, %jit3A_161 : i32
          %ne3A_179 = arith.constant 0 : i32
          %ne3A_180 = arith.cmpi ne, %rem3A_178, %ne3A_179 : i32
          %and3A_181 = arith.andi %ne3A_177, %ne3A_180 : i1
          %sub3A_182 = arith.constant 1 : i32
          %sub3A_183 = arith.subi %div3A_162, %sub3A_182 : i32
          %select_n3A_184 = arith.select %and3A_181, %sub3A_183, %div3A_162 : i32
          %mul3A_185 = arith.constant 128 : i32
          %mul3A_186 = arith.muli %select_n3A_184, %mul3A_185 : i32
          %dma_start3A_187 = tpu.memref_slice %arg2[%mul3A_186] : memref<1310720xi32, #tpu.memory_space<hbm>> -> memref<128xi32, #tpu.memory_space<hbm>>
          %dma_start3A_188 = tpu.memref_slice %arg2[%mul3A_186] : memref<1310720xi32, #tpu.memory_space<hbm>> -> memref<128xi32, #tpu.memory_space<hbm>>
          tpu.enqueue_dma source(%dma_start3A_188 : memref<128xi32, #tpu.memory_space<hbm>>) target(%arg11 : memref<128xi32, #tpu.memory_space<vmem>>) target_semaphore(%arg13 : memref<!tpu.dma_semaphore, #tpu.memory_space<semaphore_mem>>)
          %dma_wait3A_189 = tpu.memref_slice %arg2[%mul3A_186] : memref<1310720xi32, #tpu.memory_space<hbm>> -> memref<128xi32, #tpu.memory_space<hbm>>
          %dma_wait3A_190 = tpu.memref_slice %arg2[%mul3A_186] : memref<1310720xi32, #tpu.memory_space<hbm>> -> memref<128xi32, #tpu.memory_space<hbm>>
          tpu.wait_dma2 semaphore(%arg13 : memref<!tpu.dma_semaphore, #tpu.memory_space<semaphore_mem>>) src(%dma_wait3A_190 : memref<128xi32, #tpu.memory_space<hbm>>) dst(%arg11 : memref<128xi32, #tpu.memory_space<vmem>>)
          %jit3A_191 = arith.constant 512 : i32
          %eq3A_192 = arith.constant 0 : i32
          %eq3A_193 = arith.cmpi eq, %jit3A_191, %eq3A_192 : i32
          %jit3A_194 = arith.constant 1 : i32
          %select_n3A_195 = arith.select %eq3A_193, %jit3A_194, %jit3A_191 : i32
          %rem3A_196 = arith.remsi %squeeze3A, %select_n3A_195 : i32
          %ne3A_197 = arith.constant 0 : i32
          %ne3A_198 = arith.cmpi ne, %rem3A_196, %ne3A_197 : i32
          %lt3A_199 = arith.constant 0 : i32
          %lt3A_200 = arith.cmpi slt, %rem3A_196, %lt3A_199 : i32
          %lt3A_201 = arith.constant 0 : i32
          %lt3A_202 = arith.cmpi slt, %select_n3A_195, %lt3A_201 : i32
          %ne3A_203 = arith.xori %lt3A_200, %lt3A_202 : i1
          %and3A_204 = arith.andi %ne3A_203, %ne3A_198 : i1
          %add3A_205 = arith.addi %rem3A_196, %select_n3A_195 : i32
          %select_n3A_206 = arith.select %and3A_204, %add3A_205, %rem3A_196 : i32
          %get3A_207 = arith.constant 0 : index
          %get3A_208 = tpu.vector_load %arg11[%get3A_207] {strides = array<i32>} : memref<128xi32, #tpu.memory_space<vmem>>, vector<16xi32>,
          %bitcast3A = vector.bitcast %get3A_208 : vector<16xi32> to vector<32xbf16>
          %get3A_209 = arith.index_cast %select_n3A_206 : i32 to index
          %get3A_210 = arith.constant 0 : index
          %get3A_211 = tpu.vector_load %arg7[%get3A_209, %get3A_210] {strides = array<i32>} : memref<321x128xi32, #tpu.memory_space<vmem>>, vector<16xi32>,
          %bitcast3A_212 = vector.bitcast %get3A_211 : vector<16xi32> to vector<32xbf16>
          %max3A = arith.maximumf %bitcast3A_212, %bitcast3A : vector<32xbf16>
          %bitcast3A_213 = vector.bitcast %max3A : vector<32xbf16> to vector<16xi32>
          %swap3A_214 = arith.index_cast %select_n3A_206 : i32 to index
          %swap3A_215 = arith.constant 0 : index
          %swap3A_216 = tpu.vector_load %arg7[%swap3A_214, %swap3A_215] {strides = array<i32>} : memref<321x128xi32, #tpu.memory_space<vmem>>, vector<16xi32>,
          tpu.vector_store %arg7[%swap3A_214, %swap3A_215], %bitcast3A_213 {strides = array<i32>} : memref<321x128xi32, #tpu.memory_space<vmem>>, vector<16xi32>,
          %get3A_217 = arith.index_cast %select_n3A_206 : i32 to index
          %get3A_218 = arith.constant 0 : index
          %get3A_219 = tpu.vector_load %arg8[%get3A_217, %get3A_218] {strides = array<i32>} : memref<321x128xi32, #tpu.memory_space<vmem>>, vector<16xi32>,
          %bitcast3A_220 = vector.bitcast %get3A_219 : vector<16xi32> to vector<32xbf16>
          %min3A = arith.minimumf %bitcast3A_220, %bitcast3A : vector<32xbf16>
          %bitcast3A_221 = vector.bitcast %min3A : vector<32xbf16> to vector<16xi32>
          %swap3A_222 = arith.index_cast %select_n3A_206 : i32 to index
          %swap3A_223 = arith.constant 0 : index
          %swap3A_224 = tpu.vector_load %arg8[%swap3A_222, %swap3A_223] {strides = array<i32>} : memref<321x128xi32, #tpu.memory_space<vmem>>, vector<16xi32>,
          tpu.vector_store %arg8[%swap3A_222, %swap3A_223], %bitcast3A_221 {strides = array<i32>} : memref<321x128xi32, #tpu.memory_space<vmem>>, vector<16xi32>,
          %get3A_225 = arith.constant 16 : index
          %get3A_226 = tpu.vector_load %arg11[%get3A_225] {strides = array<i32>} : memref<128xi32, #tpu.memory_space<vmem>>, vector<16xi32>,
          %bitcast3A_227 = vector.bitcast %get3A_226 : vector<16xi32> to vector<32xbf16>
          %get3A_228 = arith.index_cast %select_n3A_206 : i32 to index
          %get3A_229 = arith.constant 16 : index
          %get3A_230 = tpu.vector_load %arg7[%get3A_228, %get3A_229] {strides = array<i32>} : memref<321x128xi32, #tpu.memory_space<vmem>>, vector<16xi32>,
          %bitcast3A_231 = vector.bitcast %get3A_230 : vector<16xi32> to vector<32xbf16>
          %max3A_232 = arith.maximumf %bitcast3A_231, %bitcast3A_227 : vector<32xbf16>
          %bitcast3A_233 = vector.bitcast %max3A_232 : vector<32xbf16> to vector<16xi32>
          %swap3A_234 = arith.index_cast %select_n3A_206 : i32 to index
          %swap3A_235 = arith.constant 16 : index
          %swap3A_236 = tpu.vector_load %arg7[%swap3A_234, %swap3A_235] {strides = array<i32>} : memref<321x128xi32, #tpu.memory_space<vmem>>, vector<16xi32>,
          tpu.vector_store %arg7[%swap3A_234, %swap3A_235], %bitcast3A_233 {strides = array<i32>} : memref<321x128xi32, #tpu.memory_space<vmem>>, vector<16xi32>,
          %get3A_237 = arith.index_cast %select_n3A_206 : i32 to index
          %get3A_238 = arith.constant 16 : index
          %get3A_239 = tpu.vector_load %arg8[%get3A_237, %get3A_238] {strides = array<i32>} : memref<321x128xi32, #tpu.memory_space<vmem>>, vector<16xi32>,
          %bitcast3A_240 = vector.bitcast %get3A_239 : vector<16xi32> to vector<32xbf16>
          %min3A_241 = arith.minimumf %bitcast3A_240, %bitcast3A_227 : vector<32xbf16>
          %bitcast3A_242 = vector.bitcast %min3A_241 : vector<32xbf16> to vector<16xi32>
          %swap3A_243 = arith.index_cast %select_n3A_206 : i32 to index
          %swap3A_244 = arith.constant 16 : index
          %swap3A_245 = tpu.vector_load %arg8[%swap3A_243, %swap3A_244] {strides = array<i32>} : memref<321x128xi32, #tpu.memory_space<vmem>>, vector<16xi32>,
          tpu.vector_store %arg8[%swap3A_243, %swap3A_244], %bitcast3A_242 {strides = array<i32>} : memref<321x128xi32, #tpu.memory_space<vmem>>, vector<16xi32>,
          %get3A_246 = arith.constant 32 : index
          %get3A_247 = tpu.vector_load %arg11[%get3A_246] {strides = array<i32>} : memref<128xi32, #tpu.memory_space<vmem>>, vector<16xi32>,
          %bitcast3A_248 = vector.bitcast %get3A_247 : vector<16xi32> to vector<32xbf16>
          %get3A_249 = arith.index_cast %select_n3A_206 : i32 to index
          %get3A_250 = arith.constant 32 : index
          %get3A_251 = tpu.vector_load %arg7[%get3A_249, %get3A_250] {strides = array<i32>} : memref<321x128xi32, #tpu.memory_space<vmem>>, vector<16xi32>,
          %bitcast3A_252 = vector.bitcast %get3A_251 : vector<16xi32> to vector<32xbf16>
          %max3A_253 = arith.maximumf %bitcast3A_252, %bitcast3A_248 : vector<32xbf16>
          %bitcast3A_254 = vector.bitcast %max3A_253 : vector<32xbf16> to vector<16xi32>
          %swap3A_255 = arith.index_cast %select_n3A_206 : i32 to index
          %swap3A_256 = arith.constant 32 : index
          %swap3A_257 = tpu.vector_load %arg7[%swap3A_255, %swap3A_256] {strides = array<i32>} : memref<321x128xi32, #tpu.memory_space<vmem>>, vector<16xi32>,
          tpu.vector_store %arg7[%swap3A_255, %swap3A_256], %bitcast3A_254 {strides = array<i32>} : memref<321x128xi32, #tpu.memory_space<vmem>>, vector<16xi32>,
          %get3A_258 = arith.index_cast %select_n3A_206 : i32 to index
          %get3A_259 = arith.constant 32 : index
          %get3A_260 = tpu.vector_load %arg8[%get3A_258, %get3A_259] {strides = array<i32>} : memref<321x128xi32, #tpu.memory_space<vmem>>, vector<16xi32>,
          %bitcast3A_261 = vector.bitcast %get3A_260 : vector<16xi32> to vector<32xbf16>
          %min3A_262 = arith.minimumf %bitcast3A_261, %bitcast3A_248 : vector<32xbf16>
          %bitcast3A_263 = vector.bitcast %min3A_262 : vector<32xbf16> to vector<16xi32>
          %swap3A_264 = arith.index_cast %select_n3A_206 : i32 to index
          %swap3A_265 = arith.constant 32 : index
          %swap3A_266 = tpu.vector_load %arg8[%swap3A_264, %swap3A_265] {strides = array<i32>} : memref<321x128xi32, #tpu.memory_space<vmem>>, vector<16xi32>,
          tpu.vector_store %arg8[%swap3A_264, %swap3A_265], %bitcast3A_263 {strides = array<i32>} : memref<321x128xi32, #tpu.memory_space<vmem>>, vector<16xi32>,
          %get3A_267 = arith.constant 48 : index
          %get3A_268 = tpu.vector_load %arg11[%get3A_267] {strides = array<i32>} : memref<128xi32, #tpu.memory_space<vmem>>, vector<16xi32>,
          %bitcast3A_269 = vector.bitcast %get3A_268 : vector<16xi32> to vector<32xbf16>
          %get3A_270 = arith.index_cast %select_n3A_206 : i32 to index
          %get3A_271 = arith.constant 48 : index
          %get3A_272 = tpu.vector_load %arg7[%get3A_270, %get3A_271] {strides = array<i32>} : memref<321x128xi32, #tpu.memory_space<vmem>>, vector<16xi32>,
          %bitcast3A_273 = vector.bitcast %get3A_272 : vector<16xi32> to vector<32xbf16>
          %max3A_274 = arith.maximumf %bitcast3A_273, %bitcast3A_269 : vector<32xbf16>
          %bitcast3A_275 = vector.bitcast %max3A_274 : vector<32xbf16> to vector<16xi32>
          %swap3A_276 = arith.index_cast %select_n3A_206 : i32 to index
          %swap3A_277 = arith.constant 48 : index
          %swap3A_278 = tpu.vector_load %arg7[%swap3A_276, %swap3A_277] {strides = array<i32>} : memref<321x128xi32, #tpu.memory_space<vmem>>, vector<16xi32>,
          tpu.vector_store %arg7[%swap3A_276, %swap3A_277], %bitcast3A_275 {strides = array<i32>} : memref<321x128xi32, #tpu.memory_space<vmem>>, vector<16xi32>,
          %get3A_279 = arith.index_cast %select_n3A_206 : i32 to index
          %get3A_280 = arith.constant 48 : index
          %get3A_281 = tpu.vector_load %arg8[%get3A_279, %get3A_280] {strides = array<i32>} : memref<321x128xi32, #tpu.memory_space<vmem>>, vector<16xi32>,
          %bitcast3A_282 = vector.bitcast %get3A_281 : vector<16xi32> to vector<32xbf16>
          %min3A_283 = arith.minimumf %bitcast3A_282, %bitcast3A_269 : vector<32xbf16>
          %bitcast3A_284 = vector.bitcast %min3A_283 : vector<32xbf16> to vector<16xi32>
          %swap3A_285 = arith.index_cast %select_n3A_206 : i32 to index
          %swap3A_286 = arith.constant 48 : index
          %swap3A_287 = tpu.vector_load %arg8[%swap3A_285, %swap3A_286] {strides = array<i32>} : memref<321x128xi32, #tpu.memory_space<vmem>>, vector<16xi32>,
          tpu.vector_store %arg8[%swap3A_285, %swap3A_286], %bitcast3A_284 {strides = array<i32>} : memref<321x128xi32, #tpu.memory_space<vmem>>, vector<16xi32>,
          %get3A_288 = arith.constant 64 : index
          %get3A_289 = tpu.vector_load %arg11[%get3A_288] {strides = array<i32>} : memref<128xi32, #tpu.memory_space<vmem>>, vector<16xi32>,
          %bitcast3A_290 = vector.bitcast %get3A_289 : vector<16xi32> to vector<32xbf16>
          %get3A_291 = arith.index_cast %select_n3A_206 : i32 to index
          %get3A_292 = arith.constant 64 : index
          %get3A_293 = tpu.vector_load %arg7[%get3A_291, %get3A_292] {strides = array<i32>} : memref<321x128xi32, #tpu.memory_space<vmem>>, vector<16xi32>,
          %bitcast3A_294 = vector.bitcast %get3A_293 : vector<16xi32> to vector<32xbf16>
          %max3A_295 = arith.maximumf %bitcast3A_294, %bitcast3A_290 : vector<32xbf16>
          %bitcast3A_296 = vector.bitcast %max3A_295 : vector<32xbf16> to vector<16xi32>
          %swap3A_297 = arith.index_cast %select_n3A_206 : i32 to index
          %swap3A_298 = arith.constant 64 : index
          %swap3A_299 = tpu.vector_load %arg7[%swap3A_297, %swap3A_298] {strides = array<i32>} : memref<321x128xi32, #tpu.memory_space<vmem>>, vector<16xi32>,
          tpu.vector_store %arg7[%swap3A_297, %swap3A_298], %bitcast3A_296 {strides = array<i32>} : memref<321x128xi32, #tpu.memory_space<vmem>>, vector<16xi32>,
          %get3A_300 = arith.index_cast %select_n3A_206 : i32 to index
          %get3A_301 = arith.constant 64 : index
          %get3A_302 = tpu.vector_load %arg8[%get3A_300, %get3A_301] {strides = array<i32>} : memref<321x128xi32, #tpu.memory_space<vmem>>, vector<16xi32>,
          %bitcast3A_303 = vector.bitcast %get3A_302 : vector<16xi32> to vector<32xbf16>
          %min3A_304 = arith.minimumf %bitcast3A_303, %bitcast3A_290 : vector<32xbf16>
          %bitcast3A_305 = vector.bitcast %min3A_304 : vector<32xbf16> to vector<16xi32>
          %swap3A_306 = arith.index_cast %select_n3A_206 : i32 to index
          %swap3A_307 = arith.constant 64 : index
          %swap3A_308 = tpu.vector_load %arg8[%swap3A_306, %swap3A_307] {strides = array<i32>} : memref<321x128xi32, #tpu.memory_space<vmem>>, vector<16xi32>,
          tpu.vector_store %arg8[%swap3A_306, %swap3A_307], %bitcast3A_305 {strides = array<i32>} : memref<321x128xi32, #tpu.memory_space<vmem>>, vector<16xi32>,
          %get3A_309 = arith.constant 80 : index
          %get3A_310 = tpu.vector_load %arg11[%get3A_309] {strides = array<i32>} : memref<128xi32, #tpu.memory_space<vmem>>, vector<16xi32>,
          %bitcast3A_311 = vector.bitcast %get3A_310 : vector<16xi32> to vector<32xbf16>
          %get3A_312 = arith.index_cast %select_n3A_206 : i32 to index
          %get3A_313 = arith.constant 80 : index
          %get3A_314 = tpu.vector_load %arg7[%get3A_312, %get3A_313] {strides = array<i32>} : memref<321x128xi32, #tpu.memory_space<vmem>>, vector<16xi32>,
          %bitcast3A_315 = vector.bitcast %get3A_314 : vector<16xi32> to vector<32xbf16>
          %max3A_316 = arith.maximumf %bitcast3A_315, %bitcast3A_311 : vector<32xbf16>
          %bitcast3A_317 = vector.bitcast %max3A_316 : vector<32xbf16> to vector<16xi32>
          %swap3A_318 = arith.index_cast %select_n3A_206 : i32 to index
          %swap3A_319 = arith.constant 80 : index
          %swap3A_320 = tpu.vector_load %arg7[%swap3A_318, %swap3A_319] {strides = array<i32>} : memref<321x128xi32, #tpu.memory_space<vmem>>, vector<16xi32>,
          tpu.vector_store %arg7[%swap3A_318, %swap3A_319], %bitcast3A_317 {strides = array<i32>} : memref<321x128xi32, #tpu.memory_space<vmem>>, vector<16xi32>,
          %get3A_321 = arith.index_cast %select_n3A_206 : i32 to index
          %get3A_322 = arith.constant 80 : index
          %get3A_323 = tpu.vector_load %arg8[%get3A_321, %get3A_322] {strides = array<i32>} : memref<321x128xi32, #tpu.memory_space<vmem>>, vector<16xi32>,
          %bitcast3A_324 = vector.bitcast %get3A_323 : vector<16xi32> to vector<32xbf16>
          %min3A_325 = arith.minimumf %bitcast3A_324, %bitcast3A_311 : vector<32xbf16>
          %bitcast3A_326 = vector.bitcast %min3A_325 : vector<32xbf16> to vector<16xi32>
          %swap3A_327 = arith.index_cast %select_n3A_206 : i32 to index
          %swap3A_328 = arith.constant 80 : index
          %swap3A_329 = tpu.vector_load %arg8[%swap3A_327, %swap3A_328] {strides = array<i32>} : memref<321x128xi32, #tpu.memory_space<vmem>>, vector<16xi32>,
          tpu.vector_store %arg8[%swap3A_327, %swap3A_328], %bitcast3A_326 {strides = array<i32>} : memref<321x128xi32, #tpu.memory_space<vmem>>, vector<16xi32>,
          %get3A_330 = arith.constant 96 : index
          %get3A_331 = tpu.vector_load %arg11[%get3A_330] {strides = array<i32>} : memref<128xi32, #tpu.memory_space<vmem>>, vector<16xi32>,
          %bitcast3A_332 = vector.bitcast %get3A_331 : vector<16xi32> to vector<32xbf16>
          %get3A_333 = arith.index_cast %select_n3A_206 : i32 to index
          %get3A_334 = arith.constant 96 : index
          %get3A_335 = tpu.vector_load %arg7[%get3A_333, %get3A_334] {strides = array<i32>} : memref<321x128xi32, #tpu.memory_space<vmem>>, vector<16xi32>,
          %bitcast3A_336 = vector.bitcast %get3A_335 : vector<16xi32> to vector<32xbf16>
          %max3A_337 = arith.maximumf %bitcast3A_336, %bitcast3A_332 : vector<32xbf16>
          %bitcast3A_338 = vector.bitcast %max3A_337 : vector<32xbf16> to vector<16xi32>
          %swap3A_339 = arith.index_cast %select_n3A_206 : i32 to index
          %swap3A_340 = arith.constant 96 : index
          %swap3A_341 = tpu.vector_load %arg7[%swap3A_339, %swap3A_340] {strides = array<i32>} : memref<321x128xi32, #tpu.memory_space<vmem>>, vector<16xi32>,
          tpu.vector_store %arg7[%swap3A_339, %swap3A_340], %bitcast3A_338 {strides = array<i32>} : memref<321x128xi32, #tpu.memory_space<vmem>>, vector<16xi32>,
          %get3A_342 = arith.index_cast %select_n3A_206 : i32 to index
          %get3A_343 = arith.constant 96 : index
          %get3A_344 = tpu.vector_load %arg8[%get3A_342, %get3A_343] {strides = array<i32>} : memref<321x128xi32, #tpu.memory_space<vmem>>, vector<16xi32>,
          %bitcast3A_345 = vector.bitcast %get3A_344 : vector<16xi32> to vector<32xbf16>
          %min3A_346 = arith.minimumf %bitcast3A_345, %bitcast3A_332 : vector<32xbf16>
          %bitcast3A_347 = vector.bitcast %min3A_346 : vector<32xbf16> to vector<16xi32>
          %swap3A_348 = arith.index_cast %select_n3A_206 : i32 to index
          %swap3A_349 = arith.constant 96 : index
          %swap3A_350 = tpu.vector_load %arg8[%swap3A_348, %swap3A_349] {strides = array<i32>} : memref<321x128xi32, #tpu.memory_space<vmem>>, vector<16xi32>,
          tpu.vector_store %arg8[%swap3A_348, %swap3A_349], %bitcast3A_347 {strides = array<i32>} : memref<321x128xi32, #tpu.memory_space<vmem>>, vector<16xi32>,
          %get3A_351 = arith.constant 112 : index
          %get3A_352 = tpu.vector_load %arg11[%get3A_351] {strides = array<i32>} : memref<128xi32, #tpu.memory_space<vmem>>, vector<16xi32>,
          %bitcast3A_353 = vector.bitcast %get3A_352 : vector<16xi32> to vector<32xbf16>
          %get3A_354 = arith.index_cast %select_n3A_206 : i32 to index
          %get3A_355 = arith.constant 112 : index
          %get3A_356 = tpu.vector_load %arg7[%get3A_354, %get3A_355] {strides = array<i32>} : memref<321x128xi32, #tpu.memory_space<vmem>>, vector<16xi32>,
          %bitcast3A_357 = vector.bitcast %get3A_356 : vector<16xi32> to vector<32xbf16>
          %max3A_358 = arith.maximumf %bitcast3A_357, %bitcast3A_353 : vector<32xbf16>
          %bitcast3A_359 = vector.bitcast %max3A_358 : vector<32xbf16> to vector<16xi32>
          %swap3A_360 = arith.index_cast %select_n3A_206 : i32 to index
          %swap3A_361 = arith.constant 112 : index
          %swap3A_362 = tpu.vector_load %arg7[%swap3A_360, %swap3A_361] {strides = array<i32>} : memref<321x128xi32, #tpu.memory_space<vmem>>, vector<16xi32>,
          tpu.vector_store %arg7[%swap3A_360, %swap3A_361], %bitcast3A_359 {strides = array<i32>} : memref<321x128xi32, #tpu.memory_space<vmem>>, vector<16xi32>,
          %get3A_363 = arith.index_cast %select_n3A_206 : i32 to index
          %get3A_364 = arith.constant 112 : index
          %get3A_365 = tpu.vector_load %arg8[%get3A_363, %get3A_364] {strides = array<i32>} : memref<321x128xi32, #tpu.memory_space<vmem>>, vector<16xi32>,
          %bitcast3A_366 = vector.bitcast %get3A_365 : vector<16xi32> to vector<32xbf16>
          %min3A_367 = arith.minimumf %bitcast3A_366, %bitcast3A_353 : vector<32xbf16>
          %bitcast3A_368 = vector.bitcast %min3A_367 : vector<32xbf16> to vector<16xi32>
          %swap3A_369 = arith.index_cast %select_n3A_206 : i32 to index
          %swap3A_370 = arith.constant 112 : index
          %swap3A_371 = tpu.vector_load %arg8[%swap3A_369, %swap3A_370] {strides = array<i32>} : memref<321x128xi32, #tpu.memory_space<vmem>>, vector<16xi32>,
          tpu.vector_store %arg8[%swap3A_369, %swap3A_370], %bitcast3A_368 {strides = array<i32>} : memref<321x128xi32, #tpu.memory_space<vmem>>, vector<16xi32>,
        } else {
        }
        %while3A_160 = arith.constant 0 : i32
        scf.yield %while3A_160 : i32
      }
      %scan3A_111 = arith.constant 0 : i32
      scf.yield %scan3A_111 : i32
    }
    %scan3A_50 = arith.constant 25 : i32
    %dma_start3A_51 = arith.constant 0 : i32
    %dma_start3A_52 = tpu.memref_slice %arg9[%dma_start3A_51] : memref<32768xi32, #tpu.memory_space<vmem>> -> memref<16384xi32, #tpu.memory_space<vmem>>
    %dma_start3A_53 = arith.constant 0 : i32
    %dma_start3A_54 = tpu.memref_slice %arg2[%dma_start3A_53] : memref<1310720xi32, #tpu.memory_space<hbm>> -> memref<16384xi32, #tpu.memory_space<hbm>>
    %dma_start3A_55 = arith.constant 0 : i32
    %dma_start3A_56 = tpu.memref_slice %arg9[%dma_start3A_55] : memref<32768xi32, #tpu.memory_space<vmem>> -> memref<16384xi32, #tpu.memory_space<vmem>>
    %dma_start3A_57 = arith.constant 0 : i32
    %dma_start3A_58 = tpu.memref_slice %arg2[%dma_start3A_57] : memref<1310720xi32, #tpu.memory_space<hbm>> -> memref<16384xi32, #tpu.memory_space<hbm>>
    tpu.enqueue_dma source(%dma_start3A_58 : memref<16384xi32, #tpu.memory_space<hbm>>) target(%dma_start3A_56 : memref<16384xi32, #tpu.memory_space<vmem>>) target_semaphore(%arg13 : memref<!tpu.dma_semaphore, #tpu.memory_space<semaphore_mem>>)
    %scan3A_59 = arith.constant 0 : i32
    %scan3A_60 = arith.constant 0 : i32
    %scan3A_61 = arith.constant 80 : i32
    %scan3A_62 = arith.addi %scan3A_60, %scan3A_61 : i32
    %scan3A_63 = arith.constant 1 : i32
    %scan3A_64 = scf.for %scan3A_66 = %scan3A_60 to %scan3A_62 step %scan3A_63 iter_args(%scan3A_67 = %scan3A_59) -> (i32)  : i32 {
      %jit3A = arith.constant 2 : i32
      %eq3A = arith.constant 0 : i32
      %eq3A_68 = arith.cmpi eq, %jit3A, %eq3A : i32
      %jit3A_69 = arith.constant 1 : i32
      %select_n3A = arith.select %eq3A_68, %jit3A_69, %jit3A : i32
      %rem3A = arith.remsi %scan3A_66, %select_n3A : i32
      %ne3A = arith.constant 0 : i32
      %ne3A_70 = arith.cmpi ne, %rem3A, %ne3A : i32
      %lt3A = arith.constant 0 : i32
      %lt3A_71 = arith.cmpi slt, %rem3A, %lt3A : i32
      %lt3A_72 = arith.constant 0 : i32
      %lt3A_73 = arith.cmpi slt, %select_n3A, %lt3A_72 : i32
      %ne3A_74 = arith.xori %lt3A_71, %lt3A_73 : i1
      %and3A = arith.andi %ne3A_74, %ne3A_70 : i1
      %add3A_75 = arith.addi %rem3A, %select_n3A : i32
      %select_n3A_76 = arith.select %and3A, %add3A_75, %rem3A : i32
      %mul3A_77 = arith.constant 16384 : i32
      %mul3A_78 = arith.muli %select_n3A_76, %mul3A_77 : i32
      %dma_wait3A = arith.constant 0 : i32
      %dma_wait3A_79 = tpu.memref_slice %arg9[%dma_wait3A] : memref<32768xi32, #tpu.memory_space<vmem>> -> memref<16384xi32, #tpu.memory_space<vmem>>
      %dma_wait3A_80 = arith.constant 0 : i32
      %dma_wait3A_81 = tpu.memref_slice %arg2[%dma_wait3A_80] : memref<1310720xi32, #tpu.memory_space<hbm>> -> memref<16384xi32, #tpu.memory_space<hbm>>
      %dma_wait3A_82 = arith.constant 0 : i32
      %dma_wait3A_83 = tpu.memref_slice %arg9[%dma_wait3A_82] : memref<32768xi32, #tpu.memory_space<vmem>> -> memref<16384xi32, #tpu.memory_space<vmem>>
      %dma_wait3A_84 = arith.constant 0 : i32
      %dma_wait3A_85 = tpu.memref_slice %arg2[%dma_wait3A_84] : memref<1310720xi32, #tpu.memory_space<hbm>> -> memref<16384xi32, #tpu.memory_space<hbm>>
      tpu.wait_dma2 semaphore(%arg13 : memref<!tpu.dma_semaphore, #tpu.memory_space<semaphore_mem>>) src(%dma_wait3A_85 : memref<16384xi32, #tpu.memory_space<hbm>>) dst(%dma_wait3A_83 : memref<16384xi32, #tpu.memory_space<vmem>>)
      %add3A_86 = arith.constant 1 : i32
      %add3A_87 = arith.addi %scan3A_66, %add3A_86 : i32
      %lt3A_88 = arith.constant 80 : i32
      %lt3A_89 = arith.cmpi slt, %add3A_87, %lt3A_88 : i32
      %convert_element_type3A = arith.extui %lt3A_89 : i1 to i32
      %cond3A = arith.constant 0 : i32
      %cond3A_90 = arith.cmpi ne, %convert_element_type3A, %cond3A : i32
      scf.if %cond3A_90 {
        %add3A_105 = arith.constant 1 : i32
        %add3A_106 = arith.addi %scan3A_66, %add3A_105 : i32
        %jit3A_107 = arith.constant 2 : i32
        %eq3A_108 = arith.constant 0 : i32
        %eq3A_109 = arith.cmpi eq, %jit3A_107, %eq3A_108 : i32
        %jit3A_110 = arith.constant 1 : i32
        %select_n3A_111 = arith.select %eq3A_109, %jit3A_110, %jit3A_107 : i32
        %rem3A_112 = arith.remsi %add3A_106, %select_n3A_111 : i32
        %ne3A_113 = arith.constant 0 : i32
        %ne3A_114 = arith.cmpi ne, %rem3A_112, %ne3A_113 : i32
        %lt3A_115 = arith.constant 0 : i32
        %lt3A_116 = arith.cmpi slt, %rem3A_112, %lt3A_115 : i32
        %lt3A_117 = arith.constant 0 : i32
        %lt3A_118 = arith.cmpi slt, %select_n3A_111, %lt3A_117 : i32
        %ne3A_119 = arith.xori %lt3A_116, %lt3A_118 : i1
        %and3A_120 = arith.andi %ne3A_119, %ne3A_114 : i1
        %add3A_121 = arith.addi %rem3A_112, %select_n3A_111 : i32
        %select_n3A_122 = arith.select %and3A_120, %add3A_121, %rem3A_112 : i32
        %mul3A_123 = arith.constant 16384 : i32
        %mul3A_124 = arith.muli %select_n3A_122, %mul3A_123 : i32
        %add3A_125 = arith.constant 1 : i32
        %add3A_126 = arith.addi %scan3A_66, %add3A_125 : i32
        %mul3A_127 = arith.constant 16384 : i32
        %mul3A_128 = arith.muli %add3A_126, %mul3A_127 : i32
        %dma_start3A_129 = tpu.memref_slice %arg9[%mul3A_124] : memref<32768xi32, #tpu.memory_space<vmem>> -> memref<16384xi32, #tpu.memory_space<vmem>>
        %dma_start3A_130 = tpu.memref_slice %arg2[%mul3A_128] : memref<1310720xi32, #tpu.memory_space<hbm>> -> memref<16384xi32, #tpu.memory_space<hbm>>
        %dma_start3A_131 = tpu.memref_slice %arg9[%mul3A_124] : memref<32768xi32, #tpu.memory_space<vmem>> -> memref<16384xi32, #tpu.memory_space<vmem>>
        %dma_start3A_132 = tpu.memref_slice %arg2[%mul3A_128] : memref<1310720xi32, #tpu.memory_space<hbm>> -> memref<16384xi32, #tpu.memory_space<hbm>>
        tpu.enqueue_dma source(%dma_start3A_132 : memref<16384xi32, #tpu.memory_space<hbm>>) target(%dma_start3A_131 : memref<16384xi32, #tpu.memory_space<vmem>>) target_semaphore(%arg13 : memref<!tpu.dma_semaphore, #tpu.memory_space<semaphore_mem>>)
      } else {
      }
      %get3A = arith.index_cast %scan3A_66 : i32 to index
      %get3A_91 = memref.load %arg12[%get3A] : memref<80xi32, #tpu.memory_space<smem>>
      %min3A = arith.constant 160 : i32
      %min3A_92 = arith.minsi %get3A_91, %min3A : i32
      %while3A = arith.constant 0 : i32
      %while3A_93 = arith.constant 0 : i32
      %while3A_94 = arith.subi %min3A_92, %while3A : i32
      %while3A_95 = arith.addi %while3A, %while3A_94 : i32
      %while3A_96 = arith.constant 1 : i32
      %while3A_97 = arith.divsi %while3A_94, %while3A_96 : i32
      %while3A_98 = arith.muli %while3A_97, %while3A_96 : i32
      %while3A_99 = arith.addi %while3A, %while3A_98 : i32
      %while3A_100 = arith.constant 1 : i32
      %while3A_101 = scf.for %while3A_105 = %while3A to %while3A_99 step %while3A_100 iter_args(%while3A_106 = %while3A_93) -> (i32)  : i32 {
        %mul3A_107 = arith.constant 160 : i32
        %mul3A_108 = arith.muli %scan3A_66, %mul3A_107 : i32
        %add3A_109 = arith.addi %mul3A_108, %while3A_105 : i32
        %get3A_110 = arith.index_cast %add3A_109 : i32 to index
        %get3A_111 = tpu.vector_load %arg10[%get3A_110] {strides = array<i32>} : memref<12816xi32, #tpu.memory_space<vmem>>, vector<16xi32>,
        %slice3A = vector.extract_strided_slice %get3A_111 {offsets = [0], sizes = [1], strides = [1]} : vector<16xi32> to vector<1xi32>
        %squeeze3A = vector.extract %slice3A[0] : i32 from vector<1xi32>
        %jit3A_112 = arith.constant 512 : i32
        %div3A = arith.divsi %squeeze3A, %jit3A_112 : i32
        %sign3A = arith.constant 0 : i32
        %sign3A_113 = arith.cmpi sgt, %squeeze3A, %sign3A : i32
        %sign3A_114 = arith.extui %sign3A_113 : i1 to i32
        %sign3A_115 = arith.constant 0 : i32
        %sign3A_116 = arith.cmpi slt, %squeeze3A, %sign3A_115 : i32
        %sign3A_117 = arith.extui %sign3A_116 : i1 to i32
        %sign3A_118 = arith.subi %sign3A_114, %sign3A_117 : i32
        %sign3A_119 = arith.constant 0 : i32
        %sign3A_120 = arith.cmpi sgt, %jit3A_112, %sign3A_119 : i32
        %sign3A_121 = arith.extui %sign3A_120 : i1 to i32
        %sign3A_122 = arith.constant 0 : i32
        %sign3A_123 = arith.cmpi slt, %jit3A_112, %sign3A_122 : i32
        %sign3A_124 = arith.extui %sign3A_123 : i1 to i32
        %sign3A_125 = arith.subi %sign3A_121, %sign3A_124 : i32
        %ne3A_126 = arith.cmpi ne, %sign3A_118, %sign3A_125 : i32
        %rem3A_127 = arith.remsi %squeeze3A, %jit3A_112 : i32
        %ne3A_128 = arith.constant 0 : i32
        %ne3A_129 = arith.cmpi ne, %rem3A_127, %ne3A_128 : i32
        %and3A_130 = arith.andi %ne3A_126, %ne3A_129 : i1
        %sub3A = arith.constant 1 : i32
        %sub3A_131 = arith.subi %div3A, %sub3A : i32
        %select_n3A_132 = arith.select %and3A_130, %sub3A_131, %div3A : i32
        %mul3A_133 = arith.constant 128 : i32
        %mul3A_134 = arith.muli %scan3A_66, %mul3A_133 : i32
        %sub3A_135 = arith.subi %select_n3A_132, %mul3A_134 : i32
        %mul3A_136 = arith.constant 128 : i32
        %mul3A_137 = arith.muli %sub3A_135, %mul3A_136 : i32
        %add3A_138 = arith.addi %mul3A_137, %mul3A_78 : i32
        %jit3A_139 = arith.constant 512 : i32
        %eq3A_140 = arith.constant 0 : i32
        %eq3A_141 = arith.cmpi eq, %jit3A_139, %eq3A_140 : i32
        %jit3A_142 = arith.constant 1 : i32
        %select_n3A_143 = arith.select %eq3A_141, %jit3A_142, %jit3A_139 : i32
        %rem3A_144 = arith.remsi %squeeze3A, %select_n3A_143 : i32
        %ne3A_145 = arith.constant 0 : i32
        %ne3A_146 = arith.cmpi ne, %rem3A_144, %ne3A_145 : i32
        %lt3A_147 = arith.constant 0 : i32
        %lt3A_148 = arith.cmpi slt, %rem3A_144, %lt3A_147 : i32
        %lt3A_149 = arith.constant 0 : i32
        %lt3A_150 = arith.cmpi slt, %select_n3A_143, %lt3A_149 : i32
        %ne3A_151 = arith.xori %lt3A_148, %lt3A_150 : i1
        %and3A_152 = arith.andi %ne3A_151, %ne3A_146 : i1
        %add3A_153 = arith.addi %rem3A_144, %select_n3A_143 : i32
        %select_n3A_154 = arith.select %and3A_152, %add3A_153, %rem3A_144 : i32
        %add3A_155 = arith.constant 0 : i32
        %add3A_156 = arith.addi %add3A_138, %add3A_155 : i32
        %get3A_157 = arith.index_cast %add3A_156 : i32 to index
        %get3A_158 = tpu.vector_load %arg9[%get3A_157] {strides = array<i32>} : memref<32768xi32, #tpu.memory_space<vmem>>, vector<16xi32>,
        %bitcast3A = vector.bitcast %get3A_158 : vector<16xi32> to vector<32xbf16>
        %get3A_159 = arith.index_cast %select_n3A_154 : i32 to index
        %get3A_160 = arith.constant 0 : index
        %get3A_161 = tpu.vector_load %arg7[%get3A_159, %get3A_160] {strides = array<i32>} : memref<321x128xi32, #tpu.memory_space<vmem>>, vector<16xi32>,
        %bitcast3A_162 = vector.bitcast %get3A_161 : vector<16xi32> to vector<32xbf16>
        %max3A = arith.maximumf %bitcast3A_162, %bitcast3A : vector<32xbf16>
        %bitcast3A_163 = vector.bitcast %max3A : vector<32xbf16> to vector<16xi32>
        %swap3A = arith.index_cast %select_n3A_154 : i32 to index
        %swap3A_164 = arith.constant 0 : index
        %swap3A_165 = tpu.vector_load %arg7[%swap3A, %swap3A_164] {strides = array<i32>} : memref<321x128xi32, #tpu.memory_space<vmem>>, vector<16xi32>,
        tpu.vector_store %arg7[%swap3A, %swap3A_164], %bitcast3A_163 {strides = array<i32>} : memref<321x128xi32, #tpu.memory_space<vmem>>, vector<16xi32>,
        %get3A_166 = arith.index_cast %select_n3A_154 : i32 to index
        %get3A_167 = arith.constant 0 : index
        %get3A_168 = tpu.vector_load %arg8[%get3A_166, %get3A_167] {strides = array<i32>} : memref<321x128xi32, #tpu.memory_space<vmem>>, vector<16xi32>,
        %bitcast3A_169 = vector.bitcast %get3A_168 : vector<16xi32> to vector<32xbf16>
        %min3A_170 = arith.minimumf %bitcast3A_169, %bitcast3A : vector<32xbf16>
        %bitcast3A_171 = vector.bitcast %min3A_170 : vector<32xbf16> to vector<16xi32>
        %swap3A_172 = arith.index_cast %select_n3A_154 : i32 to index
        %swap3A_173 = arith.constant 0 : index
        %swap3A_174 = tpu.vector_load %arg8[%swap3A_172, %swap3A_173] {strides = array<i32>} : memref<321x128xi32, #tpu.memory_space<vmem>>, vector<16xi32>,
        tpu.vector_store %arg8[%swap3A_172, %swap3A_173], %bitcast3A_171 {strides = array<i32>} : memref<321x128xi32, #tpu.memory_space<vmem>>, vector<16xi32>,
        %add3A_175 = arith.constant 16 : i32
        %add3A_176 = arith.addi %add3A_138, %add3A_175 : i32
        %get3A_177 = arith.index_cast %add3A_176 : i32 to index
        %get3A_178 = tpu.vector_load %arg9[%get3A_177] {strides = array<i32>} : memref<32768xi32, #tpu.memory_space<vmem>>, vector<16xi32>,
        %bitcast3A_179 = vector.bitcast %get3A_178 : vector<16xi32> to vector<32xbf16>
        %get3A_180 = arith.index_cast %select_n3A_154 : i32 to index
        %get3A_181 = arith.constant 16 : index
        %get3A_182 = tpu.vector_load %arg7[%get3A_180, %get3A_181] {strides = array<i32>} : memref<321x128xi32, #tpu.memory_space<vmem>>, vector<16xi32>,
        %bitcast3A_183 = vector.bitcast %get3A_182 : vector<16xi32> to vector<32xbf16>
        %max3A_184 = arith.maximumf %bitcast3A_183, %bitcast3A_179 : vector<32xbf16>
        %bitcast3A_185 = vector.bitcast %max3A_184 : vector<32xbf16> to vector<16xi32>
        %swap3A_186 = arith.index_cast %select_n3A_154 : i32 to index
        %swap3A_187 = arith.constant 16 : index
        %swap3A_188 = tpu.vector_load %arg7[%swap3A_186, %swap3A_187] {strides = array<i32>} : memref<321x128xi32, #tpu.memory_space<vmem>>, vector<16xi32>,
        tpu.vector_store %arg7[%swap3A_186, %swap3A_187], %bitcast3A_185 {strides = array<i32>} : memref<321x128xi32, #tpu.memory_space<vmem>>, vector<16xi32>,
        %get3A_189 = arith.index_cast %select_n3A_154 : i32 to index
        %get3A_190 = arith.constant 16 : index
        %get3A_191 = tpu.vector_load %arg8[%get3A_189, %get3A_190] {strides = array<i32>} : memref<321x128xi32, #tpu.memory_space<vmem>>, vector<16xi32>,
        %bitcast3A_192 = vector.bitcast %get3A_191 : vector<16xi32> to vector<32xbf16>
        %min3A_193 = arith.minimumf %bitcast3A_192, %bitcast3A_179 : vector<32xbf16>
        %bitcast3A_194 = vector.bitcast %min3A_193 : vector<32xbf16> to vector<16xi32>
        %swap3A_195 = arith.index_cast %select_n3A_154 : i32 to index
        %swap3A_196 = arith.constant 16 : index
        %swap3A_197 = tpu.vector_load %arg8[%swap3A_195, %swap3A_196] {strides = array<i32>} : memref<321x128xi32, #tpu.memory_space<vmem>>, vector<16xi32>,
        tpu.vector_store %arg8[%swap3A_195, %swap3A_196], %bitcast3A_194 {strides = array<i32>} : memref<321x128xi32, #tpu.memory_space<vmem>>, vector<16xi32>,
        %add3A_198 = arith.constant 32 : i32
        %add3A_199 = arith.addi %add3A_138, %add3A_198 : i32
        %get3A_200 = arith.index_cast %add3A_199 : i32 to index
        %get3A_201 = tpu.vector_load %arg9[%get3A_200] {strides = array<i32>} : memref<32768xi32, #tpu.memory_space<vmem>>, vector<16xi32>,
        %bitcast3A_202 = vector.bitcast %get3A_201 : vector<16xi32> to vector<32xbf16>
        %get3A_203 = arith.index_cast %select_n3A_154 : i32 to index
        %get3A_204 = arith.constant 32 : index
        %get3A_205 = tpu.vector_load %arg7[%get3A_203, %get3A_204] {strides = array<i32>} : memref<321x128xi32, #tpu.memory_space<vmem>>, vector<16xi32>,
        %bitcast3A_206 = vector.bitcast %get3A_205 : vector<16xi32> to vector<32xbf16>
        %max3A_207 = arith.maximumf %bitcast3A_206, %bitcast3A_202 : vector<32xbf16>
        %bitcast3A_208 = vector.bitcast %max3A_207 : vector<32xbf16> to vector<16xi32>
        %swap3A_209 = arith.index_cast %select_n3A_154 : i32 to index
        %swap3A_210 = arith.constant 32 : index
        %swap3A_211 = tpu.vector_load %arg7[%swap3A_209, %swap3A_210] {strides = array<i32>} : memref<321x128xi32, #tpu.memory_space<vmem>>, vector<16xi32>,
        tpu.vector_store %arg7[%swap3A_209, %swap3A_210], %bitcast3A_208 {strides = array<i32>} : memref<321x128xi32, #tpu.memory_space<vmem>>, vector<16xi32>,
        %get3A_212 = arith.index_cast %select_n3A_154 : i32 to index
        %get3A_213 = arith.constant 32 : index
        %get3A_214 = tpu.vector_load %arg8[%get3A_212, %get3A_213] {strides = array<i32>} : memref<321x128xi32, #tpu.memory_space<vmem>>, vector<16xi32>,
        %bitcast3A_215 = vector.bitcast %get3A_214 : vector<16xi32> to vector<32xbf16>
        %min3A_216 = arith.minimumf %bitcast3A_215, %bitcast3A_202 : vector<32xbf16>
        %bitcast3A_217 = vector.bitcast %min3A_216 : vector<32xbf16> to vector<16xi32>
        %swap3A_218 = arith.index_cast %select_n3A_154 : i32 to index
        %swap3A_219 = arith.constant 32 : index
        %swap3A_220 = tpu.vector_load %arg8[%swap3A_218, %swap3A_219] {strides = array<i32>} : memref<321x128xi32, #tpu.memory_space<vmem>>, vector<16xi32>,
        tpu.vector_store %arg8[%swap3A_218, %swap3A_219], %bitcast3A_217 {strides = array<i32>} : memref<321x128xi32, #tpu.memory_space<vmem>>, vector<16xi32>,
        %add3A_221 = arith.constant 48 : i32
        %add3A_222 = arith.addi %add3A_138, %add3A_221 : i32
        %get3A_223 = arith.index_cast %add3A_222 : i32 to index
        %get3A_224 = tpu.vector_load %arg9[%get3A_223] {strides = array<i32>} : memref<32768xi32, #tpu.memory_space<vmem>>, vector<16xi32>,
        %bitcast3A_225 = vector.bitcast %get3A_224 : vector<16xi32> to vector<32xbf16>
        %get3A_226 = arith.index_cast %select_n3A_154 : i32 to index
        %get3A_227 = arith.constant 48 : index
        %get3A_228 = tpu.vector_load %arg7[%get3A_226, %get3A_227] {strides = array<i32>} : memref<321x128xi32, #tpu.memory_space<vmem>>, vector<16xi32>,
        %bitcast3A_229 = vector.bitcast %get3A_228 : vector<16xi32> to vector<32xbf16>
        %max3A_230 = arith.maximumf %bitcast3A_229, %bitcast3A_225 : vector<32xbf16>
        %bitcast3A_231 = vector.bitcast %max3A_230 : vector<32xbf16> to vector<16xi32>
        %swap3A_232 = arith.index_cast %select_n3A_154 : i32 to index
        %swap3A_233 = arith.constant 48 : index
        %swap3A_234 = tpu.vector_load %arg7[%swap3A_232, %swap3A_233] {strides = array<i32>} : memref<321x128xi32, #tpu.memory_space<vmem>>, vector<16xi32>,
        tpu.vector_store %arg7[%swap3A_232, %swap3A_233], %bitcast3A_231 {strides = array<i32>} : memref<321x128xi32, #tpu.memory_space<vmem>>, vector<16xi32>,
        %get3A_235 = arith.index_cast %select_n3A_154 : i32 to index
        %get3A_236 = arith.constant 48 : index
        %get3A_237 = tpu.vector_load %arg8[%get3A_235, %get3A_236] {strides = array<i32>} : memref<321x128xi32, #tpu.memory_space<vmem>>, vector<16xi32>,
        %bitcast3A_238 = vector.bitcast %get3A_237 : vector<16xi32> to vector<32xbf16>
        %min3A_239 = arith.minimumf %bitcast3A_238, %bitcast3A_225 : vector<32xbf16>
        %bitcast3A_240 = vector.bitcast %min3A_239 : vector<32xbf16> to vector<16xi32>
        %swap3A_241 = arith.index_cast %select_n3A_154 : i32 to index
        %swap3A_242 = arith.constant 48 : index
        %swap3A_243 = tpu.vector_load %arg8[%swap3A_241, %swap3A_242] {strides = array<i32>} : memref<321x128xi32, #tpu.memory_space<vmem>>, vector<16xi32>,
        tpu.vector_store %arg8[%swap3A_241, %swap3A_242], %bitcast3A_240 {strides = array<i32>} : memref<321x128xi32, #tpu.memory_space<vmem>>, vector<16xi32>,
        %add3A_244 = arith.constant 64 : i32
        %add3A_245 = arith.addi %add3A_138, %add3A_244 : i32
        %get3A_246 = arith.index_cast %add3A_245 : i32 to index
        %get3A_247 = tpu.vector_load %arg9[%get3A_246] {strides = array<i32>} : memref<32768xi32, #tpu.memory_space<vmem>>, vector<16xi32>,
        %bitcast3A_248 = vector.bitcast %get3A_247 : vector<16xi32> to vector<32xbf16>
        %get3A_249 = arith.index_cast %select_n3A_154 : i32 to index
        %get3A_250 = arith.constant 64 : index
        %get3A_251 = tpu.vector_load %arg7[%get3A_249, %get3A_250] {strides = array<i32>} : memref<321x128xi32, #tpu.memory_space<vmem>>, vector<16xi32>,
        %bitcast3A_252 = vector.bitcast %get3A_251 : vector<16xi32> to vector<32xbf16>
        %max3A_253 = arith.maximumf %bitcast3A_252, %bitcast3A_248 : vector<32xbf16>
        %bitcast3A_254 = vector.bitcast %max3A_253 : vector<32xbf16> to vector<16xi32>
        %swap3A_255 = arith.index_cast %select_n3A_154 : i32 to index
        %swap3A_256 = arith.constant 64 : index
        %swap3A_257 = tpu.vector_load %arg7[%swap3A_255, %swap3A_256] {strides = array<i32>} : memref<321x128xi32, #tpu.memory_space<vmem>>, vector<16xi32>,
        tpu.vector_store %arg7[%swap3A_255, %swap3A_256], %bitcast3A_254 {strides = array<i32>} : memref<321x128xi32, #tpu.memory_space<vmem>>, vector<16xi32>,
        %get3A_258 = arith.index_cast %select_n3A_154 : i32 to index
        %get3A_259 = arith.constant 64 : index
        %get3A_260 = tpu.vector_load %arg8[%get3A_258, %get3A_259] {strides = array<i32>} : memref<321x128xi32, #tpu.memory_space<vmem>>, vector<16xi32>,
        %bitcast3A_261 = vector.bitcast %get3A_260 : vector<16xi32> to vector<32xbf16>
        %min3A_262 = arith.minimumf %bitcast3A_261, %bitcast3A_248 : vector<32xbf16>
        %bitcast3A_263 = vector.bitcast %min3A_262 : vector<32xbf16> to vector<16xi32>
        %swap3A_264 = arith.index_cast %select_n3A_154 : i32 to index
        %swap3A_265 = arith.constant 64 : index
        %swap3A_266 = tpu.vector_load %arg8[%swap3A_264, %swap3A_265] {strides = array<i32>} : memref<321x128xi32, #tpu.memory_space<vmem>>, vector<16xi32>,
        tpu.vector_store %arg8[%swap3A_264, %swap3A_265], %bitcast3A_263 {strides = array<i32>} : memref<321x128xi32, #tpu.memory_space<vmem>>, vector<16xi32>,
        %add3A_267 = arith.constant 80 : i32
        %add3A_268 = arith.addi %add3A_138, %add3A_267 : i32
        %get3A_269 = arith.index_cast %add3A_268 : i32 to index
        %get3A_270 = tpu.vector_load %arg9[%get3A_269] {strides = array<i32>} : memref<32768xi32, #tpu.memory_space<vmem>>, vector<16xi32>,
        %bitcast3A_271 = vector.bitcast %get3A_270 : vector<16xi32> to vector<32xbf16>
        %get3A_272 = arith.index_cast %select_n3A_154 : i32 to index
        %get3A_273 = arith.constant 80 : index
        %get3A_274 = tpu.vector_load %arg7[%get3A_272, %get3A_273] {strides = array<i32>} : memref<321x128xi32, #tpu.memory_space<vmem>>, vector<16xi32>,
        %bitcast3A_275 = vector.bitcast %get3A_274 : vector<16xi32> to vector<32xbf16>
        %max3A_276 = arith.maximumf %bitcast3A_275, %bitcast3A_271 : vector<32xbf16>
        %bitcast3A_277 = vector.bitcast %max3A_276 : vector<32xbf16> to vector<16xi32>
        %swap3A_278 = arith.index_cast %select_n3A_154 : i32 to index
        %swap3A_279 = arith.constant 80 : index
        %swap3A_280 = tpu.vector_load %arg7[%swap3A_278, %swap3A_279] {strides = array<i32>} : memref<321x128xi32, #tpu.memory_space<vmem>>, vector<16xi32>,
        tpu.vector_store %arg7[%swap3A_278, %swap3A_279], %bitcast3A_277 {strides = array<i32>} : memref<321x128xi32, #tpu.memory_space<vmem>>, vector<16xi32>,
        %get3A_281 = arith.index_cast %select_n3A_154 : i32 to index
        %get3A_282 = arith.constant 80 : index
        %get3A_283 = tpu.vector_load %arg8[%get3A_281, %get3A_282] {strides = array<i32>} : memref<321x128xi32, #tpu.memory_space<vmem>>, vector<16xi32>,
        %bitcast3A_284 = vector.bitcast %get3A_283 : vector<16xi32> to vector<32xbf16>
        %min3A_285 = arith.minimumf %bitcast3A_284, %bitcast3A_271 : vector<32xbf16>
        %bitcast3A_286 = vector.bitcast %min3A_285 : vector<32xbf16> to vector<16xi32>
        %swap3A_287 = arith.index_cast %select_n3A_154 : i32 to index
        %swap3A_288 = arith.constant 80 : index
        %swap3A_289 = tpu.vector_load %arg8[%swap3A_287, %swap3A_288] {strides = array<i32>} : memref<321x128xi32, #tpu.memory_space<vmem>>, vector<16xi32>,
        tpu.vector_store %arg8[%swap3A_287, %swap3A_288], %bitcast3A_286 {strides = array<i32>} : memref<321x128xi32, #tpu.memory_space<vmem>>, vector<16xi32>,
        %add3A_290 = arith.constant 96 : i32
        %add3A_291 = arith.addi %add3A_138, %add3A_290 : i32
        %get3A_292 = arith.index_cast %add3A_291 : i32 to index
        %get3A_293 = tpu.vector_load %arg9[%get3A_292] {strides = array<i32>} : memref<32768xi32, #tpu.memory_space<vmem>>, vector<16xi32>,
        %bitcast3A_294 = vector.bitcast %get3A_293 : vector<16xi32> to vector<32xbf16>
        %get3A_295 = arith.index_cast %select_n3A_154 : i32 to index
        %get3A_296 = arith.constant 96 : index
        %get3A_297 = tpu.vector_load %arg7[%get3A_295, %get3A_296] {strides = array<i32>} : memref<321x128xi32, #tpu.memory_space<vmem>>, vector<16xi32>,
        %bitcast3A_298 = vector.bitcast %get3A_297 : vector<16xi32> to vector<32xbf16>
        %max3A_299 = arith.maximumf %bitcast3A_298, %bitcast3A_294 : vector<32xbf16>
        %bitcast3A_300 = vector.bitcast %max3A_299 : vector<32xbf16> to vector<16xi32>
        %swap3A_301 = arith.index_cast %select_n3A_154 : i32 to index
        %swap3A_302 = arith.constant 96 : index
        %swap3A_303 = tpu.vector_load %arg7[%swap3A_301, %swap3A_302] {strides = array<i32>} : memref<321x128xi32, #tpu.memory_space<vmem>>, vector<16xi32>,
        tpu.vector_store %arg7[%swap3A_301, %swap3A_302], %bitcast3A_300 {strides = array<i32>} : memref<321x128xi32, #tpu.memory_space<vmem>>, vector<16xi32>,
        %get3A_304 = arith.index_cast %select_n3A_154 : i32 to index
        %get3A_305 = arith.constant 96 : index
        %get3A_306 = tpu.vector_load %arg8[%get3A_304, %get3A_305] {strides = array<i32>} : memref<321x128xi32, #tpu.memory_space<vmem>>, vector<16xi32>,
        %bitcast3A_307 = vector.bitcast %get3A_306 : vector<16xi32> to vector<32xbf16>
        %min3A_308 = arith.minimumf %bitcast3A_307, %bitcast3A_294 : vector<32xbf16>
        %bitcast3A_309 = vector.bitcast %min3A_308 : vector<32xbf16> to vector<16xi32>
        %swap3A_310 = arith.index_cast %select_n3A_154 : i32 to index
        %swap3A_311 = arith.constant 96 : index
        %swap3A_312 = tpu.vector_load %arg8[%swap3A_310, %swap3A_311] {strides = array<i32>} : memref<321x128xi32, #tpu.memory_space<vmem>>, vector<16xi32>,
        tpu.vector_store %arg8[%swap3A_310, %swap3A_311], %bitcast3A_309 {strides = array<i32>} : memref<321x128xi32, #tpu.memory_space<vmem>>, vector<16xi32>,
        %add3A_313 = arith.constant 112 : i32
        %add3A_314 = arith.addi %add3A_138, %add3A_313 : i32
        %get3A_315 = arith.index_cast %add3A_314 : i32 to index
        %get3A_316 = tpu.vector_load %arg9[%get3A_315] {strides = array<i32>} : memref<32768xi32, #tpu.memory_space<vmem>>, vector<16xi32>,
        %bitcast3A_317 = vector.bitcast %get3A_316 : vector<16xi32> to vector<32xbf16>
        %get3A_318 = arith.index_cast %select_n3A_154 : i32 to index
        %get3A_319 = arith.constant 112 : index
        %get3A_320 = tpu.vector_load %arg7[%get3A_318, %get3A_319] {strides = array<i32>} : memref<321x128xi32, #tpu.memory_space<vmem>>, vector<16xi32>,
        %bitcast3A_321 = vector.bitcast %get3A_320 : vector<16xi32> to vector<32xbf16>
        %max3A_322 = arith.maximumf %bitcast3A_321, %bitcast3A_317 : vector<32xbf16>
        %bitcast3A_323 = vector.bitcast %max3A_322 : vector<32xbf16> to vector<16xi32>
        %swap3A_324 = arith.index_cast %select_n3A_154 : i32 to index
        %swap3A_325 = arith.constant 112 : index
        %swap3A_326 = tpu.vector_load %arg7[%swap3A_324, %swap3A_325] {strides = array<i32>} : memref<321x128xi32, #tpu.memory_space<vmem>>, vector<16xi32>,
        tpu.vector_store %arg7[%swap3A_324, %swap3A_325], %bitcast3A_323 {strides = array<i32>} : memref<321x128xi32, #tpu.memory_space<vmem>>, vector<16xi32>,
        %get3A_327 = arith.index_cast %select_n3A_154 : i32 to index
        %get3A_328 = arith.constant 112 : index
        %get3A_329 = tpu.vector_load %arg8[%get3A_327, %get3A_328] {strides = array<i32>} : memref<321x128xi32, #tpu.memory_space<vmem>>, vector<16xi32>,
        %bitcast3A_330 = vector.bitcast %get3A_329 : vector<16xi32> to vector<32xbf16>
        %min3A_331 = arith.minimumf %bitcast3A_330, %bitcast3A_317 : vector<32xbf16>
        %bitcast3A_332 = vector.bitcast %min3A_331 : vector<32xbf16> to vector<16xi32>
        %swap3A_333 = arith.index_cast %select_n3A_154 : i32 to index
        %swap3A_334 = arith.constant 112 : index
        %swap3A_335 = tpu.vector_load %arg8[%swap3A_333, %swap3A_334] {strides = array<i32>} : memref<321x128xi32, #tpu.memory_space<vmem>>, vector<16xi32>,
        tpu.vector_store %arg8[%swap3A_333, %swap3A_334], %bitcast3A_332 {strides = array<i32>} : memref<321x128xi32, #tpu.memory_space<vmem>>, vector<16xi32>,
        %while3A_336 = arith.constant 0 : i32
        scf.yield %while3A_336 : i32
      }
      %while3A_102 = arith.constant 1 : i32
      %while3A_103 = scf.for %while3A_105 = %while3A_99 to %while3A_95 step %while3A_102 iter_args(%while3A_106 = %while3A_101) -> (i32)  : i32 {
        %mul3A_107 = arith.constant 160 : i32
        %mul3A_108 = arith.muli %scan3A_66, %mul3A_107 : i32
        %add3A_109 = arith.addi %mul3A_108, %while3A_105 : i32
        %get3A_110 = arith.index_cast %add3A_109 : i32 to index
        %get3A_111 = tpu.vector_load %arg10[%get3A_110] {strides = array<i32>} : memref<12816xi32, #tpu.memory_space<vmem>>, vector<16xi32>,
        %slice3A = vector.extract_strided_slice %get3A_111 {offsets = [0], sizes = [1], strides = [1]} : vector<16xi32> to vector<1xi32>
        %squeeze3A = vector.extract %slice3A[0] : i32 from vector<1xi32>
        %jit3A_112 = arith.constant 512 : i32
        %div3A = arith.divsi %squeeze3A, %jit3A_112 : i32
        %sign3A = arith.constant 0 : i32
        %sign3A_113 = arith.cmpi sgt, %squeeze3A, %sign3A : i32
        %sign3A_114 = arith.extui %sign3A_113 : i1 to i32
        %sign3A_115 = arith.constant 0 : i32
        %sign3A_116 = arith.cmpi slt, %squeeze3A, %sign3A_115 : i32
        %sign3A_117 = arith.extui %sign3A_116 : i1 to i32
        %sign3A_118 = arith.subi %sign3A_114, %sign3A_117 : i32
        %sign3A_119 = arith.constant 0 : i32
        %sign3A_120 = arith.cmpi sgt, %jit3A_112, %sign3A_119 : i32
        %sign3A_121 = arith.extui %sign3A_120 : i1 to i32
        %sign3A_122 = arith.constant 0 : i32
        %sign3A_123 = arith.cmpi slt, %jit3A_112, %sign3A_122 : i32
        %sign3A_124 = arith.extui %sign3A_123 : i1 to i32
        %sign3A_125 = arith.subi %sign3A_121, %sign3A_124 : i32
        %ne3A_126 = arith.cmpi ne, %sign3A_118, %sign3A_125 : i32
        %rem3A_127 = arith.remsi %squeeze3A, %jit3A_112 : i32
        %ne3A_128 = arith.constant 0 : i32
        %ne3A_129 = arith.cmpi ne, %rem3A_127, %ne3A_128 : i32
        %and3A_130 = arith.andi %ne3A_126, %ne3A_129 : i1
        %sub3A = arith.constant 1 : i32
        %sub3A_131 = arith.subi %div3A, %sub3A : i32
        %select_n3A_132 = arith.select %and3A_130, %sub3A_131, %div3A : i32
        %mul3A_133 = arith.constant 128 : i32
        %mul3A_134 = arith.muli %scan3A_66, %mul3A_133 : i32
        %sub3A_135 = arith.subi %select_n3A_132, %mul3A_134 : i32
        %mul3A_136 = arith.constant 128 : i32
        %mul3A_137 = arith.muli %sub3A_135, %mul3A_136 : i32
        %add3A_138 = arith.addi %mul3A_137, %mul3A_78 : i32
        %jit3A_139 = arith.constant 512 : i32
        %eq3A_140 = arith.constant 0 : i32
        %eq3A_141 = arith.cmpi eq, %jit3A_139, %eq3A_140 : i32
        %jit3A_142 = arith.constant 1 : i32
        %select_n3A_143 = arith.select %eq3A_141, %jit3A_142, %jit3A_139 : i32
        %rem3A_144 = arith.remsi %squeeze3A, %select_n3A_143 : i32
        %ne3A_145 = arith.constant 0 : i32
        %ne3A_146 = arith.cmpi ne, %rem3A_144, %ne3A_145 : i32
        %lt3A_147 = arith.constant 0 : i32
        %lt3A_148 = arith.cmpi slt, %rem3A_144, %lt3A_147 : i32
        %lt3A_149 = arith.constant 0 : i32
        %lt3A_150 = arith.cmpi slt, %select_n3A_143, %lt3A_149 : i32
        %ne3A_151 = arith.xori %lt3A_148, %lt3A_150 : i1
        %and3A_152 = arith.andi %ne3A_151, %ne3A_146 : i1
        %add3A_153 = arith.addi %rem3A_144, %select_n3A_143 : i32
        %select_n3A_154 = arith.select %and3A_152, %add3A_153, %rem3A_144 : i32
        %add3A_155 = arith.constant 0 : i32
        %add3A_156 = arith.addi %add3A_138, %add3A_155 : i32
        %get3A_157 = arith.index_cast %add3A_156 : i32 to index
        %get3A_158 = tpu.vector_load %arg9[%get3A_157] {strides = array<i32>} : memref<32768xi32, #tpu.memory_space<vmem>>, vector<16xi32>,
        %bitcast3A = vector.bitcast %get3A_158 : vector<16xi32> to vector<32xbf16>
        %get3A_159 = arith.index_cast %select_n3A_154 : i32 to index
        %get3A_160 = arith.constant 0 : index
        %get3A_161 = tpu.vector_load %arg7[%get3A_159, %get3A_160] {strides = array<i32>} : memref<321x128xi32, #tpu.memory_space<vmem>>, vector<16xi32>,
        %bitcast3A_162 = vector.bitcast %get3A_161 : vector<16xi32> to vector<32xbf16>
        %max3A = arith.maximumf %bitcast3A_162, %bitcast3A : vector<32xbf16>
        %bitcast3A_163 = vector.bitcast %max3A : vector<32xbf16> to vector<16xi32>
        %swap3A = arith.index_cast %select_n3A_154 : i32 to index
        %swap3A_164 = arith.constant 0 : index
        %swap3A_165 = tpu.vector_load %arg7[%swap3A, %swap3A_164] {strides = array<i32>} : memref<321x128xi32, #tpu.memory_space<vmem>>, vector<16xi32>,
        tpu.vector_store %arg7[%swap3A, %swap3A_164], %bitcast3A_163 {strides = array<i32>} : memref<321x128xi32, #tpu.memory_space<vmem>>, vector<16xi32>,
        %get3A_166 = arith.index_cast %select_n3A_154 : i32 to index
        %get3A_167 = arith.constant 0 : index
        %get3A_168 = tpu.vector_load %arg8[%get3A_166, %get3A_167] {strides = array<i32>} : memref<321x128xi32, #tpu.memory_space<vmem>>, vector<16xi32>,
        %bitcast3A_169 = vector.bitcast %get3A_168 : vector<16xi32> to vector<32xbf16>
        %min3A_170 = arith.minimumf %bitcast3A_169, %bitcast3A : vector<32xbf16>
        %bitcast3A_171 = vector.bitcast %min3A_170 : vector<32xbf16> to vector<16xi32>
        %swap3A_172 = arith.index_cast %select_n3A_154 : i32 to index
        %swap3A_173 = arith.constant 0 : index
        %swap3A_174 = tpu.vector_load %arg8[%swap3A_172, %swap3A_173] {strides = array<i32>} : memref<321x128xi32, #tpu.memory_space<vmem>>, vector<16xi32>,
        tpu.vector_store %arg8[%swap3A_172, %swap3A_173], %bitcast3A_171 {strides = array<i32>} : memref<321x128xi32, #tpu.memory_space<vmem>>, vector<16xi32>,
        %add3A_175 = arith.constant 16 : i32
        %add3A_176 = arith.addi %add3A_138, %add3A_175 : i32
        %get3A_177 = arith.index_cast %add3A_176 : i32 to index
        %get3A_178 = tpu.vector_load %arg9[%get3A_177] {strides = array<i32>} : memref<32768xi32, #tpu.memory_space<vmem>>, vector<16xi32>,
        %bitcast3A_179 = vector.bitcast %get3A_178 : vector<16xi32> to vector<32xbf16>
        %get3A_180 = arith.index_cast %select_n3A_154 : i32 to index
        %get3A_181 = arith.constant 16 : index
        %get3A_182 = tpu.vector_load %arg7[%get3A_180, %get3A_181] {strides = array<i32>} : memref<321x128xi32, #tpu.memory_space<vmem>>, vector<16xi32>,
        %bitcast3A_183 = vector.bitcast %get3A_182 : vector<16xi32> to vector<32xbf16>
        %max3A_184 = arith.maximumf %bitcast3A_183, %bitcast3A_179 : vector<32xbf16>
        %bitcast3A_185 = vector.bitcast %max3A_184 : vector<32xbf16> to vector<16xi32>
        %swap3A_186 = arith.index_cast %select_n3A_154 : i32 to index
        %swap3A_187 = arith.constant 16 : index
        %swap3A_188 = tpu.vector_load %arg7[%swap3A_186, %swap3A_187] {strides = array<i32>} : memref<321x128xi32, #tpu.memory_space<vmem>>, vector<16xi32>,
        tpu.vector_store %arg7[%swap3A_186, %swap3A_187], %bitcast3A_185 {strides = array<i32>} : memref<321x128xi32, #tpu.memory_space<vmem>>, vector<16xi32>,
        %get3A_189 = arith.index_cast %select_n3A_154 : i32 to index
        %get3A_190 = arith.constant 16 : index
        %get3A_191 = tpu.vector_load %arg8[%get3A_189, %get3A_190] {strides = array<i32>} : memref<321x128xi32, #tpu.memory_space<vmem>>, vector<16xi32>,
        %bitcast3A_192 = vector.bitcast %get3A_191 : vector<16xi32> to vector<32xbf16>
        %min3A_193 = arith.minimumf %bitcast3A_192, %bitcast3A_179 : vector<32xbf16>
        %bitcast3A_194 = vector.bitcast %min3A_193 : vector<32xbf16> to vector<16xi32>
        %swap3A_195 = arith.index_cast %select_n3A_154 : i32 to index
        %swap3A_196 = arith.constant 16 : index
        %swap3A_197 = tpu.vector_load %arg8[%swap3A_195, %swap3A_196] {strides = array<i32>} : memref<321x128xi32, #tpu.memory_space<vmem>>, vector<16xi32>,
        tpu.vector_store %arg8[%swap3A_195, %swap3A_196], %bitcast3A_194 {strides = array<i32>} : memref<321x128xi32, #tpu.memory_space<vmem>>, vector<16xi32>,
        %add3A_198 = arith.constant 32 : i32
        %add3A_199 = arith.addi %add3A_138, %add3A_198 : i32
        %get3A_200 = arith.index_cast %add3A_199 : i32 to index
        %get3A_201 = tpu.vector_load %arg9[%get3A_200] {strides = array<i32>} : memref<32768xi32, #tpu.memory_space<vmem>>, vector<16xi32>,
        %bitcast3A_202 = vector.bitcast %get3A_201 : vector<16xi32> to vector<32xbf16>
        %get3A_203 = arith.index_cast %select_n3A_154 : i32 to index
        %get3A_204 = arith.constant 32 : index
        %get3A_205 = tpu.vector_load %arg7[%get3A_203, %get3A_204] {strides = array<i32>} : memref<321x128xi32, #tpu.memory_space<vmem>>, vector<16xi32>,
        %bitcast3A_206 = vector.bitcast %get3A_205 : vector<16xi32> to vector<32xbf16>
        %max3A_207 = arith.maximumf %bitcast3A_206, %bitcast3A_202 : vector<32xbf16>
        %bitcast3A_208 = vector.bitcast %max3A_207 : vector<32xbf16> to vector<16xi32>
        %swap3A_209 = arith.index_cast %select_n3A_154 : i32 to index
        %swap3A_210 = arith.constant 32 : index
        %swap3A_211 = tpu.vector_load %arg7[%swap3A_209, %swap3A_210] {strides = array<i32>} : memref<321x128xi32, #tpu.memory_space<vmem>>, vector<16xi32>,
        tpu.vector_store %arg7[%swap3A_209, %swap3A_210], %bitcast3A_208 {strides = array<i32>} : memref<321x128xi32, #tpu.memory_space<vmem>>, vector<16xi32>,
        %get3A_212 = arith.index_cast %select_n3A_154 : i32 to index
        %get3A_213 = arith.constant 32 : index
        %get3A_214 = tpu.vector_load %arg8[%get3A_212, %get3A_213] {strides = array<i32>} : memref<321x128xi32, #tpu.memory_space<vmem>>, vector<16xi32>,
        %bitcast3A_215 = vector.bitcast %get3A_214 : vector<16xi32> to vector<32xbf16>
        %min3A_216 = arith.minimumf %bitcast3A_215, %bitcast3A_202 : vector<32xbf16>
        %bitcast3A_217 = vector.bitcast %min3A_216 : vector<32xbf16> to vector<16xi32>
        %swap3A_218 = arith.index_cast %select_n3A_154 : i32 to index
        %swap3A_219 = arith.constant 32 : index
        %swap3A_220 = tpu.vector_load %arg8[%swap3A_218, %swap3A_219] {strides = array<i32>} : memref<321x128xi32, #tpu.memory_space<vmem>>, vector<16xi32>,
        tpu.vector_store %arg8[%swap3A_218, %swap3A_219], %bitcast3A_217 {strides = array<i32>} : memref<321x128xi32, #tpu.memory_space<vmem>>, vector<16xi32>,
        %add3A_221 = arith.constant 48 : i32
        %add3A_222 = arith.addi %add3A_138, %add3A_221 : i32
        %get3A_223 = arith.index_cast %add3A_222 : i32 to index
        %get3A_224 = tpu.vector_load %arg9[%get3A_223] {strides = array<i32>} : memref<32768xi32, #tpu.memory_space<vmem>>, vector<16xi32>,
        %bitcast3A_225 = vector.bitcast %get3A_224 : vector<16xi32> to vector<32xbf16>
        %get3A_226 = arith.index_cast %select_n3A_154 : i32 to index
        %get3A_227 = arith.constant 48 : index
        %get3A_228 = tpu.vector_load %arg7[%get3A_226, %get3A_227] {strides = array<i32>} : memref<321x128xi32, #tpu.memory_space<vmem>>, vector<16xi32>,
        %bitcast3A_229 = vector.bitcast %get3A_228 : vector<16xi32> to vector<32xbf16>
        %max3A_230 = arith.maximumf %bitcast3A_229, %bitcast3A_225 : vector<32xbf16>
        %bitcast3A_231 = vector.bitcast %max3A_230 : vector<32xbf16> to vector<16xi32>
        %swap3A_232 = arith.index_cast %select_n3A_154 : i32 to index
        %swap3A_233 = arith.constant 48 : index
        %swap3A_234 = tpu.vector_load %arg7[%swap3A_232, %swap3A_233] {strides = array<i32>} : memref<321x128xi32, #tpu.memory_space<vmem>>, vector<16xi32>,
        tpu.vector_store %arg7[%swap3A_232, %swap3A_233], %bitcast3A_231 {strides = array<i32>} : memref<321x128xi32, #tpu.memory_space<vmem>>, vector<16xi32>,
        %get3A_235 = arith.index_cast %select_n3A_154 : i32 to index
        %get3A_236 = arith.constant 48 : index
        %get3A_237 = tpu.vector_load %arg8[%get3A_235, %get3A_236] {strides = array<i32>} : memref<321x128xi32, #tpu.memory_space<vmem>>, vector<16xi32>,
        %bitcast3A_238 = vector.bitcast %get3A_237 : vector<16xi32> to vector<32xbf16>
        %min3A_239 = arith.minimumf %bitcast3A_238, %bitcast3A_225 : vector<32xbf16>
        %bitcast3A_240 = vector.bitcast %min3A_239 : vector<32xbf16> to vector<16xi32>
        %swap3A_241 = arith.index_cast %select_n3A_154 : i32 to index
        %swap3A_242 = arith.constant 48 : index
        %swap3A_243 = tpu.vector_load %arg8[%swap3A_241, %swap3A_242] {strides = array<i32>} : memref<321x128xi32, #tpu.memory_space<vmem>>, vector<16xi32>,
        tpu.vector_store %arg8[%swap3A_241, %swap3A_242], %bitcast3A_240 {strides = array<i32>} : memref<321x128xi32, #tpu.memory_space<vmem>>, vector<16xi32>,
        %add3A_244 = arith.constant 64 : i32
        %add3A_245 = arith.addi %add3A_138, %add3A_244 : i32
        %get3A_246 = arith.index_cast %add3A_245 : i32 to index
        %get3A_247 = tpu.vector_load %arg9[%get3A_246] {strides = array<i32>} : memref<32768xi32, #tpu.memory_space<vmem>>, vector<16xi32>,
        %bitcast3A_248 = vector.bitcast %get3A_247 : vector<16xi32> to vector<32xbf16>
        %get3A_249 = arith.index_cast %select_n3A_154 : i32 to index
        %get3A_250 = arith.constant 64 : index
        %get3A_251 = tpu.vector_load %arg7[%get3A_249, %get3A_250] {strides = array<i32>} : memref<321x128xi32, #tpu.memory_space<vmem>>, vector<16xi32>,
        %bitcast3A_252 = vector.bitcast %get3A_251 : vector<16xi32> to vector<32xbf16>
        %max3A_253 = arith.maximumf %bitcast3A_252, %bitcast3A_248 : vector<32xbf16>
        %bitcast3A_254 = vector.bitcast %max3A_253 : vector<32xbf16> to vector<16xi32>
        %swap3A_255 = arith.index_cast %select_n3A_154 : i32 to index
        %swap3A_256 = arith.constant 64 : index
        %swap3A_257 = tpu.vector_load %arg7[%swap3A_255, %swap3A_256] {strides = array<i32>} : memref<321x128xi32, #tpu.memory_space<vmem>>, vector<16xi32>,
        tpu.vector_store %arg7[%swap3A_255, %swap3A_256], %bitcast3A_254 {strides = array<i32>} : memref<321x128xi32, #tpu.memory_space<vmem>>, vector<16xi32>,
        %get3A_258 = arith.index_cast %select_n3A_154 : i32 to index
        %get3A_259 = arith.constant 64 : index
        %get3A_260 = tpu.vector_load %arg8[%get3A_258, %get3A_259] {strides = array<i32>} : memref<321x128xi32, #tpu.memory_space<vmem>>, vector<16xi32>,
        %bitcast3A_261 = vector.bitcast %get3A_260 : vector<16xi32> to vector<32xbf16>
        %min3A_262 = arith.minimumf %bitcast3A_261, %bitcast3A_248 : vector<32xbf16>
        %bitcast3A_263 = vector.bitcast %min3A_262 : vector<32xbf16> to vector<16xi32>
        %swap3A_264 = arith.index_cast %select_n3A_154 : i32 to index
        %swap3A_265 = arith.constant 64 : index
        %swap3A_266 = tpu.vector_load %arg8[%swap3A_264, %swap3A_265] {strides = array<i32>} : memref<321x128xi32, #tpu.memory_space<vmem>>, vector<16xi32>,
        tpu.vector_store %arg8[%swap3A_264, %swap3A_265], %bitcast3A_263 {strides = array<i32>} : memref<321x128xi32, #tpu.memory_space<vmem>>, vector<16xi32>,
        %add3A_267 = arith.constant 80 : i32
        %add3A_268 = arith.addi %add3A_138, %add3A_267 : i32
        %get3A_269 = arith.index_cast %add3A_268 : i32 to index
        %get3A_270 = tpu.vector_load %arg9[%get3A_269] {strides = array<i32>} : memref<32768xi32, #tpu.memory_space<vmem>>, vector<16xi32>,
        %bitcast3A_271 = vector.bitcast %get3A_270 : vector<16xi32> to vector<32xbf16>
        %get3A_272 = arith.index_cast %select_n3A_154 : i32 to index
        %get3A_273 = arith.constant 80 : index
        %get3A_274 = tpu.vector_load %arg7[%get3A_272, %get3A_273] {strides = array<i32>} : memref<321x128xi32, #tpu.memory_space<vmem>>, vector<16xi32>,
        %bitcast3A_275 = vector.bitcast %get3A_274 : vector<16xi32> to vector<32xbf16>
        %max3A_276 = arith.maximumf %bitcast3A_275, %bitcast3A_271 : vector<32xbf16>
        %bitcast3A_277 = vector.bitcast %max3A_276 : vector<32xbf16> to vector<16xi32>
        %swap3A_278 = arith.index_cast %select_n3A_154 : i32 to index
        %swap3A_279 = arith.constant 80 : index
        %swap3A_280 = tpu.vector_load %arg7[%swap3A_278, %swap3A_279] {strides = array<i32>} : memref<321x128xi32, #tpu.memory_space<vmem>>, vector<16xi32>,
        tpu.vector_store %arg7[%swap3A_278, %swap3A_279], %bitcast3A_277 {strides = array<i32>} : memref<321x128xi32, #tpu.memory_space<vmem>>, vector<16xi32>,
        %get3A_281 = arith.index_cast %select_n3A_154 : i32 to index
        %get3A_282 = arith.constant 80 : index
        %get3A_283 = tpu.vector_load %arg8[%get3A_281, %get3A_282] {strides = array<i32>} : memref<321x128xi32, #tpu.memory_space<vmem>>, vector<16xi32>,
        %bitcast3A_284 = vector.bitcast %get3A_283 : vector<16xi32> to vector<32xbf16>
        %min3A_285 = arith.minimumf %bitcast3A_284, %bitcast3A_271 : vector<32xbf16>
        %bitcast3A_286 = vector.bitcast %min3A_285 : vector<32xbf16> to vector<16xi32>
        %swap3A_287 = arith.index_cast %select_n3A_154 : i32 to index
        %swap3A_288 = arith.constant 80 : index
        %swap3A_289 = tpu.vector_load %arg8[%swap3A_287, %swap3A_288] {strides = array<i32>} : memref<321x128xi32, #tpu.memory_space<vmem>>, vector<16xi32>,
        tpu.vector_store %arg8[%swap3A_287, %swap3A_288], %bitcast3A_286 {strides = array<i32>} : memref<321x128xi32, #tpu.memory_space<vmem>>, vector<16xi32>,
        %add3A_290 = arith.constant 96 : i32
        %add3A_291 = arith.addi %add3A_138, %add3A_290 : i32
        %get3A_292 = arith.index_cast %add3A_291 : i32 to index
        %get3A_293 = tpu.vector_load %arg9[%get3A_292] {strides = array<i32>} : memref<32768xi32, #tpu.memory_space<vmem>>, vector<16xi32>,
        %bitcast3A_294 = vector.bitcast %get3A_293 : vector<16xi32> to vector<32xbf16>
        %get3A_295 = arith.index_cast %select_n3A_154 : i32 to index
        %get3A_296 = arith.constant 96 : index
        %get3A_297 = tpu.vector_load %arg7[%get3A_295, %get3A_296] {strides = array<i32>} : memref<321x128xi32, #tpu.memory_space<vmem>>, vector<16xi32>,
        %bitcast3A_298 = vector.bitcast %get3A_297 : vector<16xi32> to vector<32xbf16>
        %max3A_299 = arith.maximumf %bitcast3A_298, %bitcast3A_294 : vector<32xbf16>
        %bitcast3A_300 = vector.bitcast %max3A_299 : vector<32xbf16> to vector<16xi32>
        %swap3A_301 = arith.index_cast %select_n3A_154 : i32 to index
        %swap3A_302 = arith.constant 96 : index
        %swap3A_303 = tpu.vector_load %arg7[%swap3A_301, %swap3A_302] {strides = array<i32>} : memref<321x128xi32, #tpu.memory_space<vmem>>, vector<16xi32>,
        tpu.vector_store %arg7[%swap3A_301, %swap3A_302], %bitcast3A_300 {strides = array<i32>} : memref<321x128xi32, #tpu.memory_space<vmem>>, vector<16xi32>,
        %get3A_304 = arith.index_cast %select_n3A_154 : i32 to index
        %get3A_305 = arith.constant 96 : index
        %get3A_306 = tpu.vector_load %arg8[%get3A_304, %get3A_305] {strides = array<i32>} : memref<321x128xi32, #tpu.memory_space<vmem>>, vector<16xi32>,
        %bitcast3A_307 = vector.bitcast %get3A_306 : vector<16xi32> to vector<32xbf16>
        %min3A_308 = arith.minimumf %bitcast3A_307, %bitcast3A_294 : vector<32xbf16>
        %bitcast3A_309 = vector.bitcast %min3A_308 : vector<32xbf16> to vector<16xi32>
        %swap3A_310 = arith.index_cast %select_n3A_154 : i32 to index
        %swap3A_311 = arith.constant 96 : index
        %swap3A_312 = tpu.vector_load %arg8[%swap3A_310, %swap3A_311] {strides = array<i32>} : memref<321x128xi32, #tpu.memory_space<vmem>>, vector<16xi32>,
        tpu.vector_store %arg8[%swap3A_310, %swap3A_311], %bitcast3A_309 {strides = array<i32>} : memref<321x128xi32, #tpu.memory_space<vmem>>, vector<16xi32>,
        %add3A_313 = arith.constant 112 : i32
        %add3A_314 = arith.addi %add3A_138, %add3A_313 : i32
        %get3A_315 = arith.index_cast %add3A_314 : i32 to index
        %get3A_316 = tpu.vector_load %arg9[%get3A_315] {strides = array<i32>} : memref<32768xi32, #tpu.memory_space<vmem>>, vector<16xi32>,
        %bitcast3A_317 = vector.bitcast %get3A_316 : vector<16xi32> to vector<32xbf16>
        %get3A_318 = arith.index_cast %select_n3A_154 : i32 to index
        %get3A_319 = arith.constant 112 : index
        %get3A_320 = tpu.vector_load %arg7[%get3A_318, %get3A_319] {strides = array<i32>} : memref<321x128xi32, #tpu.memory_space<vmem>>, vector<16xi32>,
        %bitcast3A_321 = vector.bitcast %get3A_320 : vector<16xi32> to vector<32xbf16>
        %max3A_322 = arith.maximumf %bitcast3A_321, %bitcast3A_317 : vector<32xbf16>
        %bitcast3A_323 = vector.bitcast %max3A_322 : vector<32xbf16> to vector<16xi32>
        %swap3A_324 = arith.index_cast %select_n3A_154 : i32 to index
        %swap3A_325 = arith.constant 112 : index
        %swap3A_326 = tpu.vector_load %arg7[%swap3A_324, %swap3A_325] {strides = array<i32>} : memref<321x128xi32, #tpu.memory_space<vmem>>, vector<16xi32>,
        tpu.vector_store %arg7[%swap3A_324, %swap3A_325], %bitcast3A_323 {strides = array<i32>} : memref<321x128xi32, #tpu.memory_space<vmem>>, vector<16xi32>,
        %get3A_327 = arith.index_cast %select_n3A_154 : i32 to index
        %get3A_328 = arith.constant 112 : index
        %get3A_329 = tpu.vector_load %arg8[%get3A_327, %get3A_328] {strides = array<i32>} : memref<321x128xi32, #tpu.memory_space<vmem>>, vector<16xi32>,
        %bitcast3A_330 = vector.bitcast %get3A_329 : vector<16xi32> to vector<32xbf16>
        %min3A_331 = arith.minimumf %bitcast3A_330, %bitcast3A_317 : vector<32xbf16>
        %bitcast3A_332 = vector.bitcast %min3A_331 : vector<32xbf16> to vector<16xi32>
        %swap3A_333 = arith.index_cast %select_n3A_154 : i32 to index
        %swap3A_334 = arith.constant 112 : index
        %swap3A_335 = tpu.vector_load %arg8[%swap3A_333, %swap3A_334] {strides = array<i32>} : memref<321x128xi32, #tpu.memory_space<vmem>>, vector<16xi32>,
        tpu.vector_store %arg8[%swap3A_333, %swap3A_334], %bitcast3A_332 {strides = array<i32>} : memref<321x128xi32, #tpu.memory_space<vmem>>, vector<16xi32>,
        %while3A_336 = arith.constant 0 : i32
        scf.yield %while3A_336 : i32
      }
      %scan3A_104 = arith.constant 0 : i32
      scf.yield %scan3A_104 : i32
    }
    %scan3A_65 = arith.constant 80 : i32
    "tpu.region"() ({
      %run_scoped3A = tpu.sem_alloc : memref<!tpu.dma_semaphore, #tpu.memory_space<semaphore_mem>>
      %dma_start3A_66 = arith.constant 0 : i32
      %dma_start3A_67 = arith.constant 0 : i32
      %dma_start3A_68 = tpu.memref_slice %arg7[%dma_start3A_66, %dma_start3A_67] : memref<321x128xi32, #tpu.memory_space<vmem>> -> memref<320x128xi32, #tpu.memory_space<vmem>>
      %dma_start3A_69 = arith.constant 0 : i32
      %dma_start3A_70 = tpu.memref_slice %arg5[%mul3A_2, %dma_start3A_69] : memref<10240x128xi32, #tpu.memory_space<hbm>> -> memref<320x128xi32, #tpu.memory_space<hbm>>
      %dma_start3A_71 = arith.constant 0 : i32
      %dma_start3A_72 = tpu.memref_slice %arg5[%mul3A_2, %dma_start3A_71] : memref<10240x128xi32, #tpu.memory_space<hbm>> -> memref<320x128xi32, #tpu.memory_space<hbm>>
      %dma_start3A_73 = arith.constant 0 : i32
      %dma_start3A_74 = arith.constant 0 : i32
      %dma_start3A_75 = tpu.memref_slice %arg7[%dma_start3A_73, %dma_start3A_74] : memref<321x128xi32, #tpu.memory_space<vmem>> -> memref<320x128xi32, #tpu.memory_space<vmem>>
      tpu.enqueue_dma source(%dma_start3A_75 : memref<320x128xi32, #tpu.memory_space<vmem>>) target(%dma_start3A_72 : memref<320x128xi32, #tpu.memory_space<hbm>>) target_semaphore(%run_scoped3A : memref<!tpu.dma_semaphore, #tpu.memory_space<semaphore_mem>>)
      %dma_wait3A = arith.constant 0 : i32
      %dma_wait3A_76 = arith.constant 0 : i32
      %dma_wait3A_77 = tpu.memref_slice %arg7[%dma_wait3A, %dma_wait3A_76] : memref<321x128xi32, #tpu.memory_space<vmem>> -> memref<320x128xi32, #tpu.memory_space<vmem>>
      %dma_wait3A_78 = arith.constant 0 : i32
      %dma_wait3A_79 = tpu.memref_slice %arg5[%mul3A_2, %dma_wait3A_78] : memref<10240x128xi32, #tpu.memory_space<hbm>> -> memref<320x128xi32, #tpu.memory_space<hbm>>
      %dma_wait3A_80 = arith.constant 0 : i32
      %dma_wait3A_81 = tpu.memref_slice %arg5[%mul3A_2, %dma_wait3A_80] : memref<10240x128xi32, #tpu.memory_space<hbm>> -> memref<320x128xi32, #tpu.memory_space<hbm>>
      %dma_wait3A_82 = arith.constant 0 : i32
      %dma_wait3A_83 = arith.constant 0 : i32
      %dma_wait3A_84 = tpu.memref_slice %arg7[%dma_wait3A_82, %dma_wait3A_83] : memref<321x128xi32, #tpu.memory_space<vmem>> -> memref<320x128xi32, #tpu.memory_space<vmem>>
      tpu.wait_dma2 semaphore(%run_scoped3A : memref<!tpu.dma_semaphore, #tpu.memory_space<semaphore_mem>>) src(%dma_wait3A_84 : memref<320x128xi32, #tpu.memory_space<vmem>>) dst(%dma_wait3A_81 : memref<320x128xi32, #tpu.memory_space<hbm>>)
      tpu.yield
    }) : () -> ()
    "tpu.region"() ({
      %run_scoped3A = tpu.sem_alloc : memref<!tpu.dma_semaphore, #tpu.memory_space<semaphore_mem>>
      %dma_start3A_66 = arith.constant 0 : i32
      %dma_start3A_67 = arith.constant 0 : i32
      %dma_start3A_68 = tpu.memref_slice %arg8[%dma_start3A_66, %dma_start3A_67] : memref<321x128xi32, #tpu.memory_space<vmem>> -> memref<320x128xi32, #tpu.memory_space<vmem>>
      %dma_start3A_69 = arith.constant 0 : i32
      %dma_start3A_70 = tpu.memref_slice %arg6[%mul3A_2, %dma_start3A_69] : memref<10240x128xi32, #tpu.memory_space<hbm>> -> memref<320x128xi32, #tpu.memory_space<hbm>>
      %dma_start3A_71 = arith.constant 0 : i32
      %dma_start3A_72 = tpu.memref_slice %arg6[%mul3A_2, %dma_start3A_71] : memref<10240x128xi32, #tpu.memory_space<hbm>> -> memref<320x128xi32, #tpu.memory_space<hbm>>
      %dma_start3A_73 = arith.constant 0 : i32
      %dma_start3A_74 = arith.constant 0 : i32
      %dma_start3A_75 = tpu.memref_slice %arg8[%dma_start3A_73, %dma_start3A_74] : memref<321x128xi32, #tpu.memory_space<vmem>> -> memref<320x128xi32, #tpu.memory_space<vmem>>
      tpu.enqueue_dma source(%dma_start3A_75 : memref<320x128xi32, #tpu.memory_space<vmem>>) target(%dma_start3A_72 : memref<320x128xi32, #tpu.memory_space<hbm>>) target_semaphore(%run_scoped3A : memref<!tpu.dma_semaphore, #tpu.memory_space<semaphore_mem>>)
      %dma_wait3A = arith.constant 0 : i32
      %dma_wait3A_76 = arith.constant 0 : i32
      %dma_wait3A_77 = tpu.memref_slice %arg8[%dma_wait3A, %dma_wait3A_76] : memref<321x128xi32, #tpu.memory_space<vmem>> -> memref<320x128xi32, #tpu.memory_space<vmem>>
      %dma_wait3A_78 = arith.constant 0 : i32
      %dma_wait3A_79 = tpu.memref_slice %arg6[%mul3A_2, %dma_wait3A_78] : memref<10240x128xi32, #tpu.memory_space<hbm>> -> memref<320x128xi32, #tpu.memory_space<hbm>>
      %dma_wait3A_80 = arith.constant 0 : i32
      %dma_wait3A_81 = tpu.memref_slice %arg6[%mul3A_2, %dma_wait3A_80] : memref<10240x128xi32, #tpu.memory_space<hbm>> -> memref<320x128xi32, #tpu.memory_space<hbm>>
      %dma_wait3A_82 = arith.constant 0 : i32
      %dma_wait3A_83 = arith.constant 0 : i32
      %dma_wait3A_84 = tpu.memref_slice %arg8[%dma_wait3A_82, %dma_wait3A_83] : memref<321x128xi32, #tpu.memory_space<vmem>> -> memref<320x128xi32, #tpu.memory_space<vmem>>
      tpu.wait_dma2 semaphore(%run_scoped3A : memref<!tpu.dma_semaphore, #tpu.memory_space<semaphore_mem>>) src(%dma_wait3A_84 : memref<320x128xi32, #tpu.memory_space<vmem>>) dst(%dma_wait3A_81 : memref<320x128xi32, #tpu.memory_space<hbm>>)
      tpu.yield
    }) : () -> ()
    return
  }
}

#map = affine_map<(d0, d1) -> (0)>
#map1 = affine_map<(d0, d1) -> (0, 0)>
module attributes {stable_mosaic.version = 14 : i64} {
  func.func @_sc_minmax_body(%arg0: i32, %arg1: i32, %arg2: memref<1310720xi32, #tpu.memory_space<hbm>>, %arg3: memref<160000xi32, #tpu.memory_space<hbm>>, %arg4: memref<160000xi32, #tpu.memory_space<hbm>>, %arg5: memref<10240x128xi32, #tpu.memory_space<hbm>>, %arg6: memref<10240x128xi32, #tpu.memory_space<hbm>>, %arg7: memref<321x128xi32, #tpu.memory_space<vmem>>, %arg8: memref<321x128xi32, #tpu.memory_space<vmem>>, %arg9: memref<32768xi32, #tpu.memory_space<vmem>>, %arg10: memref<12816xi32, #tpu.memory_space<vmem>>, %arg11: memref<128xi32, #tpu.memory_space<vmem>>, %arg12: memref<80xi32, #tpu.memory_space<smem>>, %arg13: memref<!tpu.dma_semaphore, #tpu.memory_space<semaphore_mem>>) attributes {dimension_semantics = [#tpu.dimension_semantics<core_parallel>, #tpu.dimension_semantics<subcore_parallel>], iteration_bounds = array<i64: 2, 16>, scalar_prefetch = 0 : i64, scratch_operands = 7 : i64, tpu.core_type = #tpu.core_type<sc_vector_subcore>, window_params = [{transform_indices = #map}, {transform_indices = #map}, {transform_indices = #map}, {transform_indices = #map1}, {transform_indices = #map1}]} {
    %mul3A = arith.constant 2 : i32
    %mul3A_0 = arith.muli %arg1, %mul3A : i32
    %add3A = arith.addi %mul3A_0, %arg0 : i32
    %mul3A_1 = arith.constant 320 : i32
    %mul3A_2 = arith.muli %add3A, %mul3A_1 : i32
    %broadcast_in_dim3A = arith.constant -1082081408 : i32
    %broadcast_in_dim3A_3 = vector.broadcast %broadcast_in_dim3A : i32 to vector<16xi32>
    %broadcast_in_dim3A_4 = arith.constant 2138603384 : i32
    %broadcast_in_dim3A_5 = vector.broadcast %broadcast_in_dim3A_4 : i32 to vector<16xi32>
    %scan3A = arith.constant 0 : i32
    %scan3A_6 = arith.constant 0 : i32
    %scan3A_7 = arith.constant 321 : i32
    %scan3A_8 = arith.addi %scan3A_6, %scan3A_7 : i32
    %scan3A_9 = arith.constant 1 : i32
    %scan3A_10 = scf.for %scan3A_66 = %scan3A_6 to %scan3A_8 step %scan3A_9 iter_args(%scan3A_67 = %scan3A) -> (i32)  : i32 {
      %swap3A = arith.index_cast %scan3A_66 : i32 to index
      %swap3A_68 = arith.constant 0 : index
      %swap3A_69 = tpu.vector_load %arg7[%swap3A, %swap3A_68] {strides = array<i32>} : memref<321x128xi32, #tpu.memory_space<vmem>>, vector<16xi32>,
      tpu.vector_store %arg7[%swap3A, %swap3A_68], %broadcast_in_dim3A_3 {strides = array<i32>} : memref<321x128xi32, #tpu.memory_space<vmem>>, vector<16xi32>,
      %swap3A_70 = arith.index_cast %scan3A_66 : i32 to index
      %swap3A_71 = arith.constant 0 : index
      %swap3A_72 = tpu.vector_load %arg8[%swap3A_70, %swap3A_71] {strides = array<i32>} : memref<321x128xi32, #tpu.memory_space<vmem>>, vector<16xi32>,
      tpu.vector_store %arg8[%swap3A_70, %swap3A_71], %broadcast_in_dim3A_5 {strides = array<i32>} : memref<321x128xi32, #tpu.memory_space<vmem>>, vector<16xi32>,
      %swap3A_73 = arith.index_cast %scan3A_66 : i32 to index
      %swap3A_74 = arith.constant 16 : index
      %swap3A_75 = tpu.vector_load %arg7[%swap3A_73, %swap3A_74] {strides = array<i32>} : memref<321x128xi32, #tpu.memory_space<vmem>>, vector<16xi32>,
      tpu.vector_store %arg7[%swap3A_73, %swap3A_74], %broadcast_in_dim3A_3 {strides = array<i32>} : memref<321x128xi32, #tpu.memory_space<vmem>>, vector<16xi32>,
      %swap3A_76 = arith.index_cast %scan3A_66 : i32 to index
      %swap3A_77 = arith.constant 16 : index
      %swap3A_78 = tpu.vector_load %arg8[%swap3A_76, %swap3A_77] {strides = array<i32>} : memref<321x128xi32, #tpu.memory_space<vmem>>, vector<16xi32>,
      tpu.vector_store %arg8[%swap3A_76, %swap3A_77], %broadcast_in_dim3A_5 {strides = array<i32>} : memref<321x128xi32, #tpu.memory_space<vmem>>, vector<16xi32>,
      %swap3A_79 = arith.index_cast %scan3A_66 : i32 to index
      %swap3A_80 = arith.constant 32 : index
      %swap3A_81 = tpu.vector_load %arg7[%swap3A_79, %swap3A_80] {strides = array<i32>} : memref<321x128xi32, #tpu.memory_space<vmem>>, vector<16xi32>,
      tpu.vector_store %arg7[%swap3A_79, %swap3A_80], %broadcast_in_dim3A_3 {strides = array<i32>} : memref<321x128xi32, #tpu.memory_space<vmem>>, vector<16xi32>,
      %swap3A_82 = arith.index_cast %scan3A_66 : i32 to index
      %swap3A_83 = arith.constant 32 : index
      %swap3A_84 = tpu.vector_load %arg8[%swap3A_82, %swap3A_83] {strides = array<i32>} : memref<321x128xi32, #tpu.memory_space<vmem>>, vector<16xi32>,
      tpu.vector_store %arg8[%swap3A_82, %swap3A_83], %broadcast_in_dim3A_5 {strides = array<i32>} : memref<321x128xi32, #tpu.memory_space<vmem>>, vector<16xi32>,
      %swap3A_85 = arith.index_cast %scan3A_66 : i32 to index
      %swap3A_86 = arith.constant 48 : index
      %swap3A_87 = tpu.vector_load %arg7[%swap3A_85, %swap3A_86] {strides = array<i32>} : memref<321x128xi32, #tpu.memory_space<vmem>>, vector<16xi32>,
      tpu.vector_store %arg7[%swap3A_85, %swap3A_86], %broadcast_in_dim3A_3 {strides = array<i32>} : memref<321x128xi32, #tpu.memory_space<vmem>>, vector<16xi32>,
      %swap3A_88 = arith.index_cast %scan3A_66 : i32 to index
      %swap3A_89 = arith.constant 48 : index
      %swap3A_90 = tpu.vector_load %arg8[%swap3A_88, %swap3A_89] {strides = array<i32>} : memref<321x128xi32, #tpu.memory_space<vmem>>, vector<16xi32>,
      tpu.vector_store %arg8[%swap3A_88, %swap3A_89], %broadcast_in_dim3A_5 {strides = array<i32>} : memref<321x128xi32, #tpu.memory_space<vmem>>, vector<16xi32>,
      %swap3A_91 = arith.index_cast %scan3A_66 : i32 to index
      %swap3A_92 = arith.constant 64 : index
      %swap3A_93 = tpu.vector_load %arg7[%swap3A_91, %swap3A_92] {strides = array<i32>} : memref<321x128xi32, #tpu.memory_space<vmem>>, vector<16xi32>,
      tpu.vector_store %arg7[%swap3A_91, %swap3A_92], %broadcast_in_dim3A_3 {strides = array<i32>} : memref<321x128xi32, #tpu.memory_space<vmem>>, vector<16xi32>,
      %swap3A_94 = arith.index_cast %scan3A_66 : i32 to index
      %swap3A_95 = arith.constant 64 : index
      %swap3A_96 = tpu.vector_load %arg8[%swap3A_94, %swap3A_95] {strides = array<i32>} : memref<321x128xi32, #tpu.memory_space<vmem>>, vector<16xi32>,
      tpu.vector_store %arg8[%swap3A_94, %swap3A_95], %broadcast_in_dim3A_5 {strides = array<i32>} : memref<321x128xi32, #tpu.memory_space<vmem>>, vector<16xi32>,
      %swap3A_97 = arith.index_cast %scan3A_66 : i32 to index
      %swap3A_98 = arith.constant 80 : index
      %swap3A_99 = tpu.vector_load %arg7[%swap3A_97, %swap3A_98] {strides = array<i32>} : memref<321x128xi32, #tpu.memory_space<vmem>>, vector<16xi32>,
      tpu.vector_store %arg7[%swap3A_97, %swap3A_98], %broadcast_in_dim3A_3 {strides = array<i32>} : memref<321x128xi32, #tpu.memory_space<vmem>>, vector<16xi32>,
      %swap3A_100 = arith.index_cast %scan3A_66 : i32 to index
      %swap3A_101 = arith.constant 80 : index
      %swap3A_102 = tpu.vector_load %arg8[%swap3A_100, %swap3A_101] {strides = array<i32>} : memref<321x128xi32, #tpu.memory_space<vmem>>, vector<16xi32>,
      tpu.vector_store %arg8[%swap3A_100, %swap3A_101], %broadcast_in_dim3A_5 {strides = array<i32>} : memref<321x128xi32, #tpu.memory_space<vmem>>, vector<16xi32>,
      %swap3A_103 = arith.index_cast %scan3A_66 : i32 to index
      %swap3A_104 = arith.constant 96 : index
      %swap3A_105 = tpu.vector_load %arg7[%swap3A_103, %swap3A_104] {strides = array<i32>} : memref<321x128xi32, #tpu.memory_space<vmem>>, vector<16xi32>,
      tpu.vector_store %arg7[%swap3A_103, %swap3A_104], %broadcast_in_dim3A_3 {strides = array<i32>} : memref<321x128xi32, #tpu.memory_space<vmem>>, vector<16xi32>,
      %swap3A_106 = arith.index_cast %scan3A_66 : i32 to index
      %swap3A_107 = arith.constant 96 : index
      %swap3A_108 = tpu.vector_load %arg8[%swap3A_106, %swap3A_107] {strides = array<i32>} : memref<321x128xi32, #tpu.memory_space<vmem>>, vector<16xi32>,
      tpu.vector_store %arg8[%swap3A_106, %swap3A_107], %broadcast_in_dim3A_5 {strides = array<i32>} : memref<321x128xi32, #tpu.memory_space<vmem>>, vector<16xi32>,
      %swap3A_109 = arith.index_cast %scan3A_66 : i32 to index
      %swap3A_110 = arith.constant 112 : index
      %swap3A_111 = tpu.vector_load %arg7[%swap3A_109, %swap3A_110] {strides = array<i32>} : memref<321x128xi32, #tpu.memory_space<vmem>>, vector<16xi32>,
      tpu.vector_store %arg7[%swap3A_109, %swap3A_110], %broadcast_in_dim3A_3 {strides = array<i32>} : memref<321x128xi32, #tpu.memory_space<vmem>>, vector<16xi32>,
      %swap3A_112 = arith.index_cast %scan3A_66 : i32 to index
      %swap3A_113 = arith.constant 112 : index
      %swap3A_114 = tpu.vector_load %arg8[%swap3A_112, %swap3A_113] {strides = array<i32>} : memref<321x128xi32, #tpu.memory_space<vmem>>, vector<16xi32>,
      tpu.vector_store %arg8[%swap3A_112, %swap3A_113], %broadcast_in_dim3A_5 {strides = array<i32>} : memref<321x128xi32, #tpu.memory_space<vmem>>, vector<16xi32>,
      %scan3A_115 = arith.constant 0 : i32
      scf.yield %scan3A_115 : i32
    }
    %scan3A_11 = arith.constant 321 : i32
    %scan3A_12 = arith.constant 0 : i32
    %scan3A_13 = arith.constant 0 : i32
    %scan3A_14 = arith.constant 80 : i32
    %scan3A_15 = arith.addi %scan3A_13, %scan3A_14 : i32
    %scan3A_16 = arith.constant 1 : i32
    %scan3A_17 = scf.for %scan3A_66 = %scan3A_13 to %scan3A_15 step %scan3A_16 iter_args(%scan3A_67 = %scan3A_12) -> (i32)  : i32 {
      %swap3A = arith.constant 0 : i32
      %swap3A_68 = arith.index_cast %scan3A_66 : i32 to index
      %swap3A_69 = memref.load %arg12[%swap3A_68] : memref<80xi32, #tpu.memory_space<smem>>
      memref.store %swap3A, %arg12[%swap3A_68] : memref<80xi32, #tpu.memory_space<smem>>
      %scan3A_70 = arith.constant 0 : i32
      scf.yield %scan3A_70 : i32
    }
    %scan3A_18 = arith.constant 80 : i32
    %iota3A = tpu.iota {dimensions = array<i32: 0>} : vector<16xi32>
    %add3A_19 = arith.constant 32000 : i32
    %add3A_20 = vector.broadcast %add3A_19 : i32 to vector<16xi32>
    %add3A_21 = arith.addi %iota3A, %add3A_20 : vector<16xi32>
    %add3A_22 = arith.constant 12800 : i32
    %add3A_23 = vector.broadcast %add3A_22 : i32 to vector<16xi32>
    %add3A_24 = arith.addi %iota3A, %add3A_23 : vector<16xi32>
    %broadcast_in_dim3A_25 = vector.broadcast %mul3A_2 : i32 to vector<16xi32>
    %add3A_26 = arith.constant 320 : i32
    %add3A_27 = vector.broadcast %add3A_26 : i32 to vector<16xi32>
    %add3A_28 = arith.addi %broadcast_in_dim3A_25, %add3A_27 : vector<16xi32>
    %dma_start3A = arith.constant 0 : i32
    %dma_start3A_29 = tpu.memref_slice %arg9[%dma_start3A] : memref<32768xi32, #tpu.memory_space<vmem>> -> memref<6400xi32, #tpu.memory_space<vmem>>
    %dma_start3A_30 = arith.constant 0 : i32
    %dma_start3A_31 = tpu.memref_slice %arg4[%dma_start3A_30] : memref<160000xi32, #tpu.memory_space<hbm>> -> memref<6400xi32, #tpu.memory_space<hbm>>
    %dma_start3A_32 = arith.constant 0 : i32
    %dma_start3A_33 = tpu.memref_slice %arg9[%dma_start3A_32] : memref<32768xi32, #tpu.memory_space<vmem>> -> memref<6400xi32, #tpu.memory_space<vmem>>
    %dma_start3A_34 = arith.constant 0 : i32
    %dma_start3A_35 = tpu.memref_slice %arg4[%dma_start3A_34] : memref<160000xi32, #tpu.memory_space<hbm>> -> memref<6400xi32, #tpu.memory_space<hbm>>
    tpu.enqueue_dma source(%dma_start3A_35 : memref<6400xi32, #tpu.memory_space<hbm>>) target(%dma_start3A_33 : memref<6400xi32, #tpu.memory_space<vmem>>) target_semaphore(%arg13 : memref<!tpu.dma_semaphore, #tpu.memory_space<semaphore_mem>>)
    %dma_start3A_36 = arith.constant 6400 : i32
    %dma_start3A_37 = tpu.memref_slice %arg9[%dma_start3A_36] : memref<32768xi32, #tpu.memory_space<vmem>> -> memref<6400xi32, #tpu.memory_space<vmem>>
    %dma_start3A_38 = arith.constant 0 : i32
    %dma_start3A_39 = tpu.memref_slice %arg3[%dma_start3A_38] : memref<160000xi32, #tpu.memory_space<hbm>> -> memref<6400xi32, #tpu.memory_space<hbm>>
    %dma_start3A_40 = arith.constant 6400 : i32
    %dma_start3A_41 = tpu.memref_slice %arg9[%dma_start3A_40] : memref<32768xi32, #tpu.memory_space<vmem>> -> memref<6400xi32, #tpu.memory_space<vmem>>
    %dma_start3A_42 = arith.constant 0 : i32
    %dma_start3A_43 = tpu.memref_slice %arg3[%dma_start3A_42] : memref<160000xi32, #tpu.memory_space<hbm>> -> memref<6400xi32, #tpu.memory_space<hbm>>
    tpu.enqueue_dma source(%dma_start3A_43 : memref<6400xi32, #tpu.memory_space<hbm>>) target(%dma_start3A_41 : memref<6400xi32, #tpu.memory_space<vmem>>) target_semaphore(%arg13 : memref<!tpu.dma_semaphore, #tpu.memory_space<semaphore_mem>>)
    %scan3A_44 = arith.constant 0 : i32
    %scan3A_45 = arith.constant 0 : i32
    %scan3A_46 = arith.constant 25 : i32
    %scan3A_47 = arith.addi %scan3A_45, %scan3A_46 : i32
    %scan3A_48 = arith.constant 1 : i32
    %scan3A_49 = scf.for %scan3A_66 = %scan3A_45 to %scan3A_47 step %scan3A_48 iter_args(%scan3A_67 = %scan3A_44) -> (i32)  : i32 {
      %dma_wait3A = arith.constant 0 : i32
      %dma_wait3A_68 = tpu.memref_slice %arg9[%dma_wait3A] : memref<32768xi32, #tpu.memory_space<vmem>> -> memref<12800xi32, #tpu.memory_space<vmem>>
      %dma_wait3A_69 = arith.constant 0 : i32
      %dma_wait3A_70 = tpu.memref_slice %arg4[%dma_wait3A_69] : memref<160000xi32, #tpu.memory_space<hbm>> -> memref<12800xi32, #tpu.memory_space<hbm>>
      %dma_wait3A_71 = arith.constant 0 : i32
      %dma_wait3A_72 = tpu.memref_slice %arg9[%dma_wait3A_71] : memref<32768xi32, #tpu.memory_space<vmem>> -> memref<12800xi32, #tpu.memory_space<vmem>>
      %dma_wait3A_73 = arith.constant 0 : i32
      %dma_wait3A_74 = tpu.memref_slice %arg4[%dma_wait3A_73] : memref<160000xi32, #tpu.memory_space<hbm>> -> memref<12800xi32, #tpu.memory_space<hbm>>
      tpu.wait_dma2 semaphore(%arg13 : memref<!tpu.dma_semaphore, #tpu.memory_space<semaphore_mem>>) src(%dma_wait3A_74 : memref<12800xi32, #tpu.memory_space<hbm>>) dst(%dma_wait3A_72 : memref<12800xi32, #tpu.memory_space<vmem>>)
      %add3A_75 = arith.constant 1 : i32
      %add3A_76 = arith.addi %scan3A_66, %add3A_75 : i32
      %lt3A = arith.constant 25 : i32
      %lt3A_77 = arith.cmpi slt, %add3A_76, %lt3A : i32
      %convert_element_type3A = arith.extui %lt3A_77 : i1 to i32
      %cond3A = arith.constant 0 : i32
      %cond3A_78 = arith.cmpi ne, %convert_element_type3A, %cond3A : i32
      scf.if %cond3A_78 {
        %add3A_112 = arith.constant 1 : i32
        %add3A_113 = arith.addi %scan3A_66, %add3A_112 : i32
        %jit3A_114 = arith.constant 2 : i32
        %eq3A_115 = arith.constant 0 : i32
        %eq3A_116 = arith.cmpi eq, %jit3A_114, %eq3A_115 : i32
        %jit3A_117 = arith.constant 1 : i32
        %select_n3A_118 = arith.select %eq3A_116, %jit3A_117, %jit3A_114 : i32
        %rem3A_119 = arith.remsi %add3A_113, %select_n3A_118 : i32
        %ne3A_120 = arith.constant 0 : i32
        %ne3A_121 = arith.cmpi ne, %rem3A_119, %ne3A_120 : i32
        %lt3A_122 = arith.constant 0 : i32
        %lt3A_123 = arith.cmpi slt, %rem3A_119, %lt3A_122 : i32
        %lt3A_124 = arith.constant 0 : i32
        %lt3A_125 = arith.cmpi slt, %select_n3A_118, %lt3A_124 : i32
        %ne3A_126 = arith.xori %lt3A_123, %lt3A_125 : i1
        %and3A_127 = arith.andi %ne3A_126, %ne3A_121 : i1
        %add3A_128 = arith.addi %rem3A_119, %select_n3A_118 : i32
        %select_n3A_129 = arith.select %and3A_127, %add3A_128, %rem3A_119 : i32
        %mul3A_130 = arith.constant 2 : i32
        %mul3A_131 = arith.muli %select_n3A_129, %mul3A_130 : i32
        %mul3A_132 = arith.constant 6400 : i32
        %mul3A_133 = arith.muli %mul3A_131, %mul3A_132 : i32
        %mul3A_134 = arith.constant 6400 : i32
        %mul3A_135 = arith.muli %add3A_113, %mul3A_134 : i32
        %dma_start3A_136 = tpu.memref_slice %arg9[%mul3A_133] : memref<32768xi32, #tpu.memory_space<vmem>> -> memref<6400xi32, #tpu.memory_space<vmem>>
        %dma_start3A_137 = tpu.memref_slice %arg4[%mul3A_135] : memref<160000xi32, #tpu.memory_space<hbm>> -> memref<6400xi32, #tpu.memory_space<hbm>>
        %dma_start3A_138 = tpu.memref_slice %arg9[%mul3A_133] : memref<32768xi32, #tpu.memory_space<vmem>> -> memref<6400xi32, #tpu.memory_space<vmem>>
        %dma_start3A_139 = tpu.memref_slice %arg4[%mul3A_135] : memref<160000xi32, #tpu.memory_space<hbm>> -> memref<6400xi32, #tpu.memory_space<hbm>>
        tpu.enqueue_dma source(%dma_start3A_139 : memref<6400xi32, #tpu.memory_space<hbm>>) target(%dma_start3A_138 : memref<6400xi32, #tpu.memory_space<vmem>>) target_semaphore(%arg13 : memref<!tpu.dma_semaphore, #tpu.memory_space<semaphore_mem>>)
        %mul3A_140 = arith.constant 6400 : i32
        %mul3A_141 = arith.muli %add3A_113, %mul3A_140 : i32
        %add3A_142 = arith.constant 6400 : i32
        %add3A_143 = arith.addi %mul3A_133, %add3A_142 : i32
        %dma_start3A_144 = tpu.memref_slice %arg9[%add3A_143] : memref<32768xi32, #tpu.memory_space<vmem>> -> memref<6400xi32, #tpu.memory_space<vmem>>
        %dma_start3A_145 = tpu.memref_slice %arg3[%mul3A_141] : memref<160000xi32, #tpu.memory_space<hbm>> -> memref<6400xi32, #tpu.memory_space<hbm>>
        %dma_start3A_146 = tpu.memref_slice %arg9[%add3A_143] : memref<32768xi32, #tpu.memory_space<vmem>> -> memref<6400xi32, #tpu.memory_space<vmem>>
        %dma_start3A_147 = tpu.memref_slice %arg3[%mul3A_141] : memref<160000xi32, #tpu.memory_space<hbm>> -> memref<6400xi32, #tpu.memory_space<hbm>>
        tpu.enqueue_dma source(%dma_start3A_147 : memref<6400xi32, #tpu.memory_space<hbm>>) target(%dma_start3A_146 : memref<6400xi32, #tpu.memory_space<vmem>>) target_semaphore(%arg13 : memref<!tpu.dma_semaphore, #tpu.memory_space<semaphore_mem>>)
      } else {
      }
      %jit3A = arith.constant 2 : i32
      %eq3A = arith.constant 0 : i32
      %eq3A_79 = arith.cmpi eq, %jit3A, %eq3A : i32
      %jit3A_80 = arith.constant 1 : i32
      %select_n3A = arith.select %eq3A_79, %jit3A_80, %jit3A : i32
      %rem3A = arith.remsi %scan3A_66, %select_n3A : i32
      %ne3A = arith.constant 0 : i32
      %ne3A_81 = arith.cmpi ne, %rem3A, %ne3A : i32
      %lt3A_82 = arith.constant 0 : i32
      %lt3A_83 = arith.cmpi slt, %rem3A, %lt3A_82 : i32
      %lt3A_84 = arith.constant 0 : i32
      %lt3A_85 = arith.cmpi slt, %select_n3A, %lt3A_84 : i32
      %ne3A_86 = arith.xori %lt3A_83, %lt3A_85 : i1
      %and3A = arith.andi %ne3A_86, %ne3A_81 : i1
      %add3A_87 = arith.addi %rem3A, %select_n3A : i32
      %select_n3A_88 = arith.select %and3A, %add3A_87, %rem3A : i32
      %mul3A_89 = arith.constant 2 : i32
      %mul3A_90 = arith.muli %select_n3A_88, %mul3A_89 : i32
      %mul3A_91 = arith.constant 6400 : i32
      %mul3A_92 = arith.muli %mul3A_90, %mul3A_91 : i32
      %scan3A_93 = arith.constant 0 : i32
      %scan3A_94 = arith.constant 0 : i32
      %scan3A_95 = arith.constant 100 : i32
      %scan3A_96 = arith.addi %scan3A_94, %scan3A_95 : i32
      %scan3A_97 = arith.constant 1 : i32
      %scan3A_98 = scf.for %scan3A_112 = %scan3A_94 to %scan3A_96 step %scan3A_97 iter_args(%scan3A_113 = %scan3A_93) -> (i32)  : i32 {
        %mul3A_114 = arith.constant 16 : i32
        %mul3A_115 = arith.muli %scan3A_112, %mul3A_114 : i32
        %mul3A_116 = arith.constant 4 : i32
        %mul3A_117 = arith.muli %mul3A_115, %mul3A_116 : i32
        %add3A_118 = arith.constant 0 : i32
        %add3A_119 = arith.addi %mul3A_117, %add3A_118 : i32
        %add3A_120 = arith.addi %mul3A_92, %add3A_119 : i32
        %get3A = arith.index_cast %add3A_120 : i32 to index
        %get3A_121 = tpu.vector_load %arg9[%get3A] {strides = array<i32>} : memref<32768xi32, #tpu.memory_space<vmem>>, vector<16xi32>,
        %add3A_122 = arith.constant 6400 : i32
        %add3A_123 = arith.addi %mul3A_92, %add3A_122 : i32
        %add3A_124 = arith.addi %add3A_123, %add3A_119 : i32
        %get3A_125 = arith.index_cast %add3A_124 : i32 to index
        %get3A_126 = tpu.vector_load %arg9[%get3A_125] {strides = array<i32>} : memref<32768xi32, #tpu.memory_space<vmem>>, vector<16xi32>,
        %ge3A = arith.cmpi sge, %get3A_121, %broadcast_in_dim3A_25 : vector<16xi32>
        %lt3A_127 = arith.cmpi slt, %get3A_121, %add3A_28 : vector<16xi32>
        %and3A_128 = arith.andi %ge3A, %lt3A_127 : vector<16xi1>
        %convert_element_type3A_129 = arith.extui %and3A_128 : vector<16xi1> to vector<16xi32>
        %broadcast_in_dim3A_130 = arith.constant true
        %broadcast_in_dim3A_131 = vector.broadcast %broadcast_in_dim3A_130 : i1 to vector<16xi1>
        %masked_cumsum3A = tpu.scan <sum>, %convert_element_type3A_129 masked %broadcast_in_dim3A_131 : vector<16xi32>, vector<16xi1> -> vector<16xi32>
        %mul3A_132 = arith.constant 512 : i32
        %mul3A_133 = vector.broadcast %mul3A_132 : i32 to vector<16xi32>
        %mul3A_134 = arith.muli %get3A_126, %mul3A_133 : vector<16xi32>
        %sub3A = arith.subi %get3A_121, %broadcast_in_dim3A_25 : vector<16xi32>
        %add3A_135 = arith.addi %mul3A_134, %sub3A : vector<16xi32>
        %mul3A_136 = arith.constant 16 : i32
        %mul3A_137 = arith.muli %scan3A_112, %mul3A_136 : i32
        %mul3A_138 = arith.constant 4 : i32
        %mul3A_139 = arith.muli %mul3A_137, %mul3A_138 : i32
        %add3A_140 = arith.constant 16 : i32
        %add3A_141 = arith.addi %mul3A_139, %add3A_140 : i32
        %add3A_142 = arith.addi %mul3A_92, %add3A_141 : i32
        %get3A_143 = arith.index_cast %add3A_142 : i32 to index
        %get3A_144 = tpu.vector_load %arg9[%get3A_143] {strides = array<i32>} : memref<32768xi32, #tpu.memory_space<vmem>>, vector<16xi32>,
        %add3A_145 = arith.constant 6400 : i32
        %add3A_146 = arith.addi %mul3A_92, %add3A_145 : i32
        %add3A_147 = arith.addi %add3A_146, %add3A_141 : i32
        %get3A_148 = arith.index_cast %add3A_147 : i32 to index
        %get3A_149 = tpu.vector_load %arg9[%get3A_148] {strides = array<i32>} : memref<32768xi32, #tpu.memory_space<vmem>>, vector<16xi32>,
        %ge3A_150 = arith.cmpi sge, %get3A_144, %broadcast_in_dim3A_25 : vector<16xi32>
        %lt3A_151 = arith.cmpi slt, %get3A_144, %add3A_28 : vector<16xi32>
        %and3A_152 = arith.andi %ge3A_150, %lt3A_151 : vector<16xi1>
        %convert_element_type3A_153 = arith.extui %and3A_152 : vector<16xi1> to vector<16xi32>
        %broadcast_in_dim3A_154 = arith.constant true
        %broadcast_in_dim3A_155 = vector.broadcast %broadcast_in_dim3A_154 : i1 to vector<16xi1>
        %masked_cumsum3A_156 = tpu.scan <sum>, %convert_element_type3A_153 masked %broadcast_in_dim3A_155 : vector<16xi32>, vector<16xi1> -> vector<16xi32>
        %mul3A_157 = arith.constant 512 : i32
        %mul3A_158 = vector.broadcast %mul3A_157 : i32 to vector<16xi32>
        %mul3A_159 = arith.muli %get3A_149, %mul3A_158 : vector<16xi32>
        %sub3A_160 = arith.subi %get3A_144, %broadcast_in_dim3A_25 : vector<16xi32>
        %add3A_161 = arith.addi %mul3A_159, %sub3A_160 : vector<16xi32>
        %mul3A_162 = arith.constant 16 : i32
        %mul3A_163 = arith.muli %scan3A_112, %mul3A_162 : i32
        %mul3A_164 = arith.constant 4 : i32
        %mul3A_165 = arith.muli %mul3A_163, %mul3A_164 : i32
        %add3A_166 = arith.constant 32 : i32
        %add3A_167 = arith.addi %mul3A_165, %add3A_166 : i32
        %add3A_168 = arith.addi %mul3A_92, %add3A_167 : i32
        %get3A_169 = arith.index_cast %add3A_168 : i32 to index
        %get3A_170 = tpu.vector_load %arg9[%get3A_169] {strides = array<i32>} : memref<32768xi32, #tpu.memory_space<vmem>>, vector<16xi32>,
        %add3A_171 = arith.constant 6400 : i32
        %add3A_172 = arith.addi %mul3A_92, %add3A_171 : i32
        %add3A_173 = arith.addi %add3A_172, %add3A_167 : i32
        %get3A_174 = arith.index_cast %add3A_173 : i32 to index
        %get3A_175 = tpu.vector_load %arg9[%get3A_174] {strides = array<i32>} : memref<32768xi32, #tpu.memory_space<vmem>>, vector<16xi32>,
        %ge3A_176 = arith.cmpi sge, %get3A_170, %broadcast_in_dim3A_25 : vector<16xi32>
        %lt3A_177 = arith.cmpi slt, %get3A_170, %add3A_28 : vector<16xi32>
        %and3A_178 = arith.andi %ge3A_176, %lt3A_177 : vector<16xi1>
        %convert_element_type3A_179 = arith.extui %and3A_178 : vector<16xi1> to vector<16xi32>
        %broadcast_in_dim3A_180 = arith.constant true
        %broadcast_in_dim3A_181 = vector.broadcast %broadcast_in_dim3A_180 : i1 to vector<16xi1>
        %masked_cumsum3A_182 = tpu.scan <sum>, %convert_element_type3A_179 masked %broadcast_in_dim3A_181 : vector<16xi32>, vector<16xi1> -> vector<16xi32>
        %mul3A_183 = arith.constant 512 : i32
        %mul3A_184 = vector.broadcast %mul3A_183 : i32 to vector<16xi32>
        %mul3A_185 = arith.muli %get3A_175, %mul3A_184 : vector<16xi32>
        %sub3A_186 = arith.subi %get3A_170, %broadcast_in_dim3A_25 : vector<16xi32>
        %add3A_187 = arith.addi %mul3A_185, %sub3A_186 : vector<16xi32>
        %mul3A_188 = arith.constant 16 : i32
        %mul3A_189 = arith.muli %scan3A_112, %mul3A_188 : i32
        %mul3A_190 = arith.constant 4 : i32
        %mul3A_191 = arith.muli %mul3A_189, %mul3A_190 : i32
        %add3A_192 = arith.constant 48 : i32
        %add3A_193 = arith.addi %mul3A_191, %add3A_192 : i32
        %add3A_194 = arith.addi %mul3A_92, %add3A_193 : i32
        %get3A_195 = arith.index_cast %add3A_194 : i32 to index
        %get3A_196 = tpu.vector_load %arg9[%get3A_195] {strides = array<i32>} : memref<32768xi32, #tpu.memory_space<vmem>>, vector<16xi32>,
        %add3A_197 = arith.constant 6400 : i32
        %add3A_198 = arith.addi %mul3A_92, %add3A_197 : i32
        %add3A_199 = arith.addi %add3A_198, %add3A_193 : i32
        %get3A_200 = arith.index_cast %add3A_199 : i32 to index
        %get3A_201 = tpu.vector_load %arg9[%get3A_200] {strides = array<i32>} : memref<32768xi32, #tpu.memory_space<vmem>>, vector<16xi32>,
        %ge3A_202 = arith.cmpi sge, %get3A_196, %broadcast_in_dim3A_25 : vector<16xi32>
        %lt3A_203 = arith.cmpi slt, %get3A_196, %add3A_28 : vector<16xi32>
        %and3A_204 = arith.andi %ge3A_202, %lt3A_203 : vector<16xi1>
        %convert_element_type3A_205 = arith.extui %and3A_204 : vector<16xi1> to vector<16xi32>
        %broadcast_in_dim3A_206 = arith.constant true
        %broadcast_in_dim3A_207 = vector.broadcast %broadcast_in_dim3A_206 : i1 to vector<16xi1>
        %masked_cumsum3A_208 = tpu.scan <sum>, %convert_element_type3A_205 masked %broadcast_in_dim3A_207 : vector<16xi32>, vector<16xi1> -> vector<16xi32>
        %mul3A_209 = arith.constant 512 : i32
        %mul3A_210 = vector.broadcast %mul3A_209 : i32 to vector<16xi32>
        %mul3A_211 = arith.muli %get3A_201, %mul3A_210 : vector<16xi32>
        %sub3A_212 = arith.subi %get3A_196, %broadcast_in_dim3A_25 : vector<16xi32>
        %add3A_213 = arith.addi %mul3A_211, %sub3A_212 : vector<16xi32>
        %broadcast_in_dim3A_214 = vector.broadcast %scan3A_113 : i32 to vector<16xi32>
        %add3A_215 = arith.constant 25600 : i32
        %add3A_216 = vector.broadcast %add3A_215 : i32 to vector<16xi32>
        %add3A_217 = arith.addi %add3A_216, %masked_cumsum3A : vector<16xi32>
        %sub3A_218 = arith.subi %add3A_217, %convert_element_type3A_129 : vector<16xi32>
        %add3A_219 = arith.addi %broadcast_in_dim3A_214, %sub3A_218 : vector<16xi32>
        %select_n3A_220 = arith.select %and3A_128, %add3A_219, %add3A_21 : vector<16xi1>, vector<16xi32>
        tpu.vector_store_idx %arg9[%select_n3A_220], %add3A_135 : memref<32768xi32, #tpu.memory_space<vmem>>[vector<16xi32>], vector<16xi32>,
        %slice3A = vector.extract_strided_slice %masked_cumsum3A {offsets = [15], sizes = [1], strides = [1]} : vector<16xi32> to vector<1xi32>
        %squeeze3A = vector.extract %slice3A[0] : i32 from vector<1xi32>
        %add3A_221 = arith.addi %scan3A_113, %squeeze3A : i32
        %broadcast_in_dim3A_222 = vector.broadcast %add3A_221 : i32 to vector<16xi32>
        %add3A_223 = arith.constant 25600 : i32
        %add3A_224 = vector.broadcast %add3A_223 : i32 to vector<16xi32>
        %add3A_225 = arith.addi %add3A_224, %masked_cumsum3A_156 : vector<16xi32>
        %sub3A_226 = arith.subi %add3A_225, %convert_element_type3A_153 : vector<16xi32>
        %add3A_227 = arith.addi %broadcast_in_dim3A_222, %sub3A_226 : vector<16xi32>
        %select_n3A_228 = arith.select %and3A_152, %add3A_227, %add3A_21 : vector<16xi1>, vector<16xi32>
        tpu.vector_store_idx %arg9[%select_n3A_228], %add3A_161 : memref<32768xi32, #tpu.memory_space<vmem>>[vector<16xi32>], vector<16xi32>,
        %slice3A_229 = vector.extract_strided_slice %masked_cumsum3A_156 {offsets = [15], sizes = [1], strides = [1]} : vector<16xi32> to vector<1xi32>
        %squeeze3A_230 = vector.extract %slice3A_229[0] : i32 from vector<1xi32>
        %add3A_231 = arith.addi %add3A_221, %squeeze3A_230 : i32
        %broadcast_in_dim3A_232 = vector.broadcast %add3A_231 : i32 to vector<16xi32>
        %add3A_233 = arith.constant 25600 : i32
        %add3A_234 = vector.broadcast %add3A_233 : i32 to vector<16xi32>
        %add3A_235 = arith.addi %add3A_234, %masked_cumsum3A_182 : vector<16xi32>
        %sub3A_236 = arith.subi %add3A_235, %convert_element_type3A_179 : vector<16xi32>
        %add3A_237 = arith.addi %broadcast_in_dim3A_232, %sub3A_236 : vector<16xi32>
        %select_n3A_238 = arith.select %and3A_178, %add3A_237, %add3A_21 : vector<16xi1>, vector<16xi32>
        tpu.vector_store_idx %arg9[%select_n3A_238], %add3A_187 : memref<32768xi32, #tpu.memory_space<vmem>>[vector<16xi32>], vector<16xi32>,
        %slice3A_239 = vector.extract_strided_slice %masked_cumsum3A_182 {offsets = [15], sizes = [1], strides = [1]} : vector<16xi32> to vector<1xi32>
        %squeeze3A_240 = vector.extract %slice3A_239[0] : i32 from vector<1xi32>
        %add3A_241 = arith.addi %add3A_231, %squeeze3A_240 : i32
        %broadcast_in_dim3A_242 = vector.broadcast %add3A_241 : i32 to vector<16xi32>
        %add3A_243 = arith.constant 25600 : i32
        %add3A_244 = vector.broadcast %add3A_243 : i32 to vector<16xi32>
        %add3A_245 = arith.addi %add3A_244, %masked_cumsum3A_208 : vector<16xi32>
        %sub3A_246 = arith.subi %add3A_245, %convert_element_type3A_205 : vector<16xi32>
        %add3A_247 = arith.addi %broadcast_in_dim3A_242, %sub3A_246 : vector<16xi32>
        %select_n3A_248 = arith.select %and3A_204, %add3A_247, %add3A_21 : vector<16xi1>, vector<16xi32>
        tpu.vector_store_idx %arg9[%select_n3A_248], %add3A_213 : memref<32768xi32, #tpu.memory_space<vmem>>[vector<16xi32>], vector<16xi32>,
        %slice3A_249 = vector.extract_strided_slice %masked_cumsum3A_208 {offsets = [15], sizes = [1], strides = [1]} : vector<16xi32> to vector<1xi32>
        %squeeze3A_250 = vector.extract %slice3A_249[0] : i32 from vector<1xi32>
        %add3A_251 = arith.addi %add3A_241, %squeeze3A_250 : i32
        scf.yield %add3A_251 : i32
      }
      %scan3A_99 = arith.constant 100 : i32
      %while3A = arith.constant 0 : i32
      %while3A_100 = arith.constant 0 : i32
      %while3A_101 = arith.subi %scan3A_98, %while3A : i32
      %while3A_102 = arith.addi %while3A, %while3A_101 : i32
      %while3A_103 = arith.constant 1 : i32
      %while3A_104 = arith.divsi %while3A_101, %while3A_103 : i32
      %while3A_105 = arith.muli %while3A_104, %while3A_103 : i32
      %while3A_106 = arith.addi %while3A, %while3A_105 : i32
      %while3A_107 = arith.constant 1 : i32
      %while3A_108 = scf.for %while3A_112 = %while3A to %while3A_106 step %while3A_107 iter_args(%while3A_113 = %while3A_100) -> (i32)  : i32 {
        %add3A_114 = arith.constant 25600 : i32
        %add3A_115 = arith.addi %add3A_114, %while3A_112 : i32
        %get3A = arith.index_cast %add3A_115 : i32 to index
        %get3A_116 = tpu.vector_load %arg9[%get3A] {strides = array<i32>} : memref<32768xi32, #tpu.memory_space<vmem>>, vector<16xi32>,
        %slice3A = vector.extract_strided_slice %get3A_116 {offsets = [0], sizes = [1], strides = [1]} : vector<16xi32> to vector<1xi32>
        %squeeze3A = vector.extract %slice3A[0] : i32 from vector<1xi32>
        %jit3A_117 = arith.constant 65536 : i32
        %div3A = arith.divsi %squeeze3A, %jit3A_117 : i32
        %sign3A = arith.constant 0 : i32
        %sign3A_118 = arith.cmpi sgt, %squeeze3A, %sign3A : i32
        %sign3A_119 = arith.extui %sign3A_118 : i1 to i32
        %sign3A_120 = arith.constant 0 : i32
        %sign3A_121 = arith.cmpi slt, %squeeze3A, %sign3A_120 : i32
        %sign3A_122 = arith.extui %sign3A_121 : i1 to i32
        %sign3A_123 = arith.subi %sign3A_119, %sign3A_122 : i32
        %sign3A_124 = arith.constant 0 : i32
        %sign3A_125 = arith.cmpi sgt, %jit3A_117, %sign3A_124 : i32
        %sign3A_126 = arith.extui %sign3A_125 : i1 to i32
        %sign3A_127 = arith.constant 0 : i32
        %sign3A_128 = arith.cmpi slt, %jit3A_117, %sign3A_127 : i32
        %sign3A_129 = arith.extui %sign3A_128 : i1 to i32
        %sign3A_130 = arith.subi %sign3A_126, %sign3A_129 : i32
        %ne3A_131 = arith.cmpi ne, %sign3A_123, %sign3A_130 : i32
        %rem3A_132 = arith.remsi %squeeze3A, %jit3A_117 : i32
        %ne3A_133 = arith.constant 0 : i32
        %ne3A_134 = arith.cmpi ne, %rem3A_132, %ne3A_133 : i32
        %and3A_135 = arith.andi %ne3A_131, %ne3A_134 : i1
        %sub3A = arith.constant 1 : i32
        %sub3A_136 = arith.subi %div3A, %sub3A : i32
        %select_n3A_137 = arith.select %and3A_135, %sub3A_136, %div3A : i32
        %get3A_138 = arith.index_cast %select_n3A_137 : i32 to index
        %get3A_139 = memref.load %arg12[%get3A_138] : memref<80xi32, #tpu.memory_space<smem>>
        %add3A_140 = arith.constant 1 : i32
        %add3A_141 = arith.addi %get3A_139, %add3A_140 : i32
        %swap3A = arith.index_cast %select_n3A_137 : i32 to index
        %swap3A_142 = memref.load %arg12[%swap3A] : memref<80xi32, #tpu.memory_space<smem>>
        memref.store %add3A_141, %arg12[%swap3A] : memref<80xi32, #tpu.memory_space<smem>>
        %lt3A_143 = arith.constant 160 : i32
        %lt3A_144 = arith.cmpi slt, %get3A_139, %lt3A_143 : i32
        %mul3A_145 = arith.constant 160 : i32
        %mul3A_146 = arith.muli %select_n3A_137, %mul3A_145 : i32
        %add3A_147 = arith.addi %mul3A_146, %get3A_139 : i32
        %jit3A_148 = arith.constant 12800 : i32
        %select_n3A_149 = arith.select %lt3A_144, %add3A_147, %jit3A_148 : i32
        %lt3A_150 = arith.constant 1 : i32
        %lt3A_151 = vector.broadcast %lt3A_150 : i32 to vector<16xi32>
        %lt3A_152 = arith.cmpi slt, %iota3A, %lt3A_151 : vector<16xi32>
        %broadcast_in_dim3A_153 = vector.broadcast %select_n3A_149 : i32 to vector<16xi32>
        %select_n3A_154 = arith.select %lt3A_152, %broadcast_in_dim3A_153, %add3A_24 : vector<16xi1>, vector<16xi32>
        %broadcast_in_dim3A_155 = vector.broadcast %squeeze3A : i32 to vector<16xi32>
        tpu.vector_store_idx %arg10[%select_n3A_154], %broadcast_in_dim3A_155 : memref<12816xi32, #tpu.memory_space<vmem>>[vector<16xi32>], vector<16xi32>,
        %ge3A = arith.constant 160 : i32
        %ge3A_156 = arith.cmpi sge, %get3A_139, %ge3A : i32
        %convert_element_type3A_157 = arith.extui %ge3A_156 : i1 to i32
        %cond3A_158 = arith.constant 0 : i32
        %cond3A_159 = arith.cmpi ne, %convert_element_type3A_157, %cond3A_158 : i32
        scf.if %cond3A_159 {
          %jit3A_161 = arith.constant 512 : i32
          %div3A_162 = arith.divsi %squeeze3A, %jit3A_161 : i32
          %sign3A_163 = arith.constant 0 : i32
          %sign3A_164 = arith.cmpi sgt, %squeeze3A, %sign3A_163 : i32
          %sign3A_165 = arith.extui %sign3A_164 : i1 to i32
          %sign3A_166 = arith.constant 0 : i32
          %sign3A_167 = arith.cmpi slt, %squeeze3A, %sign3A_166 : i32
          %sign3A_168 = arith.extui %sign3A_167 : i1 to i32
          %sign3A_169 = arith.subi %sign3A_165, %sign3A_168 : i32
          %sign3A_170 = arith.constant 0 : i32
          %sign3A_171 = arith.cmpi sgt, %jit3A_161, %sign3A_170 : i32
          %sign3A_172 = arith.extui %sign3A_171 : i1 to i32
          %sign3A_173 = arith.constant 0 : i32
          %sign3A_174 = arith.cmpi slt, %jit3A_161, %sign3A_173 : i32
          %sign3A_175 = arith.extui %sign3A_174 : i1 to i32
          %sign3A_176 = arith.subi %sign3A_172, %sign3A_175 : i32
          %ne3A_177 = arith.cmpi ne, %sign3A_169, %sign3A_176 : i32
          %rem3A_178 = arith.remsi %squeeze3A, %jit3A_161 : i32
          %ne3A_179 = arith.constant 0 : i32
          %ne3A_180 = arith.cmpi ne, %rem3A_178, %ne3A_179 : i32
          %and3A_181 = arith.andi %ne3A_177, %ne3A_180 : i1
          %sub3A_182 = arith.constant 1 : i32
          %sub3A_183 = arith.subi %div3A_162, %sub3A_182 : i32
          %select_n3A_184 = arith.select %and3A_181, %sub3A_183, %div3A_162 : i32
          %mul3A_185 = arith.constant 128 : i32
          %mul3A_186 = arith.muli %select_n3A_184, %mul3A_185 : i32
          %dma_start3A_187 = tpu.memref_slice %arg2[%mul3A_186] : memref<1310720xi32, #tpu.memory_space<hbm>> -> memref<128xi32, #tpu.memory_space<hbm>>
          %dma_start3A_188 = tpu.memref_slice %arg2[%mul3A_186] : memref<1310720xi32, #tpu.memory_space<hbm>> -> memref<128xi32, #tpu.memory_space<hbm>>
          tpu.enqueue_dma source(%dma_start3A_188 : memref<128xi32, #tpu.memory_space<hbm>>) target(%arg11 : memref<128xi32, #tpu.memory_space<vmem>>) target_semaphore(%arg13 : memref<!tpu.dma_semaphore, #tpu.memory_space<semaphore_mem>>)
          %dma_wait3A_189 = tpu.memref_slice %arg2[%mul3A_186] : memref<1310720xi32, #tpu.memory_space<hbm>> -> memref<128xi32, #tpu.memory_space<hbm>>
          %dma_wait3A_190 = tpu.memref_slice %arg2[%mul3A_186] : memref<1310720xi32, #tpu.memory_space<hbm>> -> memref<128xi32, #tpu.memory_space<hbm>>
          tpu.wait_dma2 semaphore(%arg13 : memref<!tpu.dma_semaphore, #tpu.memory_space<semaphore_mem>>) src(%dma_wait3A_190 : memref<128xi32, #tpu.memory_space<hbm>>) dst(%arg11 : memref<128xi32, #tpu.memory_space<vmem>>)
          %jit3A_191 = arith.constant 512 : i32
          %eq3A_192 = arith.constant 0 : i32
          %eq3A_193 = arith.cmpi eq, %jit3A_191, %eq3A_192 : i32
          %jit3A_194 = arith.constant 1 : i32
          %select_n3A_195 = arith.select %eq3A_193, %jit3A_194, %jit3A_191 : i32
          %rem3A_196 = arith.remsi %squeeze3A, %select_n3A_195 : i32
          %ne3A_197 = arith.constant 0 : i32
          %ne3A_198 = arith.cmpi ne, %rem3A_196, %ne3A_197 : i32
          %lt3A_199 = arith.constant 0 : i32
          %lt3A_200 = arith.cmpi slt, %rem3A_196, %lt3A_199 : i32
          %lt3A_201 = arith.constant 0 : i32
          %lt3A_202 = arith.cmpi slt, %select_n3A_195, %lt3A_201 : i32
          %ne3A_203 = arith.xori %lt3A_200, %lt3A_202 : i1
          %and3A_204 = arith.andi %ne3A_203, %ne3A_198 : i1
          %add3A_205 = arith.addi %rem3A_196, %select_n3A_195 : i32
          %select_n3A_206 = arith.select %and3A_204, %add3A_205, %rem3A_196 : i32
          %get3A_207 = arith.constant 0 : index
          %get3A_208 = tpu.vector_load %arg11[%get3A_207] {strides = array<i32>} : memref<128xi32, #tpu.memory_space<vmem>>, vector<16xi32>,
          %bitcast3A = vector.bitcast %get3A_208 : vector<16xi32> to vector<32xbf16>
          %get3A_209 = arith.index_cast %select_n3A_206 : i32 to index
          %get3A_210 = arith.constant 0 : index
          %get3A_211 = tpu.vector_load %arg7[%get3A_209, %get3A_210] {strides = array<i32>} : memref<321x128xi32, #tpu.memory_space<vmem>>, vector<16xi32>,
          %bitcast3A_212 = vector.bitcast %get3A_211 : vector<16xi32> to vector<32xbf16>
          %max3A = arith.maximumf %bitcast3A_212, %bitcast3A : vector<32xbf16>
          %bitcast3A_213 = vector.bitcast %max3A : vector<32xbf16> to vector<16xi32>
          %swap3A_214 = arith.index_cast %select_n3A_206 : i32 to index
          %swap3A_215 = arith.constant 0 : index
          %swap3A_216 = tpu.vector_load %arg7[%swap3A_214, %swap3A_215] {strides = array<i32>} : memref<321x128xi32, #tpu.memory_space<vmem>>, vector<16xi32>,
          tpu.vector_store %arg7[%swap3A_214, %swap3A_215], %bitcast3A_213 {strides = array<i32>} : memref<321x128xi32, #tpu.memory_space<vmem>>, vector<16xi32>,
          %get3A_217 = arith.index_cast %select_n3A_206 : i32 to index
          %get3A_218 = arith.constant 0 : index
          %get3A_219 = tpu.vector_load %arg8[%get3A_217, %get3A_218] {strides = array<i32>} : memref<321x128xi32, #tpu.memory_space<vmem>>, vector<16xi32>,
          %bitcast3A_220 = vector.bitcast %get3A_219 : vector<16xi32> to vector<32xbf16>
          %min3A = arith.minimumf %bitcast3A_220, %bitcast3A : vector<32xbf16>
          %bitcast3A_221 = vector.bitcast %min3A : vector<32xbf16> to vector<16xi32>
          %swap3A_222 = arith.index_cast %select_n3A_206 : i32 to index
          %swap3A_223 = arith.constant 0 : index
          %swap3A_224 = tpu.vector_load %arg8[%swap3A_222, %swap3A_223] {strides = array<i32>} : memref<321x128xi32, #tpu.memory_space<vmem>>, vector<16xi32>,
          tpu.vector_store %arg8[%swap3A_222, %swap3A_223], %bitcast3A_221 {strides = array<i32>} : memref<321x128xi32, #tpu.memory_space<vmem>>, vector<16xi32>,
          %get3A_225 = arith.constant 16 : index
          %get3A_226 = tpu.vector_load %arg11[%get3A_225] {strides = array<i32>} : memref<128xi32, #tpu.memory_space<vmem>>, vector<16xi32>,
          %bitcast3A_227 = vector.bitcast %get3A_226 : vector<16xi32> to vector<32xbf16>
          %get3A_228 = arith.index_cast %select_n3A_206 : i32 to index
          %get3A_229 = arith.constant 16 : index
          %get3A_230 = tpu.vector_load %arg7[%get3A_228, %get3A_229] {strides = array<i32>} : memref<321x128xi32, #tpu.memory_space<vmem>>, vector<16xi32>,
          %bitcast3A_231 = vector.bitcast %get3A_230 : vector<16xi32> to vector<32xbf16>
          %max3A_232 = arith.maximumf %bitcast3A_231, %bitcast3A_227 : vector<32xbf16>
          %bitcast3A_233 = vector.bitcast %max3A_232 : vector<32xbf16> to vector<16xi32>
          %swap3A_234 = arith.index_cast %select_n3A_206 : i32 to index
          %swap3A_235 = arith.constant 16 : index
          %swap3A_236 = tpu.vector_load %arg7[%swap3A_234, %swap3A_235] {strides = array<i32>} : memref<321x128xi32, #tpu.memory_space<vmem>>, vector<16xi32>,
          tpu.vector_store %arg7[%swap3A_234, %swap3A_235], %bitcast3A_233 {strides = array<i32>} : memref<321x128xi32, #tpu.memory_space<vmem>>, vector<16xi32>,
          %get3A_237 = arith.index_cast %select_n3A_206 : i32 to index
          %get3A_238 = arith.constant 16 : index
          %get3A_239 = tpu.vector_load %arg8[%get3A_237, %get3A_238] {strides = array<i32>} : memref<321x128xi32, #tpu.memory_space<vmem>>, vector<16xi32>,
          %bitcast3A_240 = vector.bitcast %get3A_239 : vector<16xi32> to vector<32xbf16>
          %min3A_241 = arith.minimumf %bitcast3A_240, %bitcast3A_227 : vector<32xbf16>
          %bitcast3A_242 = vector.bitcast %min3A_241 : vector<32xbf16> to vector<16xi32>
          %swap3A_243 = arith.index_cast %select_n3A_206 : i32 to index
          %swap3A_244 = arith.constant 16 : index
          %swap3A_245 = tpu.vector_load %arg8[%swap3A_243, %swap3A_244] {strides = array<i32>} : memref<321x128xi32, #tpu.memory_space<vmem>>, vector<16xi32>,
          tpu.vector_store %arg8[%swap3A_243, %swap3A_244], %bitcast3A_242 {strides = array<i32>} : memref<321x128xi32, #tpu.memory_space<vmem>>, vector<16xi32>,
          %get3A_246 = arith.constant 32 : index
          %get3A_247 = tpu.vector_load %arg11[%get3A_246] {strides = array<i32>} : memref<128xi32, #tpu.memory_space<vmem>>, vector<16xi32>,
          %bitcast3A_248 = vector.bitcast %get3A_247 : vector<16xi32> to vector<32xbf16>
          %get3A_249 = arith.index_cast %select_n3A_206 : i32 to index
          %get3A_250 = arith.constant 32 : index
          %get3A_251 = tpu.vector_load %arg7[%get3A_249, %get3A_250] {strides = array<i32>} : memref<321x128xi32, #tpu.memory_space<vmem>>, vector<16xi32>,
          %bitcast3A_252 = vector.bitcast %get3A_251 : vector<16xi32> to vector<32xbf16>
          %max3A_253 = arith.maximumf %bitcast3A_252, %bitcast3A_248 : vector<32xbf16>
          %bitcast3A_254 = vector.bitcast %max3A_253 : vector<32xbf16> to vector<16xi32>
          %swap3A_255 = arith.index_cast %select_n3A_206 : i32 to index
          %swap3A_256 = arith.constant 32 : index
          %swap3A_257 = tpu.vector_load %arg7[%swap3A_255, %swap3A_256] {strides = array<i32>} : memref<321x128xi32, #tpu.memory_space<vmem>>, vector<16xi32>,
          tpu.vector_store %arg7[%swap3A_255, %swap3A_256], %bitcast3A_254 {strides = array<i32>} : memref<321x128xi32, #tpu.memory_space<vmem>>, vector<16xi32>,
          %get3A_258 = arith.index_cast %select_n3A_206 : i32 to index
          %get3A_259 = arith.constant 32 : index
          %get3A_260 = tpu.vector_load %arg8[%get3A_258, %get3A_259] {strides = array<i32>} : memref<321x128xi32, #tpu.memory_space<vmem>>, vector<16xi32>,
          %bitcast3A_261 = vector.bitcast %get3A_260 : vector<16xi32> to vector<32xbf16>
          %min3A_262 = arith.minimumf %bitcast3A_261, %bitcast3A_248 : vector<32xbf16>
          %bitcast3A_263 = vector.bitcast %min3A_262 : vector<32xbf16> to vector<16xi32>
          %swap3A_264 = arith.index_cast %select_n3A_206 : i32 to index
          %swap3A_265 = arith.constant 32 : index
          %swap3A_266 = tpu.vector_load %arg8[%swap3A_264, %swap3A_265] {strides = array<i32>} : memref<321x128xi32, #tpu.memory_space<vmem>>, vector<16xi32>,
          tpu.vector_store %arg8[%swap3A_264, %swap3A_265], %bitcast3A_263 {strides = array<i32>} : memref<321x128xi32, #tpu.memory_space<vmem>>, vector<16xi32>,
          %get3A_267 = arith.constant 48 : index
          %get3A_268 = tpu.vector_load %arg11[%get3A_267] {strides = array<i32>} : memref<128xi32, #tpu.memory_space<vmem>>, vector<16xi32>,
          %bitcast3A_269 = vector.bitcast %get3A_268 : vector<16xi32> to vector<32xbf16>
          %get3A_270 = arith.index_cast %select_n3A_206 : i32 to index
          %get3A_271 = arith.constant 48 : index
          %get3A_272 = tpu.vector_load %arg7[%get3A_270, %get3A_271] {strides = array<i32>} : memref<321x128xi32, #tpu.memory_space<vmem>>, vector<16xi32>,
          %bitcast3A_273 = vector.bitcast %get3A_272 : vector<16xi32> to vector<32xbf16>
          %max3A_274 = arith.maximumf %bitcast3A_273, %bitcast3A_269 : vector<32xbf16>
          %bitcast3A_275 = vector.bitcast %max3A_274 : vector<32xbf16> to vector<16xi32>
          %swap3A_276 = arith.index_cast %select_n3A_206 : i32 to index
          %swap3A_277 = arith.constant 48 : index
          %swap3A_278 = tpu.vector_load %arg7[%swap3A_276, %swap3A_277] {strides = array<i32>} : memref<321x128xi32, #tpu.memory_space<vmem>>, vector<16xi32>,
          tpu.vector_store %arg7[%swap3A_276, %swap3A_277], %bitcast3A_275 {strides = array<i32>} : memref<321x128xi32, #tpu.memory_space<vmem>>, vector<16xi32>,
          %get3A_279 = arith.index_cast %select_n3A_206 : i32 to index
          %get3A_280 = arith.constant 48 : index
          %get3A_281 = tpu.vector_load %arg8[%get3A_279, %get3A_280] {strides = array<i32>} : memref<321x128xi32, #tpu.memory_space<vmem>>, vector<16xi32>,
          %bitcast3A_282 = vector.bitcast %get3A_281 : vector<16xi32> to vector<32xbf16>
          %min3A_283 = arith.minimumf %bitcast3A_282, %bitcast3A_269 : vector<32xbf16>
          %bitcast3A_284 = vector.bitcast %min3A_283 : vector<32xbf16> to vector<16xi32>
          %swap3A_285 = arith.index_cast %select_n3A_206 : i32 to index
          %swap3A_286 = arith.constant 48 : index
          %swap3A_287 = tpu.vector_load %arg8[%swap3A_285, %swap3A_286] {strides = array<i32>} : memref<321x128xi32, #tpu.memory_space<vmem>>, vector<16xi32>,
          tpu.vector_store %arg8[%swap3A_285, %swap3A_286], %bitcast3A_284 {strides = array<i32>} : memref<321x128xi32, #tpu.memory_space<vmem>>, vector<16xi32>,
          %get3A_288 = arith.constant 64 : index
          %get3A_289 = tpu.vector_load %arg11[%get3A_288] {strides = array<i32>} : memref<128xi32, #tpu.memory_space<vmem>>, vector<16xi32>,
          %bitcast3A_290 = vector.bitcast %get3A_289 : vector<16xi32> to vector<32xbf16>
          %get3A_291 = arith.index_cast %select_n3A_206 : i32 to index
          %get3A_292 = arith.constant 64 : index
          %get3A_293 = tpu.vector_load %arg7[%get3A_291, %get3A_292] {strides = array<i32>} : memref<321x128xi32, #tpu.memory_space<vmem>>, vector<16xi32>,
          %bitcast3A_294 = vector.bitcast %get3A_293 : vector<16xi32> to vector<32xbf16>
          %max3A_295 = arith.maximumf %bitcast3A_294, %bitcast3A_290 : vector<32xbf16>
          %bitcast3A_296 = vector.bitcast %max3A_295 : vector<32xbf16> to vector<16xi32>
          %swap3A_297 = arith.index_cast %select_n3A_206 : i32 to index
          %swap3A_298 = arith.constant 64 : index
          %swap3A_299 = tpu.vector_load %arg7[%swap3A_297, %swap3A_298] {strides = array<i32>} : memref<321x128xi32, #tpu.memory_space<vmem>>, vector<16xi32>,
          tpu.vector_store %arg7[%swap3A_297, %swap3A_298], %bitcast3A_296 {strides = array<i32>} : memref<321x128xi32, #tpu.memory_space<vmem>>, vector<16xi32>,
          %get3A_300 = arith.index_cast %select_n3A_206 : i32 to index
          %get3A_301 = arith.constant 64 : index
          %get3A_302 = tpu.vector_load %arg8[%get3A_300, %get3A_301] {strides = array<i32>} : memref<321x128xi32, #tpu.memory_space<vmem>>, vector<16xi32>,
          %bitcast3A_303 = vector.bitcast %get3A_302 : vector<16xi32> to vector<32xbf16>
          %min3A_304 = arith.minimumf %bitcast3A_303, %bitcast3A_290 : vector<32xbf16>
          %bitcast3A_305 = vector.bitcast %min3A_304 : vector<32xbf16> to vector<16xi32>
          %swap3A_306 = arith.index_cast %select_n3A_206 : i32 to index
          %swap3A_307 = arith.constant 64 : index
          %swap3A_308 = tpu.vector_load %arg8[%swap3A_306, %swap3A_307] {strides = array<i32>} : memref<321x128xi32, #tpu.memory_space<vmem>>, vector<16xi32>,
          tpu.vector_store %arg8[%swap3A_306, %swap3A_307], %bitcast3A_305 {strides = array<i32>} : memref<321x128xi32, #tpu.memory_space<vmem>>, vector<16xi32>,
          %get3A_309 = arith.constant 80 : index
          %get3A_310 = tpu.vector_load %arg11[%get3A_309] {strides = array<i32>} : memref<128xi32, #tpu.memory_space<vmem>>, vector<16xi32>,
          %bitcast3A_311 = vector.bitcast %get3A_310 : vector<16xi32> to vector<32xbf16>
          %get3A_312 = arith.index_cast %select_n3A_206 : i32 to index
          %get3A_313 = arith.constant 80 : index
          %get3A_314 = tpu.vector_load %arg7[%get3A_312, %get3A_313] {strides = array<i32>} : memref<321x128xi32, #tpu.memory_space<vmem>>, vector<16xi32>,
          %bitcast3A_315 = vector.bitcast %get3A_314 : vector<16xi32> to vector<32xbf16>
          %max3A_316 = arith.maximumf %bitcast3A_315, %bitcast3A_311 : vector<32xbf16>
          %bitcast3A_317 = vector.bitcast %max3A_316 : vector<32xbf16> to vector<16xi32>
          %swap3A_318 = arith.index_cast %select_n3A_206 : i32 to index
          %swap3A_319 = arith.constant 80 : index
          %swap3A_320 = tpu.vector_load %arg7[%swap3A_318, %swap3A_319] {strides = array<i32>} : memref<321x128xi32, #tpu.memory_space<vmem>>, vector<16xi32>,
          tpu.vector_store %arg7[%swap3A_318, %swap3A_319], %bitcast3A_317 {strides = array<i32>} : memref<321x128xi32, #tpu.memory_space<vmem>>, vector<16xi32>,
          %get3A_321 = arith.index_cast %select_n3A_206 : i32 to index
          %get3A_322 = arith.constant 80 : index
          %get3A_323 = tpu.vector_load %arg8[%get3A_321, %get3A_322] {strides = array<i32>} : memref<321x128xi32, #tpu.memory_space<vmem>>, vector<16xi32>,
          %bitcast3A_324 = vector.bitcast %get3A_323 : vector<16xi32> to vector<32xbf16>
          %min3A_325 = arith.minimumf %bitcast3A_324, %bitcast3A_311 : vector<32xbf16>
          %bitcast3A_326 = vector.bitcast %min3A_325 : vector<32xbf16> to vector<16xi32>
          %swap3A_327 = arith.index_cast %select_n3A_206 : i32 to index
          %swap3A_328 = arith.constant 80 : index
          %swap3A_329 = tpu.vector_load %arg8[%swap3A_327, %swap3A_328] {strides = array<i32>} : memref<321x128xi32, #tpu.memory_space<vmem>>, vector<16xi32>,
          tpu.vector_store %arg8[%swap3A_327, %swap3A_328], %bitcast3A_326 {strides = array<i32>} : memref<321x128xi32, #tpu.memory_space<vmem>>, vector<16xi32>,
          %get3A_330 = arith.constant 96 : index
          %get3A_331 = tpu.vector_load %arg11[%get3A_330] {strides = array<i32>} : memref<128xi32, #tpu.memory_space<vmem>>, vector<16xi32>,
          %bitcast3A_332 = vector.bitcast %get3A_331 : vector<16xi32> to vector<32xbf16>
          %get3A_333 = arith.index_cast %select_n3A_206 : i32 to index
          %get3A_334 = arith.constant 96 : index
          %get3A_335 = tpu.vector_load %arg7[%get3A_333, %get3A_334] {strides = array<i32>} : memref<321x128xi32, #tpu.memory_space<vmem>>, vector<16xi32>,
          %bitcast3A_336 = vector.bitcast %get3A_335 : vector<16xi32> to vector<32xbf16>
          %max3A_337 = arith.maximumf %bitcast3A_336, %bitcast3A_332 : vector<32xbf16>
          %bitcast3A_338 = vector.bitcast %max3A_337 : vector<32xbf16> to vector<16xi32>
          %swap3A_339 = arith.index_cast %select_n3A_206 : i32 to index
          %swap3A_340 = arith.constant 96 : index
          %swap3A_341 = tpu.vector_load %arg7[%swap3A_339, %swap3A_340] {strides = array<i32>} : memref<321x128xi32, #tpu.memory_space<vmem>>, vector<16xi32>,
          tpu.vector_store %arg7[%swap3A_339, %swap3A_340], %bitcast3A_338 {strides = array<i32>} : memref<321x128xi32, #tpu.memory_space<vmem>>, vector<16xi32>,
          %get3A_342 = arith.index_cast %select_n3A_206 : i32 to index
          %get3A_343 = arith.constant 96 : index
          %get3A_344 = tpu.vector_load %arg8[%get3A_342, %get3A_343] {strides = array<i32>} : memref<321x128xi32, #tpu.memory_space<vmem>>, vector<16xi32>,
          %bitcast3A_345 = vector.bitcast %get3A_344 : vector<16xi32> to vector<32xbf16>
          %min3A_346 = arith.minimumf %bitcast3A_345, %bitcast3A_332 : vector<32xbf16>
          %bitcast3A_347 = vector.bitcast %min3A_346 : vector<32xbf16> to vector<16xi32>
          %swap3A_348 = arith.index_cast %select_n3A_206 : i32 to index
          %swap3A_349 = arith.constant 96 : index
          %swap3A_350 = tpu.vector_load %arg8[%swap3A_348, %swap3A_349] {strides = array<i32>} : memref<321x128xi32, #tpu.memory_space<vmem>>, vector<16xi32>,
          tpu.vector_store %arg8[%swap3A_348, %swap3A_349], %bitcast3A_347 {strides = array<i32>} : memref<321x128xi32, #tpu.memory_space<vmem>>, vector<16xi32>,
          %get3A_351 = arith.constant 112 : index
          %get3A_352 = tpu.vector_load %arg11[%get3A_351] {strides = array<i32>} : memref<128xi32, #tpu.memory_space<vmem>>, vector<16xi32>,
          %bitcast3A_353 = vector.bitcast %get3A_352 : vector<16xi32> to vector<32xbf16>
          %get3A_354 = arith.index_cast %select_n3A_206 : i32 to index
          %get3A_355 = arith.constant 112 : index
          %get3A_356 = tpu.vector_load %arg7[%get3A_354, %get3A_355] {strides = array<i32>} : memref<321x128xi32, #tpu.memory_space<vmem>>, vector<16xi32>,
          %bitcast3A_357 = vector.bitcast %get3A_356 : vector<16xi32> to vector<32xbf16>
          %max3A_358 = arith.maximumf %bitcast3A_357, %bitcast3A_353 : vector<32xbf16>
          %bitcast3A_359 = vector.bitcast %max3A_358 : vector<32xbf16> to vector<16xi32>
          %swap3A_360 = arith.index_cast %select_n3A_206 : i32 to index
          %swap3A_361 = arith.constant 112 : index
          %swap3A_362 = tpu.vector_load %arg7[%swap3A_360, %swap3A_361] {strides = array<i32>} : memref<321x128xi32, #tpu.memory_space<vmem>>, vector<16xi32>,
          tpu.vector_store %arg7[%swap3A_360, %swap3A_361], %bitcast3A_359 {strides = array<i32>} : memref<321x128xi32, #tpu.memory_space<vmem>>, vector<16xi32>,
          %get3A_363 = arith.index_cast %select_n3A_206 : i32 to index
          %get3A_364 = arith.constant 112 : index
          %get3A_365 = tpu.vector_load %arg8[%get3A_363, %get3A_364] {strides = array<i32>} : memref<321x128xi32, #tpu.memory_space<vmem>>, vector<16xi32>,
          %bitcast3A_366 = vector.bitcast %get3A_365 : vector<16xi32> to vector<32xbf16>
          %min3A_367 = arith.minimumf %bitcast3A_366, %bitcast3A_353 : vector<32xbf16>
          %bitcast3A_368 = vector.bitcast %min3A_367 : vector<32xbf16> to vector<16xi32>
          %swap3A_369 = arith.index_cast %select_n3A_206 : i32 to index
          %swap3A_370 = arith.constant 112 : index
          %swap3A_371 = tpu.vector_load %arg8[%swap3A_369, %swap3A_370] {strides = array<i32>} : memref<321x128xi32, #tpu.memory_space<vmem>>, vector<16xi32>,
          tpu.vector_store %arg8[%swap3A_369, %swap3A_370], %bitcast3A_368 {strides = array<i32>} : memref<321x128xi32, #tpu.memory_space<vmem>>, vector<16xi32>,
        } else {
        }
        %while3A_160 = arith.constant 0 : i32
        scf.yield %while3A_160 : i32
      }
      %while3A_109 = arith.constant 1 : i32
      %while3A_110 = scf.for %while3A_112 = %while3A_106 to %while3A_102 step %while3A_109 iter_args(%while3A_113 = %while3A_108) -> (i32)  : i32 {
        %add3A_114 = arith.constant 25600 : i32
        %add3A_115 = arith.addi %add3A_114, %while3A_112 : i32
        %get3A = arith.index_cast %add3A_115 : i32 to index
        %get3A_116 = tpu.vector_load %arg9[%get3A] {strides = array<i32>} : memref<32768xi32, #tpu.memory_space<vmem>>, vector<16xi32>,
        %slice3A = vector.extract_strided_slice %get3A_116 {offsets = [0], sizes = [1], strides = [1]} : vector<16xi32> to vector<1xi32>
        %squeeze3A = vector.extract %slice3A[0] : i32 from vector<1xi32>
        %jit3A_117 = arith.constant 65536 : i32
        %div3A = arith.divsi %squeeze3A, %jit3A_117 : i32
        %sign3A = arith.constant 0 : i32
        %sign3A_118 = arith.cmpi sgt, %squeeze3A, %sign3A : i32
        %sign3A_119 = arith.extui %sign3A_118 : i1 to i32
        %sign3A_120 = arith.constant 0 : i32
        %sign3A_121 = arith.cmpi slt, %squeeze3A, %sign3A_120 : i32
        %sign3A_122 = arith.extui %sign3A_121 : i1 to i32
        %sign3A_123 = arith.subi %sign3A_119, %sign3A_122 : i32
        %sign3A_124 = arith.constant 0 : i32
        %sign3A_125 = arith.cmpi sgt, %jit3A_117, %sign3A_124 : i32
        %sign3A_126 = arith.extui %sign3A_125 : i1 to i32
        %sign3A_127 = arith.constant 0 : i32
        %sign3A_128 = arith.cmpi slt, %jit3A_117, %sign3A_127 : i32
        %sign3A_129 = arith.extui %sign3A_128 : i1 to i32
        %sign3A_130 = arith.subi %sign3A_126, %sign3A_129 : i32
        %ne3A_131 = arith.cmpi ne, %sign3A_123, %sign3A_130 : i32
        %rem3A_132 = arith.remsi %squeeze3A, %jit3A_117 : i32
        %ne3A_133 = arith.constant 0 : i32
        %ne3A_134 = arith.cmpi ne, %rem3A_132, %ne3A_133 : i32
        %and3A_135 = arith.andi %ne3A_131, %ne3A_134 : i1
        %sub3A = arith.constant 1 : i32
        %sub3A_136 = arith.subi %div3A, %sub3A : i32
        %select_n3A_137 = arith.select %and3A_135, %sub3A_136, %div3A : i32
        %get3A_138 = arith.index_cast %select_n3A_137 : i32 to index
        %get3A_139 = memref.load %arg12[%get3A_138] : memref<80xi32, #tpu.memory_space<smem>>
        %add3A_140 = arith.constant 1 : i32
        %add3A_141 = arith.addi %get3A_139, %add3A_140 : i32
        %swap3A = arith.index_cast %select_n3A_137 : i32 to index
        %swap3A_142 = memref.load %arg12[%swap3A] : memref<80xi32, #tpu.memory_space<smem>>
        memref.store %add3A_141, %arg12[%swap3A] : memref<80xi32, #tpu.memory_space<smem>>
        %lt3A_143 = arith.constant 160 : i32
        %lt3A_144 = arith.cmpi slt, %get3A_139, %lt3A_143 : i32
        %mul3A_145 = arith.constant 160 : i32
        %mul3A_146 = arith.muli %select_n3A_137, %mul3A_145 : i32
        %add3A_147 = arith.addi %mul3A_146, %get3A_139 : i32
        %jit3A_148 = arith.constant 12800 : i32
        %select_n3A_149 = arith.select %lt3A_144, %add3A_147, %jit3A_148 : i32
        %lt3A_150 = arith.constant 1 : i32
        %lt3A_151 = vector.broadcast %lt3A_150 : i32 to vector<16xi32>
        %lt3A_152 = arith.cmpi slt, %iota3A, %lt3A_151 : vector<16xi32>
        %broadcast_in_dim3A_153 = vector.broadcast %select_n3A_149 : i32 to vector<16xi32>
        %select_n3A_154 = arith.select %lt3A_152, %broadcast_in_dim3A_153, %add3A_24 : vector<16xi1>, vector<16xi32>
        %broadcast_in_dim3A_155 = vector.broadcast %squeeze3A : i32 to vector<16xi32>
        tpu.vector_store_idx %arg10[%select_n3A_154], %broadcast_in_dim3A_155 : memref<12816xi32, #tpu.memory_space<vmem>>[vector<16xi32>], vector<16xi32>,
        %ge3A = arith.constant 160 : i32
        %ge3A_156 = arith.cmpi sge, %get3A_139, %ge3A : i32
        %convert_element_type3A_157 = arith.extui %ge3A_156 : i1 to i32
        %cond3A_158 = arith.constant 0 : i32
        %cond3A_159 = arith.cmpi ne, %convert_element_type3A_157, %cond3A_158 : i32
        scf.if %cond3A_159 {
          %jit3A_161 = arith.constant 512 : i32
          %div3A_162 = arith.divsi %squeeze3A, %jit3A_161 : i32
          %sign3A_163 = arith.constant 0 : i32
          %sign3A_164 = arith.cmpi sgt, %squeeze3A, %sign3A_163 : i32
          %sign3A_165 = arith.extui %sign3A_164 : i1 to i32
          %sign3A_166 = arith.constant 0 : i32
          %sign3A_167 = arith.cmpi slt, %squeeze3A, %sign3A_166 : i32
          %sign3A_168 = arith.extui %sign3A_167 : i1 to i32
          %sign3A_169 = arith.subi %sign3A_165, %sign3A_168 : i32
          %sign3A_170 = arith.constant 0 : i32
          %sign3A_171 = arith.cmpi sgt, %jit3A_161, %sign3A_170 : i32
          %sign3A_172 = arith.extui %sign3A_171 : i1 to i32
          %sign3A_173 = arith.constant 0 : i32
          %sign3A_174 = arith.cmpi slt, %jit3A_161, %sign3A_173 : i32
          %sign3A_175 = arith.extui %sign3A_174 : i1 to i32
          %sign3A_176 = arith.subi %sign3A_172, %sign3A_175 : i32
          %ne3A_177 = arith.cmpi ne, %sign3A_169, %sign3A_176 : i32
          %rem3A_178 = arith.remsi %squeeze3A, %jit3A_161 : i32
          %ne3A_179 = arith.constant 0 : i32
          %ne3A_180 = arith.cmpi ne, %rem3A_178, %ne3A_179 : i32
          %and3A_181 = arith.andi %ne3A_177, %ne3A_180 : i1
          %sub3A_182 = arith.constant 1 : i32
          %sub3A_183 = arith.subi %div3A_162, %sub3A_182 : i32
          %select_n3A_184 = arith.select %and3A_181, %sub3A_183, %div3A_162 : i32
          %mul3A_185 = arith.constant 128 : i32
          %mul3A_186 = arith.muli %select_n3A_184, %mul3A_185 : i32
          %dma_start3A_187 = tpu.memref_slice %arg2[%mul3A_186] : memref<1310720xi32, #tpu.memory_space<hbm>> -> memref<128xi32, #tpu.memory_space<hbm>>
          %dma_start3A_188 = tpu.memref_slice %arg2[%mul3A_186] : memref<1310720xi32, #tpu.memory_space<hbm>> -> memref<128xi32, #tpu.memory_space<hbm>>
          tpu.enqueue_dma source(%dma_start3A_188 : memref<128xi32, #tpu.memory_space<hbm>>) target(%arg11 : memref<128xi32, #tpu.memory_space<vmem>>) target_semaphore(%arg13 : memref<!tpu.dma_semaphore, #tpu.memory_space<semaphore_mem>>)
          %dma_wait3A_189 = tpu.memref_slice %arg2[%mul3A_186] : memref<1310720xi32, #tpu.memory_space<hbm>> -> memref<128xi32, #tpu.memory_space<hbm>>
          %dma_wait3A_190 = tpu.memref_slice %arg2[%mul3A_186] : memref<1310720xi32, #tpu.memory_space<hbm>> -> memref<128xi32, #tpu.memory_space<hbm>>
          tpu.wait_dma2 semaphore(%arg13 : memref<!tpu.dma_semaphore, #tpu.memory_space<semaphore_mem>>) src(%dma_wait3A_190 : memref<128xi32, #tpu.memory_space<hbm>>) dst(%arg11 : memref<128xi32, #tpu.memory_space<vmem>>)
          %jit3A_191 = arith.constant 512 : i32
          %eq3A_192 = arith.constant 0 : i32
          %eq3A_193 = arith.cmpi eq, %jit3A_191, %eq3A_192 : i32
          %jit3A_194 = arith.constant 1 : i32
          %select_n3A_195 = arith.select %eq3A_193, %jit3A_194, %jit3A_191 : i32
          %rem3A_196 = arith.remsi %squeeze3A, %select_n3A_195 : i32
          %ne3A_197 = arith.constant 0 : i32
          %ne3A_198 = arith.cmpi ne, %rem3A_196, %ne3A_197 : i32
          %lt3A_199 = arith.constant 0 : i32
          %lt3A_200 = arith.cmpi slt, %rem3A_196, %lt3A_199 : i32
          %lt3A_201 = arith.constant 0 : i32
          %lt3A_202 = arith.cmpi slt, %select_n3A_195, %lt3A_201 : i32
          %ne3A_203 = arith.xori %lt3A_200, %lt3A_202 : i1
          %and3A_204 = arith.andi %ne3A_203, %ne3A_198 : i1
          %add3A_205 = arith.addi %rem3A_196, %select_n3A_195 : i32
          %select_n3A_206 = arith.select %and3A_204, %add3A_205, %rem3A_196 : i32
          %get3A_207 = arith.constant 0 : index
          %get3A_208 = tpu.vector_load %arg11[%get3A_207] {strides = array<i32>} : memref<128xi32, #tpu.memory_space<vmem>>, vector<16xi32>,
          %bitcast3A = vector.bitcast %get3A_208 : vector<16xi32> to vector<32xbf16>
          %get3A_209 = arith.index_cast %select_n3A_206 : i32 to index
          %get3A_210 = arith.constant 0 : index
          %get3A_211 = tpu.vector_load %arg7[%get3A_209, %get3A_210] {strides = array<i32>} : memref<321x128xi32, #tpu.memory_space<vmem>>, vector<16xi32>,
          %bitcast3A_212 = vector.bitcast %get3A_211 : vector<16xi32> to vector<32xbf16>
          %max3A = arith.maximumf %bitcast3A_212, %bitcast3A : vector<32xbf16>
          %bitcast3A_213 = vector.bitcast %max3A : vector<32xbf16> to vector<16xi32>
          %swap3A_214 = arith.index_cast %select_n3A_206 : i32 to index
          %swap3A_215 = arith.constant 0 : index
          %swap3A_216 = tpu.vector_load %arg7[%swap3A_214, %swap3A_215] {strides = array<i32>} : memref<321x128xi32, #tpu.memory_space<vmem>>, vector<16xi32>,
          tpu.vector_store %arg7[%swap3A_214, %swap3A_215], %bitcast3A_213 {strides = array<i32>} : memref<321x128xi32, #tpu.memory_space<vmem>>, vector<16xi32>,
          %get3A_217 = arith.index_cast %select_n3A_206 : i32 to index
          %get3A_218 = arith.constant 0 : index
          %get3A_219 = tpu.vector_load %arg8[%get3A_217, %get3A_218] {strides = array<i32>} : memref<321x128xi32, #tpu.memory_space<vmem>>, vector<16xi32>,
          %bitcast3A_220 = vector.bitcast %get3A_219 : vector<16xi32> to vector<32xbf16>
          %min3A = arith.minimumf %bitcast3A_220, %bitcast3A : vector<32xbf16>
          %bitcast3A_221 = vector.bitcast %min3A : vector<32xbf16> to vector<16xi32>
          %swap3A_222 = arith.index_cast %select_n3A_206 : i32 to index
          %swap3A_223 = arith.constant 0 : index
          %swap3A_224 = tpu.vector_load %arg8[%swap3A_222, %swap3A_223] {strides = array<i32>} : memref<321x128xi32, #tpu.memory_space<vmem>>, vector<16xi32>,
          tpu.vector_store %arg8[%swap3A_222, %swap3A_223], %bitcast3A_221 {strides = array<i32>} : memref<321x128xi32, #tpu.memory_space<vmem>>, vector<16xi32>,
          %get3A_225 = arith.constant 16 : index
          %get3A_226 = tpu.vector_load %arg11[%get3A_225] {strides = array<i32>} : memref<128xi32, #tpu.memory_space<vmem>>, vector<16xi32>,
          %bitcast3A_227 = vector.bitcast %get3A_226 : vector<16xi32> to vector<32xbf16>
          %get3A_228 = arith.index_cast %select_n3A_206 : i32 to index
          %get3A_229 = arith.constant 16 : index
          %get3A_230 = tpu.vector_load %arg7[%get3A_228, %get3A_229] {strides = array<i32>} : memref<321x128xi32, #tpu.memory_space<vmem>>, vector<16xi32>,
          %bitcast3A_231 = vector.bitcast %get3A_230 : vector<16xi32> to vector<32xbf16>
          %max3A_232 = arith.maximumf %bitcast3A_231, %bitcast3A_227 : vector<32xbf16>
          %bitcast3A_233 = vector.bitcast %max3A_232 : vector<32xbf16> to vector<16xi32>
          %swap3A_234 = arith.index_cast %select_n3A_206 : i32 to index
          %swap3A_235 = arith.constant 16 : index
          %swap3A_236 = tpu.vector_load %arg7[%swap3A_234, %swap3A_235] {strides = array<i32>} : memref<321x128xi32, #tpu.memory_space<vmem>>, vector<16xi32>,
          tpu.vector_store %arg7[%swap3A_234, %swap3A_235], %bitcast3A_233 {strides = array<i32>} : memref<321x128xi32, #tpu.memory_space<vmem>>, vector<16xi32>,
          %get3A_237 = arith.index_cast %select_n3A_206 : i32 to index
          %get3A_238 = arith.constant 16 : index
          %get3A_239 = tpu.vector_load %arg8[%get3A_237, %get3A_238] {strides = array<i32>} : memref<321x128xi32, #tpu.memory_space<vmem>>, vector<16xi32>,
          %bitcast3A_240 = vector.bitcast %get3A_239 : vector<16xi32> to vector<32xbf16>
          %min3A_241 = arith.minimumf %bitcast3A_240, %bitcast3A_227 : vector<32xbf16>
          %bitcast3A_242 = vector.bitcast %min3A_241 : vector<32xbf16> to vector<16xi32>
          %swap3A_243 = arith.index_cast %select_n3A_206 : i32 to index
          %swap3A_244 = arith.constant 16 : index
          %swap3A_245 = tpu.vector_load %arg8[%swap3A_243, %swap3A_244] {strides = array<i32>} : memref<321x128xi32, #tpu.memory_space<vmem>>, vector<16xi32>,
          tpu.vector_store %arg8[%swap3A_243, %swap3A_244], %bitcast3A_242 {strides = array<i32>} : memref<321x128xi32, #tpu.memory_space<vmem>>, vector<16xi32>,
          %get3A_246 = arith.constant 32 : index
          %get3A_247 = tpu.vector_load %arg11[%get3A_246] {strides = array<i32>} : memref<128xi32, #tpu.memory_space<vmem>>, vector<16xi32>,
          %bitcast3A_248 = vector.bitcast %get3A_247 : vector<16xi32> to vector<32xbf16>
          %get3A_249 = arith.index_cast %select_n3A_206 : i32 to index
          %get3A_250 = arith.constant 32 : index
          %get3A_251 = tpu.vector_load %arg7[%get3A_249, %get3A_250] {strides = array<i32>} : memref<321x128xi32, #tpu.memory_space<vmem>>, vector<16xi32>,
          %bitcast3A_252 = vector.bitcast %get3A_251 : vector<16xi32> to vector<32xbf16>
          %max3A_253 = arith.maximumf %bitcast3A_252, %bitcast3A_248 : vector<32xbf16>
          %bitcast3A_254 = vector.bitcast %max3A_253 : vector<32xbf16> to vector<16xi32>
          %swap3A_255 = arith.index_cast %select_n3A_206 : i32 to index
          %swap3A_256 = arith.constant 32 : index
          %swap3A_257 = tpu.vector_load %arg7[%swap3A_255, %swap3A_256] {strides = array<i32>} : memref<321x128xi32, #tpu.memory_space<vmem>>, vector<16xi32>,
          tpu.vector_store %arg7[%swap3A_255, %swap3A_256], %bitcast3A_254 {strides = array<i32>} : memref<321x128xi32, #tpu.memory_space<vmem>>, vector<16xi32>,
          %get3A_258 = arith.index_cast %select_n3A_206 : i32 to index
          %get3A_259 = arith.constant 32 : index
          %get3A_260 = tpu.vector_load %arg8[%get3A_258, %get3A_259] {strides = array<i32>} : memref<321x128xi32, #tpu.memory_space<vmem>>, vector<16xi32>,
          %bitcast3A_261 = vector.bitcast %get3A_260 : vector<16xi32> to vector<32xbf16>
          %min3A_262 = arith.minimumf %bitcast3A_261, %bitcast3A_248 : vector<32xbf16>
          %bitcast3A_263 = vector.bitcast %min3A_262 : vector<32xbf16> to vector<16xi32>
          %swap3A_264 = arith.index_cast %select_n3A_206 : i32 to index
          %swap3A_265 = arith.constant 32 : index
          %swap3A_266 = tpu.vector_load %arg8[%swap3A_264, %swap3A_265] {strides = array<i32>} : memref<321x128xi32, #tpu.memory_space<vmem>>, vector<16xi32>,
          tpu.vector_store %arg8[%swap3A_264, %swap3A_265], %bitcast3A_263 {strides = array<i32>} : memref<321x128xi32, #tpu.memory_space<vmem>>, vector<16xi32>,
          %get3A_267 = arith.constant 48 : index
          %get3A_268 = tpu.vector_load %arg11[%get3A_267] {strides = array<i32>} : memref<128xi32, #tpu.memory_space<vmem>>, vector<16xi32>,
          %bitcast3A_269 = vector.bitcast %get3A_268 : vector<16xi32> to vector<32xbf16>
          %get3A_270 = arith.index_cast %select_n3A_206 : i32 to index
          %get3A_271 = arith.constant 48 : index
          %get3A_272 = tpu.vector_load %arg7[%get3A_270, %get3A_271] {strides = array<i32>} : memref<321x128xi32, #tpu.memory_space<vmem>>, vector<16xi32>,
          %bitcast3A_273 = vector.bitcast %get3A_272 : vector<16xi32> to vector<32xbf16>
          %max3A_274 = arith.maximumf %bitcast3A_273, %bitcast3A_269 : vector<32xbf16>
          %bitcast3A_275 = vector.bitcast %max3A_274 : vector<32xbf16> to vector<16xi32>
          %swap3A_276 = arith.index_cast %select_n3A_206 : i32 to index
          %swap3A_277 = arith.constant 48 : index
          %swap3A_278 = tpu.vector_load %arg7[%swap3A_276, %swap3A_277] {strides = array<i32>} : memref<321x128xi32, #tpu.memory_space<vmem>>, vector<16xi32>,
          tpu.vector_store %arg7[%swap3A_276, %swap3A_277], %bitcast3A_275 {strides = array<i32>} : memref<321x128xi32, #tpu.memory_space<vmem>>, vector<16xi32>,
          %get3A_279 = arith.index_cast %select_n3A_206 : i32 to index
          %get3A_280 = arith.constant 48 : index
          %get3A_281 = tpu.vector_load %arg8[%get3A_279, %get3A_280] {strides = array<i32>} : memref<321x128xi32, #tpu.memory_space<vmem>>, vector<16xi32>,
          %bitcast3A_282 = vector.bitcast %get3A_281 : vector<16xi32> to vector<32xbf16>
          %min3A_283 = arith.minimumf %bitcast3A_282, %bitcast3A_269 : vector<32xbf16>
          %bitcast3A_284 = vector.bitcast %min3A_283 : vector<32xbf16> to vector<16xi32>
          %swap3A_285 = arith.index_cast %select_n3A_206 : i32 to index
          %swap3A_286 = arith.constant 48 : index
          %swap3A_287 = tpu.vector_load %arg8[%swap3A_285, %swap3A_286] {strides = array<i32>} : memref<321x128xi32, #tpu.memory_space<vmem>>, vector<16xi32>,
          tpu.vector_store %arg8[%swap3A_285, %swap3A_286], %bitcast3A_284 {strides = array<i32>} : memref<321x128xi32, #tpu.memory_space<vmem>>, vector<16xi32>,
          %get3A_288 = arith.constant 64 : index
          %get3A_289 = tpu.vector_load %arg11[%get3A_288] {strides = array<i32>} : memref<128xi32, #tpu.memory_space<vmem>>, vector<16xi32>,
          %bitcast3A_290 = vector.bitcast %get3A_289 : vector<16xi32> to vector<32xbf16>
          %get3A_291 = arith.index_cast %select_n3A_206 : i32 to index
          %get3A_292 = arith.constant 64 : index
          %get3A_293 = tpu.vector_load %arg7[%get3A_291, %get3A_292] {strides = array<i32>} : memref<321x128xi32, #tpu.memory_space<vmem>>, vector<16xi32>,
          %bitcast3A_294 = vector.bitcast %get3A_293 : vector<16xi32> to vector<32xbf16>
          %max3A_295 = arith.maximumf %bitcast3A_294, %bitcast3A_290 : vector<32xbf16>
          %bitcast3A_296 = vector.bitcast %max3A_295 : vector<32xbf16> to vector<16xi32>
          %swap3A_297 = arith.index_cast %select_n3A_206 : i32 to index
          %swap3A_298 = arith.constant 64 : index
          %swap3A_299 = tpu.vector_load %arg7[%swap3A_297, %swap3A_298] {strides = array<i32>} : memref<321x128xi32, #tpu.memory_space<vmem>>, vector<16xi32>,
          tpu.vector_store %arg7[%swap3A_297, %swap3A_298], %bitcast3A_296 {strides = array<i32>} : memref<321x128xi32, #tpu.memory_space<vmem>>, vector<16xi32>,
          %get3A_300 = arith.index_cast %select_n3A_206 : i32 to index
          %get3A_301 = arith.constant 64 : index
          %get3A_302 = tpu.vector_load %arg8[%get3A_300, %get3A_301] {strides = array<i32>} : memref<321x128xi32, #tpu.memory_space<vmem>>, vector<16xi32>,
          %bitcast3A_303 = vector.bitcast %get3A_302 : vector<16xi32> to vector<32xbf16>
          %min3A_304 = arith.minimumf %bitcast3A_303, %bitcast3A_290 : vector<32xbf16>
          %bitcast3A_305 = vector.bitcast %min3A_304 : vector<32xbf16> to vector<16xi32>
          %swap3A_306 = arith.index_cast %select_n3A_206 : i32 to index
          %swap3A_307 = arith.constant 64 : index
          %swap3A_308 = tpu.vector_load %arg8[%swap3A_306, %swap3A_307] {strides = array<i32>} : memref<321x128xi32, #tpu.memory_space<vmem>>, vector<16xi32>,
          tpu.vector_store %arg8[%swap3A_306, %swap3A_307], %bitcast3A_305 {strides = array<i32>} : memref<321x128xi32, #tpu.memory_space<vmem>>, vector<16xi32>,
          %get3A_309 = arith.constant 80 : index
          %get3A_310 = tpu.vector_load %arg11[%get3A_309] {strides = array<i32>} : memref<128xi32, #tpu.memory_space<vmem>>, vector<16xi32>,
          %bitcast3A_311 = vector.bitcast %get3A_310 : vector<16xi32> to vector<32xbf16>
          %get3A_312 = arith.index_cast %select_n3A_206 : i32 to index
          %get3A_313 = arith.constant 80 : index
          %get3A_314 = tpu.vector_load %arg7[%get3A_312, %get3A_313] {strides = array<i32>} : memref<321x128xi32, #tpu.memory_space<vmem>>, vector<16xi32>,
          %bitcast3A_315 = vector.bitcast %get3A_314 : vector<16xi32> to vector<32xbf16>
          %max3A_316 = arith.maximumf %bitcast3A_315, %bitcast3A_311 : vector<32xbf16>
          %bitcast3A_317 = vector.bitcast %max3A_316 : vector<32xbf16> to vector<16xi32>
          %swap3A_318 = arith.index_cast %select_n3A_206 : i32 to index
          %swap3A_319 = arith.constant 80 : index
          %swap3A_320 = tpu.vector_load %arg7[%swap3A_318, %swap3A_319] {strides = array<i32>} : memref<321x128xi32, #tpu.memory_space<vmem>>, vector<16xi32>,
          tpu.vector_store %arg7[%swap3A_318, %swap3A_319], %bitcast3A_317 {strides = array<i32>} : memref<321x128xi32, #tpu.memory_space<vmem>>, vector<16xi32>,
          %get3A_321 = arith.index_cast %select_n3A_206 : i32 to index
          %get3A_322 = arith.constant 80 : index
          %get3A_323 = tpu.vector_load %arg8[%get3A_321, %get3A_322] {strides = array<i32>} : memref<321x128xi32, #tpu.memory_space<vmem>>, vector<16xi32>,
          %bitcast3A_324 = vector.bitcast %get3A_323 : vector<16xi32> to vector<32xbf16>
          %min3A_325 = arith.minimumf %bitcast3A_324, %bitcast3A_311 : vector<32xbf16>
          %bitcast3A_326 = vector.bitcast %min3A_325 : vector<32xbf16> to vector<16xi32>
          %swap3A_327 = arith.index_cast %select_n3A_206 : i32 to index
          %swap3A_328 = arith.constant 80 : index
          %swap3A_329 = tpu.vector_load %arg8[%swap3A_327, %swap3A_328] {strides = array<i32>} : memref<321x128xi32, #tpu.memory_space<vmem>>, vector<16xi32>,
          tpu.vector_store %arg8[%swap3A_327, %swap3A_328], %bitcast3A_326 {strides = array<i32>} : memref<321x128xi32, #tpu.memory_space<vmem>>, vector<16xi32>,
          %get3A_330 = arith.constant 96 : index
          %get3A_331 = tpu.vector_load %arg11[%get3A_330] {strides = array<i32>} : memref<128xi32, #tpu.memory_space<vmem>>, vector<16xi32>,
          %bitcast3A_332 = vector.bitcast %get3A_331 : vector<16xi32> to vector<32xbf16>
          %get3A_333 = arith.index_cast %select_n3A_206 : i32 to index
          %get3A_334 = arith.constant 96 : index
          %get3A_335 = tpu.vector_load %arg7[%get3A_333, %get3A_334] {strides = array<i32>} : memref<321x128xi32, #tpu.memory_space<vmem>>, vector<16xi32>,
          %bitcast3A_336 = vector.bitcast %get3A_335 : vector<16xi32> to vector<32xbf16>
          %max3A_337 = arith.maximumf %bitcast3A_336, %bitcast3A_332 : vector<32xbf16>
          %bitcast3A_338 = vector.bitcast %max3A_337 : vector<32xbf16> to vector<16xi32>
          %swap3A_339 = arith.index_cast %select_n3A_206 : i32 to index
          %swap3A_340 = arith.constant 96 : index
          %swap3A_341 = tpu.vector_load %arg7[%swap3A_339, %swap3A_340] {strides = array<i32>} : memref<321x128xi32, #tpu.memory_space<vmem>>, vector<16xi32>,
          tpu.vector_store %arg7[%swap3A_339, %swap3A_340], %bitcast3A_338 {strides = array<i32>} : memref<321x128xi32, #tpu.memory_space<vmem>>, vector<16xi32>,
          %get3A_342 = arith.index_cast %select_n3A_206 : i32 to index
          %get3A_343 = arith.constant 96 : index
          %get3A_344 = tpu.vector_load %arg8[%get3A_342, %get3A_343] {strides = array<i32>} : memref<321x128xi32, #tpu.memory_space<vmem>>, vector<16xi32>,
          %bitcast3A_345 = vector.bitcast %get3A_344 : vector<16xi32> to vector<32xbf16>
          %min3A_346 = arith.minimumf %bitcast3A_345, %bitcast3A_332 : vector<32xbf16>
          %bitcast3A_347 = vector.bitcast %min3A_346 : vector<32xbf16> to vector<16xi32>
          %swap3A_348 = arith.index_cast %select_n3A_206 : i32 to index
          %swap3A_349 = arith.constant 96 : index
          %swap3A_350 = tpu.vector_load %arg8[%swap3A_348, %swap3A_349] {strides = array<i32>} : memref<321x128xi32, #tpu.memory_space<vmem>>, vector<16xi32>,
          tpu.vector_store %arg8[%swap3A_348, %swap3A_349], %bitcast3A_347 {strides = array<i32>} : memref<321x128xi32, #tpu.memory_space<vmem>>, vector<16xi32>,
          %get3A_351 = arith.constant 112 : index
          %get3A_352 = tpu.vector_load %arg11[%get3A_351] {strides = array<i32>} : memref<128xi32, #tpu.memory_space<vmem>>, vector<16xi32>,
          %bitcast3A_353 = vector.bitcast %get3A_352 : vector<16xi32> to vector<32xbf16>
          %get3A_354 = arith.index_cast %select_n3A_206 : i32 to index
          %get3A_355 = arith.constant 112 : index
          %get3A_356 = tpu.vector_load %arg7[%get3A_354, %get3A_355] {strides = array<i32>} : memref<321x128xi32, #tpu.memory_space<vmem>>, vector<16xi32>,
          %bitcast3A_357 = vector.bitcast %get3A_356 : vector<16xi32> to vector<32xbf16>
          %max3A_358 = arith.maximumf %bitcast3A_357, %bitcast3A_353 : vector<32xbf16>
          %bitcast3A_359 = vector.bitcast %max3A_358 : vector<32xbf16> to vector<16xi32>
          %swap3A_360 = arith.index_cast %select_n3A_206 : i32 to index
          %swap3A_361 = arith.constant 112 : index
          %swap3A_362 = tpu.vector_load %arg7[%swap3A_360, %swap3A_361] {strides = array<i32>} : memref<321x128xi32, #tpu.memory_space<vmem>>, vector<16xi32>,
          tpu.vector_store %arg7[%swap3A_360, %swap3A_361], %bitcast3A_359 {strides = array<i32>} : memref<321x128xi32, #tpu.memory_space<vmem>>, vector<16xi32>,
          %get3A_363 = arith.index_cast %select_n3A_206 : i32 to index
          %get3A_364 = arith.constant 112 : index
          %get3A_365 = tpu.vector_load %arg8[%get3A_363, %get3A_364] {strides = array<i32>} : memref<321x128xi32, #tpu.memory_space<vmem>>, vector<16xi32>,
          %bitcast3A_366 = vector.bitcast %get3A_365 : vector<16xi32> to vector<32xbf16>
          %min3A_367 = arith.minimumf %bitcast3A_366, %bitcast3A_353 : vector<32xbf16>
          %bitcast3A_368 = vector.bitcast %min3A_367 : vector<32xbf16> to vector<16xi32>
          %swap3A_369 = arith.index_cast %select_n3A_206 : i32 to index
          %swap3A_370 = arith.constant 112 : index
          %swap3A_371 = tpu.vector_load %arg8[%swap3A_369, %swap3A_370] {strides = array<i32>} : memref<321x128xi32, #tpu.memory_space<vmem>>, vector<16xi32>,
          tpu.vector_store %arg8[%swap3A_369, %swap3A_370], %bitcast3A_368 {strides = array<i32>} : memref<321x128xi32, #tpu.memory_space<vmem>>, vector<16xi32>,
        } else {
        }
        %while3A_160 = arith.constant 0 : i32
        scf.yield %while3A_160 : i32
      }
      %scan3A_111 = arith.constant 0 : i32
      scf.yield %scan3A_111 : i32
    }
    %scan3A_50 = arith.constant 25 : i32
    %dma_start3A_51 = arith.constant 0 : i32
    %dma_start3A_52 = tpu.memref_slice %arg9[%dma_start3A_51] : memref<32768xi32, #tpu.memory_space<vmem>> -> memref<16384xi32, #tpu.memory_space<vmem>>
    %dma_start3A_53 = arith.constant 0 : i32
    %dma_start3A_54 = tpu.memref_slice %arg2[%dma_start3A_53] : memref<1310720xi32, #tpu.memory_space<hbm>> -> memref<16384xi32, #tpu.memory_space<hbm>>
    %dma_start3A_55 = arith.constant 0 : i32
    %dma_start3A_56 = tpu.memref_slice %arg9[%dma_start3A_55] : memref<32768xi32, #tpu.memory_space<vmem>> -> memref<16384xi32, #tpu.memory_space<vmem>>
    %dma_start3A_57 = arith.constant 0 : i32
    %dma_start3A_58 = tpu.memref_slice %arg2[%dma_start3A_57] : memref<1310720xi32, #tpu.memory_space<hbm>> -> memref<16384xi32, #tpu.memory_space<hbm>>
    tpu.enqueue_dma source(%dma_start3A_58 : memref<16384xi32, #tpu.memory_space<hbm>>) target(%dma_start3A_56 : memref<16384xi32, #tpu.memory_space<vmem>>) target_semaphore(%arg13 : memref<!tpu.dma_semaphore, #tpu.memory_space<semaphore_mem>>)
    %scan3A_59 = arith.constant 0 : i32
    %scan3A_60 = arith.constant 0 : i32
    %scan3A_61 = arith.constant 80 : i32
    %scan3A_62 = arith.addi %scan3A_60, %scan3A_61 : i32
    %scan3A_63 = arith.constant 1 : i32
    %scan3A_64 = scf.for %scan3A_66 = %scan3A_60 to %scan3A_62 step %scan3A_63 iter_args(%scan3A_67 = %scan3A_59) -> (i32)  : i32 {
      %jit3A = arith.constant 2 : i32
      %eq3A = arith.constant 0 : i32
      %eq3A_68 = arith.cmpi eq, %jit3A, %eq3A : i32
      %jit3A_69 = arith.constant 1 : i32
      %select_n3A = arith.select %eq3A_68, %jit3A_69, %jit3A : i32
      %rem3A = arith.remsi %scan3A_66, %select_n3A : i32
      %ne3A = arith.constant 0 : i32
      %ne3A_70 = arith.cmpi ne, %rem3A, %ne3A : i32
      %lt3A = arith.constant 0 : i32
      %lt3A_71 = arith.cmpi slt, %rem3A, %lt3A : i32
      %lt3A_72 = arith.constant 0 : i32
      %lt3A_73 = arith.cmpi slt, %select_n3A, %lt3A_72 : i32
      %ne3A_74 = arith.xori %lt3A_71, %lt3A_73 : i1
      %and3A = arith.andi %ne3A_74, %ne3A_70 : i1
      %add3A_75 = arith.addi %rem3A, %select_n3A : i32
      %select_n3A_76 = arith.select %and3A, %add3A_75, %rem3A : i32
      %mul3A_77 = arith.constant 16384 : i32
      %mul3A_78 = arith.muli %select_n3A_76, %mul3A_77 : i32
      %dma_wait3A = arith.constant 0 : i32
      %dma_wait3A_79 = tpu.memref_slice %arg9[%dma_wait3A] : memref<32768xi32, #tpu.memory_space<vmem>> -> memref<16384xi32, #tpu.memory_space<vmem>>
      %dma_wait3A_80 = arith.constant 0 : i32
      %dma_wait3A_81 = tpu.memref_slice %arg2[%dma_wait3A_80] : memref<1310720xi32, #tpu.memory_space<hbm>> -> memref<16384xi32, #tpu.memory_space<hbm>>
      %dma_wait3A_82 = arith.constant 0 : i32
      %dma_wait3A_83 = tpu.memref_slice %arg9[%dma_wait3A_82] : memref<32768xi32, #tpu.memory_space<vmem>> -> memref<16384xi32, #tpu.memory_space<vmem>>
      %dma_wait3A_84 = arith.constant 0 : i32
      %dma_wait3A_85 = tpu.memref_slice %arg2[%dma_wait3A_84] : memref<1310720xi32, #tpu.memory_space<hbm>> -> memref<16384xi32, #tpu.memory_space<hbm>>
      tpu.wait_dma2 semaphore(%arg13 : memref<!tpu.dma_semaphore, #tpu.memory_space<semaphore_mem>>) src(%dma_wait3A_85 : memref<16384xi32, #tpu.memory_space<hbm>>) dst(%dma_wait3A_83 : memref<16384xi32, #tpu.memory_space<vmem>>)
      %add3A_86 = arith.constant 1 : i32
      %add3A_87 = arith.addi %scan3A_66, %add3A_86 : i32
      %lt3A_88 = arith.constant 80 : i32
      %lt3A_89 = arith.cmpi slt, %add3A_87, %lt3A_88 : i32
      %convert_element_type3A = arith.extui %lt3A_89 : i1 to i32
      %cond3A = arith.constant 0 : i32
      %cond3A_90 = arith.cmpi ne, %convert_element_type3A, %cond3A : i32
      scf.if %cond3A_90 {
        %add3A_105 = arith.constant 1 : i32
        %add3A_106 = arith.addi %scan3A_66, %add3A_105 : i32
        %jit3A_107 = arith.constant 2 : i32
        %eq3A_108 = arith.constant 0 : i32
        %eq3A_109 = arith.cmpi eq, %jit3A_107, %eq3A_108 : i32
        %jit3A_110 = arith.constant 1 : i32
        %select_n3A_111 = arith.select %eq3A_109, %jit3A_110, %jit3A_107 : i32
        %rem3A_112 = arith.remsi %add3A_106, %select_n3A_111 : i32
        %ne3A_113 = arith.constant 0 : i32
        %ne3A_114 = arith.cmpi ne, %rem3A_112, %ne3A_113 : i32
        %lt3A_115 = arith.constant 0 : i32
        %lt3A_116 = arith.cmpi slt, %rem3A_112, %lt3A_115 : i32
        %lt3A_117 = arith.constant 0 : i32
        %lt3A_118 = arith.cmpi slt, %select_n3A_111, %lt3A_117 : i32
        %ne3A_119 = arith.xori %lt3A_116, %lt3A_118 : i1
        %and3A_120 = arith.andi %ne3A_119, %ne3A_114 : i1
        %add3A_121 = arith.addi %rem3A_112, %select_n3A_111 : i32
        %select_n3A_122 = arith.select %and3A_120, %add3A_121, %rem3A_112 : i32
        %mul3A_123 = arith.constant 16384 : i32
        %mul3A_124 = arith.muli %select_n3A_122, %mul3A_123 : i32
        %add3A_125 = arith.constant 1 : i32
        %add3A_126 = arith.addi %scan3A_66, %add3A_125 : i32
        %mul3A_127 = arith.constant 16384 : i32
        %mul3A_128 = arith.muli %add3A_126, %mul3A_127 : i32
        %dma_start3A_129 = tpu.memref_slice %arg9[%mul3A_124] : memref<32768xi32, #tpu.memory_space<vmem>> -> memref<16384xi32, #tpu.memory_space<vmem>>
        %dma_start3A_130 = tpu.memref_slice %arg2[%mul3A_128] : memref<1310720xi32, #tpu.memory_space<hbm>> -> memref<16384xi32, #tpu.memory_space<hbm>>
        %dma_start3A_131 = tpu.memref_slice %arg9[%mul3A_124] : memref<32768xi32, #tpu.memory_space<vmem>> -> memref<16384xi32, #tpu.memory_space<vmem>>
        %dma_start3A_132 = tpu.memref_slice %arg2[%mul3A_128] : memref<1310720xi32, #tpu.memory_space<hbm>> -> memref<16384xi32, #tpu.memory_space<hbm>>
        tpu.enqueue_dma source(%dma_start3A_132 : memref<16384xi32, #tpu.memory_space<hbm>>) target(%dma_start3A_131 : memref<16384xi32, #tpu.memory_space<vmem>>) target_semaphore(%arg13 : memref<!tpu.dma_semaphore, #tpu.memory_space<semaphore_mem>>)
      } else {
      }
      %get3A = arith.index_cast %scan3A_66 : i32 to index
      %get3A_91 = memref.load %arg12[%get3A] : memref<80xi32, #tpu.memory_space<smem>>
      %min3A = arith.constant 160 : i32
      %min3A_92 = arith.minsi %get3A_91, %min3A : i32
      %while3A = arith.constant 0 : i32
      %while3A_93 = arith.constant 0 : i32
      %while3A_94 = arith.subi %min3A_92, %while3A : i32
      %while3A_95 = arith.addi %while3A, %while3A_94 : i32
      %while3A_96 = arith.constant 1 : i32
      %while3A_97 = arith.divsi %while3A_94, %while3A_96 : i32
      %while3A_98 = arith.muli %while3A_97, %while3A_96 : i32
      %while3A_99 = arith.addi %while3A, %while3A_98 : i32
      %while3A_100 = arith.constant 1 : i32
      %while3A_101 = scf.for %while3A_105 = %while3A to %while3A_99 step %while3A_100 iter_args(%while3A_106 = %while3A_93) -> (i32)  : i32 {
        %mul3A_107 = arith.constant 160 : i32
        %mul3A_108 = arith.muli %scan3A_66, %mul3A_107 : i32
        %add3A_109 = arith.addi %mul3A_108, %while3A_105 : i32
        %get3A_110 = arith.index_cast %add3A_109 : i32 to index
        %get3A_111 = tpu.vector_load %arg10[%get3A_110] {strides = array<i32>} : memref<12816xi32, #tpu.memory_space<vmem>>, vector<16xi32>,
        %slice3A = vector.extract_strided_slice %get3A_111 {offsets = [0], sizes = [1], strides = [1]} : vector<16xi32> to vector<1xi32>
        %squeeze3A = vector.extract %slice3A[0] : i32 from vector<1xi32>
        %jit3A_112 = arith.constant 512 : i32
        %div3A = arith.divsi %squeeze3A, %jit3A_112 : i32
        %sign3A = arith.constant 0 : i32
        %sign3A_113 = arith.cmpi sgt, %squeeze3A, %sign3A : i32
        %sign3A_114 = arith.extui %sign3A_113 : i1 to i32
        %sign3A_115 = arith.constant 0 : i32
        %sign3A_116 = arith.cmpi slt, %squeeze3A, %sign3A_115 : i32
        %sign3A_117 = arith.extui %sign3A_116 : i1 to i32
        %sign3A_118 = arith.subi %sign3A_114, %sign3A_117 : i32
        %sign3A_119 = arith.constant 0 : i32
        %sign3A_120 = arith.cmpi sgt, %jit3A_112, %sign3A_119 : i32
        %sign3A_121 = arith.extui %sign3A_120 : i1 to i32
        %sign3A_122 = arith.constant 0 : i32
        %sign3A_123 = arith.cmpi slt, %jit3A_112, %sign3A_122 : i32
        %sign3A_124 = arith.extui %sign3A_123 : i1 to i32
        %sign3A_125 = arith.subi %sign3A_121, %sign3A_124 : i32
        %ne3A_126 = arith.cmpi ne, %sign3A_118, %sign3A_125 : i32
        %rem3A_127 = arith.remsi %squeeze3A, %jit3A_112 : i32
        %ne3A_128 = arith.constant 0 : i32
        %ne3A_129 = arith.cmpi ne, %rem3A_127, %ne3A_128 : i32
        %and3A_130 = arith.andi %ne3A_126, %ne3A_129 : i1
        %sub3A = arith.constant 1 : i32
        %sub3A_131 = arith.subi %div3A, %sub3A : i32
        %select_n3A_132 = arith.select %and3A_130, %sub3A_131, %div3A : i32
        %mul3A_133 = arith.constant 128 : i32
        %mul3A_134 = arith.muli %scan3A_66, %mul3A_133 : i32
        %sub3A_135 = arith.subi %select_n3A_132, %mul3A_134 : i32
        %mul3A_136 = arith.constant 128 : i32
        %mul3A_137 = arith.muli %sub3A_135, %mul3A_136 : i32
        %add3A_138 = arith.addi %mul3A_137, %mul3A_78 : i32
        %jit3A_139 = arith.constant 512 : i32
        %eq3A_140 = arith.constant 0 : i32
        %eq3A_141 = arith.cmpi eq, %jit3A_139, %eq3A_140 : i32
        %jit3A_142 = arith.constant 1 : i32
        %select_n3A_143 = arith.select %eq3A_141, %jit3A_142, %jit3A_139 : i32
        %rem3A_144 = arith.remsi %squeeze3A, %select_n3A_143 : i32
        %ne3A_145 = arith.constant 0 : i32
        %ne3A_146 = arith.cmpi ne, %rem3A_144, %ne3A_145 : i32
        %lt3A_147 = arith.constant 0 : i32
        %lt3A_148 = arith.cmpi slt, %rem3A_144, %lt3A_147 : i32
        %lt3A_149 = arith.constant 0 : i32
        %lt3A_150 = arith.cmpi slt, %select_n3A_143, %lt3A_149 : i32
        %ne3A_151 = arith.xori %lt3A_148, %lt3A_150 : i1
        %and3A_152 = arith.andi %ne3A_151, %ne3A_146 : i1
        %add3A_153 = arith.addi %rem3A_144, %select_n3A_143 : i32
        %select_n3A_154 = arith.select %and3A_152, %add3A_153, %rem3A_144 : i32
        %add3A_155 = arith.constant 0 : i32
        %add3A_156 = arith.addi %add3A_138, %add3A_155 : i32
        %get3A_157 = arith.index_cast %add3A_156 : i32 to index
        %get3A_158 = tpu.vector_load %arg9[%get3A_157] {strides = array<i32>} : memref<32768xi32, #tpu.memory_space<vmem>>, vector<16xi32>,
        %bitcast3A = vector.bitcast %get3A_158 : vector<16xi32> to vector<32xbf16>
        %get3A_159 = arith.index_cast %select_n3A_154 : i32 to index
        %get3A_160 = arith.constant 0 : index
        %get3A_161 = tpu.vector_load %arg7[%get3A_159, %get3A_160] {strides = array<i32>} : memref<321x128xi32, #tpu.memory_space<vmem>>, vector<16xi32>,
        %bitcast3A_162 = vector.bitcast %get3A_161 : vector<16xi32> to vector<32xbf16>
        %max3A = arith.maximumf %bitcast3A_162, %bitcast3A : vector<32xbf16>
        %bitcast3A_163 = vector.bitcast %max3A : vector<32xbf16> to vector<16xi32>
        %swap3A = arith.index_cast %select_n3A_154 : i32 to index
        %swap3A_164 = arith.constant 0 : index
        %swap3A_165 = tpu.vector_load %arg7[%swap3A, %swap3A_164] {strides = array<i32>} : memref<321x128xi32, #tpu.memory_space<vmem>>, vector<16xi32>,
        tpu.vector_store %arg7[%swap3A, %swap3A_164], %bitcast3A_163 {strides = array<i32>} : memref<321x128xi32, #tpu.memory_space<vmem>>, vector<16xi32>,
        %get3A_166 = arith.index_cast %select_n3A_154 : i32 to index
        %get3A_167 = arith.constant 0 : index
        %get3A_168 = tpu.vector_load %arg8[%get3A_166, %get3A_167] {strides = array<i32>} : memref<321x128xi32, #tpu.memory_space<vmem>>, vector<16xi32>,
        %bitcast3A_169 = vector.bitcast %get3A_168 : vector<16xi32> to vector<32xbf16>
        %min3A_170 = arith.minimumf %bitcast3A_169, %bitcast3A : vector<32xbf16>
        %bitcast3A_171 = vector.bitcast %min3A_170 : vector<32xbf16> to vector<16xi32>
        %swap3A_172 = arith.index_cast %select_n3A_154 : i32 to index
        %swap3A_173 = arith.constant 0 : index
        %swap3A_174 = tpu.vector_load %arg8[%swap3A_172, %swap3A_173] {strides = array<i32>} : memref<321x128xi32, #tpu.memory_space<vmem>>, vector<16xi32>,
        tpu.vector_store %arg8[%swap3A_172, %swap3A_173], %bitcast3A_171 {strides = array<i32>} : memref<321x128xi32, #tpu.memory_space<vmem>>, vector<16xi32>,
        %add3A_175 = arith.constant 16 : i32
        %add3A_176 = arith.addi %add3A_138, %add3A_175 : i32
        %get3A_177 = arith.index_cast %add3A_176 : i32 to index
        %get3A_178 = tpu.vector_load %arg9[%get3A_177] {strides = array<i32>} : memref<32768xi32, #tpu.memory_space<vmem>>, vector<16xi32>,
        %bitcast3A_179 = vector.bitcast %get3A_178 : vector<16xi32> to vector<32xbf16>
        %get3A_180 = arith.index_cast %select_n3A_154 : i32 to index
        %get3A_181 = arith.constant 16 : index
        %get3A_182 = tpu.vector_load %arg7[%get3A_180, %get3A_181] {strides = array<i32>} : memref<321x128xi32, #tpu.memory_space<vmem>>, vector<16xi32>,
        %bitcast3A_183 = vector.bitcast %get3A_182 : vector<16xi32> to vector<32xbf16>
        %max3A_184 = arith.maximumf %bitcast3A_183, %bitcast3A_179 : vector<32xbf16>
        %bitcast3A_185 = vector.bitcast %max3A_184 : vector<32xbf16> to vector<16xi32>
        %swap3A_186 = arith.index_cast %select_n3A_154 : i32 to index
        %swap3A_187 = arith.constant 16 : index
        %swap3A_188 = tpu.vector_load %arg7[%swap3A_186, %swap3A_187] {strides = array<i32>} : memref<321x128xi32, #tpu.memory_space<vmem>>, vector<16xi32>,
        tpu.vector_store %arg7[%swap3A_186, %swap3A_187], %bitcast3A_185 {strides = array<i32>} : memref<321x128xi32, #tpu.memory_space<vmem>>, vector<16xi32>,
        %get3A_189 = arith.index_cast %select_n3A_154 : i32 to index
        %get3A_190 = arith.constant 16 : index
        %get3A_191 = tpu.vector_load %arg8[%get3A_189, %get3A_190] {strides = array<i32>} : memref<321x128xi32, #tpu.memory_space<vmem>>, vector<16xi32>,
        %bitcast3A_192 = vector.bitcast %get3A_191 : vector<16xi32> to vector<32xbf16>
        %min3A_193 = arith.minimumf %bitcast3A_192, %bitcast3A_179 : vector<32xbf16>
        %bitcast3A_194 = vector.bitcast %min3A_193 : vector<32xbf16> to vector<16xi32>
        %swap3A_195 = arith.index_cast %select_n3A_154 : i32 to index
        %swap3A_196 = arith.constant 16 : index
        %swap3A_197 = tpu.vector_load %arg8[%swap3A_195, %swap3A_196] {strides = array<i32>} : memref<321x128xi32, #tpu.memory_space<vmem>>, vector<16xi32>,
        tpu.vector_store %arg8[%swap3A_195, %swap3A_196], %bitcast3A_194 {strides = array<i32>} : memref<321x128xi32, #tpu.memory_space<vmem>>, vector<16xi32>,
        %add3A_198 = arith.constant 32 : i32
        %add3A_199 = arith.addi %add3A_138, %add3A_198 : i32
        %get3A_200 = arith.index_cast %add3A_199 : i32 to index
        %get3A_201 = tpu.vector_load %arg9[%get3A_200] {strides = array<i32>} : memref<32768xi32, #tpu.memory_space<vmem>>, vector<16xi32>,
        %bitcast3A_202 = vector.bitcast %get3A_201 : vector<16xi32> to vector<32xbf16>
        %get3A_203 = arith.index_cast %select_n3A_154 : i32 to index
        %get3A_204 = arith.constant 32 : index
        %get3A_205 = tpu.vector_load %arg7[%get3A_203, %get3A_204] {strides = array<i32>} : memref<321x128xi32, #tpu.memory_space<vmem>>, vector<16xi32>,
        %bitcast3A_206 = vector.bitcast %get3A_205 : vector<16xi32> to vector<32xbf16>
        %max3A_207 = arith.maximumf %bitcast3A_206, %bitcast3A_202 : vector<32xbf16>
        %bitcast3A_208 = vector.bitcast %max3A_207 : vector<32xbf16> to vector<16xi32>
        %swap3A_209 = arith.index_cast %select_n3A_154 : i32 to index
        %swap3A_210 = arith.constant 32 : index
        %swap3A_211 = tpu.vector_load %arg7[%swap3A_209, %swap3A_210] {strides = array<i32>} : memref<321x128xi32, #tpu.memory_space<vmem>>, vector<16xi32>,
        tpu.vector_store %arg7[%swap3A_209, %swap3A_210], %bitcast3A_208 {strides = array<i32>} : memref<321x128xi32, #tpu.memory_space<vmem>>, vector<16xi32>,
        %get3A_212 = arith.index_cast %select_n3A_154 : i32 to index
        %get3A_213 = arith.constant 32 : index
        %get3A_214 = tpu.vector_load %arg8[%get3A_212, %get3A_213] {strides = array<i32>} : memref<321x128xi32, #tpu.memory_space<vmem>>, vector<16xi32>,
        %bitcast3A_215 = vector.bitcast %get3A_214 : vector<16xi32> to vector<32xbf16>
        %min3A_216 = arith.minimumf %bitcast3A_215, %bitcast3A_202 : vector<32xbf16>
        %bitcast3A_217 = vector.bitcast %min3A_216 : vector<32xbf16> to vector<16xi32>
        %swap3A_218 = arith.index_cast %select_n3A_154 : i32 to index
        %swap3A_219 = arith.constant 32 : index
        %swap3A_220 = tpu.vector_load %arg8[%swap3A_218, %swap3A_219] {strides = array<i32>} : memref<321x128xi32, #tpu.memory_space<vmem>>, vector<16xi32>,
        tpu.vector_store %arg8[%swap3A_218, %swap3A_219], %bitcast3A_217 {strides = array<i32>} : memref<321x128xi32, #tpu.memory_space<vmem>>, vector<16xi32>,
        %add3A_221 = arith.constant 48 : i32
        %add3A_222 = arith.addi %add3A_138, %add3A_221 : i32
        %get3A_223 = arith.index_cast %add3A_222 : i32 to index
        %get3A_224 = tpu.vector_load %arg9[%get3A_223] {strides = array<i32>} : memref<32768xi32, #tpu.memory_space<vmem>>, vector<16xi32>,
        %bitcast3A_225 = vector.bitcast %get3A_224 : vector<16xi32> to vector<32xbf16>
        %get3A_226 = arith.index_cast %select_n3A_154 : i32 to index
        %get3A_227 = arith.constant 48 : index
        %get3A_228 = tpu.vector_load %arg7[%get3A_226, %get3A_227] {strides = array<i32>} : memref<321x128xi32, #tpu.memory_space<vmem>>, vector<16xi32>,
        %bitcast3A_229 = vector.bitcast %get3A_228 : vector<16xi32> to vector<32xbf16>
        %max3A_230 = arith.maximumf %bitcast3A_229, %bitcast3A_225 : vector<32xbf16>
        %bitcast3A_231 = vector.bitcast %max3A_230 : vector<32xbf16> to vector<16xi32>
        %swap3A_232 = arith.index_cast %select_n3A_154 : i32 to index
        %swap3A_233 = arith.constant 48 : index
        %swap3A_234 = tpu.vector_load %arg7[%swap3A_232, %swap3A_233] {strides = array<i32>} : memref<321x128xi32, #tpu.memory_space<vmem>>, vector<16xi32>,
        tpu.vector_store %arg7[%swap3A_232, %swap3A_233], %bitcast3A_231 {strides = array<i32>} : memref<321x128xi32, #tpu.memory_space<vmem>>, vector<16xi32>,
        %get3A_235 = arith.index_cast %select_n3A_154 : i32 to index
        %get3A_236 = arith.constant 48 : index
        %get3A_237 = tpu.vector_load %arg8[%get3A_235, %get3A_236] {strides = array<i32>} : memref<321x128xi32, #tpu.memory_space<vmem>>, vector<16xi32>,
        %bitcast3A_238 = vector.bitcast %get3A_237 : vector<16xi32> to vector<32xbf16>
        %min3A_239 = arith.minimumf %bitcast3A_238, %bitcast3A_225 : vector<32xbf16>
        %bitcast3A_240 = vector.bitcast %min3A_239 : vector<32xbf16> to vector<16xi32>
        %swap3A_241 = arith.index_cast %select_n3A_154 : i32 to index
        %swap3A_242 = arith.constant 48 : index
        %swap3A_243 = tpu.vector_load %arg8[%swap3A_241, %swap3A_242] {strides = array<i32>} : memref<321x128xi32, #tpu.memory_space<vmem>>, vector<16xi32>,
        tpu.vector_store %arg8[%swap3A_241, %swap3A_242], %bitcast3A_240 {strides = array<i32>} : memref<321x128xi32, #tpu.memory_space<vmem>>, vector<16xi32>,
        %add3A_244 = arith.constant 64 : i32
        %add3A_245 = arith.addi %add3A_138, %add3A_244 : i32
        %get3A_246 = arith.index_cast %add3A_245 : i32 to index
        %get3A_247 = tpu.vector_load %arg9[%get3A_246] {strides = array<i32>} : memref<32768xi32, #tpu.memory_space<vmem>>, vector<16xi32>,
        %bitcast3A_248 = vector.bitcast %get3A_247 : vector<16xi32> to vector<32xbf16>
        %get3A_249 = arith.index_cast %select_n3A_154 : i32 to index
        %get3A_250 = arith.constant 64 : index
        %get3A_251 = tpu.vector_load %arg7[%get3A_249, %get3A_250] {strides = array<i32>} : memref<321x128xi32, #tpu.memory_space<vmem>>, vector<16xi32>,
        %bitcast3A_252 = vector.bitcast %get3A_251 : vector<16xi32> to vector<32xbf16>
        %max3A_253 = arith.maximumf %bitcast3A_252, %bitcast3A_248 : vector<32xbf16>
        %bitcast3A_254 = vector.bitcast %max3A_253 : vector<32xbf16> to vector<16xi32>
        %swap3A_255 = arith.index_cast %select_n3A_154 : i32 to index
        %swap3A_256 = arith.constant 64 : index
        %swap3A_257 = tpu.vector_load %arg7[%swap3A_255, %swap3A_256] {strides = array<i32>} : memref<321x128xi32, #tpu.memory_space<vmem>>, vector<16xi32>,
        tpu.vector_store %arg7[%swap3A_255, %swap3A_256], %bitcast3A_254 {strides = array<i32>} : memref<321x128xi32, #tpu.memory_space<vmem>>, vector<16xi32>,
        %get3A_258 = arith.index_cast %select_n3A_154 : i32 to index
        %get3A_259 = arith.constant 64 : index
        %get3A_260 = tpu.vector_load %arg8[%get3A_258, %get3A_259] {strides = array<i32>} : memref<321x128xi32, #tpu.memory_space<vmem>>, vector<16xi32>,
        %bitcast3A_261 = vector.bitcast %get3A_260 : vector<16xi32> to vector<32xbf16>
        %min3A_262 = arith.minimumf %bitcast3A_261, %bitcast3A_248 : vector<32xbf16>
        %bitcast3A_263 = vector.bitcast %min3A_262 : vector<32xbf16> to vector<16xi32>
        %swap3A_264 = arith.index_cast %select_n3A_154 : i32 to index
        %swap3A_265 = arith.constant 64 : index
        %swap3A_266 = tpu.vector_load %arg8[%swap3A_264, %swap3A_265] {strides = array<i32>} : memref<321x128xi32, #tpu.memory_space<vmem>>, vector<16xi32>,
        tpu.vector_store %arg8[%swap3A_264, %swap3A_265], %bitcast3A_263 {strides = array<i32>} : memref<321x128xi32, #tpu.memory_space<vmem>>, vector<16xi32>,
        %add3A_267 = arith.constant 80 : i32
        %add3A_268 = arith.addi %add3A_138, %add3A_267 : i32
        %get3A_269 = arith.index_cast %add3A_268 : i32 to index
        %get3A_270 = tpu.vector_load %arg9[%get3A_269] {strides = array<i32>} : memref<32768xi32, #tpu.memory_space<vmem>>, vector<16xi32>,
        %bitcast3A_271 = vector.bitcast %get3A_270 : vector<16xi32> to vector<32xbf16>
        %get3A_272 = arith.index_cast %select_n3A_154 : i32 to index
        %get3A_273 = arith.constant 80 : index
        %get3A_274 = tpu.vector_load %arg7[%get3A_272, %get3A_273] {strides = array<i32>} : memref<321x128xi32, #tpu.memory_space<vmem>>, vector<16xi32>,
        %bitcast3A_275 = vector.bitcast %get3A_274 : vector<16xi32> to vector<32xbf16>
        %max3A_276 = arith.maximumf %bitcast3A_275, %bitcast3A_271 : vector<32xbf16>
        %bitcast3A_277 = vector.bitcast %max3A_276 : vector<32xbf16> to vector<16xi32>
        %swap3A_278 = arith.index_cast %select_n3A_154 : i32 to index
        %swap3A_279 = arith.constant 80 : index
        %swap3A_280 = tpu.vector_load %arg7[%swap3A_278, %swap3A_279] {strides = array<i32>} : memref<321x128xi32, #tpu.memory_space<vmem>>, vector<16xi32>,
        tpu.vector_store %arg7[%swap3A_278, %swap3A_279], %bitcast3A_277 {strides = array<i32>} : memref<321x128xi32, #tpu.memory_space<vmem>>, vector<16xi32>,
        %get3A_281 = arith.index_cast %select_n3A_154 : i32 to index
        %get3A_282 = arith.constant 80 : index
        %get3A_283 = tpu.vector_load %arg8[%get3A_281, %get3A_282] {strides = array<i32>} : memref<321x128xi32, #tpu.memory_space<vmem>>, vector<16xi32>,
        %bitcast3A_284 = vector.bitcast %get3A_283 : vector<16xi32> to vector<32xbf16>
        %min3A_285 = arith.minimumf %bitcast3A_284, %bitcast3A_271 : vector<32xbf16>
        %bitcast3A_286 = vector.bitcast %min3A_285 : vector<32xbf16> to vector<16xi32>
        %swap3A_287 = arith.index_cast %select_n3A_154 : i32 to index
        %swap3A_288 = arith.constant 80 : index
        %swap3A_289 = tpu.vector_load %arg8[%swap3A_287, %swap3A_288] {strides = array<i32>} : memref<321x128xi32, #tpu.memory_space<vmem>>, vector<16xi32>,
        tpu.vector_store %arg8[%swap3A_287, %swap3A_288], %bitcast3A_286 {strides = array<i32>} : memref<321x128xi32, #tpu.memory_space<vmem>>, vector<16xi32>,
        %add3A_290 = arith.constant 96 : i32
        %add3A_291 = arith.addi %add3A_138, %add3A_290 : i32
        %get3A_292 = arith.index_cast %add3A_291 : i32 to index
        %get3A_293 = tpu.vector_load %arg9[%get3A_292] {strides = array<i32>} : memref<32768xi32, #tpu.memory_space<vmem>>, vector<16xi32>,
        %bitcast3A_294 = vector.bitcast %get3A_293 : vector<16xi32> to vector<32xbf16>
        %get3A_295 = arith.index_cast %select_n3A_154 : i32 to index
        %get3A_296 = arith.constant 96 : index
        %get3A_297 = tpu.vector_load %arg7[%get3A_295, %get3A_296] {strides = array<i32>} : memref<321x128xi32, #tpu.memory_space<vmem>>, vector<16xi32>,
        %bitcast3A_298 = vector.bitcast %get3A_297 : vector<16xi32> to vector<32xbf16>
        %max3A_299 = arith.maximumf %bitcast3A_298, %bitcast3A_294 : vector<32xbf16>
        %bitcast3A_300 = vector.bitcast %max3A_299 : vector<32xbf16> to vector<16xi32>
        %swap3A_301 = arith.index_cast %select_n3A_154 : i32 to index
        %swap3A_302 = arith.constant 96 : index
        %swap3A_303 = tpu.vector_load %arg7[%swap3A_301, %swap3A_302] {strides = array<i32>} : memref<321x128xi32, #tpu.memory_space<vmem>>, vector<16xi32>,
        tpu.vector_store %arg7[%swap3A_301, %swap3A_302], %bitcast3A_300 {strides = array<i32>} : memref<321x128xi32, #tpu.memory_space<vmem>>, vector<16xi32>,
        %get3A_304 = arith.index_cast %select_n3A_154 : i32 to index
        %get3A_305 = arith.constant 96 : index
        %get3A_306 = tpu.vector_load %arg8[%get3A_304, %get3A_305] {strides = array<i32>} : memref<321x128xi32, #tpu.memory_space<vmem>>, vector<16xi32>,
        %bitcast3A_307 = vector.bitcast %get3A_306 : vector<16xi32> to vector<32xbf16>
        %min3A_308 = arith.minimumf %bitcast3A_307, %bitcast3A_294 : vector<32xbf16>
        %bitcast3A_309 = vector.bitcast %min3A_308 : vector<32xbf16> to vector<16xi32>
        %swap3A_310 = arith.index_cast %select_n3A_154 : i32 to index
        %swap3A_311 = arith.constant 96 : index
        %swap3A_312 = tpu.vector_load %arg8[%swap3A_310, %swap3A_311] {strides = array<i32>} : memref<321x128xi32, #tpu.memory_space<vmem>>, vector<16xi32>,
        tpu.vector_store %arg8[%swap3A_310, %swap3A_311], %bitcast3A_309 {strides = array<i32>} : memref<321x128xi32, #tpu.memory_space<vmem>>, vector<16xi32>,
        %add3A_313 = arith.constant 112 : i32
        %add3A_314 = arith.addi %add3A_138, %add3A_313 : i32
        %get3A_315 = arith.index_cast %add3A_314 : i32 to index
        %get3A_316 = tpu.vector_load %arg9[%get3A_315] {strides = array<i32>} : memref<32768xi32, #tpu.memory_space<vmem>>, vector<16xi32>,
        %bitcast3A_317 = vector.bitcast %get3A_316 : vector<16xi32> to vector<32xbf16>
        %get3A_318 = arith.index_cast %select_n3A_154 : i32 to index
        %get3A_319 = arith.constant 112 : index
        %get3A_320 = tpu.vector_load %arg7[%get3A_318, %get3A_319] {strides = array<i32>} : memref<321x128xi32, #tpu.memory_space<vmem>>, vector<16xi32>,
        %bitcast3A_321 = vector.bitcast %get3A_320 : vector<16xi32> to vector<32xbf16>
        %max3A_322 = arith.maximumf %bitcast3A_321, %bitcast3A_317 : vector<32xbf16>
        %bitcast3A_323 = vector.bitcast %max3A_322 : vector<32xbf16> to vector<16xi32>
        %swap3A_324 = arith.index_cast %select_n3A_154 : i32 to index
        %swap3A_325 = arith.constant 112 : index
        %swap3A_326 = tpu.vector_load %arg7[%swap3A_324, %swap3A_325] {strides = array<i32>} : memref<321x128xi32, #tpu.memory_space<vmem>>, vector<16xi32>,
        tpu.vector_store %arg7[%swap3A_324, %swap3A_325], %bitcast3A_323 {strides = array<i32>} : memref<321x128xi32, #tpu.memory_space<vmem>>, vector<16xi32>,
        %get3A_327 = arith.index_cast %select_n3A_154 : i32 to index
        %get3A_328 = arith.constant 112 : index
        %get3A_329 = tpu.vector_load %arg8[%get3A_327, %get3A_328] {strides = array<i32>} : memref<321x128xi32, #tpu.memory_space<vmem>>, vector<16xi32>,
        %bitcast3A_330 = vector.bitcast %get3A_329 : vector<16xi32> to vector<32xbf16>
        %min3A_331 = arith.minimumf %bitcast3A_330, %bitcast3A_317 : vector<32xbf16>
        %bitcast3A_332 = vector.bitcast %min3A_331 : vector<32xbf16> to vector<16xi32>
        %swap3A_333 = arith.index_cast %select_n3A_154 : i32 to index
        %swap3A_334 = arith.constant 112 : index
        %swap3A_335 = tpu.vector_load %arg8[%swap3A_333, %swap3A_334] {strides = array<i32>} : memref<321x128xi32, #tpu.memory_space<vmem>>, vector<16xi32>,
        tpu.vector_store %arg8[%swap3A_333, %swap3A_334], %bitcast3A_332 {strides = array<i32>} : memref<321x128xi32, #tpu.memory_space<vmem>>, vector<16xi32>,
        %while3A_336 = arith.constant 0 : i32
        scf.yield %while3A_336 : i32
      }
      %while3A_102 = arith.constant 1 : i32
      %while3A_103 = scf.for %while3A_105 = %while3A_99 to %while3A_95 step %while3A_102 iter_args(%while3A_106 = %while3A_101) -> (i32)  : i32 {
        %mul3A_107 = arith.constant 160 : i32
        %mul3A_108 = arith.muli %scan3A_66, %mul3A_107 : i32
        %add3A_109 = arith.addi %mul3A_108, %while3A_105 : i32
        %get3A_110 = arith.index_cast %add3A_109 : i32 to index
        %get3A_111 = tpu.vector_load %arg10[%get3A_110] {strides = array<i32>} : memref<12816xi32, #tpu.memory_space<vmem>>, vector<16xi32>,
        %slice3A = vector.extract_strided_slice %get3A_111 {offsets = [0], sizes = [1], strides = [1]} : vector<16xi32> to vector<1xi32>
        %squeeze3A = vector.extract %slice3A[0] : i32 from vector<1xi32>
        %jit3A_112 = arith.constant 512 : i32
        %div3A = arith.divsi %squeeze3A, %jit3A_112 : i32
        %sign3A = arith.constant 0 : i32
        %sign3A_113 = arith.cmpi sgt, %squeeze3A, %sign3A : i32
        %sign3A_114 = arith.extui %sign3A_113 : i1 to i32
        %sign3A_115 = arith.constant 0 : i32
        %sign3A_116 = arith.cmpi slt, %squeeze3A, %sign3A_115 : i32
        %sign3A_117 = arith.extui %sign3A_116 : i1 to i32
        %sign3A_118 = arith.subi %sign3A_114, %sign3A_117 : i32
        %sign3A_119 = arith.constant 0 : i32
        %sign3A_120 = arith.cmpi sgt, %jit3A_112, %sign3A_119 : i32
        %sign3A_121 = arith.extui %sign3A_120 : i1 to i32
        %sign3A_122 = arith.constant 0 : i32
        %sign3A_123 = arith.cmpi slt, %jit3A_112, %sign3A_122 : i32
        %sign3A_124 = arith.extui %sign3A_123 : i1 to i32
        %sign3A_125 = arith.subi %sign3A_121, %sign3A_124 : i32
        %ne3A_126 = arith.cmpi ne, %sign3A_118, %sign3A_125 : i32
        %rem3A_127 = arith.remsi %squeeze3A, %jit3A_112 : i32
        %ne3A_128 = arith.constant 0 : i32
        %ne3A_129 = arith.cmpi ne, %rem3A_127, %ne3A_128 : i32
        %and3A_130 = arith.andi %ne3A_126, %ne3A_129 : i1
        %sub3A = arith.constant 1 : i32
        %sub3A_131 = arith.subi %div3A, %sub3A : i32
        %select_n3A_132 = arith.select %and3A_130, %sub3A_131, %div3A : i32
        %mul3A_133 = arith.constant 128 : i32
        %mul3A_134 = arith.muli %scan3A_66, %mul3A_133 : i32
        %sub3A_135 = arith.subi %select_n3A_132, %mul3A_134 : i32
        %mul3A_136 = arith.constant 128 : i32
        %mul3A_137 = arith.muli %sub3A_135, %mul3A_136 : i32
        %add3A_138 = arith.addi %mul3A_137, %mul3A_78 : i32
        %jit3A_139 = arith.constant 512 : i32
        %eq3A_140 = arith.constant 0 : i32
        %eq3A_141 = arith.cmpi eq, %jit3A_139, %eq3A_140 : i32
        %jit3A_142 = arith.constant 1 : i32
        %select_n3A_143 = arith.select %eq3A_141, %jit3A_142, %jit3A_139 : i32
        %rem3A_144 = arith.remsi %squeeze3A, %select_n3A_143 : i32
        %ne3A_145 = arith.constant 0 : i32
        %ne3A_146 = arith.cmpi ne, %rem3A_144, %ne3A_145 : i32
        %lt3A_147 = arith.constant 0 : i32
        %lt3A_148 = arith.cmpi slt, %rem3A_144, %lt3A_147 : i32
        %lt3A_149 = arith.constant 0 : i32
        %lt3A_150 = arith.cmpi slt, %select_n3A_143, %lt3A_149 : i32
        %ne3A_151 = arith.xori %lt3A_148, %lt3A_150 : i1
        %and3A_152 = arith.andi %ne3A_151, %ne3A_146 : i1
        %add3A_153 = arith.addi %rem3A_144, %select_n3A_143 : i32
        %select_n3A_154 = arith.select %and3A_152, %add3A_153, %rem3A_144 : i32
        %add3A_155 = arith.constant 0 : i32
        %add3A_156 = arith.addi %add3A_138, %add3A_155 : i32
        %get3A_157 = arith.index_cast %add3A_156 : i32 to index
        %get3A_158 = tpu.vector_load %arg9[%get3A_157] {strides = array<i32>} : memref<32768xi32, #tpu.memory_space<vmem>>, vector<16xi32>,
        %bitcast3A = vector.bitcast %get3A_158 : vector<16xi32> to vector<32xbf16>
        %get3A_159 = arith.index_cast %select_n3A_154 : i32 to index
        %get3A_160 = arith.constant 0 : index
        %get3A_161 = tpu.vector_load %arg7[%get3A_159, %get3A_160] {strides = array<i32>} : memref<321x128xi32, #tpu.memory_space<vmem>>, vector<16xi32>,
        %bitcast3A_162 = vector.bitcast %get3A_161 : vector<16xi32> to vector<32xbf16>
        %max3A = arith.maximumf %bitcast3A_162, %bitcast3A : vector<32xbf16>
        %bitcast3A_163 = vector.bitcast %max3A : vector<32xbf16> to vector<16xi32>
        %swap3A = arith.index_cast %select_n3A_154 : i32 to index
        %swap3A_164 = arith.constant 0 : index
        %swap3A_165 = tpu.vector_load %arg7[%swap3A, %swap3A_164] {strides = array<i32>} : memref<321x128xi32, #tpu.memory_space<vmem>>, vector<16xi32>,
        tpu.vector_store %arg7[%swap3A, %swap3A_164], %bitcast3A_163 {strides = array<i32>} : memref<321x128xi32, #tpu.memory_space<vmem>>, vector<16xi32>,
        %get3A_166 = arith.index_cast %select_n3A_154 : i32 to index
        %get3A_167 = arith.constant 0 : index
        %get3A_168 = tpu.vector_load %arg8[%get3A_166, %get3A_167] {strides = array<i32>} : memref<321x128xi32, #tpu.memory_space<vmem>>, vector<16xi32>,
        %bitcast3A_169 = vector.bitcast %get3A_168 : vector<16xi32> to vector<32xbf16>
        %min3A_170 = arith.minimumf %bitcast3A_169, %bitcast3A : vector<32xbf16>
        %bitcast3A_171 = vector.bitcast %min3A_170 : vector<32xbf16> to vector<16xi32>
        %swap3A_172 = arith.index_cast %select_n3A_154 : i32 to index
        %swap3A_173 = arith.constant 0 : index
        %swap3A_174 = tpu.vector_load %arg8[%swap3A_172, %swap3A_173] {strides = array<i32>} : memref<321x128xi32, #tpu.memory_space<vmem>>, vector<16xi32>,
        tpu.vector_store %arg8[%swap3A_172, %swap3A_173], %bitcast3A_171 {strides = array<i32>} : memref<321x128xi32, #tpu.memory_space<vmem>>, vector<16xi32>,
        %add3A_175 = arith.constant 16 : i32
        %add3A_176 = arith.addi %add3A_138, %add3A_175 : i32
        %get3A_177 = arith.index_cast %add3A_176 : i32 to index
        %get3A_178 = tpu.vector_load %arg9[%get3A_177] {strides = array<i32>} : memref<32768xi32, #tpu.memory_space<vmem>>, vector<16xi32>,
        %bitcast3A_179 = vector.bitcast %get3A_178 : vector<16xi32> to vector<32xbf16>
        %get3A_180 = arith.index_cast %select_n3A_154 : i32 to index
        %get3A_181 = arith.constant 16 : index
        %get3A_182 = tpu.vector_load %arg7[%get3A_180, %get3A_181] {strides = array<i32>} : memref<321x128xi32, #tpu.memory_space<vmem>>, vector<16xi32>,
        %bitcast3A_183 = vector.bitcast %get3A_182 : vector<16xi32> to vector<32xbf16>
        %max3A_184 = arith.maximumf %bitcast3A_183, %bitcast3A_179 : vector<32xbf16>
        %bitcast3A_185 = vector.bitcast %max3A_184 : vector<32xbf16> to vector<16xi32>
        %swap3A_186 = arith.index_cast %select_n3A_154 : i32 to index
        %swap3A_187 = arith.constant 16 : index
        %swap3A_188 = tpu.vector_load %arg7[%swap3A_186, %swap3A_187] {strides = array<i32>} : memref<321x128xi32, #tpu.memory_space<vmem>>, vector<16xi32>,
        tpu.vector_store %arg7[%swap3A_186, %swap3A_187], %bitcast3A_185 {strides = array<i32>} : memref<321x128xi32, #tpu.memory_space<vmem>>, vector<16xi32>,
        %get3A_189 = arith.index_cast %select_n3A_154 : i32 to index
        %get3A_190 = arith.constant 16 : index
        %get3A_191 = tpu.vector_load %arg8[%get3A_189, %get3A_190] {strides = array<i32>} : memref<321x128xi32, #tpu.memory_space<vmem>>, vector<16xi32>,
        %bitcast3A_192 = vector.bitcast %get3A_191 : vector<16xi32> to vector<32xbf16>
        %min3A_193 = arith.minimumf %bitcast3A_192, %bitcast3A_179 : vector<32xbf16>
        %bitcast3A_194 = vector.bitcast %min3A_193 : vector<32xbf16> to vector<16xi32>
        %swap3A_195 = arith.index_cast %select_n3A_154 : i32 to index
        %swap3A_196 = arith.constant 16 : index
        %swap3A_197 = tpu.vector_load %arg8[%swap3A_195, %swap3A_196] {strides = array<i32>} : memref<321x128xi32, #tpu.memory_space<vmem>>, vector<16xi32>,
        tpu.vector_store %arg8[%swap3A_195, %swap3A_196], %bitcast3A_194 {strides = array<i32>} : memref<321x128xi32, #tpu.memory_space<vmem>>, vector<16xi32>,
        %add3A_198 = arith.constant 32 : i32
        %add3A_199 = arith.addi %add3A_138, %add3A_198 : i32
        %get3A_200 = arith.index_cast %add3A_199 : i32 to index
        %get3A_201 = tpu.vector_load %arg9[%get3A_200] {strides = array<i32>} : memref<32768xi32, #tpu.memory_space<vmem>>, vector<16xi32>,
        %bitcast3A_202 = vector.bitcast %get3A_201 : vector<16xi32> to vector<32xbf16>
        %get3A_203 = arith.index_cast %select_n3A_154 : i32 to index
        %get3A_204 = arith.constant 32 : index
        %get3A_205 = tpu.vector_load %arg7[%get3A_203, %get3A_204] {strides = array<i32>} : memref<321x128xi32, #tpu.memory_space<vmem>>, vector<16xi32>,
        %bitcast3A_206 = vector.bitcast %get3A_205 : vector<16xi32> to vector<32xbf16>
        %max3A_207 = arith.maximumf %bitcast3A_206, %bitcast3A_202 : vector<32xbf16>
        %bitcast3A_208 = vector.bitcast %max3A_207 : vector<32xbf16> to vector<16xi32>
        %swap3A_209 = arith.index_cast %select_n3A_154 : i32 to index
        %swap3A_210 = arith.constant 32 : index
        %swap3A_211 = tpu.vector_load %arg7[%swap3A_209, %swap3A_210] {strides = array<i32>} : memref<321x128xi32, #tpu.memory_space<vmem>>, vector<16xi32>,
        tpu.vector_store %arg7[%swap3A_209, %swap3A_210], %bitcast3A_208 {strides = array<i32>} : memref<321x128xi32, #tpu.memory_space<vmem>>, vector<16xi32>,
        %get3A_212 = arith.index_cast %select_n3A_154 : i32 to index
        %get3A_213 = arith.constant 32 : index
        %get3A_214 = tpu.vector_load %arg8[%get3A_212, %get3A_213] {strides = array<i32>} : memref<321x128xi32, #tpu.memory_space<vmem>>, vector<16xi32>,
        %bitcast3A_215 = vector.bitcast %get3A_214 : vector<16xi32> to vector<32xbf16>
        %min3A_216 = arith.minimumf %bitcast3A_215, %bitcast3A_202 : vector<32xbf16>
        %bitcast3A_217 = vector.bitcast %min3A_216 : vector<32xbf16> to vector<16xi32>
        %swap3A_218 = arith.index_cast %select_n3A_154 : i32 to index
        %swap3A_219 = arith.constant 32 : index
        %swap3A_220 = tpu.vector_load %arg8[%swap3A_218, %swap3A_219] {strides = array<i32>} : memref<321x128xi32, #tpu.memory_space<vmem>>, vector<16xi32>,
        tpu.vector_store %arg8[%swap3A_218, %swap3A_219], %bitcast3A_217 {strides = array<i32>} : memref<321x128xi32, #tpu.memory_space<vmem>>, vector<16xi32>,
        %add3A_221 = arith.constant 48 : i32
        %add3A_222 = arith.addi %add3A_138, %add3A_221 : i32
        %get3A_223 = arith.index_cast %add3A_222 : i32 to index
        %get3A_224 = tpu.vector_load %arg9[%get3A_223] {strides = array<i32>} : memref<32768xi32, #tpu.memory_space<vmem>>, vector<16xi32>,
        %bitcast3A_225 = vector.bitcast %get3A_224 : vector<16xi32> to vector<32xbf16>
        %get3A_226 = arith.index_cast %select_n3A_154 : i32 to index
        %get3A_227 = arith.constant 48 : index
        %get3A_228 = tpu.vector_load %arg7[%get3A_226, %get3A_227] {strides = array<i32>} : memref<321x128xi32, #tpu.memory_space<vmem>>, vector<16xi32>,
        %bitcast3A_229 = vector.bitcast %get3A_228 : vector<16xi32> to vector<32xbf16>
        %max3A_230 = arith.maximumf %bitcast3A_229, %bitcast3A_225 : vector<32xbf16>
        %bitcast3A_231 = vector.bitcast %max3A_230 : vector<32xbf16> to vector<16xi32>
        %swap3A_232 = arith.index_cast %select_n3A_154 : i32 to index
        %swap3A_233 = arith.constant 48 : index
        %swap3A_234 = tpu.vector_load %arg7[%swap3A_232, %swap3A_233] {strides = array<i32>} : memref<321x128xi32, #tpu.memory_space<vmem>>, vector<16xi32>,
        tpu.vector_store %arg7[%swap3A_232, %swap3A_233], %bitcast3A_231 {strides = array<i32>} : memref<321x128xi32, #tpu.memory_space<vmem>>, vector<16xi32>,
        %get3A_235 = arith.index_cast %select_n3A_154 : i32 to index
        %get3A_236 = arith.constant 48 : index
        %get3A_237 = tpu.vector_load %arg8[%get3A_235, %get3A_236] {strides = array<i32>} : memref<321x128xi32, #tpu.memory_space<vmem>>, vector<16xi32>,
        %bitcast3A_238 = vector.bitcast %get3A_237 : vector<16xi32> to vector<32xbf16>
        %min3A_239 = arith.minimumf %bitcast3A_238, %bitcast3A_225 : vector<32xbf16>
        %bitcast3A_240 = vector.bitcast %min3A_239 : vector<32xbf16> to vector<16xi32>
        %swap3A_241 = arith.index_cast %select_n3A_154 : i32 to index
        %swap3A_242 = arith.constant 48 : index
        %swap3A_243 = tpu.vector_load %arg8[%swap3A_241, %swap3A_242] {strides = array<i32>} : memref<321x128xi32, #tpu.memory_space<vmem>>, vector<16xi32>,
        tpu.vector_store %arg8[%swap3A_241, %swap3A_242], %bitcast3A_240 {strides = array<i32>} : memref<321x128xi32, #tpu.memory_space<vmem>>, vector<16xi32>,
        %add3A_244 = arith.constant 64 : i32
        %add3A_245 = arith.addi %add3A_138, %add3A_244 : i32
        %get3A_246 = arith.index_cast %add3A_245 : i32 to index
        %get3A_247 = tpu.vector_load %arg9[%get3A_246] {strides = array<i32>} : memref<32768xi32, #tpu.memory_space<vmem>>, vector<16xi32>,
        %bitcast3A_248 = vector.bitcast %get3A_247 : vector<16xi32> to vector<32xbf16>
        %get3A_249 = arith.index_cast %select_n3A_154 : i32 to index
        %get3A_250 = arith.constant 64 : index
        %get3A_251 = tpu.vector_load %arg7[%get3A_249, %get3A_250] {strides = array<i32>} : memref<321x128xi32, #tpu.memory_space<vmem>>, vector<16xi32>,
        %bitcast3A_252 = vector.bitcast %get3A_251 : vector<16xi32> to vector<32xbf16>
        %max3A_253 = arith.maximumf %bitcast3A_252, %bitcast3A_248 : vector<32xbf16>
        %bitcast3A_254 = vector.bitcast %max3A_253 : vector<32xbf16> to vector<16xi32>
        %swap3A_255 = arith.index_cast %select_n3A_154 : i32 to index
        %swap3A_256 = arith.constant 64 : index
        %swap3A_257 = tpu.vector_load %arg7[%swap3A_255, %swap3A_256] {strides = array<i32>} : memref<321x128xi32, #tpu.memory_space<vmem>>, vector<16xi32>,
        tpu.vector_store %arg7[%swap3A_255, %swap3A_256], %bitcast3A_254 {strides = array<i32>} : memref<321x128xi32, #tpu.memory_space<vmem>>, vector<16xi32>,
        %get3A_258 = arith.index_cast %select_n3A_154 : i32 to index
        %get3A_259 = arith.constant 64 : index
        %get3A_260 = tpu.vector_load %arg8[%get3A_258, %get3A_259] {strides = array<i32>} : memref<321x128xi32, #tpu.memory_space<vmem>>, vector<16xi32>,
        %bitcast3A_261 = vector.bitcast %get3A_260 : vector<16xi32> to vector<32xbf16>
        %min3A_262 = arith.minimumf %bitcast3A_261, %bitcast3A_248 : vector<32xbf16>
        %bitcast3A_263 = vector.bitcast %min3A_262 : vector<32xbf16> to vector<16xi32>
        %swap3A_264 = arith.index_cast %select_n3A_154 : i32 to index
        %swap3A_265 = arith.constant 64 : index
        %swap3A_266 = tpu.vector_load %arg8[%swap3A_264, %swap3A_265] {strides = array<i32>} : memref<321x128xi32, #tpu.memory_space<vmem>>, vector<16xi32>,
        tpu.vector_store %arg8[%swap3A_264, %swap3A_265], %bitcast3A_263 {strides = array<i32>} : memref<321x128xi32, #tpu.memory_space<vmem>>, vector<16xi32>,
        %add3A_267 = arith.constant 80 : i32
        %add3A_268 = arith.addi %add3A_138, %add3A_267 : i32
        %get3A_269 = arith.index_cast %add3A_268 : i32 to index
        %get3A_270 = tpu.vector_load %arg9[%get3A_269] {strides = array<i32>} : memref<32768xi32, #tpu.memory_space<vmem>>, vector<16xi32>,
        %bitcast3A_271 = vector.bitcast %get3A_270 : vector<16xi32> to vector<32xbf16>
        %get3A_272 = arith.index_cast %select_n3A_154 : i32 to index
        %get3A_273 = arith.constant 80 : index
        %get3A_274 = tpu.vector_load %arg7[%get3A_272, %get3A_273] {strides = array<i32>} : memref<321x128xi32, #tpu.memory_space<vmem>>, vector<16xi32>,
        %bitcast3A_275 = vector.bitcast %get3A_274 : vector<16xi32> to vector<32xbf16>
        %max3A_276 = arith.maximumf %bitcast3A_275, %bitcast3A_271 : vector<32xbf16>
        %bitcast3A_277 = vector.bitcast %max3A_276 : vector<32xbf16> to vector<16xi32>
        %swap3A_278 = arith.index_cast %select_n3A_154 : i32 to index
        %swap3A_279 = arith.constant 80 : index
        %swap3A_280 = tpu.vector_load %arg7[%swap3A_278, %swap3A_279] {strides = array<i32>} : memref<321x128xi32, #tpu.memory_space<vmem>>, vector<16xi32>,
        tpu.vector_store %arg7[%swap3A_278, %swap3A_279], %bitcast3A_277 {strides = array<i32>} : memref<321x128xi32, #tpu.memory_space<vmem>>, vector<16xi32>,
        %get3A_281 = arith.index_cast %select_n3A_154 : i32 to index
        %get3A_282 = arith.constant 80 : index
        %get3A_283 = tpu.vector_load %arg8[%get3A_281, %get3A_282] {strides = array<i32>} : memref<321x128xi32, #tpu.memory_space<vmem>>, vector<16xi32>,
        %bitcast3A_284 = vector.bitcast %get3A_283 : vector<16xi32> to vector<32xbf16>
        %min3A_285 = arith.minimumf %bitcast3A_284, %bitcast3A_271 : vector<32xbf16>
        %bitcast3A_286 = vector.bitcast %min3A_285 : vector<32xbf16> to vector<16xi32>
        %swap3A_287 = arith.index_cast %select_n3A_154 : i32 to index
        %swap3A_288 = arith.constant 80 : index
        %swap3A_289 = tpu.vector_load %arg8[%swap3A_287, %swap3A_288] {strides = array<i32>} : memref<321x128xi32, #tpu.memory_space<vmem>>, vector<16xi32>,
        tpu.vector_store %arg8[%swap3A_287, %swap3A_288], %bitcast3A_286 {strides = array<i32>} : memref<321x128xi32, #tpu.memory_space<vmem>>, vector<16xi32>,
        %add3A_290 = arith.constant 96 : i32
        %add3A_291 = arith.addi %add3A_138, %add3A_290 : i32
        %get3A_292 = arith.index_cast %add3A_291 : i32 to index
        %get3A_293 = tpu.vector_load %arg9[%get3A_292] {strides = array<i32>} : memref<32768xi32, #tpu.memory_space<vmem>>, vector<16xi32>,
        %bitcast3A_294 = vector.bitcast %get3A_293 : vector<16xi32> to vector<32xbf16>
        %get3A_295 = arith.index_cast %select_n3A_154 : i32 to index
        %get3A_296 = arith.constant 96 : index
        %get3A_297 = tpu.vector_load %arg7[%get3A_295, %get3A_296] {strides = array<i32>} : memref<321x128xi32, #tpu.memory_space<vmem>>, vector<16xi32>,
        %bitcast3A_298 = vector.bitcast %get3A_297 : vector<16xi32> to vector<32xbf16>
        %max3A_299 = arith.maximumf %bitcast3A_298, %bitcast3A_294 : vector<32xbf16>
        %bitcast3A_300 = vector.bitcast %max3A_299 : vector<32xbf16> to vector<16xi32>
        %swap3A_301 = arith.index_cast %select_n3A_154 : i32 to index
        %swap3A_302 = arith.constant 96 : index
        %swap3A_303 = tpu.vector_load %arg7[%swap3A_301, %swap3A_302] {strides = array<i32>} : memref<321x128xi32, #tpu.memory_space<vmem>>, vector<16xi32>,
        tpu.vector_store %arg7[%swap3A_301, %swap3A_302], %bitcast3A_300 {strides = array<i32>} : memref<321x128xi32, #tpu.memory_space<vmem>>, vector<16xi32>,
        %get3A_304 = arith.index_cast %select_n3A_154 : i32 to index
        %get3A_305 = arith.constant 96 : index
        %get3A_306 = tpu.vector_load %arg8[%get3A_304, %get3A_305] {strides = array<i32>} : memref<321x128xi32, #tpu.memory_space<vmem>>, vector<16xi32>,
        %bitcast3A_307 = vector.bitcast %get3A_306 : vector<16xi32> to vector<32xbf16>
        %min3A_308 = arith.minimumf %bitcast3A_307, %bitcast3A_294 : vector<32xbf16>
        %bitcast3A_309 = vector.bitcast %min3A_308 : vector<32xbf16> to vector<16xi32>
        %swap3A_310 = arith.index_cast %select_n3A_154 : i32 to index
        %swap3A_311 = arith.constant 96 : index
        %swap3A_312 = tpu.vector_load %arg8[%swap3A_310, %swap3A_311] {strides = array<i32>} : memref<321x128xi32, #tpu.memory_space<vmem>>, vector<16xi32>,
        tpu.vector_store %arg8[%swap3A_310, %swap3A_311], %bitcast3A_309 {strides = array<i32>} : memref<321x128xi32, #tpu.memory_space<vmem>>, vector<16xi32>,
        %add3A_313 = arith.constant 112 : i32
        %add3A_314 = arith.addi %add3A_138, %add3A_313 : i32
        %get3A_315 = arith.index_cast %add3A_314 : i32 to index
        %get3A_316 = tpu.vector_load %arg9[%get3A_315] {strides = array<i32>} : memref<32768xi32, #tpu.memory_space<vmem>>, vector<16xi32>,
        %bitcast3A_317 = vector.bitcast %get3A_316 : vector<16xi32> to vector<32xbf16>
        %get3A_318 = arith.index_cast %select_n3A_154 : i32 to index
        %get3A_319 = arith.constant 112 : index
        %get3A_320 = tpu.vector_load %arg7[%get3A_318, %get3A_319] {strides = array<i32>} : memref<321x128xi32, #tpu.memory_space<vmem>>, vector<16xi32>,
        %bitcast3A_321 = vector.bitcast %get3A_320 : vector<16xi32> to vector<32xbf16>
        %max3A_322 = arith.maximumf %bitcast3A_321, %bitcast3A_317 : vector<32xbf16>
        %bitcast3A_323 = vector.bitcast %max3A_322 : vector<32xbf16> to vector<16xi32>
        %swap3A_324 = arith.index_cast %select_n3A_154 : i32 to index
        %swap3A_325 = arith.constant 112 : index
        %swap3A_326 = tpu.vector_load %arg7[%swap3A_324, %swap3A_325] {strides = array<i32>} : memref<321x128xi32, #tpu.memory_space<vmem>>, vector<16xi32>,
        tpu.vector_store %arg7[%swap3A_324, %swap3A_325], %bitcast3A_323 {strides = array<i32>} : memref<321x128xi32, #tpu.memory_space<vmem>>, vector<16xi32>,
        %get3A_327 = arith.index_cast %select_n3A_154 : i32 to index
        %get3A_328 = arith.constant 112 : index
        %get3A_329 = tpu.vector_load %arg8[%get3A_327, %get3A_328] {strides = array<i32>} : memref<321x128xi32, #tpu.memory_space<vmem>>, vector<16xi32>,
        %bitcast3A_330 = vector.bitcast %get3A_329 : vector<16xi32> to vector<32xbf16>
        %min3A_331 = arith.minimumf %bitcast3A_330, %bitcast3A_317 : vector<32xbf16>
        %bitcast3A_332 = vector.bitcast %min3A_331 : vector<32xbf16> to vector<16xi32>
        %swap3A_333 = arith.index_cast %select_n3A_154 : i32 to index
        %swap3A_334 = arith.constant 112 : index
        %swap3A_335 = tpu.vector_load %arg8[%swap3A_333, %swap3A_334] {strides = array<i32>} : memref<321x128xi32, #tpu.memory_space<vmem>>, vector<16xi32>,
        tpu.vector_store %arg8[%swap3A_333, %swap3A_334], %bitcast3A_332 {strides = array<i32>} : memref<321x128xi32, #tpu.memory_space<vmem>>, vector<16xi32>,
        %while3A_336 = arith.constant 0 : i32
        scf.yield %while3A_336 : i32
      }
      %scan3A_104 = arith.constant 0 : i32
      scf.yield %scan3A_104 : i32
    }
    %scan3A_65 = arith.constant 80 : i32
    "tpu.region"() ({
      %run_scoped3A = tpu.sem_alloc : memref<!tpu.dma_semaphore, #tpu.memory_space<semaphore_mem>>
      %dma_start3A_66 = arith.constant 0 : i32
      %dma_start3A_67 = arith.constant 0 : i32
      %dma_start3A_68 = tpu.memref_slice %arg7[%dma_start3A_66, %dma_start3A_67] : memref<321x128xi32, #tpu.memory_space<vmem>> -> memref<320x128xi32, #tpu.memory_space<vmem>>
      %dma_start3A_69 = arith.constant 0 : i32
      %dma_start3A_70 = tpu.memref_slice %arg5[%mul3A_2, %dma_start3A_69] : memref<10240x128xi32, #tpu.memory_space<hbm>> -> memref<320x128xi32, #tpu.memory_space<hbm>>
      %dma_start3A_71 = arith.constant 0 : i32
      %dma_start3A_72 = tpu.memref_slice %arg5[%mul3A_2, %dma_start3A_71] : memref<10240x128xi32, #tpu.memory_space<hbm>> -> memref<320x128xi32, #tpu.memory_space<hbm>>
      %dma_start3A_73 = arith.constant 0 : i32
      %dma_start3A_74 = arith.constant 0 : i32
      %dma_start3A_75 = tpu.memref_slice %arg7[%dma_start3A_73, %dma_start3A_74] : memref<321x128xi32, #tpu.memory_space<vmem>> -> memref<320x128xi32, #tpu.memory_space<vmem>>
      tpu.enqueue_dma source(%dma_start3A_75 : memref<320x128xi32, #tpu.memory_space<vmem>>) target(%dma_start3A_72 : memref<320x128xi32, #tpu.memory_space<hbm>>) target_semaphore(%run_scoped3A : memref<!tpu.dma_semaphore, #tpu.memory_space<semaphore_mem>>)
      %dma_wait3A = arith.constant 0 : i32
      %dma_wait3A_76 = arith.constant 0 : i32
      %dma_wait3A_77 = tpu.memref_slice %arg7[%dma_wait3A, %dma_wait3A_76] : memref<321x128xi32, #tpu.memory_space<vmem>> -> memref<320x128xi32, #tpu.memory_space<vmem>>
      %dma_wait3A_78 = arith.constant 0 : i32
      %dma_wait3A_79 = tpu.memref_slice %arg5[%mul3A_2, %dma_wait3A_78] : memref<10240x128xi32, #tpu.memory_space<hbm>> -> memref<320x128xi32, #tpu.memory_space<hbm>>
      %dma_wait3A_80 = arith.constant 0 : i32
      %dma_wait3A_81 = tpu.memref_slice %arg5[%mul3A_2, %dma_wait3A_80] : memref<10240x128xi32, #tpu.memory_space<hbm>> -> memref<320x128xi32, #tpu.memory_space<hbm>>
      %dma_wait3A_82 = arith.constant 0 : i32
      %dma_wait3A_83 = arith.constant 0 : i32
      %dma_wait3A_84 = tpu.memref_slice %arg7[%dma_wait3A_82, %dma_wait3A_83] : memref<321x128xi32, #tpu.memory_space<vmem>> -> memref<320x128xi32, #tpu.memory_space<vmem>>
      tpu.wait_dma2 semaphore(%run_scoped3A : memref<!tpu.dma_semaphore, #tpu.memory_space<semaphore_mem>>) src(%dma_wait3A_84 : memref<320x128xi32, #tpu.memory_space<vmem>>) dst(%dma_wait3A_81 : memref<320x128xi32, #tpu.memory_space<hbm>>)
      tpu.yield
    }) : () -> ()
    "tpu.region"() ({
      %run_scoped3A = tpu.sem_alloc : memref<!tpu.dma_semaphore, #tpu.memory_space<semaphore_mem>>
      %dma_start3A_66 = arith.constant 0 : i32
      %dma_start3A_67 = arith.constant 0 : i32
      %dma_start3A_68 = tpu.memref_slice %arg8[%dma_start3A_66, %dma_start3A_67] : memref<321x128xi32, #tpu.memory_space<vmem>> -> memref<320x128xi32, #tpu.memory_space<vmem>>
      %dma_start3A_69 = arith.constant 0 : i32
      %dma_start3A_70 = tpu.memref_slice %arg6[%mul3A_2, %dma_start3A_69] : memref<10240x128xi32, #tpu.memory_space<hbm>> -> memref<320x128xi32, #tpu.memory_space<hbm>>
      %dma_start3A_71 = arith.constant 0 : i32
      %dma_start3A_72 = tpu.memref_slice %arg6[%mul3A_2, %dma_start3A_71] : memref<10240x128xi32, #tpu.memory_space<hbm>> -> memref<320x128xi32, #tpu.memory_space<hbm>>
      %dma_start3A_73 = arith.constant 0 : i32
      %dma_start3A_74 = arith.constant 0 : i32
      %dma_start3A_75 = tpu.memref_slice %arg8[%dma_start3A_73, %dma_start3A_74] : memref<321x128xi32, #tpu.memory_space<vmem>> -> memref<320x128xi32, #tpu.memory_space<vmem>>
      tpu.enqueue_dma source(%dma_start3A_75 : memref<320x128xi32, #tpu.memory_space<vmem>>) target(%dma_start3A_72 : memref<320x128xi32, #tpu.memory_space<hbm>>) target_semaphore(%run_scoped3A : memref<!tpu.dma_semaphore, #tpu.memory_space<semaphore_mem>>)
      %dma_wait3A = arith.constant 0 : i32
      %dma_wait3A_76 = arith.constant 0 : i32
      %dma_wait3A_77 = tpu.memref_slice %arg8[%dma_wait3A, %dma_wait3A_76] : memref<321x128xi32, #tpu.memory_space<vmem>> -> memref<320x128xi32, #tpu.memory_space<vmem>>
      %dma_wait3A_78 = arith.constant 0 : i32
      %dma_wait3A_79 = tpu.memref_slice %arg6[%mul3A_2, %dma_wait3A_78] : memref<10240x128xi32, #tpu.memory_space<hbm>> -> memref<320x128xi32, #tpu.memory_space<hbm>>
      %dma_wait3A_80 = arith.constant 0 : i32
      %dma_wait3A_81 = tpu.memref_slice %arg6[%mul3A_2, %dma_wait3A_80] : memref<10240x128xi32, #tpu.memory_space<hbm>> -> memref<320x128xi32, #tpu.memory_space<hbm>>
      %dma_wait3A_82 = arith.constant 0 : i32
      %dma_wait3A_83 = arith.constant 0 : i32
      %dma_wait3A_84 = tpu.memref_slice %arg8[%dma_wait3A_82, %dma_wait3A_83] : memref<321x128xi32, #tpu.memory_space<vmem>> -> memref<320x128xi32, #tpu.memory_space<vmem>>
      tpu.wait_dma2 semaphore(%run_scoped3A : memref<!tpu.dma_semaphore, #tpu.memory_space<semaphore_mem>>) src(%dma_wait3A_84 : memref<320x128xi32, #tpu.memory_space<vmem>>) dst(%dma_wait3A_81 : memref<320x128xi32, #tpu.memory_space<hbm>>)
      tpu.yield
    }) : () -> ()
    return
  }
}

module attributes {stable_mosaic.version = 14 : i64} {
  func.func @_pool_body(%arg0: i32, %arg1: memref<2000x256xf32, #tpu.memory_space<vmem>>, %arg2: memref<256x256xf32, #tpu.memory_space<vmem>>, %arg3: memref<1x256xf32, #tpu.memory_space<vmem>>, %arg4: memref<2000x256xbf16, #tpu.memory_space<vmem>>) attributes {dimension_semantics = [#tpu.dimension_semantics<arbitrary>], iteration_bounds = array<i64: 5>, scalar_prefetch = 0 : i64, scratch_operands = 0 : i64, tpu.core_type = #tpu.core_type<tc>, window_params = [{transform_indices = @transform_0, window_bounds = array<i64: 2000, 256>}, {pipeline_mode = #tpu.pipeline_mode<synchronous>, transform_indices = @transform_1, window_bounds = array<i64: 256, 256>}, {pipeline_mode = #tpu.pipeline_mode<synchronous>, transform_indices = @transform_2, window_bounds = array<i64: 1, 256>}, {transform_indices = @transform_3, window_bounds = array<i64: 2000, 256>}]} {
    %get3A = arith.constant 0 : index
    %get3A_0 = arith.constant 0 : index
    %get3A_1 = vector.load %arg1[%get3A, %get3A_0] : memref<2000x256xf32, #tpu.memory_space<vmem>>, vector<2000x256xf32>
    %get3A_2 = arith.constant 0 : index
    %get3A_3 = arith.constant 0 : index
    %get3A_4 = vector.load %arg2[%get3A_2, %get3A_3] : memref<256x256xf32, #tpu.memory_space<vmem>>, vector<256x256xf32>
    %dot_general3A = arith.constant dense<0.000000e+00> : vector<2000x256xf32>
    %dot_general3A_5 = tpu.matmul %get3A_1, %get3A_4, %dot_general3A {dimension_numbers = #tpu.dot_dimension_numbers<[1], [1], [0], [0], [0, 0, 1, 0], [], []>, transpose_lhs_hint = false} : vector<2000x256xf32>, vector<256x256xf32>, vector<2000x256xf32> -> vector<2000x256xf32>
    %get3A_6 = arith.constant 0 : index
    %get3A_7 = arith.constant 0 : index
    %get3A_8 = vector.load %arg3[%get3A_6, %get3A_7] : memref<1x256xf32, #tpu.memory_space<vmem>>, vector<1x256xf32>
    %add3A = vector.broadcast %get3A_8 : vector<1x256xf32> to vector<2000x256xf32>
    %add3A_9 = arith.addf %dot_general3A_5, %add3A : vector<2000x256xf32>
    %max3A = arith.constant 0.000000e+00 : f32
    %max3A_10 = vector.broadcast %max3A : f32 to vector<2000x256xf32>
    %max3A_11 = arith.maximumf %add3A_9, %max3A_10 : vector<2000x256xf32>
    %convert_element_type3A = arith.truncf %max3A_11 : vector<2000x256xf32> to vector<2000x256xbf16>
    %swap3A = arith.constant 0 : index
    %swap3A_12 = arith.constant 0 : index
    %swap3A_13 = vector.load %arg4[%swap3A, %swap3A_12] : memref<2000x256xbf16, #tpu.memory_space<vmem>>, vector<2000x256xbf16>
    tpu.vector_store %arg4[%swap3A, %swap3A_12], %convert_element_type3A {strides = array<i32>} : memref<2000x256xbf16, #tpu.memory_space<vmem>>, vector<2000x256xbf16>,
    return
  }
  func.func @transform_0(%arg0: i32) -> (i32, i32) {
    %c0_i32 = arith.constant 0 : i32
    %c0_i32_0 = arith.constant 0 : i32
    return %arg0, %c0_i32 : i32, i32
  }
  func.func @transform_1(%arg0: i32) -> (i32, i32) {
    %c0_i32 = arith.constant 0 : i32
    %c0_i32_0 = arith.constant 0 : i32
    %c0_i32_1 = arith.constant 0 : i32
    return %c0_i32, %c0_i32_0 : i32, i32
  }
  func.func @transform_2(%arg0: i32) -> (i32, i32) {
    %c0_i32 = arith.constant 0 : i32
    %c0_i32_0 = arith.constant 0 : i32
    %c0_i32_1 = arith.constant 0 : i32
    return %c0_i32, %c0_i32_0 : i32, i32
  }
  func.func @transform_3(%arg0: i32) -> (i32, i32) {
    %c0_i32 = arith.constant 0 : i32
    %c0_i32_0 = arith.constant 0 : i32
    return %arg0, %c0_i32 : i32, i32
  }
}

module attributes {stable_mosaic.version = 14 : i64} {
  func.func @_out_body(%arg0: i32, %arg1: memref<2000x256xf32, #tpu.memory_space<vmem>>, %arg2: memref<256x256xf32, #tpu.memory_space<vmem>>, %arg3: memref<2000x256xbf16, #tpu.memory_space<vmem>>, %arg4: memref<2000x256xbf16, #tpu.memory_space<vmem>>, %arg5: memref<256x256xbf16, #tpu.memory_space<vmem>>, %arg6: memref<1x256xf32, #tpu.memory_space<vmem>>, %arg7: memref<1x3xf32, #tpu.memory_space<smem>>, %arg8: memref<2000x256xf32, #tpu.memory_space<vmem>>) attributes {dimension_semantics = [#tpu.dimension_semantics<arbitrary>], iteration_bounds = array<i64: 5>, scalar_prefetch = 0 : i64, scratch_operands = 0 : i64, tpu.core_type = #tpu.core_type<tc>, window_params = [{transform_indices = @transform_0, window_bounds = array<i64: 2000, 256>}, {pipeline_mode = #tpu.pipeline_mode<synchronous>, transform_indices = @transform_1, window_bounds = array<i64: 256, 256>}, {transform_indices = @transform_2, window_bounds = array<i64: 2000, 256>}, {transform_indices = @transform_3, window_bounds = array<i64: 2000, 256>}, {pipeline_mode = #tpu.pipeline_mode<synchronous>, transform_indices = @transform_4, window_bounds = array<i64: 256, 256>}, {pipeline_mode = #tpu.pipeline_mode<synchronous>, transform_indices = @transform_5, window_bounds = array<i64: 1, 256>}, {transform_indices = @transform_6, window_bounds = array<i64: 1, 3>}, {transform_indices = @transform_7, window_bounds = array<i64: 2000, 256>}]} {
    %get3A = arith.constant 0 : index
    %get3A_0 = arith.constant 0 : index
    %get3A_1 = vector.load %arg1[%get3A, %get3A_0] : memref<2000x256xf32, #tpu.memory_space<vmem>>, vector<2000x256xf32>
    %get3A_2 = arith.constant 0 : index
    %get3A_3 = arith.constant 0 : index
    %get3A_4 = vector.load %arg2[%get3A_2, %get3A_3] : memref<256x256xf32, #tpu.memory_space<vmem>>, vector<256x256xf32>
    %dot_general3A = arith.constant dense<0.000000e+00> : vector<2000x256xf32>
    %dot_general3A_5 = tpu.matmul %get3A_1, %get3A_4, %dot_general3A {dimension_numbers = #tpu.dot_dimension_numbers<[1], [1], [0], [0], [0, 0, 1, 0], [], []>, transpose_lhs_hint = false} : vector<2000x256xf32>, vector<256x256xf32>, vector<2000x256xf32> -> vector<2000x256xf32>
    %get3A_6 = arith.constant 0 : index
    %get3A_7 = arith.constant 0 : index
    %get3A_8 = vector.load %arg3[%get3A_6, %get3A_7] : memref<2000x256xbf16, #tpu.memory_space<vmem>>, vector<2000x256xbf16>
    %convert_element_type3A = arith.extf %get3A_8 : vector<2000x256xbf16> to vector<2000x256xf32>
    %get3A_9 = arith.constant 0 : index
    %get3A_10 = arith.constant 0 : index
    %get3A_11 = vector.load %arg4[%get3A_9, %get3A_10] : memref<2000x256xbf16, #tpu.memory_space<vmem>>, vector<2000x256xbf16>
    %convert_element_type3A_12 = arith.extf %get3A_11 : vector<2000x256xbf16> to vector<2000x256xf32>
    %lt3A = arith.constant 0.000000e+00 : f32
    %lt3A_13 = vector.broadcast %lt3A : f32 to vector<2000x256xf32>
    %lt3A_14 = arith.cmpf olt, %convert_element_type3A, %lt3A_13 : vector<2000x256xf32>
    %jit3A = arith.constant 0.000000e+00 : f32
    %broadcast_in_dim3A = vector.broadcast %jit3A : f32 to vector<2000x256xf32>
    %select_n3A = arith.select %lt3A_14, %broadcast_in_dim3A, %convert_element_type3A : vector<2000x256xi1>, vector<2000x256xf32>
    %jit3A_15 = arith.constant 0.000000e+00 : f32
    %broadcast_in_dim3A_16 = vector.broadcast %jit3A_15 : f32 to vector<2000x256xf32>
    %select_n3A_17 = arith.select %lt3A_14, %broadcast_in_dim3A_16, %convert_element_type3A_12 : vector<2000x256xi1>, vector<2000x256xf32>
    %get3A_18 = arith.constant 0 : index
    %get3A_19 = arith.constant 0 : index
    %get3A_20 = memref.load %arg7[%get3A_18, %get3A_19] : memref<1x3xf32, #tpu.memory_space<smem>>
    %mul3A = vector.broadcast %get3A_20 : f32 to vector<2000x256xf32>
    %mul3A_21 = arith.mulf %mul3A, %select_n3A : vector<2000x256xf32>
    %get3A_22 = arith.constant 0 : index
    %get3A_23 = arith.constant 1 : index
    %get3A_24 = memref.load %arg7[%get3A_22, %get3A_23] : memref<1x3xf32, #tpu.memory_space<smem>>
    %mul3A_25 = vector.broadcast %get3A_24 : f32 to vector<2000x256xf32>
    %mul3A_26 = arith.mulf %mul3A_25, %select_n3A_17 : vector<2000x256xf32>
    %add3A = arith.addf %mul3A_21, %mul3A_26 : vector<2000x256xf32>
    %get3A_27 = arith.constant 0 : index
    %get3A_28 = arith.constant 2 : index
    %get3A_29 = memref.load %arg7[%get3A_27, %get3A_28] : memref<1x3xf32, #tpu.memory_space<smem>>
    %add3A_30 = vector.broadcast %get3A_29 : f32 to vector<2000x256xf32>
    %add3A_31 = arith.addf %add3A, %add3A_30 : vector<2000x256xf32>
    %max3A = arith.constant 0.000000e+00 : f32
    %max3A_32 = vector.broadcast %max3A : f32 to vector<2000x256xf32>
    %max3A_33 = arith.maximumf %add3A_31, %max3A_32 : vector<2000x256xf32>
    %convert_element_type3A_34 = arith.truncf %max3A_33 : vector<2000x256xf32> to vector<2000x256xbf16>
    %get3A_35 = arith.constant 0 : index
    %get3A_36 = arith.constant 0 : index
    %get3A_37 = vector.load %arg5[%get3A_35, %get3A_36] : memref<256x256xbf16, #tpu.memory_space<vmem>>, vector<256x256xbf16>
    %dot_general3A_38 = arith.constant dense<0.000000e+00> : vector<2000x256xf32>
    %dot_general3A_39 = tpu.matmul %convert_element_type3A_34, %get3A_37, %dot_general3A_38 {dimension_numbers = #tpu.dot_dimension_numbers<[1], [1], [0], [0], [0, 0, 1, 0], [], []>, transpose_lhs_hint = false} : vector<2000x256xbf16>, vector<256x256xbf16>, vector<2000x256xf32> -> vector<2000x256xf32>
    %add3A_40 = arith.addf %dot_general3A_5, %dot_general3A_39 : vector<2000x256xf32>
    %get3A_41 = arith.constant 0 : index
    %get3A_42 = arith.constant 0 : index
    %get3A_43 = vector.load %arg6[%get3A_41, %get3A_42] : memref<1x256xf32, #tpu.memory_space<vmem>>, vector<1x256xf32>
    %add3A_44 = vector.broadcast %get3A_43 : vector<1x256xf32> to vector<2000x256xf32>
    %add3A_45 = arith.addf %add3A_40, %add3A_44 : vector<2000x256xf32>
    %max3A_46 = arith.constant 0.000000e+00 : f32
    %max3A_47 = vector.broadcast %max3A_46 : f32 to vector<2000x256xf32>
    %max3A_48 = arith.maximumf %add3A_45, %max3A_47 : vector<2000x256xf32>
    %swap3A = arith.constant 0 : index
    %swap3A_49 = arith.constant 0 : index
    %swap3A_50 = vector.load %arg8[%swap3A, %swap3A_49] : memref<2000x256xf32, #tpu.memory_space<vmem>>, vector<2000x256xf32>
    tpu.vector_store %arg8[%swap3A, %swap3A_49], %max3A_48 {strides = array<i32>} : memref<2000x256xf32, #tpu.memory_space<vmem>>, vector<2000x256xf32>,
    return
  }
  func.func @transform_0(%arg0: i32) -> (i32, i32) {
    %c0_i32 = arith.constant 0 : i32
    %c0_i32_0 = arith.constant 0 : i32
    return %arg0, %c0_i32 : i32, i32
  }
  func.func @transform_1(%arg0: i32) -> (i32, i32) {
    %c0_i32 = arith.constant 0 : i32
    %c0_i32_0 = arith.constant 0 : i32
    %c0_i32_1 = arith.constant 0 : i32
    return %c0_i32, %c0_i32_0 : i32, i32
  }
  func.func @transform_2(%arg0: i32) -> (i32, i32) {
    %c0_i32 = arith.constant 0 : i32
    %c0_i32_0 = arith.constant 0 : i32
    return %arg0, %c0_i32 : i32, i32
  }
  func.func @transform_3(%arg0: i32) -> (i32, i32) {
    %c0_i32 = arith.constant 0 : i32
    %c0_i32_0 = arith.constant 0 : i32
    return %arg0, %c0_i32 : i32, i32
  }
  func.func @transform_4(%arg0: i32) -> (i32, i32) {
    %c0_i32 = arith.constant 0 : i32
    %c0_i32_0 = arith.constant 0 : i32
    %c0_i32_1 = arith.constant 0 : i32
    return %c0_i32, %c0_i32_0 : i32, i32
  }
  func.func @transform_5(%arg0: i32) -> (i32, i32) {
    %c0_i32 = arith.constant 0 : i32
    %c0_i32_0 = arith.constant 0 : i32
    %c0_i32_1 = arith.constant 0 : i32
    return %c0_i32, %c0_i32_0 : i32, i32
  }
  func.func @transform_6(%arg0: i32) -> (i32, i32) {
    %c0_i32 = arith.constant 0 : i32
    %c0_i32_0 = arith.constant 0 : i32
    %c0_i32_1 = arith.constant 0 : i32
    return %c0_i32, %c0_i32_0 : i32, i32
  }
  func.func @transform_7(%arg0: i32) -> (i32, i32) {
    %c0_i32 = arith.constant 0 : i32
    %c0_i32_0 = arith.constant 0 : i32
    return %arg0, %c0_i32 : i32, i32
  }
}

module attributes {stable_mosaic.version = 14 : i64} {
  func.func @_out_body(%arg0: i32, %arg1: memref<2000x256xf32, #tpu.memory_space<vmem>>, %arg2: memref<256x256xf32, #tpu.memory_space<vmem>>, %arg3: memref<2000x256xbf16, #tpu.memory_space<vmem>>, %arg4: memref<2000x256xbf16, #tpu.memory_space<vmem>>, %arg5: memref<256x256xbf16, #tpu.memory_space<vmem>>, %arg6: memref<1x256xf32, #tpu.memory_space<vmem>>, %arg7: memref<1x3xf32, #tpu.memory_space<smem>>, %arg8: memref<2000x256xf32, #tpu.memory_space<vmem>>) attributes {dimension_semantics = [#tpu.dimension_semantics<arbitrary>], iteration_bounds = array<i64: 5>, scalar_prefetch = 0 : i64, scratch_operands = 0 : i64, tpu.core_type = #tpu.core_type<tc>, window_params = [{transform_indices = @transform_0, window_bounds = array<i64: 2000, 256>}, {pipeline_mode = #tpu.pipeline_mode<synchronous>, transform_indices = @transform_1, window_bounds = array<i64: 256, 256>}, {transform_indices = @transform_2, window_bounds = array<i64: 2000, 256>}, {transform_indices = @transform_3, window_bounds = array<i64: 2000, 256>}, {pipeline_mode = #tpu.pipeline_mode<synchronous>, transform_indices = @transform_4, window_bounds = array<i64: 256, 256>}, {pipeline_mode = #tpu.pipeline_mode<synchronous>, transform_indices = @transform_5, window_bounds = array<i64: 1, 256>}, {transform_indices = @transform_6, window_bounds = array<i64: 1, 3>}, {transform_indices = @transform_7, window_bounds = array<i64: 2000, 256>}]} {
    %get3A = arith.constant 0 : index
    %get3A_0 = arith.constant 0 : index
    %get3A_1 = vector.load %arg1[%get3A, %get3A_0] : memref<2000x256xf32, #tpu.memory_space<vmem>>, vector<2000x256xf32>
    %get3A_2 = arith.constant 0 : index
    %get3A_3 = arith.constant 0 : index
    %get3A_4 = vector.load %arg2[%get3A_2, %get3A_3] : memref<256x256xf32, #tpu.memory_space<vmem>>, vector<256x256xf32>
    %dot_general3A = arith.constant dense<0.000000e+00> : vector<2000x256xf32>
    %dot_general3A_5 = tpu.matmul %get3A_1, %get3A_4, %dot_general3A {dimension_numbers = #tpu.dot_dimension_numbers<[1], [1], [0], [0], [0, 0, 1, 0], [], []>, transpose_lhs_hint = false} : vector<2000x256xf32>, vector<256x256xf32>, vector<2000x256xf32> -> vector<2000x256xf32>
    %get3A_6 = arith.constant 0 : index
    %get3A_7 = arith.constant 0 : index
    %get3A_8 = vector.load %arg3[%get3A_6, %get3A_7] : memref<2000x256xbf16, #tpu.memory_space<vmem>>, vector<2000x256xbf16>
    %convert_element_type3A = arith.extf %get3A_8 : vector<2000x256xbf16> to vector<2000x256xf32>
    %get3A_9 = arith.constant 0 : index
    %get3A_10 = arith.constant 0 : index
    %get3A_11 = vector.load %arg4[%get3A_9, %get3A_10] : memref<2000x256xbf16, #tpu.memory_space<vmem>>, vector<2000x256xbf16>
    %convert_element_type3A_12 = arith.extf %get3A_11 : vector<2000x256xbf16> to vector<2000x256xf32>
    %lt3A = arith.constant 0.000000e+00 : f32
    %lt3A_13 = vector.broadcast %lt3A : f32 to vector<2000x256xf32>
    %lt3A_14 = arith.cmpf olt, %convert_element_type3A, %lt3A_13 : vector<2000x256xf32>
    %jit3A = arith.constant 0.000000e+00 : f32
    %broadcast_in_dim3A = vector.broadcast %jit3A : f32 to vector<2000x256xf32>
    %select_n3A = arith.select %lt3A_14, %broadcast_in_dim3A, %convert_element_type3A : vector<2000x256xi1>, vector<2000x256xf32>
    %jit3A_15 = arith.constant 0.000000e+00 : f32
    %broadcast_in_dim3A_16 = vector.broadcast %jit3A_15 : f32 to vector<2000x256xf32>
    %select_n3A_17 = arith.select %lt3A_14, %broadcast_in_dim3A_16, %convert_element_type3A_12 : vector<2000x256xi1>, vector<2000x256xf32>
    %get3A_18 = arith.constant 0 : index
    %get3A_19 = arith.constant 0 : index
    %get3A_20 = memref.load %arg7[%get3A_18, %get3A_19] : memref<1x3xf32, #tpu.memory_space<smem>>
    %mul3A = vector.broadcast %get3A_20 : f32 to vector<2000x256xf32>
    %mul3A_21 = arith.mulf %mul3A, %select_n3A : vector<2000x256xf32>
    %get3A_22 = arith.constant 0 : index
    %get3A_23 = arith.constant 1 : index
    %get3A_24 = memref.load %arg7[%get3A_22, %get3A_23] : memref<1x3xf32, #tpu.memory_space<smem>>
    %mul3A_25 = vector.broadcast %get3A_24 : f32 to vector<2000x256xf32>
    %mul3A_26 = arith.mulf %mul3A_25, %select_n3A_17 : vector<2000x256xf32>
    %add3A = arith.addf %mul3A_21, %mul3A_26 : vector<2000x256xf32>
    %get3A_27 = arith.constant 0 : index
    %get3A_28 = arith.constant 2 : index
    %get3A_29 = memref.load %arg7[%get3A_27, %get3A_28] : memref<1x3xf32, #tpu.memory_space<smem>>
    %add3A_30 = vector.broadcast %get3A_29 : f32 to vector<2000x256xf32>
    %add3A_31 = arith.addf %add3A, %add3A_30 : vector<2000x256xf32>
    %max3A = arith.constant 0.000000e+00 : f32
    %max3A_32 = vector.broadcast %max3A : f32 to vector<2000x256xf32>
    %max3A_33 = arith.maximumf %add3A_31, %max3A_32 : vector<2000x256xf32>
    %convert_element_type3A_34 = arith.truncf %max3A_33 : vector<2000x256xf32> to vector<2000x256xbf16>
    %get3A_35 = arith.constant 0 : index
    %get3A_36 = arith.constant 0 : index
    %get3A_37 = vector.load %arg5[%get3A_35, %get3A_36] : memref<256x256xbf16, #tpu.memory_space<vmem>>, vector<256x256xbf16>
    %dot_general3A_38 = arith.constant dense<0.000000e+00> : vector<2000x256xf32>
    %dot_general3A_39 = tpu.matmul %convert_element_type3A_34, %get3A_37, %dot_general3A_38 {dimension_numbers = #tpu.dot_dimension_numbers<[1], [1], [0], [0], [0, 0, 1, 0], [], []>, transpose_lhs_hint = false} : vector<2000x256xbf16>, vector<256x256xbf16>, vector<2000x256xf32> -> vector<2000x256xf32>
    %add3A_40 = arith.addf %dot_general3A_5, %dot_general3A_39 : vector<2000x256xf32>
    %get3A_41 = arith.constant 0 : index
    %get3A_42 = arith.constant 0 : index
    %get3A_43 = vector.load %arg6[%get3A_41, %get3A_42] : memref<1x256xf32, #tpu.memory_space<vmem>>, vector<1x256xf32>
    %add3A_44 = vector.broadcast %get3A_43 : vector<1x256xf32> to vector<2000x256xf32>
    %add3A_45 = arith.addf %add3A_40, %add3A_44 : vector<2000x256xf32>
    %swap3A = arith.constant 0 : index
    %swap3A_46 = arith.constant 0 : index
    %swap3A_47 = vector.load %arg8[%swap3A, %swap3A_46] : memref<2000x256xf32, #tpu.memory_space<vmem>>, vector<2000x256xf32>
    tpu.vector_store %arg8[%swap3A, %swap3A_46], %add3A_45 {strides = array<i32>} : memref<2000x256xf32, #tpu.memory_space<vmem>>, vector<2000x256xf32>,
    return
  }
  func.func @transform_0(%arg0: i32) -> (i32, i32) {
    %c0_i32 = arith.constant 0 : i32
    %c0_i32_0 = arith.constant 0 : i32
    return %arg0, %c0_i32 : i32, i32
  }
  func.func @transform_1(%arg0: i32) -> (i32, i32) {
    %c0_i32 = arith.constant 0 : i32
    %c0_i32_0 = arith.constant 0 : i32
    %c0_i32_1 = arith.constant 0 : i32
    return %c0_i32, %c0_i32_0 : i32, i32
  }
  func.func @transform_2(%arg0: i32) -> (i32, i32) {
    %c0_i32 = arith.constant 0 : i32
    %c0_i32_0 = arith.constant 0 : i32
    return %arg0, %c0_i32 : i32, i32
  }
  func.func @transform_3(%arg0: i32) -> (i32, i32) {
    %c0_i32 = arith.constant 0 : i32
    %c0_i32_0 = arith.constant 0 : i32
    return %arg0, %c0_i32 : i32, i32
  }
  func.func @transform_4(%arg0: i32) -> (i32, i32) {
    %c0_i32 = arith.constant 0 : i32
    %c0_i32_0 = arith.constant 0 : i32
    %c0_i32_1 = arith.constant 0 : i32
    return %c0_i32, %c0_i32_0 : i32, i32
  }
  func.func @transform_5(%arg0: i32) -> (i32, i32) {
    %c0_i32 = arith.constant 0 : i32
    %c0_i32_0 = arith.constant 0 : i32
    %c0_i32_1 = arith.constant 0 : i32
    return %c0_i32, %c0_i32_0 : i32, i32
  }
  func.func @transform_6(%arg0: i32) -> (i32, i32) {
    %c0_i32 = arith.constant 0 : i32
    %c0_i32_0 = arith.constant 0 : i32
    %c0_i32_1 = arith.constant 0 : i32
    return %c0_i32, %c0_i32_0 : i32, i32
  }
  func.func @transform_7(%arg0: i32) -> (i32, i32) {
    %c0_i32 = arith.constant 0 : i32
    %c0_i32_0 = arith.constant 0 : i32
    return %arg0, %c0_i32 : i32, i32
  }
}

</mosaic_0001>

<sc_bundles>
// kernel: kernel.11.cloned.1.call-start
scs
__scs_entry_jumppad:
0x0: {  	(pc) =	sbr.rel $0x88, $3  }
0x1: {  	(tag) =	ssettag $0x0;
	lr =	simm.s32 $0x1  }
0x2: {  	[smem:$0x3F91] =	sst lr;
	_ =	strace $0xD0000000  }
0x3: {  	_ = 	snop  }
0x4: {  	_ = 	snop  }
0x5: {  	_ = 	snop  }
0x6: {  	_ = 	snop  }
0x7: {  	_ = 	snop  }
__scs_overlays_trampoline_lowered:
0x8: {  	[smem:$0x3FA0] =	sst s0  }
0x9: {  	[smem:$0x3FA1] =	sst s1  }
0xa: {  	[smem:$0x3FA2] =	sst s2  }
0xb: {  	[smem:$0x3FA3] =	sst s3  }
0xc: {  	[smem:$0x3FA4] =	sst s4  }
0xd: {  	[smem:$0x3FA5] =	sst s5  }
0xe: {  	[smem:$0x3FA6] =	sst s6  }
0xf: {  	[smem:$0x3FA7] =	sst s7  }
0x10: {  	[smem:$0x3FA8] =	sst s8  }
0x11: {  	[smem:$0x3FA9] =	sst s9;
	s0 =	simm.s32 @!p0 $0x0  }
0x12: {  	s1 =	sld [smem:$0x3F8F];
	s0 =	simm.s32 @p0 $0x1  }
0x13: {  	[smem:$0x3FAA] =	sst s0;
	s0 =	simm.s32 @!p1 $0x0  }
0x14: {  	s2 =	sld [smem:$0x3F8E];
	s0 =	simm.s32 @p1 $0x1  }
0x15: {  	[smem:$0x3FAB] =	sst s0;
	s0 =	simm.s32 @!p2 $0x0  }
0x16: {  	s3 =	sld [smem:$0x3FDB];
	s0 =	simm.s32 @p2 $0x1  }
0x17: {  	s4 =	simm.s32 $0x1BF5;
	[smem:$0x3FAD] =	sst s0  }
0x18: {  	s0 =	sld [smem:$0x3F90];
	_ =	swait.ge [sflag:s4], $0x0  }
0x19: {  	s7 =	sld [smem:$0x3F91]  }
0x1a: {  	s8 =	sadd.s32 $0xFFFFE003, lr  }
0x1b: {  	s9 =	sadd.s32 $0xFFFFFEF7, lr;
	s5 =	simm.s32 $0xFFFFFFFF;
	p2 =	slt.u32 s8, $0xFFFFF086  }
0x1c: {  	p1 =	slt.u32 s9, $0xF7A;
	s5 =	simm.s32 @!p2 $0x0  }
0x1d: {  	s5 =	simm.s32 @p1 $0x1;
	p0 =	seq.s32 s7, s2  }
0x1e: {  	s7 =	smul.u32 @!p0 $0xF7A, s2;
	p2 =	seq.s32 @!p0 s5, $0x0  }
0x1f: {  	s9 =	smul.u32 $0xF7A, s1;
	s8 =	simm.s32 @!p0 $0x1BF5;
	p2 =	por !p2, p0  }
0x20: {  	[sflag:s8] =	ssyncset.s32 @!p0 $0xFFFFF086;
	s6 =	sadd.s32 @!p0 s3, s7;
	s7 =	simm.s32 @!p0 $0x108  }
0x21: {  	s3 =	sadd.s32 s3, s9;
	s6 =	sadd.s32 @!p0 $0x88, s6;
	s7 =	simm.s32 @p2 $0x1082  }
0x22: {  	[simem:s7], [sflag:s8] =	dma.local @!p0 [hbm:s6], $0xF7A  }
0x23: {  	s9 =	sor.u32 $0xD0000000, s2;
	s6 =	simm.s32 $0x108;
	_ =	swait.ge @!p0 [sflag:s8], $0x0  }
0x24: {  	s3 =	sadd.s32 $0x88, s3;
	s6 =	simm.s32 @!p1 $0x1082;
	[sflag:s4] =	ssyncset.s32 $0xFFFFF086  }
0x25: {  	[simem:s6], [sflag:s4] =	dma.local [hbm:s3], $0xF7A  }
0x26: {  	[smem:$0x3F91] =	sst s1;
	(tag) =	ssettag s2;
	_ =	strace s9  }
0x27: {  	s1 =	sld [smem:$0x3FA1]  }
0x28: {  	s2 =	sld [smem:$0x3FA2]  }
0x29: {  	s4 =	sld [smem:$0x3FA4]  }
0x2a: {  	p0 =	seq.s32 s5, $0x0;
	s5 =	sld [smem:$0x3FA5]  }
0x2b: {  	s6 =	sld [smem:$0x3FA6]  }
0x2c: {  	s7 =	sld [smem:$0x3FA7]  }
0x2d: {  	s3 =	simm.s32 $0x108;
	s8 =	sld [smem:$0x3FA8]  }
0x2e: {  	s3 =	simm.s32 @!p0 $0x1082;
	s9 =	sld [smem:$0x3FA9]  }
0x2f: {  	lr =	sadd.s32 s0, s3;
	s0 =	sld [smem:$0x3FA0]  }
0x30: {  	s3 =	sld [smem:$0x3FA3]  }
0x31: {  	[smem:$0x3FAC] =	sst s10  }
0x32: {  	s10 =	sld [smem:$0x3FAA];
	_ =	sdelay $0x3  }
0x33: {  	p0 =	seq.s32 s10, $0x1;
	s10 =	sld [smem:$0x3FAC];
	_ =	sdelay $0x3  }
0x34: {  	[smem:$0x3FAC] =	sst s10  }
0x35: {  	s10 =	sld [smem:$0x3FAB];
	_ =	sdelay $0x3  }
0x36: {  	p1 =	seq.s32 s10, $0x1;
	s10 =	sld [smem:$0x3FAC];
	_ =	sdelay $0x3  }
0x37: {  	[smem:$0x3FAC] =	sst s10  }
0x38: {  	s10 =	sld [smem:$0x3FAD]  }
0x39: {  	_ = 	snop;
	(pc) =	sbr.ind lr, $3  }
0x3a: {  	_ = 	snop  }
0x3b: {  	_ = 	snop  }
0x3c: {  	p2 =	seq.s32 s10, $0x1;
	s10 =	sld [smem:$0x3FAC]  }
0x3d: {  	_ =	shalt  }
0x3e: {  	_ =	shalt  }
0x3f: {  	_ =	shalt  }
0x40: {  	_ =	shalt  }
0x41: {  	_ =	shalt  }
0x42: {  	_ =	shalt  }
0x43: {  	_ =	shalt  }
0x44: {  	_ =	shalt  }
0x45: {  	_ =	shalt  }
0x46: {  	_ =	shalt  }
0x47: {  	_ =	shalt  }
0x48: {  	_ =	shalt  }
0x49: {  	_ =	shalt  }
0x4a: {  	_ =	shalt  }
0x4b: {  	_ =	shalt  }
0x4c: {  	_ =	shalt  }
0x4d: {  	_ =	shalt  }
0x4e: {  	_ =	shalt  }
0x4f: {  	_ =	shalt  }
0x50: {  	_ =	shalt  }
0x51: {  	_ =	shalt  }
0x52: {  	_ =	shalt  }
0x53: {  	_ =	shalt  }
0x54: {  	_ =	shalt  }
0x55: {  	_ =	shalt  }
0x56: {  	_ =	shalt  }
0x57: {  	_ =	shalt  }
0x58: {  	_ =	shalt  }
0x59: {  	_ =	shalt  }
0x5a: {  	_ =	shalt  }
0x5b: {  	_ =	shalt  }
0x5c: {  	_ =	shalt  }
0x5d: {  	_ =	shalt  }
0x5e: {  	_ =	shalt  }
0x5f: {  	_ =	shalt  }
0x60: {  	_ =	shalt  }
0x61: {  	_ =	shalt  }
0x62: {  	_ =	shalt  }
0x63: {  	_ =	shalt  }
0x64: {  	_ =	shalt  }
0x65: {  	_ =	shalt  }
0x66: {  	_ =	shalt  }
0x67: {  	_ =	shalt  }
0x68: {  	_ =	shalt  }
0x69: {  	_ =	shalt  }
0x6a: {  	_ =	shalt  }
0x6b: {  	_ =	shalt  }
0x6c: {  	_ =	shalt  }
0x6d: {  	_ =	shalt  }
0x6e: {  	_ =	shalt  }
0x6f: {  	_ =	shalt  }
0x70: {  	_ =	shalt  }
0x71: {  	_ =	shalt  }
0x72: {  	_ =	shalt  }
0x73: {  	_ =	shalt  }
0x74: {  	_ =	shalt  }
0x75: {  	_ =	shalt  }
0x76: {  	_ =	shalt  }
0x77: {  	_ =	shalt  }
0x78: {  	_ =	shalt  }
0x79: {  	_ =	shalt  }
0x7a: {  	_ =	shalt  }
0x7b: {  	_ =	shalt  }
0x7c: {  	_ =	shalt  }
0x7d: {  	_ =	shalt  }
0x7e: {  	_ =	shalt  }
0x7f: {  	_ =	shalt  }
0x80: {  	_ =	shalt  }
0x81: {  	_ =	shalt  }
0x82: {  	_ =	shalt  }
0x83: {  	_ =	shalt  }
0x84: {  	_ =	shalt  }
0x85: {  	_ =	shalt  }
0x86: {  	_ =	shalt  }
0x87: {  	_ =	shalt  }
.Lfunc_end0:
.L_simem_size_0:
called_computation.1_lowered:
.L_overlay_start_0:
0x88: {  	s2 =	sld [smem:$0x3FD9]  }
0x89: {  	s3 =	sld [smem:$0x3FFE];
	_ =	sdelay $0x1  }
0x8a: {  	s1 =	srdreg.scid  }
0x8b: {  	s0 =	sand.u32 $0x1, s1  }
0x8c: {  	s17 =	sshll.u32 s0, $0xA;
	s2 =	sadd.s32 s3, s2  }
0x8d: {  	s2 =	sadd.s32 s2, s17  }
0x8e: {  	[smem:$0x3FB8] =	sst s2  }
0x8f: {  	_ = 	snop  }
0x90: {  	s2 =	sld [smem:$0x3FD0];
	(tm) =	ssettm $0x1  }
0x91: {  	s18 =	sld [smem:$0x3FFB];
	_ =	sdelay $0x3  }
0x92: {  	_ =	strace s18  }
0x93: {  	s3 =	sld [smem:$0x3FFC];
	_ =	sdelay $0x3  }
0x94: {  	_ =	strace s3  }
0x95: {  	s3 =	sld [smem:$0x3FFD];
	_ =	sdelay $0x3  }
0x96: {  	_ =	strace s3  }
0x97: {  	_ =	strace $0x8FFFFFFF  }
0x98: {  	s19 =	sld [smem:$0x3FDB];
	_ =	sdelay $0x1  }
0x99: {  	s4 =	simm.s32 $_scs_section_size  }
0x9a: {  	s5 =	simm.s32 $_size__tile_overlayer_lowered;
	s6 =	simm.s32 $_tile_overlayer_lowered  }
0x9b: {  	s22 =	simm.s32 $0x1BFF;
	s21 =	sshll.u32 s6, $0x1;
	s3 =	sadd.s32 s4, s19  }
0x9c: {  	s7 =	simm.s32 $0x0;
	s20 =	sshll.u32 s5, $0x1;
	s5 =	sadd.s32 s21, s3  }
0x9d: {  	[timem:s7], [sflag:s22] =	dma.local [hbm:s5], s20  }
0x9e: {  	_ =	swait.ge [sflag:s22], s20  }
0x9f: {  	s4 =	ssub.s32 $0x0, s20;
	[sflag:s22] =	ssyncset.done $0x0  }
0xa0: {  	[sflag:s22] =	ssyncadd.s32 s4;
	_ =	sdelay $0x1  }
0xa1: {  	s23 =	simm.s32 $0x1B8B  }
0xa2: {  	_ =	swait.ge [sflag:s23], $0x1  }
0xa3: {  	[sflag:s23] =	ssyncset.done $0x0  }
0xa4: {  	s25 =	simm.s32 $0x1B8E;
	s24 =	sld [smem:$0x3FFE];
	[sflag:s23] =	ssyncadd.s32 $0xFFFFFFFF  }
0xa5: {  	s26 =	simm.s32 $execute0_lowered;
	[smem:$0x3FD2] =	sst s25  }
0xa6: {  	s5 =	sshll.u32 s26, $0x1;
	_ =	strace $0x80000049;
	[dreg:$0x1] =	wrdreg $0xFFFFFFFF  }
0xa7: {  	s28 =	simm.s32 $_size_execute0_lowered;
	s3 =	sadd.s32 s3, s5;
	[dreg:$0x0] =	wrdreg $0x0  }
0xa8: {  	s5 =	sshll.u32 s28, $0x1;
	[dreg:$0x2] =	wrdreg s3  }
0xa9: {  	[dreg:$0x3] =	wrdreg s5  }
0xaa: {  	[dreg:$0x4] =	wrdreg $0xC0  }
0xab: {  	_ =	task [dreg:s7], $0x5FFFF  }
0xac: {  	[dreg:$0x1] =	wrdreg $0xFFFFFFFF  }
0xad: {  	[dreg:$0x0] =	wrdreg $0x60  }
0xae: {  	[dreg:$0x2] =	wrdreg s2  }
0xaf: {  	[dreg:$0x3] =	wrdreg s24  }
0xb0: {  	[dreg:$0x4] =	wrdreg $0x9  }
0xb1: {  	_ =	task.clear_ibuf [dreg:s7], $0x5FFFF;
	_ =	strace $0x90000049  }
0xb2: {  	s29 =	simm.s32 $0x9;
	_ =	strace $0x8000004B  }
0xb3: {  	_ =	swait.ge [sflag:s29], $0x1  }
0xb4: {  	[sflag:s29] =	ssyncadd.s32 $0xFFFFFFFF  }
0xb5: {  	_ =	strace $0x9000004B  }
0xb6: {  	_ =	sfence  }
0xb7: {  	s30 =	sld [smem:$0x0];
	_ =	sdelay $0x2  }
0xb8: {  	s31 =	sshll.u32 s1, $0xD;
	s1 =	sshrl.u32 s1, $0x2  }
0xb9: {  	s3 =	sand.u32 $0x4000, s31;
	s1 =	sadd.s32 s1, s30  }
0xba: {  	s0 =	sor.u32 s3, s0;
	s1 =	sshll.u32 s1, $0x11  }
0xbb: {  	s0 =	sor.u32 s1, s0  }
0xbc: {  	s0 =	sadd.s32 $0x8F2B, s0  }
0xbd: {  	[sflag:s0] =	ssyncadd.remote.s32 $0x1  }
0xbe: {  	_ =	sfence.sel $0xFFFF  }
0xbf: {  	[dreg:$0x0] =	wrdreg $0xFFFFFFFF;
	(pc) =	sbr.abs _section_cstart, $3  }
0xc0: {  	[dreg:$0x1] =	wrdreg $0xFFFFFFFF  }
0xc1: {  	_ =	task.clear_ibuf [dreg:s7], $0x2FFFF;
	_ =	strace $0x9FFFFFFF  }
0xc2: {  	(tm) =	ssettm $0x7FFFFFFF  }
0xc3: {  	_ =	shalt  }
tec
execute0_lowered:
.L_overlay_start_1:
0x0: {  	(tag) =	ssettag $0x1  }
0x1: {  	s1 =	srdreg.scid;
	s2 =	rddreg [dreg:$0x0]  }
0x2: {  	s0 =	stileid.u32;
	s6 =	rddreg [dreg:$0x1]  }
0x3: {  	s3 =	simm.s32 $0x0;
	s9 =	simm.s32 $0x14800;
	s10 =	simm.s32 $0x16100  }
0x4: {  	s11 =	simm.s32 $0x1;
	s5 =	sand.u32 $0x1, s1;
	s30 =	sshll.u32 s0, $0x1  }
0x5: {  	v2 =	vimm.s32 $0xBF80BF80;
	s12 =	simm.s32 $0x1C800;
	s13 =	simm.s32 $0x1FA80;
	s4 =	sor.u32 s5, s30  }
0x6: {  	v3 =	vimm.s32 $0x7F787F78;
	v5 =	vlaneseq.u32;
	v4 =	vimm.s32 $0x0;
	s14 =	simm.s32 $0x2;
	s15 =	simm.s32 $0xA400;
	s1 =	smul.u32 $0x140, s4  }
.Ltmp0:
0x7: {  	v6 =	vimm.s32 $0x6400;
	vm4 =	vcmask $0x1310;
	vm5 =	vcmask $0x1714;
	s16 =	simm.s32 $0x0;
	s8 =	ssub.s32 $0x2, s5;
	(pc) =	sbr.rel .LBB2_1-.Ltmp0, $4  }
0x8: {  	vm6 =	vcmask $0x1B18;
	vm7 =	vcmask $0x1F1C;
	vm8 =	vcmask $0x2320;
	[smem:$0x7FF] =	sst s3;
	s7 =	smul.u32 $0x1400, s4;
	s31 =	sshrl.u32 s8, $0x1  }
0x9: {  	vm9 =	vcmask $0x2724;
	vm10 =	vcmask $0x2B28;
	vm11 =	vcmask $0x2F2C;
	s5 =	sadd.s32 $0x3400, s6;
	s4 =	sadd.s32 $0x8400, s6;
	s8 =	ssub.s32 s8, s31  }
0xa: {  	vm12 =	vcmask $0x3330;
	vm13 =	vcmask $0x3734;
	v0 =	vmov s1;
	s1 =	rddreg [dreg:$0x2];
	_ =	strace $0x8000004A;
	s7 =	sadd.s32 s7, s6  }
0xb: {  	vm14 =	vcmask $0x3B38;
	v5 =	vor.u32 $0x7D00, v5;
	s8 =	smax.u32 s8, $0x1;
	v1 =	vadd.s32 $0x140, v0;
	s6 =	sadd.s32 $0xD400, s7;
	s7 =	sadd.s32 $0x35400, s7  }
.LBB2_19:
0xc: {  	[hbm4b:s6+s3] =	stream.linear.scatter [tilespmem:s3], [sflag:$0x2], $0xA000, $0x38;
	[tilespmem:$0x1FB00] =	vst v63  }
0xd: {  	s16 =	sadd.s32 $0x1, s16;
	_ =	swait.ge [sflag:s14], $0xA000  }
0xe: {  	p0 =	sne.s32 s16, s8;
	[sflag:s14] =	ssyncset.done $0x0  }
.Ltmp1:
0xf: {  	[sflag:s14] =	ssyncadd.s32 $0xFFFF6000;
	(pc) =	sbr.rel @!p0 .LBB2_20-.Ltmp1, $4  }
0x10: {  	[hbm4b:s7+s3] =	stream.linear.scatter [tilespmem:s15], [sflag:$0x2], $0xA000, $0x38;
	[tilespmem:$0x1FB00] =	vst v63  }
0x11: {  	_ =	swait.ge [sflag:s14], $0xA000  }
0x12: {  	[sflag:s14] =	ssyncset.done $0x0  }
0x13: {  	[sflag:s14] =	ssyncadd.s32 $0xFFFF6000  }
.LBB2_1:
0x14: {  	s17 =	simm.s32 $0x0;
	s18 =	simm.s32 $0x200  }
.LBB2_2:
0x15: {  	p0 =	sne.s32 s18, $0x28000;
	[tilespmem:s17+$0xA470] =	vst v3  }
0x16: {  	[tilespmem:s17+$0x0] =	vst v2  }
0x17: {  	[tilespmem:s17+$0xA400] =	vst v3  }
0x18: {  	[tilespmem:s17+$0x10] =	vst v2  }
0x19: {  	[tilespmem:s17+$0xA410] =	vst v3  }
0x1a: {  	[tilespmem:s17+$0x20] =	vst v2  }
0x1b: {  	[tilespmem:s17+$0xA420] =	vst v3  }
0x1c: {  	[tilespmem:s17+$0x30] =	vst v2  }
0x1d: {  	[tilespmem:s17+$0xA430] =	vst v3  }
0x1e: {  	[tilespmem:s17+$0x40] =	vst v2  }
0x1f: {  	[tilespmem:s17+$0xA440] =	vst v3  }
.Ltmp2:
0x20: {  	[tilespmem:s17+$0x50] =	vst v2;
	(pc) =	sbr.rel @p0 .LBB2_2-.Ltmp2, $4  }
0x21: {  	[tilespmem:s17+$0xA450] =	vst v3  }
0x22: {  	[tilespmem:s17+$0x60] =	vst v2  }
0x23: {  	[tilespmem:s17+$0xA460] =	vst v3  }
0x24: {  	[tilespmem:s17+$0x70] =	vst v2;
	s17 =	sshra.s32 s18, $0x2;
	s18 =	sadd.s32 $0x200, s18  }
0x25: {  	[tilespmem:s17+$0xA470] =	vst v3  }
0x26: {  	[tilespmem:s17+$0x0] =	vst v2  }
0x27: {  	[tilespmem:s17+$0xA400] =	vst v3  }
0x28: {  	[tilespmem:s17+$0x10] =	vst v2  }
0x29: {  	[tilespmem:s17+$0xA410] =	vst v3  }
0x2a: {  	[tilespmem:s17+$0x20] =	vst v2  }
0x2b: {  	[tilespmem:s17+$0xA420] =	vst v3  }
0x2c: {  	[tilespmem:s17+$0x30] =	vst v2  }
0x2d: {  	[tilespmem:s17+$0xA430] =	vst v3  }
0x2e: {  	[tilespmem:s17+$0x40] =	vst v2  }
0x2f: {  	[tilespmem:s17+$0xA440] =	vst v3  }
0x30: {  	[tilespmem:s17+$0x50] =	vst v2  }
0x31: {  	[tilespmem:s17+$0xA450] =	vst v3  }
0x32: {  	[tilespmem:s17+$0x60] =	vst v2  }
0x33: {  	[tilespmem:s17+$0xA460] =	vst v3  }
0x34: {  	[tilespmem:s17+$0x70] =	vst v2;
	s17 =	simm.s32 $0x4;
	s18 =	simm.s32 $0x0  }
.LBB2_4:
0x35: {  	p0 =	sne.s32 s17, $0x13C  }
0x36: {  	[smem:s18] =	sst s3;
	s18 =	smov.u32 s17;
	s17 =	sadd.s32 $0x4, s17  }
.Ltmp3:
0x37: {  	(pc) =	sbr.rel @p0 .LBB2_4-.Ltmp3, $2  }
0x38: {  	_ =	sdelay $0x2  }
0x39: {  	s18 =	sshra.s32 s18, $0x2  }
.Ltmp4:
0x3a: {  	(pc) =	sbr.rel .LBB2_7-.Ltmp4, $4  }
0x3b: {  	s17 =	simm.s32 $0x0  }
0x3c: {  	[tilespmem:s9], [sflag:$0x1] =	stream.linear.gather [hbm4b:s5+s17], $0x1900, $0x38;
	[tilespmem:$0x1FB00] =	vst v63  }
0x3d: {  	[smem:s18] =	sst s3;
	s18 =	simm.s32 $0x0  }
0x3e: {  	[tilespmem:s10], [sflag:$0x1] =	stream.linear.gather [hbm4b:s4+s17], $0x1900, $0x38;
	[tilespmem:$0x1FB00] =	vst v63  }
.LBB2_6:
0x3f: {  	p0 =	seq.s32 s18, $0x19  }
.Ltmp5:
0x40: {  	_ = 	snop;
	(pc) =	sbr.rel @p0 .LBB2_13-.Ltmp5, $1  }
0x41: {  	_ =	sdelay $0x3  }
.LBB2_7:
0x42: {  	s19 =	smov.u32 s18  }
0x43: {  	s18 =	sadd.s32 $0x1, s18;
	p0 =	seq.s32 s19, $0x18  }
0x44: {  	_ =	swait.ge [sflag:s11], $0x3200;
	s20 =	sand.u32 @!p0 $0x1, s18  }
0x45: {  	[sflag:s11] =	ssyncset.done $0x0;
	p1 =	seq.s32 @!p0 s20, $0x1  }
0x46: {  	s21 =	smul.u32 @!p0 $0x320, s18;
	s20 =	simm.s32 @!p0 $0x3200;
	p1 =	por !p1, p0  }
0x47: {  	[sflag:s11] =	ssyncadd.s32 $0xFFFFCE00;
	s20 =	simm.s32 @p1 $0x0  }
0x48: {  	s24 =	simm.s32 @!p0 $0x0;
	s23 =	sadd.s32 @!p0 s5, s21;
	s22 =	sor.u32 @!p0 $0x14800, s20  }
0x49: {  	[tilespmem:s22], [sflag:$0x1] =	stream.linear.gather @!p0 [hbm4b:s23+s24], $0x1900, $0x38;
	[tilespmem:$0x1FB00] =	vst v63  }
0x4a: {  	s19 =	sand.u32 $0x1, s19;
	s21 =	sadd.s32 @!p0 s4, s21;
	s20 =	sadd.s32 @!p0 $0x16100, s20  }
0x4b: {  	[tilespmem:s20], [sflag:$0x1] =	stream.linear.gather @!p0 [hbm4b:s21+s24], $0x1900, $0x38;
	[tilespmem:$0x1FB00] =	vst v63  }
0x4c: {  	p0 =	seq.s32 s19, $0x1;
	s19 =	simm.s32 $0x3200  }
0x4d: {  	s19 =	simm.s32 @!p0 $0x0  }
0x4e: {  	s29 =	sadd.s32 $0x0, s19  }
0x4f: {  	s30 =	sand.u32 $0x7F80, s29  }
0x50: {  	s31 =	sand.u32 $0x40, s17;
	s21 =	sadd.s32 $0x14800, s30  }
0x51: {  	s24 =	sor.u32 $0x10, s31;
	s25 =	sor.u32 s31, s21  }
0x52: {  	s26 =	sor.u32 s24, s21;
	v7 =	vld [tilespmem:s25+$0x0]  }
0x53: {  	v8 =	vld [tilespmem:s26+$0x0]  }
0x54: {  	s28 =	sor.u32 $0x20, s31  }
0x55: {  	s26 =	sor.u32 s28, s21  }
0x56: {  	s25 =	sor.u32 $0x30, s31;
	v9 =	vld [tilespmem:s26+$0x0]  }
0x57: {  	s21 =	sor.u32 s25, s21;
	vm0 =	vge.s32 v7, v0;
	vm1 =	vlt.s32 v7, v1  }
0x58: {  	v10 =	vld [tilespmem:s21+$0x0];
	vm2 =	vmand vm0, vm1;
	vm0 =	vge.s32 v8, v0;
	vm1 =	vlt.s32 v8, v1  }
0x59: {  	v11 =	vsel vm2, $0x1, v4;
	vm1 =	vmand vm0, vm1  }
0x5a: {  	(xrf0) =	vadd.scan.msk.s32 $0xffff, v11;
	v11 =	vsel vm1, $0x1, v4  }
0x5b: {  	vm15 =	vlt.s32 v9, v1;
	vm0 =	vge.s32 v9, v0;
	(xrf0) =	vadd.scan.msk.s32 $0xffff, v11  }
0x5c: {  	vm15 =	vmand vm0, vm15  }
0x5d: {  	vm3 =	vlt.s32 v10, v1;
	vm0 =	vge.s32 v10, v0;
	v11 =	vsel vm15, $0x1, v4  }
0x5e: {  	vm0 =	vmand vm0, vm3;
	(xrf0) =	vadd.scan.msk.s32 $0xffff, v11  }
0x5f: {  	v12 =	vsel vm0, $0x1, v4  }
0x60: {  	v11, _, _ =	vpop (xrf0);
	(xrf0) =	vadd.scan.msk.s32 $0xffff, v12  }
0x61: {  	(v2sf) =	vpush v11, $0xF;
	v59, _, _ =	vpop (xrf0)  }
0x62: {  	(v2sf) =	vpush v59, $0xF;
	_ =	sdelay $0x1  }
0x63: {  	v13, _, _ =	vpop (xrf0)  }
0x64: {  	(v2sf) =	vpush v13, $0xF  }
0x65: {  	v14, _, _ =	vpop (xrf0)  }
0x66: {  	(v2sf) =	vpush v14, $0xF;
	_ =	sdelay $0x1  }
0x67: {  	v15 =	vmov s17;
	s20 =	sadd.s32 $0x1900, s29  }
0x68: {  	v15 =	vadd.s32 $0x6400, v15;
	s20 =	sand.u32 $0xFF80, s20  }
0x69: {  	v15 =	vbroadcast v15, $0x0;
	s20 =	sadd.s32 $0x14800, s20  }
0x6a: {  	s29 =	sor.u32 s31, s20;
	v16 =	vsel vm2, $0xFFFFFFFF, v4  }
0x6b: {  	v17 =	vld [tilespmem:s29+$0x0];
	v15 =	vadd.s32 v16, v15  }
0x6c: {  	v11 =	vadd.s32 v11, v15  }
0x6d: {  	s30 =	sor.u32 s28, s20;
	s31 =	sor.u32 s25, s20;
	s20 =	sor.u32 s24, s20;
	v11 =	vsel vm2, v11, v5  }
0x6e: {  	v62 =	vld [tilespmem:s20+$0x0];
	v18 =	vsel vm1, $0x63FF, v6;
	s23 =	spop (v2sf)  }
0x6f: {  	v7 =	vsub.s32 v7, v0;
	v19 =	vsel vm15, $0x63FF, v6;
	v12 =	vadd.s32 v59, v18;
	s25 =	sadd.s32 $0x0, s23;
	s26 =	spop (v2sf)  }
0x70: {  	v60 =	vld [tilespmem:s30+$0x0];
	v17 =	vshll.u32 v17, $0x9;
	v13 =	vadd.s32 v13, v19;
	v12 =	vadd.s32 s25, v12;
	s20 =	sadd.s32 s25, s26  }
0x71: {  	v61 =	vld [tilespmem:s31+$0x0];
	v7 =	vadd.s32 v17, v7;
	v12 =	vsel vm1, v12, v5;
	v13 =	vadd.s32 s20, v13  }
0x72: {  	[tilespmem:v11+s9+$0x0] =	vst.idx.msk $0xffff, v7;
	v11 =	vsel vm0, $0x63FF, v6;
	s28 =	spop (v2sf);
	v13 =	vsel vm15, v13, v5  }
0x73: {  	v8 =	vsub.s32 v8, v0;
	v7 =	vshll.u32 v62, $0x9;
	v11 =	vadd.s32 v14, v11;
	s21 =	sadd.s32 s20, s28  }
0x74: {  	v7 =	vadd.s32 v7, v8;
	v8 =	vsub.s32 v9, v0;
	v9 =	vadd.s32 s21, v11;
	s29 =	spop (v2sf)  }
0x75: {  	v16 =	vshll.u32 v60, $0x9;
	v10 =	vsub.s32 v10, v0;
	v9 =	vsel vm0, v9, v5;
	s20 =	sadd.s32 s21, s29  }
0x76: {  	s30 =	simm.s32 $0x40;
	s24 =	simm.s32 $0x80;
	s31 =	sadd.s32 $0x40, s19;
	v15 =	vshll.u32 v61, $0x9;
	v63 =	vadd.s32 v16, v8;
	v11 =	vmov s20;
	[tilespmem:v12+s9+$0x0] =	vst.idx.msk $0xffff, v7  }
0x77: {  	v8 =	vadd.s32 v15, v10;
	s23 =	sand.u32 $0x40, s30;
	s25 =	sand.u32 $0x7F80, s31;
	s21 =	sadd.s32 $0x1900, s31;
	v7 =	vadd.s32 $0x6400, v11;
	[tilespmem:v13+s9+$0x0] =	vst.idx.msk $0xffff, v63  }
.LBB2_8:
0x78: {  	s22 =	sadd.s32 $0x14800, s25  }
0x79: {  	s25 =	sand.u32 $0xFF80, s21;
	s26 =	sor.u32 $0x30, s23;
	s21 =	smov.u32 s24  }
0x7a: {  	s29 =	sor.u32 $0x10, s23;
	s30 =	sor.u32 $0x20, s23;
	s28 =	sor.u32 s23, s22;
	[tilespmem:v9+s9+$0x0] =	vst.idx.msk $0xffff, v8  }
0x7b: {  	s25 =	sadd.s32 $0x14800, s25;
	s31 =	sor.u32 s26, s22;
	v8 =	vld [tilespmem:s28+$0x0];
	s28 =	sor.u32 s29, s22  }
0x7c: {  	s26 =	sor.u32 s26, s25;
	v9 =	vld [tilespmem:s28+$0x0];
	s28 =	sor.u32 s30, s22;
	s30 =	sor.u32 s30, s25  }
0x7d: {  	s23 =	sor.u32 s23, s25;
	s22 =	sadd.s32 $0x40, s24;
	s25 =	sor.u32 s29, s25;
	v10 =	vld [tilespmem:s28+$0x0]  }
0x7e: {  	p0 =	seq.s32 s24, $0x18C0  }
0x7f: {  	v11 =	vld [tilespmem:s31+$0x0]  }
0x80: {  	vm0 =	vge.s32 v8, v0;
	vm1 =	vlt.s32 v8, v1  }
0x81: {  	vm2 =	vmand vm0, vm1;
	vm0 =	vge.s32 v9, v0;
	vm1 =	vlt.s32 v9, v1  }
0x82: {  	v12 =	vsel vm2, $0x1, v4;
	vm0 =	vmand vm0, vm1;
	vm1 =	vge.s32 v10, v0  }
0x83: {  	vm3 =	vlt.s32 v10, v1;
	v13 =	vsel vm0, $0x1, v4;
	(xrf0) =	vadd.scan.msk.s32 $0xffff, v12  }
0x84: {  	vm1 =	vmand vm1, vm3;
	vm3 =	vge.s32 v11, v0;
	vm15 =	vlt.s32 v11, v1;
	(xrf0) =	vadd.scan.msk.s32 $0xffff, v13  }
0x85: {  	v12 =	vsel vm1, $0x1, v4;
	vm15 =	vmand vm3, vm15  }
0x86: {  	v13 =	vsel vm15, $0x1, v4;
	(xrf0) =	vadd.scan.msk.s32 $0xffff, v12  }
0x87: {  	v7 =	vbroadcast v7, $0x0;
	(xrf0) =	vadd.scan.msk.s32 $0xffff, v13  }
0x88: {  	v15 =	vsel vm2, $0xFFFFFFFF, v4  }
0x89: {  	v7 =	vadd.s32 v15, v7;
	v13 =	vld [tilespmem:s23+$0x0];
	v12, _, _ =	vpop (xrf0)  }
0x8a: {  	v7 =	vadd.s32 v12, v7;
	v14, _, _ =	vpop (xrf0);
	(v2sf) =	vpush v12, $0xF  }
0x8b: {  	v7 =	vsel vm2, v7, v5;
	(v2sf) =	vpush v14, $0xF  }
0x8c: {  	v12, _, _ =	vpop (xrf0)  }
0x8d: {  	v15 =	vld [tilespmem:s30+$0x0];
	v16, _, _ =	vpop (xrf0);
	(v2sf) =	vpush v12, $0xF  }
0x8e: {  	v8 =	vsub.s32 v8, v0;
	v13 =	vshll.u32 v13, $0x9;
	v17 =	vld [tilespmem:s26+$0x0];
	(v2sf) =	vpush v16, $0xF  }
0x8f: {  	v8 =	vadd.s32 v13, v8;
	v13 =	vld [tilespmem:s25+$0x0]  }
0x90: {  	[tilespmem:v7+s9+$0x0] =	vst.idx.msk $0xffff, v8;
	_ =	sdelay $0x1  }
0x91: {  	v15 =	vshll.u32 v15, $0x9  }
0x92: {  	v8 =	vsub.s32 v11, v0;
	v7 =	vshll.u32 v17, $0x9  }
0x93: {  	v11 =	vshll.u32 v13, $0x9;
	v8 =	vadd.s32 v7, v8;
	_ =	sdelay $0x4  }
0x94: {  	v7 =	vsel vm0, $0x63FF, v6;
	s23 =	spop (v2sf)  }
0x95: {  	v13 =	vsel vm1, $0x63FF, v6;
	v7 =	vadd.s32 v14, v7;
	s20 =	sadd.s32 s20, s23;
	s23 =	spop (v2sf)  }
0x96: {  	v12 =	vadd.s32 v12, v13;
	v7 =	vadd.s32 s20, v7;
	s20 =	sadd.s32 s20, s23  }
0x97: {  	v13 =	vsel vm0, v7, v5;
	v7 =	vadd.s32 s20, v12;
	v12 =	vsel vm15, $0x63FF, v6;
	s23 =	spop (v2sf)  }
0x98: {  	v14 =	vsel vm1, v7, v5;
	s20 =	sadd.s32 s20, s23;
	v7 =	vadd.s32 v16, v12;
	s23 =	spop (v2sf)  }
.Ltmp6:
0x99: {  	v7 =	vadd.s32 s20, v7;
	s20 =	sadd.s32 s20, s23;
	(pc) =	sbr.rel @!p0 .LBB2_8-.Ltmp6, $4  }
0x9a: {  	v16 =	vsub.s32 v9, v0;
	v12 =	vmov s20;
	v9 =	vsel vm15, v7, v5  }
0x9b: {  	s24 =	sadd.s32 s21, s19;
	v10 =	vsub.s32 v10, v0;
	v11 =	vadd.s32 v11, v16;
	v7 =	vadd.s32 $0x6400, v12  }
0x9c: {  	s25 =	sand.u32 $0x7F80, s24;
	v10 =	vadd.s32 v15, v10;
	[tilespmem:v13+s9+$0x0] =	vst.idx.msk $0xffff, v11  }
0x9d: {  	s23 =	sand.u32 $0x40, s21;
	s21 =	sadd.s32 $0x1900, s24;
	s24 =	smov.u32 s22;
	[tilespmem:v14+s9+$0x0] =	vst.idx.msk $0xffff, v10  }
0x9e: {  	_ =	sdelay $0x2  }
0x9f: {  	s19 =	sadd.s32 $0x14800, s25  }
0xa0: {  	[tilespmem:v9+s9+$0x0] =	vst.idx.msk $0xffff, v8;
	s22 =	sor.u32 s23, s19  }
0xa1: {  	v8 =	vld [tilespmem:s22+$0x0]  }
0xa2: {  	s24 =	sor.u32 $0x10, s23  }
0xa3: {  	s29 =	sor.u32 $0x20, s23;
	s25 =	sor.u32 s24, s19  }
0xa4: {  	s31 =	sor.u32 $0x30, s23;
	s30 =	sor.u32 s29, s19;
	v9 =	vld [tilespmem:s25+$0x0]  }
0xa5: {  	s19 =	sor.u32 s31, s19;
	v10 =	vld [tilespmem:s30+$0x0]  }
0xa6: {  	v53 =	vld [tilespmem:s19+$0x0];
	vm0 =	vge.s32 v8, v0;
	vm1 =	vlt.s32 v8, v1  }
0xa7: {  	vm15 =	vmand vm0, vm1  }
0xa8: {  	v11 =	vsel vm15, $0x1, v4  }
0xa9: {  	(xrf0) =	vadd.scan.msk.s32 $0xffff, v11  }
0xaa: {  	vm2 =	vlt.s32 v10, v1;
	vm0 =	vge.s32 v9, v0;
	vm1 =	vlt.s32 v9, v1  }
0xab: {  	vm3 =	vlt.s32 v53, v1;
	vm0 =	vmand vm0, vm1;
	vm1 =	vge.s32 v10, v0  }
0xac: {  	v12 =	vsel vm0, $0x1, v4;
	vm1 =	vmand vm1, vm2;
	vm2 =	vge.s32 v53, v0  }
0xad: {  	(xrf0) =	vadd.scan.msk.s32 $0xffff, v12;
	v54 =	vsel vm1, $0x1, v4;
	vm2 =	vmand vm2, vm3  }
0xae: {  	(xrf0) =	vadd.scan.msk.s32 $0xffff, v54;
	v14 =	vsel vm2, $0x1, v4  }
0xaf: {  	v55, _, _ =	vpop (xrf0);
	(xrf0) =	vadd.scan.msk.s32 $0xffff, v14;
	_ =	sdelay $0x3  }
0xb0: {  	v13, _, _ =	vpop (xrf0);
	(v2sf) =	vpush v55, $0xF  }
0xb1: {  	(v2sf) =	vpush v13, $0xF;
	v15, _, _ =	vpop (xrf0)  }
0xb2: {  	(v2sf) =	vpush v15, $0xF;
	v14, _, _ =	vpop (xrf0)  }
0xb3: {  	(v2sf) =	vpush v14, $0xF;
	_ =	sdelay $0x8  }
0xb4: {  	s21 =	sand.u32 $0xFF80, s21  }
0xb5: {  	v7 =	vbroadcast v7, $0x0;
	s19 =	sadd.s32 $0x14800, s21  }
0xb6: {  	s23 =	sor.u32 s23, s19;
	v16 =	vsel vm15, $0xFFFFFFFF, v4  }
0xb7: {  	s24 =	sor.u32 s24, s19;
	v56 =	vld [tilespmem:s23+$0x0];
	v7 =	vadd.s32 v16, v7;
	v57 =	vsel vm0, $0x63FF, v6;
	v58 =	vsel vm1, $0x63FF, v6;
	s26 =	spop (v2sf)  }
0xb8: {  	s22 =	sor.u32 s29, s19;
	v17 =	vld [tilespmem:s24+$0x0];
	v59 =	vsel vm2, $0x63FF, v6;
	v7 =	vadd.s32 v55, v7;
	v12 =	vadd.s32 v13, v57;
	s20 =	sadd.s32 s20, s26;
	s28 =	spop (v2sf)  }
0xb9: {  	s19 =	sor.u32 s31, s19;
	v18 =	vld [tilespmem:s22+$0x0];
	v7 =	vsel vm15, v7, v5;
	v13 =	vadd.s32 v15, v58;
	v12 =	vadd.s32 s20, v12;
	s20 =	sadd.s32 s20, s28;
	s29 =	spop (v2sf)  }
0xba: {  	v60 =	vld [tilespmem:s19+$0x0];
	v14 =	vadd.s32 v14, v59;
	v12 =	vsel vm0, v12, v5;
	v13 =	vadd.s32 s20, v13;
	s30 =	sadd.s32 s20, s29;
	s31 =	spop (v2sf)  }
0xbb: {  	v13 =	vsel vm1, v13, v5;
	v14 =	vadd.s32 s30, v14;
	s19 =	sadd.s32 s30, s31  }
0xbc: {  	v8 =	vsub.s32 v8, v0;
	v16 =	vshll.u32 v56, $0x9;
	v14 =	vsel vm2, v14, v5;
	p0 =	sgt.s32 s19, $0x0  }
.Ltmp7:
0xbd: {  	v9 =	vsub.s32 v9, v0;
	v61 =	vshll.u32 v17, $0x9;
	v8 =	vadd.s32 v16, v8;
	(pc) =	sbr.rel @p0 .LBB2_10-.Ltmp7, $4  }
.Ltmp8:
0xbe: {  	v62 =	vsub.s32 v10, v0;
	[tilespmem:v7+s9+$0x0] =	vst.idx.msk $0xffff, v8;
	v7 =	vshll.u32 v18, $0x9;
	v8 =	vadd.s32 v61, v9;
	(pc) =	sbr.rel @!p0 .LBB2_6-.Ltmp8, $4  }
0xbf: {  	v63 =	vshll.u32 v60, $0x9;
	v11 =	vsub.s32 v53, v0;
	v7 =	vadd.s32 v7, v62;
	[tilespmem:v12+s9+$0x0] =	vst.idx.msk $0xffff, v8  }
0xc0: {  	vm3 =	vcmask $0xF0C;
	v8 =	vadd.s32 v63, v11;
	[tilespmem:v13+s9+$0x0] =	vst.idx.msk $0xffff, v7  }
0xc1: {  	s20 =	simm.s32 $0x0;
	vm0 =	vcmask $0x300;
	vm1 =	vcmask $0x704;
	vm2 =	vcmask $0xB08;
	[tilespmem:v14+s9+$0x0] =	vst.idx.msk $0xffff, v8  }
0xc2: {  	_ = 	snop  }
.LBB2_12:
0xc3: {  	s20 =	sadd.s32 $0x1, s20  }
0xc4: {  	p0 =	slt.s32 s20, s19  }
.Ltmp9:
0xc5: {  	_ = 	snop;
	(pc) =	sbr.rel @!p0 .LBB2_6-.Ltmp9, $1  }
0xc6: {  	_ =	sdelay $0x3  }
.LBB2_10:
0xc7: {  	s21 =	sand.u32 $0x7FFFFFFF, s20  }
0xc8: {  	v7 =	vld [tilespmem:s21+$0x1AC00];
	_ =	sdelay $0x4  }
0xc9: {  	(v2sf) =	vpush v7, $0x0;
	_ =	sdelay $0xe  }
0xca: {  	s21 =	spop (v2sf)  }
0xcb: {  	s23 =	sand.u32 $0xFFFF, s21  }
0xcc: {  	s22 =	sshra.s32 s21, $0x1F;
	p0 =	slt.s32 s21, $0x1;
	p1 =	sne.s32 s23, $0x0  }
0xcd: {  	s31 =	sshrl.u32 s22, $0x10;
	p1 =	por !p0, !p1  }
0xce: {  	s24 =	simm.s32 $0x1;
	s23 =	sadd.s32 s31, s21;
	p1 =	por !p1, !p1  }
0xcf: {  	s23 =	sshra.s32 s23, $0x10;
	s24 =	simm.s32 @!p1 $0x0  }
0xd0: {  	s23 =	ssub.s32 s23, s24  }
0xd1: {  	s24 =	sld [smem:s23+$0x0]  }
0xd2: {  	s25 =	smul.u32 $0xA0, s23;
	_ =	sdelay $0x1  }
0xd3: {  	p1 =	slt.s32 s24, $0xA0;
	s25 =	sadd.s32 s24, s25  }
0xd4: {  	s25 =	simm.s32 @!p1 $0x3200  }
0xd5: {  	v8 =	vmov s25  }
0xd6: {  	v8 =	vnsel vm0, $0x320F, v8  }
0xd7: {  	v8 =	vsel vm1, $0x3201, v8  }
0xd8: {  	v8 =	vsel vm2, $0x3202, v8  }
0xd9: {  	v8 =	vsel vm3, $0x3203, v8  }
0xda: {  	v8 =	vsel vm4, $0x3204, v8  }
0xdb: {  	v8 =	vsel vm5, $0x3205, v8  }
0xdc: {  	v8 =	vsel vm6, $0x3206, v8  }
0xdd: {  	v8 =	vsel vm7, $0x3207, v8  }
0xde: {  	v8 =	vsel vm8, $0x3208, v8  }
0xdf: {  	v8 =	vsel vm9, $0x3209, v8  }
0xe0: {  	v8 =	vsel vm10, $0x320A, v8  }
0xe1: {  	v8 =	vsel vm11, $0x320B, v8  }
0xe2: {  	v8 =	vsel vm12, $0x320C, v8  }
0xe3: {  	v8 =	vsel vm13, $0x320D, v8  }
0xe4: {  	v8 =	vsel vm14, $0x320E, v8  }
.Ltmp10:
0xe5: {  	_ = 	snop;
	(pc) =	sbr.rel @p1 .LBB2_12-.Ltmp10, $4  }
0xe6: {  	_ = 	snop  }
0xe7: {  	v7 =	vbroadcast v7, $0x0  }
0xe8: {  	s24 =	sadd.s32 $0x1, s24  }
0xe9: {  	[smem:s23] =	sst s24;
	[tilespmem:v8+s12+$0x0] =	vst.idx.msk $0xffff, v7  }
0xea: {  	s22 =	sshrl.u32 s22, $0x17  }
0xeb: {  	s22 =	sadd.s32 s22, s21  }
0xec: {  	s23 =	sand.u32 $0xFFFFFE00, s22  }
0xed: {  	p1 =	sne.s32 s21, s23  }
0xee: {  	p0 =	por !p0, !p1  }
0xef: {  	s23 =	simm.s32 $0x1;
	p0 =	por !p0, !p0  }
0xf0: {  	s22 =	sshra.s32 s22, $0x9;
	s23 =	simm.s32 @!p0 $0x0  }
0xf1: {  	s22 =	ssub.s32 s22, s23  }
0xf2: {  	s22 =	sshll.u32 s22, $0x4  }
0xf3: {  	s22 =	sand.u32 $0x1FFFFFF0, s22  }
0xf4: {  	s22 =	sadd.s32 s2, s22  }
0xf5: {  	[tilespmem:s13], [sflag:$0x1] =	stream.linear.gather [hbm4b:s22+s3], $0x80, $0x38;
	[tilespmem:$0x1FB00] =	vst v63  }
0xf6: {  	_ =	swait.ge [sflag:s11], $0x80  }
0xf7: {  	s31 =	sshll.u32 s21, $0x7;
	[sflag:s11] =	ssyncset.done $0x0  }
0xf8: {  	s21 =	sadd.s32 $0x10000, s31;
	[sflag:s11] =	ssyncadd.s32 $0xFFFFFF80  }
0xf9: {  	s21 =	sand.u32 $0xFF80, s21;
	v7 =	vld [tilespmem:$0x1FA80]  }
0xfa: {  	v8 =	vld [tilespmem:s21+$0x0]  }
0xfb: {  	v9 =	vld [tilespmem:s21+$0xA400];
	_ =	sdelay $0x3  }
0xfc: {  	v8 =	vmax.bf16 v8, v7  }
0xfd: {  	v7 =	vmin.bf16 v9, v7;
	[tilespmem:s21+$0x0] =	vst v8  }
0xfe: {  	[tilespmem:s21+$0xA400] =	vst v7;
	v8 =	vld [tilespmem:s21+$0x10]  }
0xff: {  	v7 =	vld [tilespmem:$0x1FA90]  }
0x100: {  	v57 =	vld [tilespmem:s21+$0xA410];
	_ =	sdelay $0x3  }
0x101: {  	v8 =	vmax.bf16 v8, v7  }
0x102: {  	v7 =	vmin.bf16 v57, v7;
	[tilespmem:s21+$0x10] =	vst v8  }
0x103: {  	[tilespmem:s21+$0xA410] =	vst v7;
	v8 =	vld [tilespmem:s21+$0x20]  }
0x104: {  	v7 =	vld [tilespmem:$0x1FAA0]  }
0x105: {  	v58 =	vld [tilespmem:s21+$0xA420];
	_ =	sdelay $0x3  }
0x106: {  	v8 =	vmax.bf16 v8, v7  }
0x107: {  	v7 =	vmin.bf16 v58, v7;
	[tilespmem:s21+$0x20] =	vst v8  }
0x108: {  	[tilespmem:s21+$0xA420] =	vst v7;
	v8 =	vld [tilespmem:s21+$0x30]  }
0x109: {  	v7 =	vld [tilespmem:$0x1FAB0]  }
0x10a: {  	v59 =	vld [tilespmem:s21+$0xA430];
	_ =	sdelay $0x3  }
0x10b: {  	v8 =	vmax.bf16 v8, v7  }
0x10c: {  	v7 =	vmin.bf16 v59, v7;
	[tilespmem:s21+$0x30] =	vst v8  }
0x10d: {  	[tilespmem:s21+$0xA430] =	vst v7;
	v8 =	vld [tilespmem:s21+$0x40]  }
0x10e: {  	v7 =	vld [tilespmem:$0x1FAC0]  }
0x10f: {  	v60 =	vld [tilespmem:s21+$0xA440];
	_ =	sdelay $0x3  }
0x110: {  	v8 =	vmax.bf16 v8, v7  }
0x111: {  	v7 =	vmin.bf16 v60, v7;
	[tilespmem:s21+$0x40] =	vst v8  }
0x112: {  	[tilespmem:s21+$0xA440] =	vst v7;
	v8 =	vld [tilespmem:s21+$0x50]  }
0x113: {  	v7 =	vld [tilespmem:$0x1FAD0]  }
0x114: {  	v61 =	vld [tilespmem:s21+$0xA450];
	_ =	sdelay $0x3  }
0x115: {  	v8 =	vmax.bf16 v8, v7  }
0x116: {  	v7 =	vmin.bf16 v61, v7;
	[tilespmem:s21+$0x50] =	vst v8  }
0x117: {  	[tilespmem:s21+$0xA450] =	vst v7;
	v8 =	vld [tilespmem:s21+$0x60]  }
0x118: {  	v7 =	vld [tilespmem:$0x1FAE0]  }
0x119: {  	v62 =	vld [tilespmem:s21+$0xA460];
	_ =	sdelay $0x3  }
0x11a: {  	v8 =	vmax.bf16 v8, v7  }
0x11b: {  	v7 =	vmin.bf16 v62, v7;
	[tilespmem:s21+$0x60] =	vst v8  }
0x11c: {  	[tilespmem:s21+$0xA460] =	vst v7;
	v8 =	vld [tilespmem:s21+$0x70]  }
0x11d: {  	v7 =	vld [tilespmem:$0x1FAF0]  }
0x11e: {  	v63 =	vld [tilespmem:s21+$0xA470];
	_ =	sdelay $0x1  }
.Ltmp11:
0x11f: {  	_ = 	snop;
	(pc) =	sbr.rel .LBB2_12-.Ltmp11, $4  }
0x120: {  	_ = 	snop  }
0x121: {  	v8 =	vmax.bf16 v8, v7  }
0x122: {  	v7 =	vmin.bf16 v63, v7;
	[tilespmem:s21+$0x70] =	vst v8  }
0x123: {  	[tilespmem:s21+$0xA470] =	vst v7  }
.LBB2_13:
.Ltmp12:
0x124: {  	(pc) =	sbr.rel .LBB2_15-.Ltmp12, $3  }
0x125: {  	_ =	sdelay $0x1  }
0x126: {  	s18 =	simm.s32 $0x0;
	s17 =	simm.s32 $0x1C800  }
0x127: {  	[tilespmem:s9], [sflag:$0x1] =	stream.linear.gather [hbm4b:s2+s18], $0x4000, $0x38;
	[tilespmem:$0x1FB00] =	vst v63  }
.LBB2_18:
0x128: {  	_ =	sdelay $0x2  }
0x129: {  	[tilespmem:s20+$0xA460] =	vst v8;
	v8 =	vld [tilespmem:s20+$0x70]  }
0x12a: {  	v7 =	vld.idx.msk [tilespmem:v7+s23+$0x70 ss:$0x1], $0xffff  }
0x12b: {  	v9 =	vld [tilespmem:s20+$0xA470];
	_ =	sdelay $0x3  }
0x12c: {  	v8 =	vmax.bf16 v8, v7  }
0x12d: {  	v7 =	vmin.bf16 v9, v7;
	[tilespmem:s20+$0x70] =	vst v8  }
0x12e: {  	[tilespmem:s20+$0xA470] =	vst v7  }
.LBB2_14:
0x12f: {  	p0 =	seq.s32 s18, $0x50  }
.Ltmp13:
0x130: {  	_ = 	snop;
	(pc) =	sbr.rel @p0 .LBB2_19-.Ltmp13, $2  }
0x131: {  	_ =	sdelay $0x2  }
0x132: {  	s17 =	sadd.s32 $0xA0, s17  }
.LBB2_15:
0x133: {  	s19 =	smov.u32 s18;
	_ =	swait.ge [sflag:s11], $0x4000  }
0x134: {  	s18 =	sadd.s32 $0x1, s18;
	[sflag:s11] =	ssyncset.done $0x0;
	p0 =	seq.s32 s19, $0x4F  }
0x135: {  	[sflag:s11] =	ssyncadd.s32 $0xFFFFC000;
	s20 =	sshll.u32 @!p0 s18, $0xE  }
0x136: {  	s22 =	sshll.u32 @!p0 s18, $0xB;
	s20 =	sand.u32 @!p0 $0x4000, s20;
	s21 =	sld [smem:s19+$0x0]  }
0x137: {  	s23 =	simm.s32 @!p0 $0x0;
	s22 =	sadd.s32 @!p0 s2, s22;
	s20 =	sadd.s32 @!p0 $0x14800, s20  }
0x138: {  	[tilespmem:s20], [sflag:$0x1] =	stream.linear.gather @!p0 [hbm4b:s22+s23], $0x4000, $0x38;
	[tilespmem:$0x1FB00] =	vst v63  }
0x139: {  	p0 =	slt.s32 s21, $0x1  }
.Ltmp14:
0x13a: {  	_ = 	snop;
	(pc) =	sbr.rel @p0 .LBB2_14-.Ltmp14, $1  }
0x13b: {  	_ =	sdelay $0x3  }
0x13c: {  	v7 =	vld [tilespmem:s17+$0x0];
	_ =	sdelay $0x4  }
0x13d: {  	(v2sf) =	vpush v7, $0x0;
	_ =	sdelay $0xe  }
0x13e: {  	s20 =	spop (v2sf)  }
0x13f: {  	s22 =	sshra.s32 s20, $0x1F  }
0x140: {  	s22 =	sshrl.u32 s22, $0x17  }
0x141: {  	s22 =	sadd.s32 s22, s20  }
0x142: {  	s19 =	sshll.u32 s19, $0xE;
	s23 =	sand.u32 $0xFFFFFE00, s22  }
0x143: {  	s24 =	sand.u32 $0x4000, s19;
	p0 =	slt.s32 s20, $0x1;
	p1 =	sne.s32 s20, s23  }
0x144: {  	s31 =	sadd.s32 $0x14800, s24;
	p0 =	por !p0, !p1  }
0x145: {  	v7 =	vmov s31;
	s23 =	simm.s32 $0x1;
	p0 =	por !p0, !p0  }
0x146: {  	s22 =	sshra.s32 s22, $0x9;
	s20 =	sshll.u32 s20, $0x7;
	s23 =	simm.s32 @!p0 $0x0  }
0x147: {  	s20 =	sadd.s32 $0x10000, s20;
	s22 =	ssub.s32 s22, s23  }
0x148: {  	s20 =	sand.u32 $0xFF80, s20;
	s22 =	sshll.u32 s22, $0x7  }
0x149: {  	v9 =	vld [tilespmem:s20+$0x0];
	s23 =	ssub.s32 s22, s19  }
0x14a: {  	v8 =	vld.idx.msk [tilespmem:v7+s23+$0x0 ss:$0x1], $0xffff  }
0x14b: {  	v10 =	vld [tilespmem:s20+$0xA400];
	_ =	sdelay $0x3  }
0x14c: {  	v9 =	vmax.bf16 v9, v8  }
0x14d: {  	v8 =	vmin.bf16 v10, v8;
	[tilespmem:s20+$0x0] =	vst v9  }
0x14e: {  	[tilespmem:s20+$0xA400] =	vst v8;
	v9 =	vld [tilespmem:s20+$0x10]  }
0x14f: {  	v8 =	vld.idx.msk [tilespmem:v7+s23+$0x10 ss:$0x1], $0xffff  }
0x150: {  	v10 =	vld [tilespmem:s20+$0xA410];
	_ =	sdelay $0x3  }
0x151: {  	v9 =	vmax.bf16 v9, v8  }
0x152: {  	v8 =	vmin.bf16 v10, v8;
	[tilespmem:s20+$0x10] =	vst v9  }
0x153: {  	[tilespmem:s20+$0xA410] =	vst v8;
	v9 =	vld [tilespmem:s20+$0x20]  }
0x154: {  	v8 =	vld.idx.msk [tilespmem:v7+s23+$0x20 ss:$0x1], $0xffff  }
0x155: {  	v10 =	vld [tilespmem:s20+$0xA420];
	_ =	sdelay $0x3  }
0x156: {  	v9 =	vmax.bf16 v9, v8  }
0x157: {  	v8 =	vmin.bf16 v10, v8;
	[tilespmem:s20+$0x20] =	vst v9  }
0x158: {  	[tilespmem:s20+$0xA420] =	vst v8;
	v9 =	vld [tilespmem:s20+$0x30]  }
0x159: {  	v8 =	vld.idx.msk [tilespmem:v7+s23+$0x30 ss:$0x1], $0xffff  }
0x15a: {  	v10 =	vld [tilespmem:s20+$0xA430];
	_ =	sdelay $0x3  }
0x15b: {  	v9 =	vmax.bf16 v9, v8  }
0x15c: {  	v8 =	vmin.bf16 v10, v8;
	[tilespmem:s20+$0x30] =	vst v9  }
0x15d: {  	[tilespmem:s20+$0xA430] =	vst v8;
	v9 =	vld [tilespmem:s20+$0x40]  }
0x15e: {  	v8 =	vld.idx.msk [tilespmem:v7+s23+$0x40 ss:$0x1], $0xffff  }
0x15f: {  	v10 =	vld [tilespmem:s20+$0xA440];
	_ =	sdelay $0x3  }
0x160: {  	v9 =	vmax.bf16 v9, v8  }
0x161: {  	v8 =	vmin.bf16 v10, v8;
	[tilespmem:s20+$0x40] =	vst v9  }
0x162: {  	[tilespmem:s20+$0xA440] =	vst v8;
	v9 =	vld [tilespmem:s20+$0x50]  }
0x163: {  	v8 =	vld.idx.msk [tilespmem:v7+s23+$0x50 ss:$0x1], $0xffff  }
0x164: {  	v10 =	vld [tilespmem:s20+$0xA450];
	_ =	sdelay $0x3  }
0x165: {  	v9 =	vmax.bf16 v9, v8  }
0x166: {  	v8 =	vmin.bf16 v10, v8;
	[tilespmem:s20+$0x50] =	vst v9  }
0x167: {  	p0 =	slt.s32 s21, $0xA0;
	[tilespmem:s20+$0xA450] =	vst v8;
	v9 =	vld [tilespmem:s20+$0x60]  }
0x168: {  	s21 =	simm.s32 @!p0 $0xA0;
	v8 =	vld.idx.msk [tilespmem:v7+s23+$0x60 ss:$0x1], $0xffff  }
0x169: {  	p0 =	seq.s32 s21, $0x1;
	v10 =	vld [tilespmem:s20+$0xA460]  }
.Ltmp15:
0x16a: {  	_ = 	snop;
	(pc) =	sbr.rel @p0 .LBB2_18-.Ltmp15, $3  }
0x16b: {  	_ =	sdelay $0x1  }
0x16c: {  	v9 =	vmax.bf16 v9, v8  }
0x16d: {  	s21 =	sadd.s32 $0xFFFFFFFF, s21;
	s22 =	smov.u32 s17;
	v8 =	vmin.bf16 v10, v8;
	[tilespmem:s20+$0x60] =	vst v9  }
.LBB2_17:
0x16e: {  	p0 =	seq.s32 s21, $0x1;
	s21 =	sadd.s32 $0xFFFFFFFF, s21;
	[tilespmem:s20+$0xA460] =	vst v8;
	v8 =	vld [tilespmem:s20+$0xA470];
	s22 =	sadd.s32 $0x1, s22  }
0x16f: {  	v9 =	vld.idx.msk [tilespmem:v7+s23+$0x70 ss:$0x1], $0xffff  }
0x170: {  	v10 =	vld [tilespmem:s20+$0x70];
	_ =	sdelay $0x4  }
0x171: {  	v8 =	vmin.bf16 v8, v9;
	v10 =	vmax.bf16 v10, v9  }
0x172: {  	[tilespmem:s20+$0x70] =	vst v10  }
0x173: {  	[tilespmem:s20+$0xA470] =	vst v8  }
0x174: {  	v8 =	vld [tilespmem:s22+$0x0];
	_ =	sdelay $0x4  }
0x175: {  	(v2sf) =	vpush v8, $0x0;
	_ =	sdelay $0xe  }
0x176: {  	s20 =	spop (v2sf)  }
0x177: {  	s23 =	sshra.s32 s20, $0x1F;
	s24 =	sshll.u32 s20, $0x7  }
0x178: {  	s23 =	sshrl.u32 s23, $0x17  }
0x179: {  	s23 =	sadd.s32 s23, s20  }
0x17a: {  	p1 =	slt.s32 s20, $0x1;
	s25 =	sand.u32 $0xFFFFFE00, s23  }
0x17b: {  	p2 =	sne.s32 s20, s25  }
0x17c: {  	p1 =	por !p1, !p2  }
0x17d: {  	s20 =	sshra.s32 s23, $0x9;
	s23 =	simm.s32 $0x1;
	p1 =	por !p1, !p1  }
0x17e: {  	s23 =	simm.s32 @!p1 $0x0  }
0x17f: {  	s20 =	ssub.s32 s20, s23  }
0x180: {  	s24 =	sadd.s32 $0x10000, s24;
	s20 =	sshll.u32 s20, $0x7  }
0x181: {  	s23 =	ssub.s32 s20, s19;
	s20 =	sand.u32 $0xFF80, s24  }
0x182: {  	v8 =	vld.idx.msk [tilespmem:v7+s23+$0x0 ss:$0x1], $0xffff  }
0x183: {  	v9 =	vld [tilespmem:s20+$0x0]  }
0x184: {  	v10 =	vld [tilespmem:s20+$0xA400];
	_ =	sdelay $0x3  }
0x185: {  	v9 =	vmax.bf16 v9, v8  }
0x186: {  	[tilespmem:s20+$0x0] =	vst v9;
	v8 =	vmin.bf16 v10, v8  }
0x187: {  	[tilespmem:s20+$0xA400] =	vst v8;
	v8 =	vld [tilespmem:s20+$0xA410]  }
0x188: {  	v9 =	vld.idx.msk [tilespmem:v7+s23+$0x10 ss:$0x1], $0xffff  }
0x189: {  	v10 =	vld [tilespmem:s20+$0x10];
	_ =	sdelay $0x4  }
0x18a: {  	v8 =	vmin.bf16 v8, v9;
	v10 =	vmax.bf16 v10, v9  }
0x18b: {  	[tilespmem:s20+$0x10] =	vst v10  }
0x18c: {  	[tilespmem:s20+$0xA410] =	vst v8;
	v8 =	vld [tilespmem:s20+$0xA420]  }
0x18d: {  	v9 =	vld.idx.msk [tilespmem:v7+s23+$0x20 ss:$0x1], $0xffff  }
0x18e: {  	v10 =	vld [tilespmem:s20+$0x20];
	_ =	sdelay $0x4  }
0x18f: {  	v8 =	vmin.bf16 v8, v9;
	v10 =	vmax.bf16 v10, v9  }
0x190: {  	[tilespmem:s20+$0x20] =	vst v10  }
0x191: {  	[tilespmem:s20+$0xA420] =	vst v8;
	v8 =	vld [tilespmem:s20+$0xA430]  }
0x192: {  	v9 =	vld.idx.msk [tilespmem:v7+s23+$0x30 ss:$0x1], $0xffff  }
0x193: {  	v10 =	vld [tilespmem:s20+$0x30];
	_ =	sdelay $0x4  }
0x194: {  	v8 =	vmin.bf16 v8, v9;
	v10 =	vmax.bf16 v10, v9  }
0x195: {  	[tilespmem:s20+$0x30] =	vst v10  }
0x196: {  	[tilespmem:s20+$0xA430] =	vst v8;
	v8 =	vld [tilespmem:s20+$0xA440]  }
0x197: {  	v9 =	vld.idx.msk [tilespmem:v7+s23+$0x40 ss:$0x1], $0xffff  }
0x198: {  	v10 =	vld [tilespmem:s20+$0x40];
	_ =	sdelay $0x4  }
0x199: {  	v8 =	vmin.bf16 v8, v9;
	v10 =	vmax.bf16 v10, v9  }
0x19a: {  	[tilespmem:s20+$0x40] =	vst v10  }
0x19b: {  	[tilespmem:s20+$0xA440] =	vst v8;
	v8 =	vld [tilespmem:s20+$0xA450]  }
0x19c: {  	v9 =	vld.idx.msk [tilespmem:v7+s23+$0x50 ss:$0x1], $0xffff  }
0x19d: {  	v10 =	vld [tilespmem:s20+$0x50];
	_ =	sdelay $0x4  }
0x19e: {  	v8 =	vmin.bf16 v8, v9;
	v10 =	vmax.bf16 v10, v9  }
0x19f: {  	[tilespmem:s20+$0x50] =	vst v10  }
0x1a0: {  	[tilespmem:s20+$0xA450] =	vst v8;
	v8 =	vld [tilespmem:s20+$0xA460]  }
0x1a1: {  	v9 =	vld.idx.msk [tilespmem:v7+s23+$0x60 ss:$0x1], $0xffff  }
0x1a2: {  	v10 =	vld [tilespmem:s20+$0x60];
	_ =	sdelay $0x1  }
.Ltmp16:
0x1a3: {  	(pc) =	sbr.rel @!p0 .LBB2_17-.Ltmp16, $3  }
0x1a4: {  	_ =	sdelay $0x1  }
0x1a5: {  	v8 =	vmin.bf16 v8, v9;
	v10 =	vmax.bf16 v10, v9  }
0x1a6: {  	[tilespmem:s20+$0x60] =	vst v10  }
.Ltmp17:
0x1a7: {  	_ = 	snop;
	(pc) =	sbr.rel .LBB2_18-.Ltmp17, $1  }
0x1a8: {  	_ =	sdelay $0x3  }
.LBB2_20:
0x1a9: {  	_ =	sfence.sel $0x180000  }
0x1aa: {  	[bflag:$0x0] =	sbarrier.arrive $0xFFFF  }
0x1ab: {  	p0 =	sne.s32 s0, $0x0;
	_ =	strace $0x9000004A  }
0x1ac: {  	s0 =	sadd.s32 @!p0 $0x100000, s1;
	[bflag:$0x2] =	sbarrier.arrive $0xFFFF  }
0x1ad: {  	[sflag:s0] =	ssyncadd.tile.s32 @!p0 $0x1;
	_ =	shalt  }
.Lfunc_end2:
_tile_overlayer_lowered:
.L_overlay_start_2:
0x1ae: {  	(tag) =	ssettag $0x2  }
0x1af: {  	s0 =	rddreg [dreg:$0x0];
	s2 =	stileid.u32  }
0x1b0: {  	s1 =	rddreg [dreg:$0x1];
	p0 =	sne.s32 s2, $0x0  }
0x1b1: {  	s3 =	rddreg [dreg:$0x2];
	[bflag:$0x3] =	sbarrier.arrive $0xFFFF;
	s2 =	simm.s32 @!p0 $0x1C02  }
0x1b2: {  	[timem:s3], [sflag:s2] =	dma.local @!p0 [hbm:s0], s1  }
0x1b3: {  	s0 =	simm.s32 @!p0 $0x2  }
0x1b4: {  	_ =	swait.ge @!p0 [sflag:s0], s1  }
0x1b5: {  	s1 =	ssub.s32 @!p0 $0x0, s1;
	[sflag:s0] =	ssyncset.done @!p0 $0x0  }
0x1b6: {  	[sflag:s0] =	ssyncadd.s32 @!p0 s1  }
0x1b7: {  	[bflag:$0x3] =	sbarrier.arrive $0xFFFF  }
0x1b8: {  	_ =	shalt  }

// kernel: kernel.8.cloned.1.call-start
scs
__scs_entry_jumppad:
0x0: {  	(pc) =	sbr.rel $0x88, $3  }
0x1: {  	(tag) =	ssettag $0x0;
	lr =	simm.s32 $0x1  }
0x2: {  	[smem:$0x3F91] =	sst lr;
	_ =	strace $0xD0000000  }
0x3: {  	_ = 	snop  }
0x4: {  	_ = 	snop  }
0x5: {  	_ = 	snop  }
0x6: {  	_ = 	snop  }
0x7: {  	_ = 	snop  }
__scs_overlays_trampoline_lowered:
0x8: {  	[smem:$0x3FA0] =	sst s0  }
0x9: {  	[smem:$0x3FA1] =	sst s1  }
0xa: {  	[smem:$0x3FA2] =	sst s2  }
0xb: {  	[smem:$0x3FA3] =	sst s3  }
0xc: {  	[smem:$0x3FA4] =	sst s4  }
0xd: {  	[smem:$0x3FA5] =	sst s5  }
0xe: {  	[smem:$0x3FA6] =	sst s6  }
0xf: {  	[smem:$0x3FA7] =	sst s7  }
0x10: {  	[smem:$0x3FA8] =	sst s8  }
0x11: {  	[smem:$0x3FA9] =	sst s9;
	s0 =	simm.s32 @!p0 $0x0  }
0x12: {  	s1 =	sld [smem:$0x3F8F];
	s0 =	simm.s32 @p0 $0x1  }
0x13: {  	[smem:$0x3FAA] =	sst s0;
	s0 =	simm.s32 @!p1 $0x0  }
0x14: {  	s2 =	sld [smem:$0x3F8E];
	s0 =	simm.s32 @p1 $0x1  }
0x15: {  	[smem:$0x3FAB] =	sst s0;
	s0 =	simm.s32 @!p2 $0x0  }
0x16: {  	s3 =	sld [smem:$0x3FDB];
	s0 =	simm.s32 @p2 $0x1  }
0x17: {  	s4 =	simm.s32 $0x1BF5;
	[smem:$0x3FAD] =	sst s0  }
0x18: {  	s0 =	sld [smem:$0x3F90];
	_ =	swait.ge [sflag:s4], $0x0  }
0x19: {  	s7 =	sld [smem:$0x3F91]  }
0x1a: {  	s8 =	sadd.s32 $0xFFFFE003, lr  }
0x1b: {  	s9 =	sadd.s32 $0xFFFFFEF7, lr;
	s5 =	simm.s32 $0xFFFFFFFF;
	p2 =	slt.u32 s8, $0xFFFFF086  }
0x1c: {  	p1 =	slt.u32 s9, $0xF7A;
	s5 =	simm.s32 @!p2 $0x0  }
0x1d: {  	s5 =	simm.s32 @p1 $0x1;
	p0 =	seq.s32 s7, s2  }
0x1e: {  	s7 =	smul.u32 @!p0 $0xF7A, s2;
	p2 =	seq.s32 @!p0 s5, $0x0  }
0x1f: {  	s9 =	smul.u32 $0xF7A, s1;
	s8 =	simm.s32 @!p0 $0x1BF5;
	p2 =	por !p2, p0  }
0x20: {  	[sflag:s8] =	ssyncset.s32 @!p0 $0xFFFFF086;
	s6 =	sadd.s32 @!p0 s3, s7;
	s7 =	simm.s32 @!p0 $0x108  }
0x21: {  	s3 =	sadd.s32 s3, s9;
	s6 =	sadd.s32 @!p0 $0x88, s6;
	s7 =	simm.s32 @p2 $0x1082  }
0x22: {  	[simem:s7], [sflag:s8] =	dma.local @!p0 [hbm:s6], $0xF7A  }
0x23: {  	s9 =	sor.u32 $0xD0000000, s2;
	s6 =	simm.s32 $0x108;
	_ =	swait.ge @!p0 [sflag:s8], $0x0  }
0x24: {  	s3 =	sadd.s32 $0x88, s3;
	s6 =	simm.s32 @!p1 $0x1082;
	[sflag:s4] =	ssyncset.s32 $0xFFFFF086  }
0x25: {  	[simem:s6], [sflag:s4] =	dma.local [hbm:s3], $0xF7A  }
0x26: {  	[smem:$0x3F91] =	sst s1;
	(tag) =	ssettag s2;
	_ =	strace s9  }
0x27: {  	s1 =	sld [smem:$0x3FA1]  }
0x28: {  	s2 =	sld [smem:$0x3FA2]  }
0x29: {  	s4 =	sld [smem:$0x3FA4]  }
0x2a: {  	p0 =	seq.s32 s5, $0x0;
	s5 =	sld [smem:$0x3FA5]  }
0x2b: {  	s6 =	sld [smem:$0x3FA6]  }
0x2c: {  	s7 =	sld [smem:$0x3FA7]  }
0x2d: {  	s3 =	simm.s32 $0x108;
	s8 =	sld [smem:$0x3FA8]  }
0x2e: {  	s3 =	simm.s32 @!p0 $0x1082;
	s9 =	sld [smem:$0x3FA9]  }
0x2f: {  	lr =	sadd.s32 s0, s3;
	s0 =	sld [smem:$0x3FA0]  }
0x30: {  	s3 =	sld [smem:$0x3FA3]  }
0x31: {  	[smem:$0x3FAC] =	sst s10  }
0x32: {  	s10 =	sld [smem:$0x3FAA];
	_ =	sdelay $0x3  }
0x33: {  	p0 =	seq.s32 s10, $0x1;
	s10 =	sld [smem:$0x3FAC];
	_ =	sdelay $0x3  }
0x34: {  	[smem:$0x3FAC] =	sst s10  }
0x35: {  	s10 =	sld [smem:$0x3FAB];
	_ =	sdelay $0x3  }
0x36: {  	p1 =	seq.s32 s10, $0x1;
	s10 =	sld [smem:$0x3FAC];
	_ =	sdelay $0x3  }
0x37: {  	[smem:$0x3FAC] =	sst s10  }
0x38: {  	s10 =	sld [smem:$0x3FAD]  }
0x39: {  	_ = 	snop;
	(pc) =	sbr.ind lr, $3  }
0x3a: {  	_ = 	snop  }
0x3b: {  	_ = 	snop  }
0x3c: {  	p2 =	seq.s32 s10, $0x1;
	s10 =	sld [smem:$0x3FAC]  }
0x3d: {  	_ =	shalt  }
0x3e: {  	_ =	shalt  }
0x3f: {  	_ =	shalt  }
0x40: {  	_ =	shalt  }
0x41: {  	_ =	shalt  }
0x42: {  	_ =	shalt  }
0x43: {  	_ =	shalt  }
0x44: {  	_ =	shalt  }
0x45: {  	_ =	shalt  }
0x46: {  	_ =	shalt  }
0x47: {  	_ =	shalt  }
0x48: {  	_ =	shalt  }
0x49: {  	_ =	shalt  }
0x4a: {  	_ =	shalt  }
0x4b: {  	_ =	shalt  }
0x4c: {  	_ =	shalt  }
0x4d: {  	_ =	shalt  }
0x4e: {  	_ =	shalt  }
0x4f: {  	_ =	shalt  }
0x50: {  	_ =	shalt  }
0x51: {  	_ =	shalt  }
0x52: {  	_ =	shalt  }
0x53: {  	_ =	shalt  }
0x54: {  	_ =	shalt  }
0x55: {  	_ =	shalt  }
0x56: {  	_ =	shalt  }
0x57: {  	_ =	shalt  }
0x58: {  	_ =	shalt  }
0x59: {  	_ =	shalt  }
0x5a: {  	_ =	shalt  }
0x5b: {  	_ =	shalt  }
0x5c: {  	_ =	shalt  }
0x5d: {  	_ =	shalt  }
0x5e: {  	_ =	shalt  }
0x5f: {  	_ =	shalt  }
0x60: {  	_ =	shalt  }
0x61: {  	_ =	shalt  }
0x62: {  	_ =	shalt  }
0x63: {  	_ =	shalt  }
0x64: {  	_ =	shalt  }
0x65: {  	_ =	shalt  }
0x66: {  	_ =	shalt  }
0x67: {  	_ =	shalt  }
0x68: {  	_ =	shalt  }
0x69: {  	_ =	shalt  }
0x6a: {  	_ =	shalt  }
0x6b: {  	_ =	shalt  }
0x6c: {  	_ =	shalt  }
0x6d: {  	_ =	shalt  }
0x6e: {  	_ =	shalt  }
0x6f: {  	_ =	shalt  }
0x70: {  	_ =	shalt  }
0x71: {  	_ =	shalt  }
0x72: {  	_ =	shalt  }
0x73: {  	_ =	shalt  }
0x74: {  	_ =	shalt  }
0x75: {  	_ =	shalt  }
0x76: {  	_ =	shalt  }
0x77: {  	_ =	shalt  }
0x78: {  	_ =	shalt  }
0x79: {  	_ =	shalt  }
0x7a: {  	_ =	shalt  }
0x7b: {  	_ =	shalt  }
0x7c: {  	_ =	shalt  }
0x7d: {  	_ =	shalt  }
0x7e: {  	_ =	shalt  }
0x7f: {  	_ =	shalt  }
0x80: {  	_ =	shalt  }
0x81: {  	_ =	shalt  }
0x82: {  	_ =	shalt  }
0x83: {  	_ =	shalt  }
0x84: {  	_ =	shalt  }
0x85: {  	_ =	shalt  }
0x86: {  	_ =	shalt  }
0x87: {  	_ =	shalt  }
.Lfunc_end0:
.L_simem_size_0:
called_computation_lowered:
.L_overlay_start_0:
0x88: {  	s2 =	sld [smem:$0x3FD9]  }
0x89: {  	s3 =	sld [smem:$0x3FFE];
	_ =	sdelay $0x1  }
0x8a: {  	s1 =	srdreg.scid  }
0x8b: {  	s0 =	sand.u32 $0x1, s1  }
0x8c: {  	s17 =	sshll.u32 s0, $0xA;
	s2 =	sadd.s32 s3, s2  }
0x8d: {  	s2 =	sadd.s32 s2, s17  }
0x8e: {  	[smem:$0x3FB8] =	sst s2  }
0x8f: {  	_ = 	snop  }
0x90: {  	s2 =	sld [smem:$0x3FD0];
	(tm) =	ssettm $0x1  }
0x91: {  	s18 =	sld [smem:$0x3FFB];
	_ =	sdelay $0x3  }
0x92: {  	_ =	strace s18  }
0x93: {  	s3 =	sld [smem:$0x3FFC];
	_ =	sdelay $0x3  }
0x94: {  	_ =	strace s3  }
0x95: {  	s3 =	sld [smem:$0x3FFD];
	_ =	sdelay $0x3  }
0x96: {  	_ =	strace s3  }
0x97: {  	_ =	strace $0x8FFFFFFF  }
0x98: {  	s19 =	sld [smem:$0x3FDB];
	_ =	sdelay $0x1  }
0x99: {  	s4 =	simm.s32 $_scs_section_size  }
0x9a: {  	s5 =	simm.s32 $_size__tile_overlayer_lowered;
	s6 =	simm.s32 $_tile_overlayer_lowered  }
0x9b: {  	s22 =	simm.s32 $0x1BFF;
	s21 =	sshll.u32 s6, $0x1;
	s3 =	sadd.s32 s4, s19  }
0x9c: {  	s7 =	simm.s32 $0x0;
	s20 =	sshll.u32 s5, $0x1;
	s5 =	sadd.s32 s21, s3  }
0x9d: {  	[timem:s7], [sflag:s22] =	dma.local [hbm:s5], s20  }
0x9e: {  	_ =	swait.ge [sflag:s22], s20  }
0x9f: {  	s4 =	ssub.s32 $0x0, s20;
	[sflag:s22] =	ssyncset.done $0x0  }
0xa0: {  	[sflag:s22] =	ssyncadd.s32 s4;
	_ =	sdelay $0x1  }
0xa1: {  	s23 =	simm.s32 $0x1B8B  }
0xa2: {  	_ =	swait.ge [sflag:s23], $0x1  }
0xa3: {  	[sflag:s23] =	ssyncset.done $0x0  }
0xa4: {  	s25 =	simm.s32 $0x1B8E;
	s24 =	sld [smem:$0x3FFE];
	[sflag:s23] =	ssyncadd.s32 $0xFFFFFFFF  }
0xa5: {  	s26 =	simm.s32 $execute0_lowered;
	[smem:$0x3FD2] =	sst s25  }
0xa6: {  	s5 =	sshll.u32 s26, $0x1;
	_ =	strace $0x80000046;
	[dreg:$0x1] =	wrdreg $0xFFFFFFFF  }
0xa7: {  	s28 =	simm.s32 $_size_execute0_lowered;
	s3 =	sadd.s32 s3, s5;
	[dreg:$0x0] =	wrdreg $0x0  }
0xa8: {  	s5 =	sshll.u32 s28, $0x1;
	[dreg:$0x2] =	wrdreg s3  }
0xa9: {  	[dreg:$0x3] =	wrdreg s5  }
0xaa: {  	[dreg:$0x4] =	wrdreg $0xC0  }
0xab: {  	_ =	task [dreg:s7], $0x5FFFF  }
0xac: {  	[dreg:$0x1] =	wrdreg $0xFFFFFFFF  }
0xad: {  	[dreg:$0x0] =	wrdreg $0x60  }
0xae: {  	[dreg:$0x2] =	wrdreg s2  }
0xaf: {  	[dreg:$0x3] =	wrdreg s24  }
0xb0: {  	[dreg:$0x4] =	wrdreg $0x9  }
0xb1: {  	_ =	task.clear_ibuf [dreg:s7], $0x5FFFF;
	_ =	strace $0x90000046  }
0xb2: {  	s29 =	simm.s32 $0x9;
	_ =	strace $0x80000048  }
0xb3: {  	_ =	swait.ge [sflag:s29], $0x1  }
0xb4: {  	[sflag:s29] =	ssyncadd.s32 $0xFFFFFFFF  }
0xb5: {  	_ =	strace $0x90000048  }
0xb6: {  	_ =	sfence  }
0xb7: {  	s30 =	sld [smem:$0x0];
	_ =	sdelay $0x2  }
0xb8: {  	s31 =	sshll.u32 s1, $0xD;
	s1 =	sshrl.u32 s1, $0x2  }
0xb9: {  	s3 =	sand.u32 $0x4000, s31;
	s1 =	sadd.s32 s1, s30  }
0xba: {  	s0 =	sor.u32 s3, s0;
	s1 =	sshll.u32 s1, $0x11  }
0xbb: {  	s0 =	sor.u32 s1, s0  }
0xbc: {  	s0 =	sadd.s32 $0x8F2B, s0  }
0xbd: {  	[sflag:s0] =	ssyncadd.remote.s32 $0x1  }
0xbe: {  	_ =	sfence.sel $0xFFFF  }
0xbf: {  	[dreg:$0x0] =	wrdreg $0xFFFFFFFF;
	(pc) =	sbr.abs _section_cstart, $3  }
0xc0: {  	[dreg:$0x1] =	wrdreg $0xFFFFFFFF  }
0xc1: {  	_ =	task.clear_ibuf [dreg:s7], $0x2FFFF;
	_ =	strace $0x9FFFFFFF  }
0xc2: {  	(tm) =	ssettm $0x7FFFFFFF  }
0xc3: {  	_ =	shalt  }
tec
execute0_lowered:
.L_overlay_start_1:
0x0: {  	(tag) =	ssettag $0x1  }
0x1: {  	s1 =	srdreg.scid;
	s2 =	rddreg [dreg:$0x0]  }
0x2: {  	s0 =	stileid.u32;
	s6 =	rddreg [dreg:$0x1]  }
0x3: {  	s3 =	simm.s32 $0x0;
	s9 =	simm.s32 $0x14800;
	s10 =	simm.s32 $0x16100  }
0x4: {  	s11 =	simm.s32 $0x1;
	s5 =	sand.u32 $0x1, s1;
	s30 =	sshll.u32 s0, $0x1  }
0x5: {  	v2 =	vimm.s32 $0xBF80BF80;
	s12 =	simm.s32 $0x1C800;
	s13 =	simm.s32 $0x1FA80;
	s4 =	sor.u32 s5, s30  }
0x6: {  	v3 =	vimm.s32 $0x7F787F78;
	v5 =	vlaneseq.u32;
	v4 =	vimm.s32 $0x0;
	s14 =	simm.s32 $0x2;
	s15 =	simm.s32 $0xA400;
	s1 =	smul.u32 $0x140, s4  }
.Ltmp0:
0x7: {  	v6 =	vimm.s32 $0x6400;
	vm4 =	vcmask $0x1310;
	vm5 =	vcmask $0x1714;
	s16 =	simm.s32 $0x0;
	s8 =	ssub.s32 $0x2, s5;
	(pc) =	sbr.rel .LBB2_1-.Ltmp0, $4  }
0x8: {  	vm6 =	vcmask $0x1B18;
	vm7 =	vcmask $0x1F1C;
	vm8 =	vcmask $0x2320;
	[smem:$0x7FF] =	sst s3;
	s7 =	smul.u32 $0x1400, s4;
	s31 =	sshrl.u32 s8, $0x1  }
0x9: {  	vm9 =	vcmask $0x2724;
	vm10 =	vcmask $0x2B28;
	vm11 =	vcmask $0x2F2C;
	s5 =	sadd.s32 $0x3400, s6;
	s4 =	sadd.s32 $0x8400, s6;
	s8 =	ssub.s32 s8, s31  }
0xa: {  	vm12 =	vcmask $0x3330;
	vm13 =	vcmask $0x3734;
	v0 =	vmov s1;
	s1 =	rddreg [dreg:$0x2];
	_ =	strace $0x80000047;
	s7 =	sadd.s32 s7, s6  }
0xb: {  	vm14 =	vcmask $0x3B38;
	v5 =	vor.u32 $0x7D00, v5;
	s8 =	smax.u32 s8, $0x1;
	v1 =	vadd.s32 $0x140, v0;
	s6 =	sadd.s32 $0x35400, s7;
	s7 =	sadd.s32 $0xD400, s7  }
.LBB2_19:
0xc: {  	[hbm4b:s6+s3] =	stream.linear.scatter [tilespmem:s3], [sflag:$0x2], $0xA000, $0x38;
	[tilespmem:$0x1FB00] =	vst v63  }
0xd: {  	s16 =	sadd.s32 $0x1, s16;
	_ =	swait.ge [sflag:s14], $0xA000  }
0xe: {  	p0 =	sne.s32 s16, s8;
	[sflag:s14] =	ssyncset.done $0x0  }
.Ltmp1:
0xf: {  	[sflag:s14] =	ssyncadd.s32 $0xFFFF6000;
	(pc) =	sbr.rel @!p0 .LBB2_20-.Ltmp1, $4  }
0x10: {  	[hbm4b:s7+s3] =	stream.linear.scatter [tilespmem:s15], [sflag:$0x2], $0xA000, $0x38;
	[tilespmem:$0x1FB00] =	vst v63  }
0x11: {  	_ =	swait.ge [sflag:s14], $0xA000  }
0x12: {  	[sflag:s14] =	ssyncset.done $0x0  }
0x13: {  	[sflag:s14] =	ssyncadd.s32 $0xFFFF6000  }
.LBB2_1:
0x14: {  	s17 =	simm.s32 $0x0;
	s18 =	simm.s32 $0x200  }
.LBB2_2:
0x15: {  	p0 =	sne.s32 s18, $0x28000;
	[tilespmem:s17+$0xA470] =	vst v3  }
0x16: {  	[tilespmem:s17+$0x0] =	vst v2  }
0x17: {  	[tilespmem:s17+$0xA400] =	vst v3  }
0x18: {  	[tilespmem:s17+$0x10] =	vst v2  }
0x19: {  	[tilespmem:s17+$0xA410] =	vst v3  }
0x1a: {  	[tilespmem:s17+$0x20] =	vst v2  }
0x1b: {  	[tilespmem:s17+$0xA420] =	vst v3  }
0x1c: {  	[tilespmem:s17+$0x30] =	vst v2  }
0x1d: {  	[tilespmem:s17+$0xA430] =	vst v3  }
0x1e: {  	[tilespmem:s17+$0x40] =	vst v2  }
0x1f: {  	[tilespmem:s17+$0xA440] =	vst v3  }
.Ltmp2:
0x20: {  	[tilespmem:s17+$0x50] =	vst v2;
	(pc) =	sbr.rel @p0 .LBB2_2-.Ltmp2, $4  }
0x21: {  	[tilespmem:s17+$0xA450] =	vst v3  }
0x22: {  	[tilespmem:s17+$0x60] =	vst v2  }
0x23: {  	[tilespmem:s17+$0xA460] =	vst v3  }
0x24: {  	[tilespmem:s17+$0x70] =	vst v2;
	s17 =	sshra.s32 s18, $0x2;
	s18 =	sadd.s32 $0x200, s18  }
0x25: {  	[tilespmem:s17+$0xA470] =	vst v3  }
0x26: {  	[tilespmem:s17+$0x0] =	vst v2  }
0x27: {  	[tilespmem:s17+$0xA400] =	vst v3  }
0x28: {  	[tilespmem:s17+$0x10] =	vst v2  }
0x29: {  	[tilespmem:s17+$0xA410] =	vst v3  }
0x2a: {  	[tilespmem:s17+$0x20] =	vst v2  }
0x2b: {  	[tilespmem:s17+$0xA420] =	vst v3  }
0x2c: {  	[tilespmem:s17+$0x30] =	vst v2  }
0x2d: {  	[tilespmem:s17+$0xA430] =	vst v3  }
0x2e: {  	[tilespmem:s17+$0x40] =	vst v2  }
0x2f: {  	[tilespmem:s17+$0xA440] =	vst v3  }
0x30: {  	[tilespmem:s17+$0x50] =	vst v2  }
0x31: {  	[tilespmem:s17+$0xA450] =	vst v3  }
0x32: {  	[tilespmem:s17+$0x60] =	vst v2  }
0x33: {  	[tilespmem:s17+$0xA460] =	vst v3  }
0x34: {  	[tilespmem:s17+$0x70] =	vst v2;
	s17 =	simm.s32 $0x4;
	s18 =	simm.s32 $0x0  }
.LBB2_4:
0x35: {  	p0 =	sne.s32 s17, $0x13C  }
0x36: {  	[smem:s18] =	sst s3;
	s18 =	smov.u32 s17;
	s17 =	sadd.s32 $0x4, s17  }
.Ltmp3:
0x37: {  	(pc) =	sbr.rel @p0 .LBB2_4-.Ltmp3, $2  }
0x38: {  	_ =	sdelay $0x2  }
0x39: {  	s18 =	sshra.s32 s18, $0x2  }
.Ltmp4:
0x3a: {  	(pc) =	sbr.rel .LBB2_7-.Ltmp4, $4  }
0x3b: {  	s17 =	simm.s32 $0x0  }
0x3c: {  	[tilespmem:s9], [sflag:$0x1] =	stream.linear.gather [hbm4b:s5+s17], $0x1900, $0x38;
	[tilespmem:$0x1FB00] =	vst v63  }
0x3d: {  	[smem:s18] =	sst s3;
	s18 =	simm.s32 $0x0  }
0x3e: {  	[tilespmem:s10], [sflag:$0x1] =	stream.linear.gather [hbm4b:s4+s17], $0x1900, $0x38;
	[tilespmem:$0x1FB00] =	vst v63  }
.LBB2_6:
0x3f: {  	p0 =	seq.s32 s18, $0x19  }
.Ltmp5:
0x40: {  	_ = 	snop;
	(pc) =	sbr.rel @p0 .LBB2_13-.Ltmp5, $1  }
0x41: {  	_ =	sdelay $0x3  }
.LBB2_7:
0x42: {  	s19 =	smov.u32 s18  }
0x43: {  	s18 =	sadd.s32 $0x1, s18;
	p0 =	seq.s32 s19, $0x18  }
0x44: {  	_ =	swait.ge [sflag:s11], $0x3200;
	s20 =	sand.u32 @!p0 $0x1, s18  }
0x45: {  	[sflag:s11] =	ssyncset.done $0x0;
	p1 =	seq.s32 @!p0 s20, $0x1  }
0x46: {  	s21 =	smul.u32 @!p0 $0x320, s18;
	s20 =	simm.s32 @!p0 $0x3200;
	p1 =	por !p1, p0  }
0x47: {  	[sflag:s11] =	ssyncadd.s32 $0xFFFFCE00;
	s20 =	simm.s32 @p1 $0x0  }
0x48: {  	s24 =	simm.s32 @!p0 $0x0;
	s23 =	sadd.s32 @!p0 s5, s21;
	s22 =	sor.u32 @!p0 $0x14800, s20  }
0x49: {  	[tilespmem:s22], [sflag:$0x1] =	stream.linear.gather @!p0 [hbm4b:s23+s24], $0x1900, $0x38;
	[tilespmem:$0x1FB00] =	vst v63  }
0x4a: {  	s19 =	sand.u32 $0x1, s19;
	s21 =	sadd.s32 @!p0 s4, s21;
	s20 =	sadd.s32 @!p0 $0x16100, s20  }
0x4b: {  	[tilespmem:s20], [sflag:$0x1] =	stream.linear.gather @!p0 [hbm4b:s21+s24], $0x1900, $0x38;
	[tilespmem:$0x1FB00] =	vst v63  }
0x4c: {  	p0 =	seq.s32 s19, $0x1;
	s19 =	simm.s32 $0x3200  }
0x4d: {  	s19 =	simm.s32 @!p0 $0x0  }
0x4e: {  	s29 =	sadd.s32 $0x0, s19  }
0x4f: {  	s30 =	sand.u32 $0x7F80, s29  }
0x50: {  	s31 =	sand.u32 $0x40, s17;
	s21 =	sadd.s32 $0x14800, s30  }
0x51: {  	s24 =	sor.u32 $0x10, s31;
	s25 =	sor.u32 s31, s21  }
0x52: {  	s26 =	sor.u32 s24, s21;
	v7 =	vld [tilespmem:s25+$0x0]  }
0x53: {  	v8 =	vld [tilespmem:s26+$0x0]  }
0x54: {  	s28 =	sor.u32 $0x20, s31  }
0x55: {  	s26 =	sor.u32 s28, s21  }
0x56: {  	s25 =	sor.u32 $0x30, s31;
	v9 =	vld [tilespmem:s26+$0x0]  }
0x57: {  	s21 =	sor.u32 s25, s21;
	vm0 =	vge.s32 v7, v0;
	vm1 =	vlt.s32 v7, v1  }
0x58: {  	v10 =	vld [tilespmem:s21+$0x0];
	vm2 =	vmand vm0, vm1;
	vm0 =	vge.s32 v8, v0;
	vm1 =	vlt.s32 v8, v1  }
0x59: {  	v11 =	vsel vm2, $0x1, v4;
	vm1 =	vmand vm0, vm1  }
0x5a: {  	(xrf0) =	vadd.scan.msk.s32 $0xffff, v11;
	v11 =	vsel vm1, $0x1, v4  }
0x5b: {  	vm15 =	vlt.s32 v9, v1;
	vm0 =	vge.s32 v9, v0;
	(xrf0) =	vadd.scan.msk.s32 $0xffff, v11  }
0x5c: {  	vm15 =	vmand vm0, vm15  }
0x5d: {  	vm3 =	vlt.s32 v10, v1;
	vm0 =	vge.s32 v10, v0;
	v11 =	vsel vm15, $0x1, v4  }
0x5e: {  	vm0 =	vmand vm0, vm3;
	(xrf0) =	vadd.scan.msk.s32 $0xffff, v11  }
0x5f: {  	v12 =	vsel vm0, $0x1, v4  }
0x60: {  	v11, _, _ =	vpop (xrf0);
	(xrf0) =	vadd.scan.msk.s32 $0xffff, v12  }
0x61: {  	(v2sf) =	vpush v11, $0xF;
	v59, _, _ =	vpop (xrf0)  }
0x62: {  	(v2sf) =	vpush v59, $0xF;
	_ =	sdelay $0x1  }
0x63: {  	v13, _, _ =	vpop (xrf0)  }
0x64: {  	(v2sf) =	vpush v13, $0xF  }
0x65: {  	v14, _, _ =	vpop (xrf0)  }
0x66: {  	(v2sf) =	vpush v14, $0xF;
	_ =	sdelay $0x1  }
0x67: {  	v15 =	vmov s17;
	s20 =	sadd.s32 $0x1900, s29  }
0x68: {  	v15 =	vadd.s32 $0x6400, v15;
	s20 =	sand.u32 $0xFF80, s20  }
0x69: {  	v15 =	vbroadcast v15, $0x0;
	s20 =	sadd.s32 $0x14800, s20  }
0x6a: {  	s29 =	sor.u32 s31, s20;
	v16 =	vsel vm2, $0xFFFFFFFF, v4  }
0x6b: {  	v17 =	vld [tilespmem:s29+$0x0];
	v15 =	vadd.s32 v16, v15  }
0x6c: {  	v11 =	vadd.s32 v11, v15  }
0x6d: {  	s30 =	sor.u32 s28, s20;
	s31 =	sor.u32 s25, s20;
	s20 =	sor.u32 s24, s20;
	v11 =	vsel vm2, v11, v5  }
0x6e: {  	v62 =	vld [tilespmem:s20+$0x0];
	v18 =	vsel vm1, $0x63FF, v6;
	s23 =	spop (v2sf)  }
0x6f: {  	v7 =	vsub.s32 v7, v0;
	v19 =	vsel vm15, $0x63FF, v6;
	v12 =	vadd.s32 v59, v18;
	s25 =	sadd.s32 $0x0, s23;
	s26 =	spop (v2sf)  }
0x70: {  	v60 =	vld [tilespmem:s30+$0x0];
	v17 =	vshll.u32 v17, $0x9;
	v13 =	vadd.s32 v13, v19;
	v12 =	vadd.s32 s25, v12;
	s20 =	sadd.s32 s25, s26  }
0x71: {  	v61 =	vld [tilespmem:s31+$0x0];
	v7 =	vadd.s32 v17, v7;
	v12 =	vsel vm1, v12, v5;
	v13 =	vadd.s32 s20, v13  }
0x72: {  	[tilespmem:v11+s9+$0x0] =	vst.idx.msk $0xffff, v7;
	v11 =	vsel vm0, $0x63FF, v6;
	s28 =	spop (v2sf);
	v13 =	vsel vm15, v13, v5  }
0x73: {  	v8 =	vsub.s32 v8, v0;
	v7 =	vshll.u32 v62, $0x9;
	v11 =	vadd.s32 v14, v11;
	s21 =	sadd.s32 s20, s28  }
0x74: {  	v7 =	vadd.s32 v7, v8;
	v8 =	vsub.s32 v9, v0;
	v9 =	vadd.s32 s21, v11;
	s29 =	spop (v2sf)  }
0x75: {  	v16 =	vshll.u32 v60, $0x9;
	v10 =	vsub.s32 v10, v0;
	v9 =	vsel vm0, v9, v5;
	s20 =	sadd.s32 s21, s29  }
0x76: {  	s30 =	simm.s32 $0x40;
	s24 =	simm.s32 $0x80;
	s31 =	sadd.s32 $0x40, s19;
	v15 =	vshll.u32 v61, $0x9;
	v63 =	vadd.s32 v16, v8;
	v11 =	vmov s20;
	[tilespmem:v12+s9+$0x0] =	vst.idx.msk $0xffff, v7  }
0x77: {  	v8 =	vadd.s32 v15, v10;
	s23 =	sand.u32 $0x40, s30;
	s25 =	sand.u32 $0x7F80, s31;
	s21 =	sadd.s32 $0x1900, s31;
	v7 =	vadd.s32 $0x6400, v11;
	[tilespmem:v13+s9+$0x0] =	vst.idx.msk $0xffff, v63  }
.LBB2_8:
0x78: {  	s22 =	sadd.s32 $0x14800, s25  }
0x79: {  	s25 =	sand.u32 $0xFF80, s21;
	s26 =	sor.u32 $0x30, s23;
	s21 =	smov.u32 s24  }
0x7a: {  	s29 =	sor.u32 $0x10, s23;
	s30 =	sor.u32 $0x20, s23;
	s28 =	sor.u32 s23, s22;
	[tilespmem:v9+s9+$0x0] =	vst.idx.msk $0xffff, v8  }
0x7b: {  	s25 =	sadd.s32 $0x14800, s25;
	s31 =	sor.u32 s26, s22;
	v8 =	vld [tilespmem:s28+$0x0];
	s28 =	sor.u32 s29, s22  }
0x7c: {  	s26 =	sor.u32 s26, s25;
	v9 =	vld [tilespmem:s28+$0x0];
	s28 =	sor.u32 s30, s22;
	s30 =	sor.u32 s30, s25  }
0x7d: {  	s23 =	sor.u32 s23, s25;
	s22 =	sadd.s32 $0x40, s24;
	s25 =	sor.u32 s29, s25;
	v10 =	vld [tilespmem:s28+$0x0]  }
0x7e: {  	p0 =	seq.s32 s24, $0x18C0  }
0x7f: {  	v11 =	vld [tilespmem:s31+$0x0]  }
0x80: {  	vm0 =	vge.s32 v8, v0;
	vm1 =	vlt.s32 v8, v1  }
0x81: {  	vm2 =	vmand vm0, vm1;
	vm0 =	vge.s32 v9, v0;
	vm1 =	vlt.s32 v9, v1  }
0x82: {  	v12 =	vsel vm2, $0x1, v4;
	vm0 =	vmand vm0, vm1;
	vm1 =	vge.s32 v10, v0  }
0x83: {  	vm3 =	vlt.s32 v10, v1;
	v13 =	vsel vm0, $0x1, v4;
	(xrf0) =	vadd.scan.msk.s32 $0xffff, v12  }
0x84: {  	vm1 =	vmand vm1, vm3;
	vm3 =	vge.s32 v11, v0;
	vm15 =	vlt.s32 v11, v1;
	(xrf0) =	vadd.scan.msk.s32 $0xffff, v13  }
0x85: {  	v12 =	vsel vm1, $0x1, v4;
	vm15 =	vmand vm3, vm15  }
0x86: {  	v13 =	vsel vm15, $0x1, v4;
	(xrf0) =	vadd.scan.msk.s32 $0xffff, v12  }
0x87: {  	v7 =	vbroadcast v7, $0x0;
	(xrf0) =	vadd.scan.msk.s32 $0xffff, v13  }
0x88: {  	v15 =	vsel vm2, $0xFFFFFFFF, v4  }
0x89: {  	v7 =	vadd.s32 v15, v7;
	v13 =	vld [tilespmem:s23+$0x0];
	v12, _, _ =	vpop (xrf0)  }
0x8a: {  	v7 =	vadd.s32 v12, v7;
	v14, _, _ =	vpop (xrf0);
	(v2sf) =	vpush v12, $0xF  }
0x8b: {  	v7 =	vsel vm2, v7, v5;
	(v2sf) =	vpush v14, $0xF  }
0x8c: {  	v12, _, _ =	vpop (xrf0)  }
0x8d: {  	v15 =	vld [tilespmem:s30+$0x0];
	v16, _, _ =	vpop (xrf0);
	(v2sf) =	vpush v12, $0xF  }
0x8e: {  	v8 =	vsub.s32 v8, v0;
	v13 =	vshll.u32 v13, $0x9;
	v17 =	vld [tilespmem:s26+$0x0];
	(v2sf) =	vpush v16, $0xF  }
0x8f: {  	v8 =	vadd.s32 v13, v8;
	v13 =	vld [tilespmem:s25+$0x0]  }
0x90: {  	[tilespmem:v7+s9+$0x0] =	vst.idx.msk $0xffff, v8;
	_ =	sdelay $0x1  }
0x91: {  	v15 =	vshll.u32 v15, $0x9  }
0x92: {  	v8 =	vsub.s32 v11, v0;
	v7 =	vshll.u32 v17, $0x9  }
0x93: {  	v11 =	vshll.u32 v13, $0x9;
	v8 =	vadd.s32 v7, v8;
	_ =	sdelay $0x4  }
0x94: {  	v7 =	vsel vm0, $0x63FF, v6;
	s23 =	spop (v2sf)  }
0x95: {  	v13 =	vsel vm1, $0x63FF, v6;
	v7 =	vadd.s32 v14, v7;
	s20 =	sadd.s32 s20, s23;
	s23 =	spop (v2sf)  }
0x96: {  	v12 =	vadd.s32 v12, v13;
	v7 =	vadd.s32 s20, v7;
	s20 =	sadd.s32 s20, s23  }
0x97: {  	v13 =	vsel vm0, v7, v5;
	v7 =	vadd.s32 s20, v12;
	v12 =	vsel vm15, $0x63FF, v6;
	s23 =	spop (v2sf)  }
0x98: {  	v14 =	vsel vm1, v7, v5;
	s20 =	sadd.s32 s20, s23;
	v7 =	vadd.s32 v16, v12;
	s23 =	spop (v2sf)  }
.Ltmp6:
0x99: {  	v7 =	vadd.s32 s20, v7;
	s20 =	sadd.s32 s20, s23;
	(pc) =	sbr.rel @!p0 .LBB2_8-.Ltmp6, $4  }
0x9a: {  	v16 =	vsub.s32 v9, v0;
	v12 =	vmov s20;
	v9 =	vsel vm15, v7, v5  }
0x9b: {  	s24 =	sadd.s32 s21, s19;
	v10 =	vsub.s32 v10, v0;
	v11 =	vadd.s32 v11, v16;
	v7 =	vadd.s32 $0x6400, v12  }
0x9c: {  	s25 =	sand.u32 $0x7F80, s24;
	v10 =	vadd.s32 v15, v10;
	[tilespmem:v13+s9+$0x0] =	vst.idx.msk $0xffff, v11  }
0x9d: {  	s23 =	sand.u32 $0x40, s21;
	s21 =	sadd.s32 $0x1900, s24;
	s24 =	smov.u32 s22;
	[tilespmem:v14+s9+$0x0] =	vst.idx.msk $0xffff, v10  }
0x9e: {  	_ =	sdelay $0x2  }
0x9f: {  	s19 =	sadd.s32 $0x14800, s25  }
0xa0: {  	[tilespmem:v9+s9+$0x0] =	vst.idx.msk $0xffff, v8;
	s22 =	sor.u32 s23, s19  }
0xa1: {  	v8 =	vld [tilespmem:s22+$0x0]  }
0xa2: {  	s24 =	sor.u32 $0x10, s23  }
0xa3: {  	s29 =	sor.u32 $0x20, s23;
	s25 =	sor.u32 s24, s19  }
0xa4: {  	s31 =	sor.u32 $0x30, s23;
	s30 =	sor.u32 s29, s19;
	v9 =	vld [tilespmem:s25+$0x0]  }
0xa5: {  	s19 =	sor.u32 s31, s19;
	v10 =	vld [tilespmem:s30+$0x0]  }
0xa6: {  	v53 =	vld [tilespmem:s19+$0x0];
	vm0 =	vge.s32 v8, v0;
	vm1 =	vlt.s32 v8, v1  }
0xa7: {  	vm15 =	vmand vm0, vm1  }
0xa8: {  	v11 =	vsel vm15, $0x1, v4  }
0xa9: {  	(xrf0) =	vadd.scan.msk.s32 $0xffff, v11  }
0xaa: {  	vm2 =	vlt.s32 v10, v1;
	vm0 =	vge.s32 v9, v0;
	vm1 =	vlt.s32 v9, v1  }
0xab: {  	vm3 =	vlt.s32 v53, v1;
	vm0 =	vmand vm0, vm1;
	vm1 =	vge.s32 v10, v0  }
0xac: {  	v12 =	vsel vm0, $0x1, v4;
	vm1 =	vmand vm1, vm2;
	vm2 =	vge.s32 v53, v0  }
0xad: {  	(xrf0) =	vadd.scan.msk.s32 $0xffff, v12;
	v54 =	vsel vm1, $0x1, v4;
	vm2 =	vmand vm2, vm3  }
0xae: {  	(xrf0) =	vadd.scan.msk.s32 $0xffff, v54;
	v14 =	vsel vm2, $0x1, v4  }
0xaf: {  	v55, _, _ =	vpop (xrf0);
	(xrf0) =	vadd.scan.msk.s32 $0xffff, v14;
	_ =	sdelay $0x3  }
0xb0: {  	v13, _, _ =	vpop (xrf0);
	(v2sf) =	vpush v55, $0xF  }
0xb1: {  	(v2sf) =	vpush v13, $0xF;
	v15, _, _ =	vpop (xrf0)  }
0xb2: {  	(v2sf) =	vpush v15, $0xF;
	v14, _, _ =	vpop (xrf0)  }
0xb3: {  	(v2sf) =	vpush v14, $0xF;
	_ =	sdelay $0x8  }
0xb4: {  	s21 =	sand.u32 $0xFF80, s21  }
0xb5: {  	v7 =	vbroadcast v7, $0x0;
	s19 =	sadd.s32 $0x14800, s21  }
0xb6: {  	s23 =	sor.u32 s23, s19;
	v16 =	vsel vm15, $0xFFFFFFFF, v4  }
0xb7: {  	s24 =	sor.u32 s24, s19;
	v56 =	vld [tilespmem:s23+$0x0];
	v7 =	vadd.s32 v16, v7;
	v57 =	vsel vm0, $0x63FF, v6;
	v58 =	vsel vm1, $0x63FF, v6;
	s26 =	spop (v2sf)  }
0xb8: {  	s22 =	sor.u32 s29, s19;
	v17 =	vld [tilespmem:s24+$0x0];
	v59 =	vsel vm2, $0x63FF, v6;
	v7 =	vadd.s32 v55, v7;
	v12 =	vadd.s32 v13, v57;
	s20 =	sadd.s32 s20, s26;
	s28 =	spop (v2sf)  }
0xb9: {  	s19 =	sor.u32 s31, s19;
	v18 =	vld [tilespmem:s22+$0x0];
	v7 =	vsel vm15, v7, v5;
	v13 =	vadd.s32 v15, v58;
	v12 =	vadd.s32 s20, v12;
	s20 =	sadd.s32 s20, s28;
	s29 =	spop (v2sf)  }
0xba: {  	v60 =	vld [tilespmem:s19+$0x0];
	v14 =	vadd.s32 v14, v59;
	v12 =	vsel vm0, v12, v5;
	v13 =	vadd.s32 s20, v13;
	s30 =	sadd.s32 s20, s29;
	s31 =	spop (v2sf)  }
0xbb: {  	v13 =	vsel vm1, v13, v5;
	v14 =	vadd.s32 s30, v14;
	s19 =	sadd.s32 s30, s31  }
0xbc: {  	v8 =	vsub.s32 v8, v0;
	v16 =	vshll.u32 v56, $0x9;
	v14 =	vsel vm2, v14, v5;
	p0 =	sgt.s32 s19, $0x0  }
.Ltmp7:
0xbd: {  	v9 =	vsub.s32 v9, v0;
	v61 =	vshll.u32 v17, $0x9;
	v8 =	vadd.s32 v16, v8;
	(pc) =	sbr.rel @p0 .LBB2_10-.Ltmp7, $4  }
.Ltmp8:
0xbe: {  	v62 =	vsub.s32 v10, v0;
	[tilespmem:v7+s9+$0x0] =	vst.idx.msk $0xffff, v8;
	v7 =	vshll.u32 v18, $0x9;
	v8 =	vadd.s32 v61, v9;
	(pc) =	sbr.rel @!p0 .LBB2_6-.Ltmp8, $4  }
0xbf: {  	v63 =	vshll.u32 v60, $0x9;
	v11 =	vsub.s32 v53, v0;
	v7 =	vadd.s32 v7, v62;
	[tilespmem:v12+s9+$0x0] =	vst.idx.msk $0xffff, v8  }
0xc0: {  	vm3 =	vcmask $0xF0C;
	v8 =	vadd.s32 v63, v11;
	[tilespmem:v13+s9+$0x0] =	vst.idx.msk $0xffff, v7  }
0xc1: {  	s20 =	simm.s32 $0x0;
	vm0 =	vcmask $0x300;
	vm1 =	vcmask $0x704;
	vm2 =	vcmask $0xB08;
	[tilespmem:v14+s9+$0x0] =	vst.idx.msk $0xffff, v8  }
0xc2: {  	_ = 	snop  }
.LBB2_12:
0xc3: {  	s20 =	sadd.s32 $0x1, s20  }
0xc4: {  	p0 =	slt.s32 s20, s19  }
.Ltmp9:
0xc5: {  	_ = 	snop;
	(pc) =	sbr.rel @!p0 .LBB2_6-.Ltmp9, $1  }
0xc6: {  	_ =	sdelay $0x3  }
.LBB2_10:
0xc7: {  	s21 =	sand.u32 $0x7FFFFFFF, s20  }
0xc8: {  	v7 =	vld [tilespmem:s21+$0x1AC00];
	_ =	sdelay $0x4  }
0xc9: {  	(v2sf) =	vpush v7, $0x0;
	_ =	sdelay $0xe  }
0xca: {  	s21 =	spop (v2sf)  }
0xcb: {  	s23 =	sand.u32 $0xFFFF, s21  }
0xcc: {  	s22 =	sshra.s32 s21, $0x1F;
	p0 =	slt.s32 s21, $0x1;
	p1 =	sne.s32 s23, $0x0  }
0xcd: {  	s31 =	sshrl.u32 s22, $0x10;
	p1 =	por !p0, !p1  }
0xce: {  	s24 =	simm.s32 $0x1;
	s23 =	sadd.s32 s31, s21;
	p1 =	por !p1, !p1  }
0xcf: {  	s23 =	sshra.s32 s23, $0x10;
	s24 =	simm.s32 @!p1 $0x0  }
0xd0: {  	s23 =	ssub.s32 s23, s24  }
0xd1: {  	s24 =	sld [smem:s23+$0x0]  }
0xd2: {  	s25 =	smul.u32 $0xA0, s23;
	_ =	sdelay $0x1  }
0xd3: {  	p1 =	slt.s32 s24, $0xA0;
	s25 =	sadd.s32 s24, s25  }
0xd4: {  	s25 =	simm.s32 @!p1 $0x3200  }
0xd5: {  	v8 =	vmov s25  }
0xd6: {  	v8 =	vnsel vm0, $0x320F, v8  }
0xd7: {  	v8 =	vsel vm1, $0x3201, v8  }
0xd8: {  	v8 =	vsel vm2, $0x3202, v8  }
0xd9: {  	v8 =	vsel vm3, $0x3203, v8  }
0xda: {  	v8 =	vsel vm4, $0x3204, v8  }
0xdb: {  	v8 =	vsel vm5, $0x3205, v8  }
0xdc: {  	v8 =	vsel vm6, $0x3206, v8  }
0xdd: {  	v8 =	vsel vm7, $0x3207, v8  }
0xde: {  	v8 =	vsel vm8, $0x3208, v8  }
0xdf: {  	v8 =	vsel vm9, $0x3209, v8  }
0xe0: {  	v8 =	vsel vm10, $0x320A, v8  }
0xe1: {  	v8 =	vsel vm11, $0x320B, v8  }
0xe2: {  	v8 =	vsel vm12, $0x320C, v8  }
0xe3: {  	v8 =	vsel vm13, $0x320D, v8  }
0xe4: {  	v8 =	vsel vm14, $0x320E, v8  }
.Ltmp10:
0xe5: {  	_ = 	snop;
	(pc) =	sbr.rel @p1 .LBB2_12-.Ltmp10, $4  }
0xe6: {  	_ = 	snop  }
0xe7: {  	v7 =	vbroadcast v7, $0x0  }
0xe8: {  	s24 =	sadd.s32 $0x1, s24  }
0xe9: {  	[smem:s23] =	sst s24;
	[tilespmem:v8+s12+$0x0] =	vst.idx.msk $0xffff, v7  }
0xea: {  	s22 =	sshrl.u32 s22, $0x17  }
0xeb: {  	s22 =	sadd.s32 s22, s21  }
0xec: {  	s23 =	sand.u32 $0xFFFFFE00, s22  }
0xed: {  	p1 =	sne.s32 s21, s23  }
0xee: {  	p0 =	por !p0, !p1  }
0xef: {  	s23 =	simm.s32 $0x1;
	p0 =	por !p0, !p0  }
0xf0: {  	s22 =	sshra.s32 s22, $0x9;
	s23 =	simm.s32 @!p0 $0x0  }
0xf1: {  	s22 =	ssub.s32 s22, s23  }
0xf2: {  	s22 =	sshll.u32 s22, $0x4  }
0xf3: {  	s22 =	sand.u32 $0x1FFFFFF0, s22  }
0xf4: {  	s22 =	sadd.s32 s2, s22  }
0xf5: {  	[tilespmem:s13], [sflag:$0x1] =	stream.linear.gather [hbm4b:s22+s3], $0x80, $0x38;
	[tilespmem:$0x1FB00] =	vst v63  }
0xf6: {  	_ =	swait.ge [sflag:s11], $0x80  }
0xf7: {  	s31 =	sshll.u32 s21, $0x7;
	[sflag:s11] =	ssyncset.done $0x0  }
0xf8: {  	s21 =	sadd.s32 $0x10000, s31;
	[sflag:s11] =	ssyncadd.s32 $0xFFFFFF80  }
0xf9: {  	s21 =	sand.u32 $0xFF80, s21;
	v7 =	vld [tilespmem:$0x1FA80]  }
0xfa: {  	v8 =	vld [tilespmem:s21+$0x0]  }
0xfb: {  	v9 =	vld [tilespmem:s21+$0xA400];
	_ =	sdelay $0x3  }
0xfc: {  	v8 =	vmax.bf16 v8, v7  }
0xfd: {  	v7 =	vmin.bf16 v9, v7;
	[tilespmem:s21+$0x0] =	vst v8  }
0xfe: {  	[tilespmem:s21+$0xA400] =	vst v7;
	v8 =	vld [tilespmem:s21+$0x10]  }
0xff: {  	v7 =	vld [tilespmem:$0x1FA90]  }
0x100: {  	v57 =	vld [tilespmem:s21+$0xA410];
	_ =	sdelay $0x3  }
0x101: {  	v8 =	vmax.bf16 v8, v7  }
0x102: {  	v7 =	vmin.bf16 v57, v7;
	[tilespmem:s21+$0x10] =	vst v8  }
0x103: {  	[tilespmem:s21+$0xA410] =	vst v7;
	v8 =	vld [tilespmem:s21+$0x20]  }
0x104: {  	v7 =	vld [tilespmem:$0x1FAA0]  }
0x105: {  	v58 =	vld [tilespmem:s21+$0xA420];
	_ =	sdelay $0x3  }
0x106: {  	v8 =	vmax.bf16 v8, v7  }
0x107: {  	v7 =	vmin.bf16 v58, v7;
	[tilespmem:s21+$0x20] =	vst v8  }
0x108: {  	[tilespmem:s21+$0xA420] =	vst v7;
	v8 =	vld [tilespmem:s21+$0x30]  }
0x109: {  	v7 =	vld [tilespmem:$0x1FAB0]  }
0x10a: {  	v59 =	vld [tilespmem:s21+$0xA430];
	_ =	sdelay $0x3  }
0x10b: {  	v8 =	vmax.bf16 v8, v7  }
0x10c: {  	v7 =	vmin.bf16 v59, v7;
	[tilespmem:s21+$0x30] =	vst v8  }
0x10d: {  	[tilespmem:s21+$0xA430] =	vst v7;
	v8 =	vld [tilespmem:s21+$0x40]  }
0x10e: {  	v7 =	vld [tilespmem:$0x1FAC0]  }
0x10f: {  	v60 =	vld [tilespmem:s21+$0xA440];
	_ =	sdelay $0x3  }
0x110: {  	v8 =	vmax.bf16 v8, v7  }
0x111: {  	v7 =	vmin.bf16 v60, v7;
	[tilespmem:s21+$0x40] =	vst v8  }
0x112: {  	[tilespmem:s21+$0xA440] =	vst v7;
	v8 =	vld [tilespmem:s21+$0x50]  }
0x113: {  	v7 =	vld [tilespmem:$0x1FAD0]  }
0x114: {  	v61 =	vld [tilespmem:s21+$0xA450];
	_ =	sdelay $0x3  }
0x115: {  	v8 =	vmax.bf16 v8, v7  }
0x116: {  	v7 =	vmin.bf16 v61, v7;
	[tilespmem:s21+$0x50] =	vst v8  }
0x117: {  	[tilespmem:s21+$0xA450] =	vst v7;
	v8 =	vld [tilespmem:s21+$0x60]  }
0x118: {  	v7 =	vld [tilespmem:$0x1FAE0]  }
0x119: {  	v62 =	vld [tilespmem:s21+$0xA460];
	_ =	sdelay $0x3  }
0x11a: {  	v8 =	vmax.bf16 v8, v7  }
0x11b: {  	v7 =	vmin.bf16 v62, v7;
	[tilespmem:s21+$0x60] =	vst v8  }
0x11c: {  	[tilespmem:s21+$0xA460] =	vst v7;
	v8 =	vld [tilespmem:s21+$0x70]  }
0x11d: {  	v7 =	vld [tilespmem:$0x1FAF0]  }
0x11e: {  	v63 =	vld [tilespmem:s21+$0xA470];
	_ =	sdelay $0x1  }
.Ltmp11:
0x11f: {  	_ = 	snop;
	(pc) =	sbr.rel .LBB2_12-.Ltmp11, $4  }
0x120: {  	_ = 	snop  }
0x121: {  	v8 =	vmax.bf16 v8, v7  }
0x122: {  	v7 =	vmin.bf16 v63, v7;
	[tilespmem:s21+$0x70] =	vst v8  }
0x123: {  	[tilespmem:s21+$0xA470] =	vst v7  }
.LBB2_13:
.Ltmp12:
0x124: {  	(pc) =	sbr.rel .LBB2_15-.Ltmp12, $3  }
0x125: {  	_ =	sdelay $0x1  }
0x126: {  	s18 =	simm.s32 $0x0;
	s17 =	simm.s32 $0x1C800  }
0x127: {  	[tilespmem:s9], [sflag:$0x1] =	stream.linear.gather [hbm4b:s2+s18], $0x4000, $0x38;
	[tilespmem:$0x1FB00] =	vst v63  }
.LBB2_18:
0x128: {  	_ =	sdelay $0x2  }
0x129: {  	[tilespmem:s20+$0xA460] =	vst v8;
	v8 =	vld [tilespmem:s20+$0x70]  }
0x12a: {  	v7 =	vld.idx.msk [tilespmem:v7+s23+$0x70 ss:$0x1], $0xffff  }
0x12b: {  	v9 =	vld [tilespmem:s20+$0xA470];
	_ =	sdelay $0x3  }
0x12c: {  	v8 =	vmax.bf16 v8, v7  }
0x12d: {  	v7 =	vmin.bf16 v9, v7;
	[tilespmem:s20+$0x70] =	vst v8  }
0x12e: {  	[tilespmem:s20+$0xA470] =	vst v7  }
.LBB2_14:
0x12f: {  	p0 =	seq.s32 s18, $0x50  }
.Ltmp13:
0x130: {  	_ = 	snop;
	(pc) =	sbr.rel @p0 .LBB2_19-.Ltmp13, $2  }
0x131: {  	_ =	sdelay $0x2  }
0x132: {  	s17 =	sadd.s32 $0xA0, s17  }
.LBB2_15:
0x133: {  	s19 =	smov.u32 s18;
	_ =	swait.ge [sflag:s11], $0x4000  }
0x134: {  	s18 =	sadd.s32 $0x1, s18;
	[sflag:s11] =	ssyncset.done $0x0;
	p0 =	seq.s32 s19, $0x4F  }
0x135: {  	[sflag:s11] =	ssyncadd.s32 $0xFFFFC000;
	s20 =	sshll.u32 @!p0 s18, $0xE  }
0x136: {  	s22 =	sshll.u32 @!p0 s18, $0xB;
	s20 =	sand.u32 @!p0 $0x4000, s20;
	s21 =	sld [smem:s19+$0x0]  }
0x137: {  	s23 =	simm.s32 @!p0 $0x0;
	s22 =	sadd.s32 @!p0 s2, s22;
	s20 =	sadd.s32 @!p0 $0x14800, s20  }
0x138: {  	[tilespmem:s20], [sflag:$0x1] =	stream.linear.gather @!p0 [hbm4b:s22+s23], $0x4000, $0x38;
	[tilespmem:$0x1FB00] =	vst v63  }
0x139: {  	p0 =	slt.s32 s21, $0x1  }
.Ltmp14:
0x13a: {  	_ = 	snop;
	(pc) =	sbr.rel @p0 .LBB2_14-.Ltmp14, $1  }
0x13b: {  	_ =	sdelay $0x3  }
0x13c: {  	v7 =	vld [tilespmem:s17+$0x0];
	_ =	sdelay $0x4  }
0x13d: {  	(v2sf) =	vpush v7, $0x0;
	_ =	sdelay $0xe  }
0x13e: {  	s20 =	spop (v2sf)  }
0x13f: {  	s22 =	sshra.s32 s20, $0x1F  }
0x140: {  	s22 =	sshrl.u32 s22, $0x17  }
0x141: {  	s22 =	sadd.s32 s22, s20  }
0x142: {  	s19 =	sshll.u32 s19, $0xE;
	s23 =	sand.u32 $0xFFFFFE00, s22  }
0x143: {  	s24 =	sand.u32 $0x4000, s19;
	p0 =	slt.s32 s20, $0x1;
	p1 =	sne.s32 s20, s23  }
0x144: {  	s31 =	sadd.s32 $0x14800, s24;
	p0 =	por !p0, !p1  }
0x145: {  	v7 =	vmov s31;
	s23 =	simm.s32 $0x1;
	p0 =	por !p0, !p0  }
0x146: {  	s22 =	sshra.s32 s22, $0x9;
	s20 =	sshll.u32 s20, $0x7;
	s23 =	simm.s32 @!p0 $0x0  }
0x147: {  	s20 =	sadd.s32 $0x10000, s20;
	s22 =	ssub.s32 s22, s23  }
0x148: {  	s20 =	sand.u32 $0xFF80, s20;
	s22 =	sshll.u32 s22, $0x7  }
0x149: {  	v9 =	vld [tilespmem:s20+$0x0];
	s23 =	ssub.s32 s22, s19  }
0x14a: {  	v8 =	vld.idx.msk [tilespmem:v7+s23+$0x0 ss:$0x1], $0xffff  }
0x14b: {  	v10 =	vld [tilespmem:s20+$0xA400];
	_ =	sdelay $0x3  }
0x14c: {  	v9 =	vmax.bf16 v9, v8  }
0x14d: {  	v8 =	vmin.bf16 v10, v8;
	[tilespmem:s20+$0x0] =	vst v9  }
0x14e: {  	[tilespmem:s20+$0xA400] =	vst v8;
	v9 =	vld [tilespmem:s20+$0x10]  }
0x14f: {  	v8 =	vld.idx.msk [tilespmem:v7+s23+$0x10 ss:$0x1], $0xffff  }
0x150: {  	v10 =	vld [tilespmem:s20+$0xA410];
	_ =	sdelay $0x3  }
0x151: {  	v9 =	vmax.bf16 v9, v8  }
0x152: {  	v8 =	vmin.bf16 v10, v8;
	[tilespmem:s20+$0x10] =	vst v9  }
0x153: {  	[tilespmem:s20+$0xA410] =	vst v8;
	v9 =	vld [tilespmem:s20+$0x20]  }
0x154: {  	v8 =	vld.idx.msk [tilespmem:v7+s23+$0x20 ss:$0x1], $0xffff  }
0x155: {  	v10 =	vld [tilespmem:s20+$0xA420];
	_ =	sdelay $0x3  }
0x156: {  	v9 =	vmax.bf16 v9, v8  }
0x157: {  	v8 =	vmin.bf16 v10, v8;
	[tilespmem:s20+$0x20] =	vst v9  }
0x158: {  	[tilespmem:s20+$0xA420] =	vst v8;
	v9 =	vld [tilespmem:s20+$0x30]  }
0x159: {  	v8 =	vld.idx.msk [tilespmem:v7+s23+$0x30 ss:$0x1], $0xffff  }
0x15a: {  	v10 =	vld [tilespmem:s20+$0xA430];
	_ =	sdelay $0x3  }
0x15b: {  	v9 =	vmax.bf16 v9, v8  }
0x15c: {  	v8 =	vmin.bf16 v10, v8;
	[tilespmem:s20+$0x30] =	vst v9  }
0x15d: {  	[tilespmem:s20+$0xA430] =	vst v8;
	v9 =	vld [tilespmem:s20+$0x40]  }
0x15e: {  	v8 =	vld.idx.msk [tilespmem:v7+s23+$0x40 ss:$0x1], $0xffff  }
0x15f: {  	v10 =	vld [tilespmem:s20+$0xA440];
	_ =	sdelay $0x3  }
0x160: {  	v9 =	vmax.bf16 v9, v8  }
0x161: {  	v8 =	vmin.bf16 v10, v8;
	[tilespmem:s20+$0x40] =	vst v9  }
0x162: {  	[tilespmem:s20+$0xA440] =	vst v8;
	v9 =	vld [tilespmem:s20+$0x50]  }
0x163: {  	v8 =	vld.idx.msk [tilespmem:v7+s23+$0x50 ss:$0x1], $0xffff  }
0x164: {  	v10 =	vld [tilespmem:s20+$0xA450];
	_ =	sdelay $0x3  }
0x165: {  	v9 =	vmax.bf16 v9, v8  }
0x166: {  	v8 =	vmin.bf16 v10, v8;
	[tilespmem:s20+$0x50] =	vst v9  }
0x167: {  	p0 =	slt.s32 s21, $0xA0;
	[tilespmem:s20+$0xA450] =	vst v8;
	v9 =	vld [tilespmem:s20+$0x60]  }
0x168: {  	s21 =	simm.s32 @!p0 $0xA0;
	v8 =	vld.idx.msk [tilespmem:v7+s23+$0x60 ss:$0x1], $0xffff  }
0x169: {  	p0 =	seq.s32 s21, $0x1;
	v10 =	vld [tilespmem:s20+$0xA460]  }
.Ltmp15:
0x16a: {  	_ = 	snop;
	(pc) =	sbr.rel @p0 .LBB2_18-.Ltmp15, $3  }
0x16b: {  	_ =	sdelay $0x1  }
0x16c: {  	v9 =	vmax.bf16 v9, v8  }
0x16d: {  	s21 =	sadd.s32 $0xFFFFFFFF, s21;
	s22 =	smov.u32 s17;
	v8 =	vmin.bf16 v10, v8;
	[tilespmem:s20+$0x60] =	vst v9  }
.LBB2_17:
0x16e: {  	p0 =	seq.s32 s21, $0x1;
	s21 =	sadd.s32 $0xFFFFFFFF, s21;
	[tilespmem:s20+$0xA460] =	vst v8;
	v8 =	vld [tilespmem:s20+$0xA470];
	s22 =	sadd.s32 $0x1, s22  }
0x16f: {  	v9 =	vld.idx.msk [tilespmem:v7+s23+$0x70 ss:$0x1], $0xffff  }
0x170: {  	v10 =	vld [tilespmem:s20+$0x70];
	_ =	sdelay $0x4  }
0x171: {  	v8 =	vmin.bf16 v8, v9;
	v10 =	vmax.bf16 v10, v9  }
0x172: {  	[tilespmem:s20+$0x70] =	vst v10  }
0x173: {  	[tilespmem:s20+$0xA470] =	vst v8  }
0x174: {  	v8 =	vld [tilespmem:s22+$0x0];
	_ =	sdelay $0x4  }
0x175: {  	(v2sf) =	vpush v8, $0x0;
	_ =	sdelay $0xe  }
0x176: {  	s20 =	spop (v2sf)  }
0x177: {  	s23 =	sshra.s32 s20, $0x1F;
	s24 =	sshll.u32 s20, $0x7  }
0x178: {  	s23 =	sshrl.u32 s23, $0x17  }
0x179: {  	s23 =	sadd.s32 s23, s20  }
0x17a: {  	p1 =	slt.s32 s20, $0x1;
	s25 =	sand.u32 $0xFFFFFE00, s23  }
0x17b: {  	p2 =	sne.s32 s20, s25  }
0x17c: {  	p1 =	por !p1, !p2  }
0x17d: {  	s20 =	sshra.s32 s23, $0x9;
	s23 =	simm.s32 $0x1;
	p1 =	por !p1, !p1  }
0x17e: {  	s23 =	simm.s32 @!p1 $0x0  }
0x17f: {  	s20 =	ssub.s32 s20, s23  }
0x180: {  	s24 =	sadd.s32 $0x10000, s24;
	s20 =	sshll.u32 s20, $0x7  }
0x181: {  	s23 =	ssub.s32 s20, s19;
	s20 =	sand.u32 $0xFF80, s24  }
0x182: {  	v8 =	vld.idx.msk [tilespmem:v7+s23+$0x0 ss:$0x1], $0xffff  }
0x183: {  	v9 =	vld [tilespmem:s20+$0x0]  }
0x184: {  	v10 =	vld [tilespmem:s20+$0xA400];
	_ =	sdelay $0x3  }
0x185: {  	v9 =	vmax.bf16 v9, v8  }
0x186: {  	[tilespmem:s20+$0x0] =	vst v9;
	v8 =	vmin.bf16 v10, v8  }
0x187: {  	[tilespmem:s20+$0xA400] =	vst v8;
	v8 =	vld [tilespmem:s20+$0xA410]  }
0x188: {  	v9 =	vld.idx.msk [tilespmem:v7+s23+$0x10 ss:$0x1], $0xffff  }
0x189: {  	v10 =	vld [tilespmem:s20+$0x10];
	_ =	sdelay $0x4  }
0x18a: {  	v8 =	vmin.bf16 v8, v9;
	v10 =	vmax.bf16 v10, v9  }
0x18b: {  	[tilespmem:s20+$0x10] =	vst v10  }
0x18c: {  	[tilespmem:s20+$0xA410] =	vst v8;
	v8 =	vld [tilespmem:s20+$0xA420]  }
0x18d: {  	v9 =	vld.idx.msk [tilespmem:v7+s23+$0x20 ss:$0x1], $0xffff  }
0x18e: {  	v10 =	vld [tilespmem:s20+$0x20];
	_ =	sdelay $0x4  }
0x18f: {  	v8 =	vmin.bf16 v8, v9;
	v10 =	vmax.bf16 v10, v9  }
0x190: {  	[tilespmem:s20+$0x20] =	vst v10  }
0x191: {  	[tilespmem:s20+$0xA420] =	vst v8;
	v8 =	vld [tilespmem:s20+$0xA430]  }
0x192: {  	v9 =	vld.idx.msk [tilespmem:v7+s23+$0x30 ss:$0x1], $0xffff  }
0x193: {  	v10 =	vld [tilespmem:s20+$0x30];
	_ =	sdelay $0x4  }
0x194: {  	v8 =	vmin.bf16 v8, v9;
	v10 =	vmax.bf16 v10, v9  }
0x195: {  	[tilespmem:s20+$0x30] =	vst v10  }
0x196: {  	[tilespmem:s20+$0xA430] =	vst v8;
	v8 =	vld [tilespmem:s20+$0xA440]  }
0x197: {  	v9 =	vld.idx.msk [tilespmem:v7+s23+$0x40 ss:$0x1], $0xffff  }
0x198: {  	v10 =	vld [tilespmem:s20+$0x40];
	_ =	sdelay $0x4  }
0x199: {  	v8 =	vmin.bf16 v8, v9;
	v10 =	vmax.bf16 v10, v9  }
0x19a: {  	[tilespmem:s20+$0x40] =	vst v10  }
0x19b: {  	[tilespmem:s20+$0xA440] =	vst v8;
	v8 =	vld [tilespmem:s20+$0xA450]  }
0x19c: {  	v9 =	vld.idx.msk [tilespmem:v7+s23+$0x50 ss:$0x1], $0xffff  }
0x19d: {  	v10 =	vld [tilespmem:s20+$0x50];
	_ =	sdelay $0x4  }
0x19e: {  	v8 =	vmin.bf16 v8, v9;
	v10 =	vmax.bf16 v10, v9  }
0x19f: {  	[tilespmem:s20+$0x50] =	vst v10  }
0x1a0: {  	[tilespmem:s20+$0xA450] =	vst v8;
	v8 =	vld [tilespmem:s20+$0xA460]  }
0x1a1: {  	v9 =	vld.idx.msk [tilespmem:v7+s23+$0x60 ss:$0x1], $0xffff  }
0x1a2: {  	v10 =	vld [tilespmem:s20+$0x60];
	_ =	sdelay $0x1  }
.Ltmp16:
0x1a3: {  	(pc) =	sbr.rel @!p0 .LBB2_17-.Ltmp16, $3  }
0x1a4: {  	_ =	sdelay $0x1  }
0x1a5: {  	v8 =	vmin.bf16 v8, v9;
	v10 =	vmax.bf16 v10, v9  }
0x1a6: {  	[tilespmem:s20+$0x60] =	vst v10  }
.Ltmp17:
0x1a7: {  	_ = 	snop;
	(pc) =	sbr.rel .LBB2_18-.Ltmp17, $1  }
0x1a8: {  	_ =	sdelay $0x3  }
.LBB2_20:
0x1a9: {  	_ =	sfence.sel $0x180000  }
0x1aa: {  	[bflag:$0x0] =	sbarrier.arrive $0xFFFF  }
0x1ab: {  	p0 =	sne.s32 s0, $0x0;
	_ =	strace $0x90000047  }
0x1ac: {  	s0 =	sadd.s32 @!p0 $0x100000, s1;
	[bflag:$0x2] =	sbarrier.arrive $0xFFFF  }
0x1ad: {  	[sflag:s0] =	ssyncadd.tile.s32 @!p0 $0x1;
	_ =	shalt  }
.Lfunc_end2:
_tile_overlayer_lowered:
.L_overlay_start_2:
0x1ae: {  	(tag) =	ssettag $0x2  }
0x1af: {  	s0 =	rddreg [dreg:$0x0];
	s2 =	stileid.u32  }
0x1b0: {  	s1 =	rddreg [dreg:$0x1];
	p0 =	sne.s32 s2, $0x0  }
0x1b1: {  	s3 =	rddreg [dreg:$0x2];
	[bflag:$0x3] =	sbarrier.arrive $0xFFFF;
	s2 =	simm.s32 @!p0 $0x1C02  }
0x1b2: {  	[timem:s3], [sflag:s2] =	dma.local @!p0 [hbm:s0], s1  }
0x1b3: {  	s0 =	simm.s32 @!p0 $0x2  }
0x1b4: {  	_ =	swait.ge @!p0 [sflag:s0], s1  }
0x1b5: {  	s1 =	ssub.s32 @!p0 $0x0, s1;
	[sflag:s0] =	ssyncset.done @!p0 $0x0  }
0x1b6: {  	[sflag:s0] =	ssyncadd.s32 @!p0 s1  }
0x1b7: {  	[bflag:$0x3] =	sbarrier.arrive $0xFFFF  }
0x1b8: {  	_ =	shalt  }

</sc_bundles>
